<compile_context>
chip_gen: v7x
topology: tpu7x:2x2x1
jax: 0.10.2.dev20260603
libtpu: 0.0.44.dev20260713+nightly
codegen_flags: <defaults>
</compile_context>

<pallas_src>
import functools

import jax
import jax.numpy as jnp
from jax import lax
from jax.experimental import pallas as pl
from jax.experimental.pallas import tpu as pltpu
from jax.experimental.pallas import tpu_sc as plsc

VOCAB = 49408
NUM_POS = 77
EMBED = 768
BATCH = 1024
ROWS = BATCH * NUM_POS

PIECES = 4
PIECE_BATCH = BATCH // PIECES
PIECE_ROWS = ROWS // PIECES

NUM_CORES = 2
NUM_SUBCORES = 16
NUM_WORKERS = NUM_CORES * NUM_SUBCORES
ROWS_PER_W = PIECE_ROWS // NUM_WORKERS
CHUNK = 8
NUM_CHUNKS = ROWS_PER_W // CHUNK
BUFS = 7

ITEMS_PER_BLK = 8
PIECE_GRID = PIECE_BATCH // ITEMS_PER_BLK
BLK_ROWS = ITEMS_PER_BLK * NUM_POS

_mesh = plsc.VectorSubcoreMesh(core_axis_name="c", subcore_axis_name="s")

_scratch = ([pltpu.VMEM((ROWS_PER_W,), jnp.int32)]
            + [pltpu.VMEM((CHUNK, EMBED), jnp.float32) for _ in range(BUFS)]
            + [pltpu.SemaphoreType.DMA for _ in range(2 * BUFS)])


@functools.partial(
    pl.kernel,
    mesh=_mesh,
    out_type=jax.ShapeDtypeStruct((PIECE_ROWS, EMBED), jnp.float32),
    scratch_types=_scratch,
)
def _gather_kernel(tok_hbm, table_hbm, out_hbm, idx_v, *rest):
    bufs = rest[:BUFS]
    gsems = rest[BUFS:2 * BUFS]
    ssems = rest[2 * BUFS:]
    wid = lax.axis_index("s") * NUM_CORES + lax.axis_index("c")
    wrow0 = wid * ROWS_PER_W

    def gather_desc(c, b):
        return pltpu.make_async_copy(
            table_hbm.at[idx_v.at[pl.ds(c * CHUNK, CHUNK)]], bufs[b], gsems[b])

    def store_desc(c, b):
        return pltpu.make_async_copy(
            bufs[b], out_hbm.at[pl.ds(wrow0 + c * CHUNK, CHUNK)], ssems[b])

    pltpu.sync_copy(tok_hbm.at[pl.ds(wrow0, ROWS_PER_W)], idx_v)

    for b in range(BUFS - 1):
        gather_desc(b, b).start()

    def group_body(g, _):
        for b in range(BUFS):
            c = g * BUFS + b
            gather_desc(c, b).wait()

            @pl.when(c >= 1)
            def _():
                store_desc(c - 1, (b - 1) % BUFS).wait()

            @pl.when(c + BUFS - 1 < NUM_CHUNKS)
            def _():
                gather_desc(c + BUFS - 1, (b - 1) % BUFS).start()

            store_desc(c, b).start()
        return 0

    lax.fori_loop(0, NUM_CHUNKS // BUFS, group_body, 0)
    store_desc(NUM_CHUNKS - 1, (NUM_CHUNKS - 1) % BUFS).wait()


def _add_rows(g_ref, p_ref, o_ref):
    for i in range(ITEMS_PER_BLK):
        s = slice(i * NUM_POS, (i + 1) * NUM_POS)
        o_ref[i] = g_ref[s] + p_ref[s]


def _add_body_first(g_ref, p_ref, o_ref):
    _add_rows(g_ref, p_ref, o_ref)


def _add_body_next(g_ref, p_ref, prev_ref, o_ref):
    del prev_ref
    _add_rows(g_ref, p_ref, o_ref)


_out_sds = jax.ShapeDtypeStruct((BATCH, NUM_POS, EMBED), jnp.float32)


def _make_add(piece, first):
    body = _add_body_first if first else _add_body_next
    in_specs = [
        pl.BlockSpec((BLK_ROWS, EMBED), lambda c: (c, 0)),
        pl.BlockSpec((BLK_ROWS, EMBED), lambda c: (0, 0)),
    ]
    kwargs = {}
    if not first:
        in_specs.append(pl.BlockSpec(memory_space=pl.ANY))
        kwargs["input_output_aliases"] = {2: 0}
    return pl.pallas_call(
        body,
        grid=(PIECE_GRID,),
        in_specs=in_specs,
        out_specs=pl.BlockSpec(
            (ITEMS_PER_BLK, NUM_POS, EMBED),
            functools.partial(lambda pc, c: (pc * PIECE_GRID + c, 0, 0), piece)),
        out_shape=_out_sds,
        **kwargs,
    )


_adds = [_make_add(p, p == 0) for p in range(PIECES)]


def kernel(input_tokens, token_table, position_table):
    tok = input_tokens.astype(jnp.int32).reshape(ROWS)
    pos_rep = jnp.tile(position_table, (ITEMS_PER_BLK, 1))
    gathered = [
        _gather_kernel(tok[p * PIECE_ROWS:(p + 1) * PIECE_ROWS], token_table)
        for p in range(PIECES)
    ]
    out = _adds[0](gathered[0], pos_rep)
    for p in range(1, PIECES):
        out = _adds[p](gathered[p], pos_rep, out)
    return out

# --- scband reference (transcript-rebuilt; emitter-appended) ---
"""Pipeline reference for scband-clipembeddings-2886218023447 (READ-ONLY COPY).

The authoritative reference and input builder live on the scoring server;
editing this copy changes nothing except your own understanding.
"""

import jax, jax.numpy as jnp
import numpy as np

VOCAB = 49408
NUM_POS = 77
EMBED = 768
BATCH = 1024

def setup_inputs(seed: int = 0) -> dict:
    key = jax.random.key(seed)
    k1, k2, k3 = jax.random.split(key, 3)
    input_tokens = jax.random.randint(k1, (BATCH, NUM_POS), 0, VOCAB, dtype=jnp.int64 if jax.config.jax_enable_x64 else jnp.int32)
    token_table = jax.random.normal(k2, (VOCAB, EMBED), dtype=jnp.float32) * 0.02
    position_table = jax.random.normal(k3, (NUM_POS, EMBED), dtype=jnp.float32) * 0.02
    return {"input_tokens": input_tokens, "token_table": token_table, "position_table": position_table}

def reference(input_tokens, token_table, position_table):
    # token_embedding(input_tokens): gather rows -> [B, 77, 768]
    tok = jnp.take(token_table, input_tokens, axis=0)
    # + position_embedding.weight (broadcast over batch): [77, 768]
    return tok + position_table[None, :, :]

if __name__ == "__main__":
    import jax
    _d = setup_inputs()
    print(jax.jit(kernel)(*tuple(_d.values())))

</pallas_src>

<mosaic_0001>
#map = affine_map<(d0, d1) -> (0)>
#map1 = affine_map<(d0, d1) -> (0, 0)>
module attributes {stable_mosaic.version = 14 : i64} {
  func.func @_gather_kernel(%arg0: i32, %arg1: i32, %arg2: memref<19712xi32, #tpu.memory_space<hbm>>, %arg3: memref<49408x768xf32, #tpu.memory_space<hbm>>, %arg4: memref<19712x768xf32, #tpu.memory_space<hbm>>, %arg5: memref<616xi32, #tpu.memory_space<vmem>>, %arg6: memref<8x768xf32, #tpu.memory_space<vmem>>, %arg7: memref<8x768xf32, #tpu.memory_space<vmem>>, %arg8: memref<8x768xf32, #tpu.memory_space<vmem>>, %arg9: memref<8x768xf32, #tpu.memory_space<vmem>>, %arg10: memref<8x768xf32, #tpu.memory_space<vmem>>, %arg11: memref<8x768xf32, #tpu.memory_space<vmem>>, %arg12: memref<8x768xf32, #tpu.memory_space<vmem>>, %arg13: memref<!tpu.dma_semaphore, #tpu.memory_space<semaphore_mem>>, %arg14: memref<!tpu.dma_semaphore, #tpu.memory_space<semaphore_mem>>, %arg15: memref<!tpu.dma_semaphore, #tpu.memory_space<semaphore_mem>>, %arg16: memref<!tpu.dma_semaphore, #tpu.memory_space<semaphore_mem>>, %arg17: memref<!tpu.dma_semaphore, #tpu.memory_space<semaphore_mem>>, %arg18: memref<!tpu.dma_semaphore, #tpu.memory_space<semaphore_mem>>, %arg19: memref<!tpu.dma_semaphore, #tpu.memory_space<semaphore_mem>>, %arg20: memref<!tpu.dma_semaphore, #tpu.memory_space<semaphore_mem>>, %arg21: memref<!tpu.dma_semaphore, #tpu.memory_space<semaphore_mem>>, %arg22: memref<!tpu.dma_semaphore, #tpu.memory_space<semaphore_mem>>, %arg23: memref<!tpu.dma_semaphore, #tpu.memory_space<semaphore_mem>>, %arg24: memref<!tpu.dma_semaphore, #tpu.memory_space<semaphore_mem>>, %arg25: memref<!tpu.dma_semaphore, #tpu.memory_space<semaphore_mem>>, %arg26: memref<!tpu.dma_semaphore, #tpu.memory_space<semaphore_mem>>) attributes {dimension_semantics = [#tpu.dimension_semantics<core_parallel>, #tpu.dimension_semantics<subcore_parallel>], iteration_bounds = array<i64: 2, 16>, scalar_prefetch = 0 : i64, scratch_operands = 22 : i64, tpu.core_type = #tpu.core_type<sc_vector_subcore>, window_params = [{transform_indices = #map}, {transform_indices = #map1}, {transform_indices = #map1}]} {
    %mul3A = arith.constant 2 : i32
    %mul3A_0 = arith.muli %arg1, %mul3A : i32
    %add3A = arith.addi %mul3A_0, %arg0 : i32
    %mul3A_1 = arith.constant 616 : i32
    %mul3A_2 = arith.muli %add3A, %mul3A_1 : i32
    "tpu.region"() ({
      %run_scoped3A = tpu.sem_alloc : memref<!tpu.dma_semaphore, #tpu.memory_space<semaphore_mem>>
      %dma_start3A_43 = tpu.memref_slice %arg2[%mul3A_2] : memref<19712xi32, #tpu.memory_space<hbm>> -> memref<616xi32, #tpu.memory_space<hbm>>
      %dma_start3A_44 = tpu.memref_slice %arg2[%mul3A_2] : memref<19712xi32, #tpu.memory_space<hbm>> -> memref<616xi32, #tpu.memory_space<hbm>>
      tpu.enqueue_dma source(%dma_start3A_44 : memref<616xi32, #tpu.memory_space<hbm>>) target(%arg5 : memref<616xi32, #tpu.memory_space<vmem>>) target_semaphore(%run_scoped3A : memref<!tpu.dma_semaphore, #tpu.memory_space<semaphore_mem>>)
      %dma_wait3A_45 = tpu.memref_slice %arg2[%mul3A_2] : memref<19712xi32, #tpu.memory_space<hbm>> -> memref<616xi32, #tpu.memory_space<hbm>>
      %dma_wait3A_46 = tpu.memref_slice %arg2[%mul3A_2] : memref<19712xi32, #tpu.memory_space<hbm>> -> memref<616xi32, #tpu.memory_space<hbm>>
      tpu.wait_dma2 semaphore(%run_scoped3A : memref<!tpu.dma_semaphore, #tpu.memory_space<semaphore_mem>>) src(%dma_wait3A_46 : memref<616xi32, #tpu.memory_space<hbm>>) dst(%arg5 : memref<616xi32, #tpu.memory_space<vmem>>)
      tpu.yield
    }) : () -> ()
    %dma_start3A = arith.constant 0 : i32
    %dma_start3A_3 = tpu.memref_slice %arg5[%dma_start3A] : memref<616xi32, #tpu.memory_space<vmem>> -> memref<8xi32, #tpu.memory_space<vmem>>
    %dma_start3A_4 = arith.constant 0 : i32
    %dma_start3A_5 = arith.constant 0 : i32
    %dma_start3A_6 = tpu.memref_slice %arg3[%dma_start3A_4, %dma_start3A_5] : memref<49408x768xf32, #tpu.memory_space<hbm>> -> memref<49408x768xf32, #tpu.memory_space<hbm>>
    tpu.enqueue_indirect_dma source(%dma_start3A_6 : memref<49408x768xf32, #tpu.memory_space<hbm>>) target(%arg6 : memref<8x768xf32, #tpu.memory_space<vmem>>) offsets(%dma_start3A_3 : memref<8xi32, #tpu.memory_space<vmem>>) semaphore(%arg13 : memref<!tpu.dma_semaphore, #tpu.memory_space<semaphore_mem>>)
    %dma_start3A_7 = arith.constant 8 : i32
    %dma_start3A_8 = tpu.memref_slice %arg5[%dma_start3A_7] : memref<616xi32, #tpu.memory_space<vmem>> -> memref<8xi32, #tpu.memory_space<vmem>>
    %dma_start3A_9 = arith.constant 0 : i32
    %dma_start3A_10 = arith.constant 0 : i32
    %dma_start3A_11 = tpu.memref_slice %arg3[%dma_start3A_9, %dma_start3A_10] : memref<49408x768xf32, #tpu.memory_space<hbm>> -> memref<49408x768xf32, #tpu.memory_space<hbm>>
    tpu.enqueue_indirect_dma source(%dma_start3A_11 : memref<49408x768xf32, #tpu.memory_space<hbm>>) target(%arg7 : memref<8x768xf32, #tpu.memory_space<vmem>>) offsets(%dma_start3A_8 : memref<8xi32, #tpu.memory_space<vmem>>) semaphore(%arg14 : memref<!tpu.dma_semaphore, #tpu.memory_space<semaphore_mem>>)
    %dma_start3A_12 = arith.constant 16 : i32
    %dma_start3A_13 = tpu.memref_slice %arg5[%dma_start3A_12] : memref<616xi32, #tpu.memory_space<vmem>> -> memref<8xi32, #tpu.memory_space<vmem>>
    %dma_start3A_14 = arith.constant 0 : i32
    %dma_start3A_15 = arith.constant 0 : i32
    %dma_start3A_16 = tpu.memref_slice %arg3[%dma_start3A_14, %dma_start3A_15] : memref<49408x768xf32, #tpu.memory_space<hbm>> -> memref<49408x768xf32, #tpu.memory_space<hbm>>
    tpu.enqueue_indirect_dma source(%dma_start3A_16 : memref<49408x768xf32, #tpu.memory_space<hbm>>) target(%arg8 : memref<8x768xf32, #tpu.memory_space<vmem>>) offsets(%dma_start3A_13 : memref<8xi32, #tpu.memory_space<vmem>>) semaphore(%arg15 : memref<!tpu.dma_semaphore, #tpu.memory_space<semaphore_mem>>)
    %dma_start3A_17 = arith.constant 24 : i32
    %dma_start3A_18 = tpu.memref_slice %arg5[%dma_start3A_17] : memref<616xi32, #tpu.memory_space<vmem>> -> memref<8xi32, #tpu.memory_space<vmem>>
    %dma_start3A_19 = arith.constant 0 : i32
    %dma_start3A_20 = arith.constant 0 : i32
    %dma_start3A_21 = tpu.memref_slice %arg3[%dma_start3A_19, %dma_start3A_20] : memref<49408x768xf32, #tpu.memory_space<hbm>> -> memref<49408x768xf32, #tpu.memory_space<hbm>>
    tpu.enqueue_indirect_dma source(%dma_start3A_21 : memref<49408x768xf32, #tpu.memory_space<hbm>>) target(%arg9 : memref<8x768xf32, #tpu.memory_space<vmem>>) offsets(%dma_start3A_18 : memref<8xi32, #tpu.memory_space<vmem>>) semaphore(%arg16 : memref<!tpu.dma_semaphore, #tpu.memory_space<semaphore_mem>>)
    %dma_start3A_22 = arith.constant 32 : i32
    %dma_start3A_23 = tpu.memref_slice %arg5[%dma_start3A_22] : memref<616xi32, #tpu.memory_space<vmem>> -> memref<8xi32, #tpu.memory_space<vmem>>
    %dma_start3A_24 = arith.constant 0 : i32
    %dma_start3A_25 = arith.constant 0 : i32
    %dma_start3A_26 = tpu.memref_slice %arg3[%dma_start3A_24, %dma_start3A_25] : memref<49408x768xf32, #tpu.memory_space<hbm>> -> memref<49408x768xf32, #tpu.memory_space<hbm>>
    tpu.enqueue_indirect_dma source(%dma_start3A_26 : memref<49408x768xf32, #tpu.memory_space<hbm>>) target(%arg10 : memref<8x768xf32, #tpu.memory_space<vmem>>) offsets(%dma_start3A_23 : memref<8xi32, #tpu.memory_space<vmem>>) semaphore(%arg17 : memref<!tpu.dma_semaphore, #tpu.memory_space<semaphore_mem>>)
    %dma_start3A_27 = arith.constant 40 : i32
    %dma_start3A_28 = tpu.memref_slice %arg5[%dma_start3A_27] : memref<616xi32, #tpu.memory_space<vmem>> -> memref<8xi32, #tpu.memory_space<vmem>>
    %dma_start3A_29 = arith.constant 0 : i32
    %dma_start3A_30 = arith.constant 0 : i32
    %dma_start3A_31 = tpu.memref_slice %arg3[%dma_start3A_29, %dma_start3A_30] : memref<49408x768xf32, #tpu.memory_space<hbm>> -> memref<49408x768xf32, #tpu.memory_space<hbm>>
    tpu.enqueue_indirect_dma source(%dma_start3A_31 : memref<49408x768xf32, #tpu.memory_space<hbm>>) target(%arg11 : memref<8x768xf32, #tpu.memory_space<vmem>>) offsets(%dma_start3A_28 : memref<8xi32, #tpu.memory_space<vmem>>) semaphore(%arg18 : memref<!tpu.dma_semaphore, #tpu.memory_space<semaphore_mem>>)
    %scan3A = arith.constant 0 : i32
    %scan3A_32 = arith.constant 0 : i32
    %scan3A_33 = arith.constant 11 : i32
    %scan3A_34 = arith.addi %scan3A_32, %scan3A_33 : i32
    %scan3A_35 = arith.constant 1 : i32
    %scan3A_36 = scf.for %scan3A_43 = %scan3A_32 to %scan3A_34 step %scan3A_35 iter_args(%scan3A_44 = %scan3A) -> (i32)  : i32 {
      %mul3A_45 = arith.constant 7 : i32
      %mul3A_46 = arith.muli %scan3A_43, %mul3A_45 : i32
      %add3A_47 = arith.constant 0 : i32
      %add3A_48 = arith.addi %mul3A_46, %add3A_47 : i32
      %mul3A_49 = arith.constant 8 : i32
      %mul3A_50 = arith.muli %add3A_48, %mul3A_49 : i32
      %dma_wait3A_51 = tpu.memref_slice %arg5[%mul3A_50] : memref<616xi32, #tpu.memory_space<vmem>> -> memref<8xi32, #tpu.memory_space<vmem>>
      %dma_wait3A_52 = arith.constant 0 : i32
      %dma_wait3A_53 = arith.constant 0 : i32
      %dma_wait3A_54 = tpu.memref_slice %arg3[%dma_wait3A_52, %dma_wait3A_53] : memref<49408x768xf32, #tpu.memory_space<hbm>> -> memref<49408x768xf32, #tpu.memory_space<hbm>>
      tpu.wait_indirect_dma semaphore(%arg13 : memref<!tpu.dma_semaphore, #tpu.memory_space<semaphore_mem>>) src(%dma_wait3A_54 : memref<49408x768xf32, #tpu.memory_space<hbm>>) dst(%arg6 : memref<8x768xf32, #tpu.memory_space<vmem>>)
      %ge3A = arith.constant 1 : i32
      %ge3A_55 = arith.cmpi sge, %add3A_48, %ge3A : i32
      %convert_element_type3A = arith.extui %ge3A_55 : i1 to i32
      %cond3A = arith.constant 0 : i32
      %cond3A_56 = arith.cmpi ne, %convert_element_type3A, %cond3A : i32
      scf.if %cond3A_56 {
        %sub3A_258 = arith.constant 1 : i32
        %sub3A_259 = arith.subi %add3A_48, %sub3A_258 : i32
        %mul3A_260 = arith.constant 8 : i32
        %mul3A_261 = arith.muli %sub3A_259, %mul3A_260 : i32
        %add3A_262 = arith.addi %mul3A_2, %mul3A_261 : i32
        %dma_wait3A_263 = arith.constant 0 : i32
        %dma_wait3A_264 = tpu.memref_slice %arg4[%add3A_262, %dma_wait3A_263] : memref<19712x768xf32, #tpu.memory_space<hbm>> -> memref<8x768xf32, #tpu.memory_space<hbm>>
        %dma_wait3A_265 = arith.constant 0 : i32
        %dma_wait3A_266 = tpu.memref_slice %arg4[%add3A_262, %dma_wait3A_265] : memref<19712x768xf32, #tpu.memory_space<hbm>> -> memref<8x768xf32, #tpu.memory_space<hbm>>
        tpu.wait_dma2 semaphore(%arg26 : memref<!tpu.dma_semaphore, #tpu.memory_space<semaphore_mem>>) src(%arg12 : memref<8x768xf32, #tpu.memory_space<vmem>>) dst(%dma_wait3A_266 : memref<8x768xf32, #tpu.memory_space<hbm>>)
      } else {
      }
      %add3A_57 = arith.constant 7 : i32
      %add3A_58 = arith.addi %add3A_48, %add3A_57 : i32
      %sub3A = arith.constant 1 : i32
      %sub3A_59 = arith.subi %add3A_58, %sub3A : i32
      %lt3A = arith.constant 77 : i32
      %lt3A_60 = arith.cmpi slt, %sub3A_59, %lt3A : i32
      %convert_element_type3A_61 = arith.extui %lt3A_60 : i1 to i32
      %cond3A_62 = arith.constant 0 : i32
      %cond3A_63 = arith.cmpi ne, %convert_element_type3A_61, %cond3A_62 : i32
      scf.if %cond3A_63 {
        %add3A_258 = arith.constant 7 : i32
        %add3A_259 = arith.addi %add3A_48, %add3A_258 : i32
        %sub3A_260 = arith.constant 1 : i32
        %sub3A_261 = arith.subi %add3A_259, %sub3A_260 : i32
        %mul3A_262 = arith.constant 8 : i32
        %mul3A_263 = arith.muli %sub3A_261, %mul3A_262 : i32
        %dma_start3A_264 = tpu.memref_slice %arg5[%mul3A_263] : memref<616xi32, #tpu.memory_space<vmem>> -> memref<8xi32, #tpu.memory_space<vmem>>
        %dma_start3A_265 = arith.constant 0 : i32
        %dma_start3A_266 = arith.constant 0 : i32
        %dma_start3A_267 = tpu.memref_slice %arg3[%dma_start3A_265, %dma_start3A_266] : memref<49408x768xf32, #tpu.memory_space<hbm>> -> memref<49408x768xf32, #tpu.memory_space<hbm>>
        tpu.enqueue_indirect_dma source(%dma_start3A_267 : memref<49408x768xf32, #tpu.memory_space<hbm>>) target(%arg12 : memref<8x768xf32, #tpu.memory_space<vmem>>) offsets(%dma_start3A_264 : memref<8xi32, #tpu.memory_space<vmem>>) semaphore(%arg19 : memref<!tpu.dma_semaphore, #tpu.memory_space<semaphore_mem>>)
      } else {
      }
      %mul3A_64 = arith.constant 8 : i32
      %mul3A_65 = arith.muli %add3A_48, %mul3A_64 : i32
      %add3A_66 = arith.addi %mul3A_2, %mul3A_65 : i32
      %dma_start3A_67 = arith.constant 0 : i32
      %dma_start3A_68 = tpu.memref_slice %arg4[%add3A_66, %dma_start3A_67] : memref<19712x768xf32, #tpu.memory_space<hbm>> -> memref<8x768xf32, #tpu.memory_space<hbm>>
      %dma_start3A_69 = arith.constant 0 : i32
      %dma_start3A_70 = tpu.memref_slice %arg4[%add3A_66, %dma_start3A_69] : memref<19712x768xf32, #tpu.memory_space<hbm>> -> memref<8x768xf32, #tpu.memory_space<hbm>>
      tpu.enqueue_dma source(%arg6 : memref<8x768xf32, #tpu.memory_space<vmem>>) target(%dma_start3A_70 : memref<8x768xf32, #tpu.memory_space<hbm>>) target_semaphore(%arg20 : memref<!tpu.dma_semaphore, #tpu.memory_space<semaphore_mem>>)
      %mul3A_71 = arith.constant 7 : i32
      %mul3A_72 = arith.muli %scan3A_43, %mul3A_71 : i32
      %add3A_73 = arith.constant 1 : i32
      %add3A_74 = arith.addi %mul3A_72, %add3A_73 : i32
      %mul3A_75 = arith.constant 8 : i32
      %mul3A_76 = arith.muli %add3A_74, %mul3A_75 : i32
      %dma_wait3A_77 = tpu.memref_slice %arg5[%mul3A_76] : memref<616xi32, #tpu.memory_space<vmem>> -> memref<8xi32, #tpu.memory_space<vmem>>
      %dma_wait3A_78 = arith.constant 0 : i32
      %dma_wait3A_79 = arith.constant 0 : i32
      %dma_wait3A_80 = tpu.memref_slice %arg3[%dma_wait3A_78, %dma_wait3A_79] : memref<49408x768xf32, #tpu.memory_space<hbm>> -> memref<49408x768xf32, #tpu.memory_space<hbm>>
      tpu.wait_indirect_dma semaphore(%arg14 : memref<!tpu.dma_semaphore, #tpu.memory_space<semaphore_mem>>) src(%dma_wait3A_80 : memref<49408x768xf32, #tpu.memory_space<hbm>>) dst(%arg7 : memref<8x768xf32, #tpu.memory_space<vmem>>)
      %ge3A_81 = arith.constant 1 : i32
      %ge3A_82 = arith.cmpi sge, %add3A_74, %ge3A_81 : i32
      %convert_element_type3A_83 = arith.extui %ge3A_82 : i1 to i32
      %cond3A_84 = arith.constant 0 : i32
      %cond3A_85 = arith.cmpi ne, %convert_element_type3A_83, %cond3A_84 : i32
      scf.if %cond3A_85 {
        %sub3A_258 = arith.constant 1 : i32
        %sub3A_259 = arith.subi %add3A_74, %sub3A_258 : i32
        %mul3A_260 = arith.constant 8 : i32
        %mul3A_261 = arith.muli %sub3A_259, %mul3A_260 : i32
        %add3A_262 = arith.addi %mul3A_2, %mul3A_261 : i32
        %dma_wait3A_263 = arith.constant 0 : i32
        %dma_wait3A_264 = tpu.memref_slice %arg4[%add3A_262, %dma_wait3A_263] : memref<19712x768xf32, #tpu.memory_space<hbm>> -> memref<8x768xf32, #tpu.memory_space<hbm>>
        %dma_wait3A_265 = arith.constant 0 : i32
        %dma_wait3A_266 = tpu.memref_slice %arg4[%add3A_262, %dma_wait3A_265] : memref<19712x768xf32, #tpu.memory_space<hbm>> -> memref<8x768xf32, #tpu.memory_space<hbm>>
        tpu.wait_dma2 semaphore(%arg20 : memref<!tpu.dma_semaphore, #tpu.memory_space<semaphore_mem>>) src(%arg6 : memref<8x768xf32, #tpu.memory_space<vmem>>) dst(%dma_wait3A_266 : memref<8x768xf32, #tpu.memory_space<hbm>>)
      } else {
      }
      %add3A_86 = arith.constant 7 : i32
      %add3A_87 = arith.addi %add3A_74, %add3A_86 : i32
      %sub3A_88 = arith.constant 1 : i32
      %sub3A_89 = arith.subi %add3A_87, %sub3A_88 : i32
      %lt3A_90 = arith.constant 77 : i32
      %lt3A_91 = arith.cmpi slt, %sub3A_89, %lt3A_90 : i32
      %convert_element_type3A_92 = arith.extui %lt3A_91 : i1 to i32
      %cond3A_93 = arith.constant 0 : i32
      %cond3A_94 = arith.cmpi ne, %convert_element_type3A_92, %cond3A_93 : i32
      scf.if %cond3A_94 {
        %add3A_258 = arith.constant 7 : i32
        %add3A_259 = arith.addi %add3A_74, %add3A_258 : i32
        %sub3A_260 = arith.constant 1 : i32
        %sub3A_261 = arith.subi %add3A_259, %sub3A_260 : i32
        %mul3A_262 = arith.constant 8 : i32
        %mul3A_263 = arith.muli %sub3A_261, %mul3A_262 : i32
        %dma_start3A_264 = tpu.memref_slice %arg5[%mul3A_263] : memref<616xi32, #tpu.memory_space<vmem>> -> memref<8xi32, #tpu.memory_space<vmem>>
        %dma_start3A_265 = arith.constant 0 : i32
        %dma_start3A_266 = arith.constant 0 : i32
        %dma_start3A_267 = tpu.memref_slice %arg3[%dma_start3A_265, %dma_start3A_266] : memref<49408x768xf32, #tpu.memory_space<hbm>> -> memref<49408x768xf32, #tpu.memory_space<hbm>>
        tpu.enqueue_indirect_dma source(%dma_start3A_267 : memref<49408x768xf32, #tpu.memory_space<hbm>>) target(%arg6 : memref<8x768xf32, #tpu.memory_space<vmem>>) offsets(%dma_start3A_264 : memref<8xi32, #tpu.memory_space<vmem>>) semaphore(%arg13 : memref<!tpu.dma_semaphore, #tpu.memory_space<semaphore_mem>>)
      } else {
      }
      %mul3A_95 = arith.constant 8 : i32
      %mul3A_96 = arith.muli %add3A_74, %mul3A_95 : i32
      %add3A_97 = arith.addi %mul3A_2, %mul3A_96 : i32
      %dma_start3A_98 = arith.constant 0 : i32
      %dma_start3A_99 = tpu.memref_slice %arg4[%add3A_97, %dma_start3A_98] : memref<19712x768xf32, #tpu.memory_space<hbm>> -> memref<8x768xf32, #tpu.memory_space<hbm>>
      %dma_start3A_100 = arith.constant 0 : i32
      %dma_start3A_101 = tpu.memref_slice %arg4[%add3A_97, %dma_start3A_100] : memref<19712x768xf32, #tpu.memory_space<hbm>> -> memref<8x768xf32, #tpu.memory_space<hbm>>
      tpu.enqueue_dma source(%arg7 : memref<8x768xf32, #tpu.memory_space<vmem>>) target(%dma_start3A_101 : memref<8x768xf32, #tpu.memory_space<hbm>>) target_semaphore(%arg21 : memref<!tpu.dma_semaphore, #tpu.memory_space<semaphore_mem>>)
      %mul3A_102 = arith.constant 7 : i32
      %mul3A_103 = arith.muli %scan3A_43, %mul3A_102 : i32
      %add3A_104 = arith.constant 2 : i32
      %add3A_105 = arith.addi %mul3A_103, %add3A_104 : i32
      %mul3A_106 = arith.constant 8 : i32
      %mul3A_107 = arith.muli %add3A_105, %mul3A_106 : i32
      %dma_wait3A_108 = tpu.memref_slice %arg5[%mul3A_107] : memref<616xi32, #tpu.memory_space<vmem>> -> memref<8xi32, #tpu.memory_space<vmem>>
      %dma_wait3A_109 = arith.constant 0 : i32
      %dma_wait3A_110 = arith.constant 0 : i32
      %dma_wait3A_111 = tpu.memref_slice %arg3[%dma_wait3A_109, %dma_wait3A_110] : memref<49408x768xf32, #tpu.memory_space<hbm>> -> memref<49408x768xf32, #tpu.memory_space<hbm>>
      tpu.wait_indirect_dma semaphore(%arg15 : memref<!tpu.dma_semaphore, #tpu.memory_space<semaphore_mem>>) src(%dma_wait3A_111 : memref<49408x768xf32, #tpu.memory_space<hbm>>) dst(%arg8 : memref<8x768xf32, #tpu.memory_space<vmem>>)
      %ge3A_112 = arith.constant 1 : i32
      %ge3A_113 = arith.cmpi sge, %add3A_105, %ge3A_112 : i32
      %convert_element_type3A_114 = arith.extui %ge3A_113 : i1 to i32
      %cond3A_115 = arith.constant 0 : i32
      %cond3A_116 = arith.cmpi ne, %convert_element_type3A_114, %cond3A_115 : i32
      scf.if %cond3A_116 {
        %sub3A_258 = arith.constant 1 : i32
        %sub3A_259 = arith.subi %add3A_105, %sub3A_258 : i32
        %mul3A_260 = arith.constant 8 : i32
        %mul3A_261 = arith.muli %sub3A_259, %mul3A_260 : i32
        %add3A_262 = arith.addi %mul3A_2, %mul3A_261 : i32
        %dma_wait3A_263 = arith.constant 0 : i32
        %dma_wait3A_264 = tpu.memref_slice %arg4[%add3A_262, %dma_wait3A_263] : memref<19712x768xf32, #tpu.memory_space<hbm>> -> memref<8x768xf32, #tpu.memory_space<hbm>>
        %dma_wait3A_265 = arith.constant 0 : i32
        %dma_wait3A_266 = tpu.memref_slice %arg4[%add3A_262, %dma_wait3A_265] : memref<19712x768xf32, #tpu.memory_space<hbm>> -> memref<8x768xf32, #tpu.memory_space<hbm>>
        tpu.wait_dma2 semaphore(%arg21 : memref<!tpu.dma_semaphore, #tpu.memory_space<semaphore_mem>>) src(%arg7 : memref<8x768xf32, #tpu.memory_space<vmem>>) dst(%dma_wait3A_266 : memref<8x768xf32, #tpu.memory_space<hbm>>)
      } else {
      }
      %add3A_117 = arith.constant 7 : i32
      %add3A_118 = arith.addi %add3A_105, %add3A_117 : i32
      %sub3A_119 = arith.constant 1 : i32
      %sub3A_120 = arith.subi %add3A_118, %sub3A_119 : i32
      %lt3A_121 = arith.constant 77 : i32
      %lt3A_122 = arith.cmpi slt, %sub3A_120, %lt3A_121 : i32
      %convert_element_type3A_123 = arith.extui %lt3A_122 : i1 to i32
      %cond3A_124 = arith.constant 0 : i32
      %cond3A_125 = arith.cmpi ne, %convert_element_type3A_123, %cond3A_124 : i32
      scf.if %cond3A_125 {
        %add3A_258 = arith.constant 7 : i32
        %add3A_259 = arith.addi %add3A_105, %add3A_258 : i32
        %sub3A_260 = arith.constant 1 : i32
        %sub3A_261 = arith.subi %add3A_259, %sub3A_260 : i32
        %mul3A_262 = arith.constant 8 : i32
        %mul3A_263 = arith.muli %sub3A_261, %mul3A_262 : i32
        %dma_start3A_264 = tpu.memref_slice %arg5[%mul3A_263] : memref<616xi32, #tpu.memory_space<vmem>> -> memref<8xi32, #tpu.memory_space<vmem>>
        %dma_start3A_265 = arith.constant 0 : i32
        %dma_start3A_266 = arith.constant 0 : i32
        %dma_start3A_267 = tpu.memref_slice %arg3[%dma_start3A_265, %dma_start3A_266] : memref<49408x768xf32, #tpu.memory_space<hbm>> -> memref<49408x768xf32, #tpu.memory_space<hbm>>
        tpu.enqueue_indirect_dma source(%dma_start3A_267 : memref<49408x768xf32, #tpu.memory_space<hbm>>) target(%arg7 : memref<8x768xf32, #tpu.memory_space<vmem>>) offsets(%dma_start3A_264 : memref<8xi32, #tpu.memory_space<vmem>>) semaphore(%arg14 : memref<!tpu.dma_semaphore, #tpu.memory_space<semaphore_mem>>)
      } else {
      }
      %mul3A_126 = arith.constant 8 : i32
      %mul3A_127 = arith.muli %add3A_105, %mul3A_126 : i32
      %add3A_128 = arith.addi %mul3A_2, %mul3A_127 : i32
      %dma_start3A_129 = arith.constant 0 : i32
      %dma_start3A_130 = tpu.memref_slice %arg4[%add3A_128, %dma_start3A_129] : memref<19712x768xf32, #tpu.memory_space<hbm>> -> memref<8x768xf32, #tpu.memory_space<hbm>>
      %dma_start3A_131 = arith.constant 0 : i32
      %dma_start3A_132 = tpu.memref_slice %arg4[%add3A_128, %dma_start3A_131] : memref<19712x768xf32, #tpu.memory_space<hbm>> -> memref<8x768xf32, #tpu.memory_space<hbm>>
      tpu.enqueue_dma source(%arg8 : memref<8x768xf32, #tpu.memory_space<vmem>>) target(%dma_start3A_132 : memref<8x768xf32, #tpu.memory_space<hbm>>) target_semaphore(%arg22 : memref<!tpu.dma_semaphore, #tpu.memory_space<semaphore_mem>>)
      %mul3A_133 = arith.constant 7 : i32
      %mul3A_134 = arith.muli %scan3A_43, %mul3A_133 : i32
      %add3A_135 = arith.constant 3 : i32
      %add3A_136 = arith.addi %mul3A_134, %add3A_135 : i32
      %mul3A_137 = arith.constant 8 : i32
      %mul3A_138 = arith.muli %add3A_136, %mul3A_137 : i32
      %dma_wait3A_139 = tpu.memref_slice %arg5[%mul3A_138] : memref<616xi32, #tpu.memory_space<vmem>> -> memref<8xi32, #tpu.memory_space<vmem>>
      %dma_wait3A_140 = arith.constant 0 : i32
      %dma_wait3A_141 = arith.constant 0 : i32
      %dma_wait3A_142 = tpu.memref_slice %arg3[%dma_wait3A_140, %dma_wait3A_141] : memref<49408x768xf32, #tpu.memory_space<hbm>> -> memref<49408x768xf32, #tpu.memory_space<hbm>>
      tpu.wait_indirect_dma semaphore(%arg16 : memref<!tpu.dma_semaphore, #tpu.memory_space<semaphore_mem>>) src(%dma_wait3A_142 : memref<49408x768xf32, #tpu.memory_space<hbm>>) dst(%arg9 : memref<8x768xf32, #tpu.memory_space<vmem>>)
      %ge3A_143 = arith.constant 1 : i32
      %ge3A_144 = arith.cmpi sge, %add3A_136, %ge3A_143 : i32
      %convert_element_type3A_145 = arith.extui %ge3A_144 : i1 to i32
      %cond3A_146 = arith.constant 0 : i32
      %cond3A_147 = arith.cmpi ne, %convert_element_type3A_145, %cond3A_146 : i32
      scf.if %cond3A_147 {
        %sub3A_258 = arith.constant 1 : i32
        %sub3A_259 = arith.subi %add3A_136, %sub3A_258 : i32
        %mul3A_260 = arith.constant 8 : i32
        %mul3A_261 = arith.muli %sub3A_259, %mul3A_260 : i32
        %add3A_262 = arith.addi %mul3A_2, %mul3A_261 : i32
        %dma_wait3A_263 = arith.constant 0 : i32
        %dma_wait3A_264 = tpu.memref_slice %arg4[%add3A_262, %dma_wait3A_263] : memref<19712x768xf32, #tpu.memory_space<hbm>> -> memref<8x768xf32, #tpu.memory_space<hbm>>
        %dma_wait3A_265 = arith.constant 0 : i32
        %dma_wait3A_266 = tpu.memref_slice %arg4[%add3A_262, %dma_wait3A_265] : memref<19712x768xf32, #tpu.memory_space<hbm>> -> memref<8x768xf32, #tpu.memory_space<hbm>>
        tpu.wait_dma2 semaphore(%arg22 : memref<!tpu.dma_semaphore, #tpu.memory_space<semaphore_mem>>) src(%arg8 : memref<8x768xf32, #tpu.memory_space<vmem>>) dst(%dma_wait3A_266 : memref<8x768xf32, #tpu.memory_space<hbm>>)
      } else {
      }
      %add3A_148 = arith.constant 7 : i32
      %add3A_149 = arith.addi %add3A_136, %add3A_148 : i32
      %sub3A_150 = arith.constant 1 : i32
      %sub3A_151 = arith.subi %add3A_149, %sub3A_150 : i32
      %lt3A_152 = arith.constant 77 : i32
      %lt3A_153 = arith.cmpi slt, %sub3A_151, %lt3A_152 : i32
      %convert_element_type3A_154 = arith.extui %lt3A_153 : i1 to i32
      %cond3A_155 = arith.constant 0 : i32
      %cond3A_156 = arith.cmpi ne, %convert_element_type3A_154, %cond3A_155 : i32
      scf.if %cond3A_156 {
        %add3A_258 = arith.constant 7 : i32
        %add3A_259 = arith.addi %add3A_136, %add3A_258 : i32
        %sub3A_260 = arith.constant 1 : i32
        %sub3A_261 = arith.subi %add3A_259, %sub3A_260 : i32
        %mul3A_262 = arith.constant 8 : i32
        %mul3A_263 = arith.muli %sub3A_261, %mul3A_262 : i32
        %dma_start3A_264 = tpu.memref_slice %arg5[%mul3A_263] : memref<616xi32, #tpu.memory_space<vmem>> -> memref<8xi32, #tpu.memory_space<vmem>>
        %dma_start3A_265 = arith.constant 0 : i32
        %dma_start3A_266 = arith.constant 0 : i32
        %dma_start3A_267 = tpu.memref_slice %arg3[%dma_start3A_265, %dma_start3A_266] : memref<49408x768xf32, #tpu.memory_space<hbm>> -> memref<49408x768xf32, #tpu.memory_space<hbm>>
        tpu.enqueue_indirect_dma source(%dma_start3A_267 : memref<49408x768xf32, #tpu.memory_space<hbm>>) target(%arg8 : memref<8x768xf32, #tpu.memory_space<vmem>>) offsets(%dma_start3A_264 : memref<8xi32, #tpu.memory_space<vmem>>) semaphore(%arg15 : memref<!tpu.dma_semaphore, #tpu.memory_space<semaphore_mem>>)
      } else {
      }
      %mul3A_157 = arith.constant 8 : i32
      %mul3A_158 = arith.muli %add3A_136, %mul3A_157 : i32
      %add3A_159 = arith.addi %mul3A_2, %mul3A_158 : i32
      %dma_start3A_160 = arith.constant 0 : i32
      %dma_start3A_161 = tpu.memref_slice %arg4[%add3A_159, %dma_start3A_160] : memref<19712x768xf32, #tpu.memory_space<hbm>> -> memref<8x768xf32, #tpu.memory_space<hbm>>
      %dma_start3A_162 = arith.constant 0 : i32
      %dma_start3A_163 = tpu.memref_slice %arg4[%add3A_159, %dma_start3A_162] : memref<19712x768xf32, #tpu.memory_space<hbm>> -> memref<8x768xf32, #tpu.memory_space<hbm>>
      tpu.enqueue_dma source(%arg9 : memref<8x768xf32, #tpu.memory_space<vmem>>) target(%dma_start3A_163 : memref<8x768xf32, #tpu.memory_space<hbm>>) target_semaphore(%arg23 : memref<!tpu.dma_semaphore, #tpu.memory_space<semaphore_mem>>)
      %mul3A_164 = arith.constant 7 : i32
      %mul3A_165 = arith.muli %scan3A_43, %mul3A_164 : i32
      %add3A_166 = arith.constant 4 : i32
      %add3A_167 = arith.addi %mul3A_165, %add3A_166 : i32
      %mul3A_168 = arith.constant 8 : i32
      %mul3A_169 = arith.muli %add3A_167, %mul3A_168 : i32
      %dma_wait3A_170 = tpu.memref_slice %arg5[%mul3A_169] : memref<616xi32, #tpu.memory_space<vmem>> -> memref<8xi32, #tpu.memory_space<vmem>>
      %dma_wait3A_171 = arith.constant 0 : i32
      %dma_wait3A_172 = arith.constant 0 : i32
      %dma_wait3A_173 = tpu.memref_slice %arg3[%dma_wait3A_171, %dma_wait3A_172] : memref<49408x768xf32, #tpu.memory_space<hbm>> -> memref<49408x768xf32, #tpu.memory_space<hbm>>
      tpu.wait_indirect_dma semaphore(%arg17 : memref<!tpu.dma_semaphore, #tpu.memory_space<semaphore_mem>>) src(%dma_wait3A_173 : memref<49408x768xf32, #tpu.memory_space<hbm>>) dst(%arg10 : memref<8x768xf32, #tpu.memory_space<vmem>>)
      %ge3A_174 = arith.constant 1 : i32
      %ge3A_175 = arith.cmpi sge, %add3A_167, %ge3A_174 : i32
      %convert_element_type3A_176 = arith.extui %ge3A_175 : i1 to i32
      %cond3A_177 = arith.constant 0 : i32
      %cond3A_178 = arith.cmpi ne, %convert_element_type3A_176, %cond3A_177 : i32
      scf.if %cond3A_178 {
        %sub3A_258 = arith.constant 1 : i32
        %sub3A_259 = arith.subi %add3A_167, %sub3A_258 : i32
        %mul3A_260 = arith.constant 8 : i32
        %mul3A_261 = arith.muli %sub3A_259, %mul3A_260 : i32
        %add3A_262 = arith.addi %mul3A_2, %mul3A_261 : i32
        %dma_wait3A_263 = arith.constant 0 : i32
        %dma_wait3A_264 = tpu.memref_slice %arg4[%add3A_262, %dma_wait3A_263] : memref<19712x768xf32, #tpu.memory_space<hbm>> -> memref<8x768xf32, #tpu.memory_space<hbm>>
        %dma_wait3A_265 = arith.constant 0 : i32
        %dma_wait3A_266 = tpu.memref_slice %arg4[%add3A_262, %dma_wait3A_265] : memref<19712x768xf32, #tpu.memory_space<hbm>> -> memref<8x768xf32, #tpu.memory_space<hbm>>
        tpu.wait_dma2 semaphore(%arg23 : memref<!tpu.dma_semaphore, #tpu.memory_space<semaphore_mem>>) src(%arg9 : memref<8x768xf32, #tpu.memory_space<vmem>>) dst(%dma_wait3A_266 : memref<8x768xf32, #tpu.memory_space<hbm>>)
      } else {
      }
      %add3A_179 = arith.constant 7 : i32
      %add3A_180 = arith.addi %add3A_167, %add3A_179 : i32
      %sub3A_181 = arith.constant 1 : i32
      %sub3A_182 = arith.subi %add3A_180, %sub3A_181 : i32
      %lt3A_183 = arith.constant 77 : i32
      %lt3A_184 = arith.cmpi slt, %sub3A_182, %lt3A_183 : i32
      %convert_element_type3A_185 = arith.extui %lt3A_184 : i1 to i32
      %cond3A_186 = arith.constant 0 : i32
      %cond3A_187 = arith.cmpi ne, %convert_element_type3A_185, %cond3A_186 : i32
      scf.if %cond3A_187 {
        %add3A_258 = arith.constant 7 : i32
        %add3A_259 = arith.addi %add3A_167, %add3A_258 : i32
        %sub3A_260 = arith.constant 1 : i32
        %sub3A_261 = arith.subi %add3A_259, %sub3A_260 : i32
        %mul3A_262 = arith.constant 8 : i32
        %mul3A_263 = arith.muli %sub3A_261, %mul3A_262 : i32
        %dma_start3A_264 = tpu.memref_slice %arg5[%mul3A_263] : memref<616xi32, #tpu.memory_space<vmem>> -> memref<8xi32, #tpu.memory_space<vmem>>
        %dma_start3A_265 = arith.constant 0 : i32
        %dma_start3A_266 = arith.constant 0 : i32
        %dma_start3A_267 = tpu.memref_slice %arg3[%dma_start3A_265, %dma_start3A_266] : memref<49408x768xf32, #tpu.memory_space<hbm>> -> memref<49408x768xf32, #tpu.memory_space<hbm>>
        tpu.enqueue_indirect_dma source(%dma_start3A_267 : memref<49408x768xf32, #tpu.memory_space<hbm>>) target(%arg9 : memref<8x768xf32, #tpu.memory_space<vmem>>) offsets(%dma_start3A_264 : memref<8xi32, #tpu.memory_space<vmem>>) semaphore(%arg16 : memref<!tpu.dma_semaphore, #tpu.memory_space<semaphore_mem>>)
      } else {
      }
      %mul3A_188 = arith.constant 8 : i32
      %mul3A_189 = arith.muli %add3A_167, %mul3A_188 : i32
      %add3A_190 = arith.addi %mul3A_2, %mul3A_189 : i32
      %dma_start3A_191 = arith.constant 0 : i32
      %dma_start3A_192 = tpu.memref_slice %arg4[%add3A_190, %dma_start3A_191] : memref<19712x768xf32, #tpu.memory_space<hbm>> -> memref<8x768xf32, #tpu.memory_space<hbm>>
      %dma_start3A_193 = arith.constant 0 : i32
      %dma_start3A_194 = tpu.memref_slice %arg4[%add3A_190, %dma_start3A_193] : memref<19712x768xf32, #tpu.memory_space<hbm>> -> memref<8x768xf32, #tpu.memory_space<hbm>>
      tpu.enqueue_dma source(%arg10 : memref<8x768xf32, #tpu.memory_space<vmem>>) target(%dma_start3A_194 : memref<8x768xf32, #tpu.memory_space<hbm>>) target_semaphore(%arg24 : memref<!tpu.dma_semaphore, #tpu.memory_space<semaphore_mem>>)
      %mul3A_195 = arith.constant 7 : i32
      %mul3A_196 = arith.muli %scan3A_43, %mul3A_195 : i32
      %add3A_197 = arith.constant 5 : i32
      %add3A_198 = arith.addi %mul3A_196, %add3A_197 : i32
      %mul3A_199 = arith.constant 8 : i32
      %mul3A_200 = arith.muli %add3A_198, %mul3A_199 : i32
      %dma_wait3A_201 = tpu.memref_slice %arg5[%mul3A_200] : memref<616xi32, #tpu.memory_space<vmem>> -> memref<8xi32, #tpu.memory_space<vmem>>
      %dma_wait3A_202 = arith.constant 0 : i32
      %dma_wait3A_203 = arith.constant 0 : i32
      %dma_wait3A_204 = tpu.memref_slice %arg3[%dma_wait3A_202, %dma_wait3A_203] : memref<49408x768xf32, #tpu.memory_space<hbm>> -> memref<49408x768xf32, #tpu.memory_space<hbm>>
      tpu.wait_indirect_dma semaphore(%arg18 : memref<!tpu.dma_semaphore, #tpu.memory_space<semaphore_mem>>) src(%dma_wait3A_204 : memref<49408x768xf32, #tpu.memory_space<hbm>>) dst(%arg11 : memref<8x768xf32, #tpu.memory_space<vmem>>)
      %ge3A_205 = arith.constant 1 : i32
      %ge3A_206 = arith.cmpi sge, %add3A_198, %ge3A_205 : i32
      %convert_element_type3A_207 = arith.extui %ge3A_206 : i1 to i32
      %cond3A_208 = arith.constant 0 : i32
      %cond3A_209 = arith.cmpi ne, %convert_element_type3A_207, %cond3A_208 : i32
      scf.if %cond3A_209 {
        %sub3A_258 = arith.constant 1 : i32
        %sub3A_259 = arith.subi %add3A_198, %sub3A_258 : i32
        %mul3A_260 = arith.constant 8 : i32
        %mul3A_261 = arith.muli %sub3A_259, %mul3A_260 : i32
        %add3A_262 = arith.addi %mul3A_2, %mul3A_261 : i32
        %dma_wait3A_263 = arith.constant 0 : i32
        %dma_wait3A_264 = tpu.memref_slice %arg4[%add3A_262, %dma_wait3A_263] : memref<19712x768xf32, #tpu.memory_space<hbm>> -> memref<8x768xf32, #tpu.memory_space<hbm>>
        %dma_wait3A_265 = arith.constant 0 : i32
        %dma_wait3A_266 = tpu.memref_slice %arg4[%add3A_262, %dma_wait3A_265] : memref<19712x768xf32, #tpu.memory_space<hbm>> -> memref<8x768xf32, #tpu.memory_space<hbm>>
        tpu.wait_dma2 semaphore(%arg24 : memref<!tpu.dma_semaphore, #tpu.memory_space<semaphore_mem>>) src(%arg10 : memref<8x768xf32, #tpu.memory_space<vmem>>) dst(%dma_wait3A_266 : memref<8x768xf32, #tpu.memory_space<hbm>>)
      } else {
      }
      %add3A_210 = arith.constant 7 : i32
      %add3A_211 = arith.addi %add3A_198, %add3A_210 : i32
      %sub3A_212 = arith.constant 1 : i32
      %sub3A_213 = arith.subi %add3A_211, %sub3A_212 : i32
      %lt3A_214 = arith.constant 77 : i32
      %lt3A_215 = arith.cmpi slt, %sub3A_213, %lt3A_214 : i32
      %convert_element_type3A_216 = arith.extui %lt3A_215 : i1 to i32
      %cond3A_217 = arith.constant 0 : i32
      %cond3A_218 = arith.cmpi ne, %convert_element_type3A_216, %cond3A_217 : i32
      scf.if %cond3A_218 {
        %add3A_258 = arith.constant 7 : i32
        %add3A_259 = arith.addi %add3A_198, %add3A_258 : i32
        %sub3A_260 = arith.constant 1 : i32
        %sub3A_261 = arith.subi %add3A_259, %sub3A_260 : i32
        %mul3A_262 = arith.constant 8 : i32
        %mul3A_263 = arith.muli %sub3A_261, %mul3A_262 : i32
        %dma_start3A_264 = tpu.memref_slice %arg5[%mul3A_263] : memref<616xi32, #tpu.memory_space<vmem>> -> memref<8xi32, #tpu.memory_space<vmem>>
        %dma_start3A_265 = arith.constant 0 : i32
        %dma_start3A_266 = arith.constant 0 : i32
        %dma_start3A_267 = tpu.memref_slice %arg3[%dma_start3A_265, %dma_start3A_266] : memref<49408x768xf32, #tpu.memory_space<hbm>> -> memref<49408x768xf32, #tpu.memory_space<hbm>>
        tpu.enqueue_indirect_dma source(%dma_start3A_267 : memref<49408x768xf32, #tpu.memory_space<hbm>>) target(%arg10 : memref<8x768xf32, #tpu.memory_space<vmem>>) offsets(%dma_start3A_264 : memref<8xi32, #tpu.memory_space<vmem>>) semaphore(%arg17 : memref<!tpu.dma_semaphore, #tpu.memory_space<semaphore_mem>>)
      } else {
      }
      %mul3A_219 = arith.constant 8 : i32
      %mul3A_220 = arith.muli %add3A_198, %mul3A_219 : i32
      %add3A_221 = arith.addi %mul3A_2, %mul3A_220 : i32
      %dma_start3A_222 = arith.constant 0 : i32
      %dma_start3A_223 = tpu.memref_slice %arg4[%add3A_221, %dma_start3A_222] : memref<19712x768xf32, #tpu.memory_space<hbm>> -> memref<8x768xf32, #tpu.memory_space<hbm>>
      %dma_start3A_224 = arith.constant 0 : i32
      %dma_start3A_225 = tpu.memref_slice %arg4[%add3A_221, %dma_start3A_224] : memref<19712x768xf32, #tpu.memory_space<hbm>> -> memref<8x768xf32, #tpu.memory_space<hbm>>
      tpu.enqueue_dma source(%arg11 : memref<8x768xf32, #tpu.memory_space<vmem>>) target(%dma_start3A_225 : memref<8x768xf32, #tpu.memory_space<hbm>>) target_semaphore(%arg25 : memref<!tpu.dma_semaphore, #tpu.memory_space<semaphore_mem>>)
      %mul3A_226 = arith.constant 7 : i32
      %mul3A_227 = arith.muli %scan3A_43, %mul3A_226 : i32
      %add3A_228 = arith.constant 6 : i32
      %add3A_229 = arith.addi %mul3A_227, %add3A_228 : i32
      %mul3A_230 = arith.constant 8 : i32
      %mul3A_231 = arith.muli %add3A_229, %mul3A_230 : i32
      %dma_wait3A_232 = tpu.memref_slice %arg5[%mul3A_231] : memref<616xi32, #tpu.memory_space<vmem>> -> memref<8xi32, #tpu.memory_space<vmem>>
      %dma_wait3A_233 = arith.constant 0 : i32
      %dma_wait3A_234 = arith.constant 0 : i32
      %dma_wait3A_235 = tpu.memref_slice %arg3[%dma_wait3A_233, %dma_wait3A_234] : memref<49408x768xf32, #tpu.memory_space<hbm>> -> memref<49408x768xf32, #tpu.memory_space<hbm>>
      tpu.wait_indirect_dma semaphore(%arg19 : memref<!tpu.dma_semaphore, #tpu.memory_space<semaphore_mem>>) src(%dma_wait3A_235 : memref<49408x768xf32, #tpu.memory_space<hbm>>) dst(%arg12 : memref<8x768xf32, #tpu.memory_space<vmem>>)
      %ge3A_236 = arith.constant 1 : i32
      %ge3A_237 = arith.cmpi sge, %add3A_229, %ge3A_236 : i32
      %convert_element_type3A_238 = arith.extui %ge3A_237 : i1 to i32
      %cond3A_239 = arith.constant 0 : i32
      %cond3A_240 = arith.cmpi ne, %convert_element_type3A_238, %cond3A_239 : i32
      scf.if %cond3A_240 {
        %sub3A_258 = arith.constant 1 : i32
        %sub3A_259 = arith.subi %add3A_229, %sub3A_258 : i32
        %mul3A_260 = arith.constant 8 : i32
        %mul3A_261 = arith.muli %sub3A_259, %mul3A_260 : i32
        %add3A_262 = arith.addi %mul3A_2, %mul3A_261 : i32
        %dma_wait3A_263 = arith.constant 0 : i32
        %dma_wait3A_264 = tpu.memref_slice %arg4[%add3A_262, %dma_wait3A_263] : memref<19712x768xf32, #tpu.memory_space<hbm>> -> memref<8x768xf32, #tpu.memory_space<hbm>>
        %dma_wait3A_265 = arith.constant 0 : i32
        %dma_wait3A_266 = tpu.memref_slice %arg4[%add3A_262, %dma_wait3A_265] : memref<19712x768xf32, #tpu.memory_space<hbm>> -> memref<8x768xf32, #tpu.memory_space<hbm>>
        tpu.wait_dma2 semaphore(%arg25 : memref<!tpu.dma_semaphore, #tpu.memory_space<semaphore_mem>>) src(%arg11 : memref<8x768xf32, #tpu.memory_space<vmem>>) dst(%dma_wait3A_266 : memref<8x768xf32, #tpu.memory_space<hbm>>)
      } else {
      }
      %add3A_241 = arith.constant 7 : i32
      %add3A_242 = arith.addi %add3A_229, %add3A_241 : i32
      %sub3A_243 = arith.constant 1 : i32
      %sub3A_244 = arith.subi %add3A_242, %sub3A_243 : i32
      %lt3A_245 = arith.constant 77 : i32
      %lt3A_246 = arith.cmpi slt, %sub3A_244, %lt3A_245 : i32
      %convert_element_type3A_247 = arith.extui %lt3A_246 : i1 to i32
      %cond3A_248 = arith.constant 0 : i32
      %cond3A_249 = arith.cmpi ne, %convert_element_type3A_247, %cond3A_248 : i32
      scf.if %cond3A_249 {
        %add3A_258 = arith.constant 7 : i32
        %add3A_259 = arith.addi %add3A_229, %add3A_258 : i32
        %sub3A_260 = arith.constant 1 : i32
        %sub3A_261 = arith.subi %add3A_259, %sub3A_260 : i32
        %mul3A_262 = arith.constant 8 : i32
        %mul3A_263 = arith.muli %sub3A_261, %mul3A_262 : i32
        %dma_start3A_264 = tpu.memref_slice %arg5[%mul3A_263] : memref<616xi32, #tpu.memory_space<vmem>> -> memref<8xi32, #tpu.memory_space<vmem>>
        %dma_start3A_265 = arith.constant 0 : i32
        %dma_start3A_266 = arith.constant 0 : i32
        %dma_start3A_267 = tpu.memref_slice %arg3[%dma_start3A_265, %dma_start3A_266] : memref<49408x768xf32, #tpu.memory_space<hbm>> -> memref<49408x768xf32, #tpu.memory_space<hbm>>
        tpu.enqueue_indirect_dma source(%dma_start3A_267 : memref<49408x768xf32, #tpu.memory_space<hbm>>) target(%arg11 : memref<8x768xf32, #tpu.memory_space<vmem>>) offsets(%dma_start3A_264 : memref<8xi32, #tpu.memory_space<vmem>>) semaphore(%arg18 : memref<!tpu.dma_semaphore, #tpu.memory_space<semaphore_mem>>)
      } else {
      }
      %mul3A_250 = arith.constant 8 : i32
      %mul3A_251 = arith.muli %add3A_229, %mul3A_250 : i32
      %add3A_252 = arith.addi %mul3A_2, %mul3A_251 : i32
      %dma_start3A_253 = arith.constant 0 : i32
      %dma_start3A_254 = tpu.memref_slice %arg4[%add3A_252, %dma_start3A_253] : memref<19712x768xf32, #tpu.memory_space<hbm>> -> memref<8x768xf32, #tpu.memory_space<hbm>>
      %dma_start3A_255 = arith.constant 0 : i32
      %dma_start3A_256 = tpu.memref_slice %arg4[%add3A_252, %dma_start3A_255] : memref<19712x768xf32, #tpu.memory_space<hbm>> -> memref<8x768xf32, #tpu.memory_space<hbm>>
      tpu.enqueue_dma source(%arg12 : memref<8x768xf32, #tpu.memory_space<vmem>>) target(%dma_start3A_256 : memref<8x768xf32, #tpu.memory_space<hbm>>) target_semaphore(%arg26 : memref<!tpu.dma_semaphore, #tpu.memory_space<semaphore_mem>>)
      %scan3A_257 = arith.constant 0 : i32
      scf.yield %scan3A_257 : i32
    }
    %scan3A_37 = arith.constant 11 : i32
    %add3A_38 = arith.constant 608 : i32
    %add3A_39 = arith.addi %mul3A_2, %add3A_38 : i32
    %dma_wait3A = arith.constant 0 : i32
    %dma_wait3A_40 = tpu.memref_slice %arg4[%add3A_39, %dma_wait3A] : memref<19712x768xf32, #tpu.memory_space<hbm>> -> memref<8x768xf32, #tpu.memory_space<hbm>>
    %dma_wait3A_41 = arith.constant 0 : i32
    %dma_wait3A_42 = tpu.memref_slice %arg4[%add3A_39, %dma_wait3A_41] : memref<19712x768xf32, #tpu.memory_space<hbm>> -> memref<8x768xf32, #tpu.memory_space<hbm>>
    tpu.wait_dma2 semaphore(%arg26 : memref<!tpu.dma_semaphore, #tpu.memory_space<semaphore_mem>>) src(%arg12 : memref<8x768xf32, #tpu.memory_space<vmem>>) dst(%dma_wait3A_42 : memref<8x768xf32, #tpu.memory_space<hbm>>)
    return
  }
}

#map = affine_map<(d0, d1) -> (0)>
#map1 = affine_map<(d0, d1) -> (0, 0)>
module attributes {stable_mosaic.version = 14 : i64} {
  func.func @_gather_kernel(%arg0: i32, %arg1: i32, %arg2: memref<19712xi32, #tpu.memory_space<hbm>>, %arg3: memref<49408x768xf32, #tpu.memory_space<hbm>>, %arg4: memref<19712x768xf32, #tpu.memory_space<hbm>>, %arg5: memref<616xi32, #tpu.memory_space<vmem>>, %arg6: memref<8x768xf32, #tpu.memory_space<vmem>>, %arg7: memref<8x768xf32, #tpu.memory_space<vmem>>, %arg8: memref<8x768xf32, #tpu.memory_space<vmem>>, %arg9: memref<8x768xf32, #tpu.memory_space<vmem>>, %arg10: memref<8x768xf32, #tpu.memory_space<vmem>>, %arg11: memref<8x768xf32, #tpu.memory_space<vmem>>, %arg12: memref<8x768xf32, #tpu.memory_space<vmem>>, %arg13: memref<!tpu.dma_semaphore, #tpu.memory_space<semaphore_mem>>, %arg14: memref<!tpu.dma_semaphore, #tpu.memory_space<semaphore_mem>>, %arg15: memref<!tpu.dma_semaphore, #tpu.memory_space<semaphore_mem>>, %arg16: memref<!tpu.dma_semaphore, #tpu.memory_space<semaphore_mem>>, %arg17: memref<!tpu.dma_semaphore, #tpu.memory_space<semaphore_mem>>, %arg18: memref<!tpu.dma_semaphore, #tpu.memory_space<semaphore_mem>>, %arg19: memref<!tpu.dma_semaphore, #tpu.memory_space<semaphore_mem>>, %arg20: memref<!tpu.dma_semaphore, #tpu.memory_space<semaphore_mem>>, %arg21: memref<!tpu.dma_semaphore, #tpu.memory_space<semaphore_mem>>, %arg22: memref<!tpu.dma_semaphore, #tpu.memory_space<semaphore_mem>>, %arg23: memref<!tpu.dma_semaphore, #tpu.memory_space<semaphore_mem>>, %arg24: memref<!tpu.dma_semaphore, #tpu.memory_space<semaphore_mem>>, %arg25: memref<!tpu.dma_semaphore, #tpu.memory_space<semaphore_mem>>, %arg26: memref<!tpu.dma_semaphore, #tpu.memory_space<semaphore_mem>>) attributes {dimension_semantics = [#tpu.dimension_semantics<core_parallel>, #tpu.dimension_semantics<subcore_parallel>], iteration_bounds = array<i64: 2, 16>, scalar_prefetch = 0 : i64, scratch_operands = 22 : i64, tpu.core_type = #tpu.core_type<sc_vector_subcore>, window_params = [{transform_indices = #map}, {transform_indices = #map1}, {transform_indices = #map1}]} {
    %mul3A = arith.constant 2 : i32
    %mul3A_0 = arith.muli %arg1, %mul3A : i32
    %add3A = arith.addi %mul3A_0, %arg0 : i32
    %mul3A_1 = arith.constant 616 : i32
    %mul3A_2 = arith.muli %add3A, %mul3A_1 : i32
    "tpu.region"() ({
      %run_scoped3A = tpu.sem_alloc : memref<!tpu.dma_semaphore, #tpu.memory_space<semaphore_mem>>
      %dma_start3A_43 = tpu.memref_slice %arg2[%mul3A_2] : memref<19712xi32, #tpu.memory_space<hbm>> -> memref<616xi32, #tpu.memory_space<hbm>>
      %dma_start3A_44 = tpu.memref_slice %arg2[%mul3A_2] : memref<19712xi32, #tpu.memory_space<hbm>> -> memref<616xi32, #tpu.memory_space<hbm>>
      tpu.enqueue_dma source(%dma_start3A_44 : memref<616xi32, #tpu.memory_space<hbm>>) target(%arg5 : memref<616xi32, #tpu.memory_space<vmem>>) target_semaphore(%run_scoped3A : memref<!tpu.dma_semaphore, #tpu.memory_space<semaphore_mem>>)
      %dma_wait3A_45 = tpu.memref_slice %arg2[%mul3A_2] : memref<19712xi32, #tpu.memory_space<hbm>> -> memref<616xi32, #tpu.memory_space<hbm>>
      %dma_wait3A_46 = tpu.memref_slice %arg2[%mul3A_2] : memref<19712xi32, #tpu.memory_space<hbm>> -> memref<616xi32, #tpu.memory_space<hbm>>
      tpu.wait_dma2 semaphore(%run_scoped3A : memref<!tpu.dma_semaphore, #tpu.memory_space<semaphore_mem>>) src(%dma_wait3A_46 : memref<616xi32, #tpu.memory_space<hbm>>) dst(%arg5 : memref<616xi32, #tpu.memory_space<vmem>>)
      tpu.yield
    }) : () -> ()
    %dma_start3A = arith.constant 0 : i32
    %dma_start3A_3 = tpu.memref_slice %arg5[%dma_start3A] : memref<616xi32, #tpu.memory_space<vmem>> -> memref<8xi32, #tpu.memory_space<vmem>>
    %dma_start3A_4 = arith.constant 0 : i32
    %dma_start3A_5 = arith.constant 0 : i32
    %dma_start3A_6 = tpu.memref_slice %arg3[%dma_start3A_4, %dma_start3A_5] : memref<49408x768xf32, #tpu.memory_space<hbm>> -> memref<49408x768xf32, #tpu.memory_space<hbm>>
    tpu.enqueue_indirect_dma source(%dma_start3A_6 : memref<49408x768xf32, #tpu.memory_space<hbm>>) target(%arg6 : memref<8x768xf32, #tpu.memory_space<vmem>>) offsets(%dma_start3A_3 : memref<8xi32, #tpu.memory_space<vmem>>) semaphore(%arg13 : memref<!tpu.dma_semaphore, #tpu.memory_space<semaphore_mem>>)
    %dma_start3A_7 = arith.constant 8 : i32
    %dma_start3A_8 = tpu.memref_slice %arg5[%dma_start3A_7] : memref<616xi32, #tpu.memory_space<vmem>> -> memref<8xi32, #tpu.memory_space<vmem>>
    %dma_start3A_9 = arith.constant 0 : i32
    %dma_start3A_10 = arith.constant 0 : i32
    %dma_start3A_11 = tpu.memref_slice %arg3[%dma_start3A_9, %dma_start3A_10] : memref<49408x768xf32, #tpu.memory_space<hbm>> -> memref<49408x768xf32, #tpu.memory_space<hbm>>
    tpu.enqueue_indirect_dma source(%dma_start3A_11 : memref<49408x768xf32, #tpu.memory_space<hbm>>) target(%arg7 : memref<8x768xf32, #tpu.memory_space<vmem>>) offsets(%dma_start3A_8 : memref<8xi32, #tpu.memory_space<vmem>>) semaphore(%arg14 : memref<!tpu.dma_semaphore, #tpu.memory_space<semaphore_mem>>)
    %dma_start3A_12 = arith.constant 16 : i32
    %dma_start3A_13 = tpu.memref_slice %arg5[%dma_start3A_12] : memref<616xi32, #tpu.memory_space<vmem>> -> memref<8xi32, #tpu.memory_space<vmem>>
    %dma_start3A_14 = arith.constant 0 : i32
    %dma_start3A_15 = arith.constant 0 : i32
    %dma_start3A_16 = tpu.memref_slice %arg3[%dma_start3A_14, %dma_start3A_15] : memref<49408x768xf32, #tpu.memory_space<hbm>> -> memref<49408x768xf32, #tpu.memory_space<hbm>>
    tpu.enqueue_indirect_dma source(%dma_start3A_16 : memref<49408x768xf32, #tpu.memory_space<hbm>>) target(%arg8 : memref<8x768xf32, #tpu.memory_space<vmem>>) offsets(%dma_start3A_13 : memref<8xi32, #tpu.memory_space<vmem>>) semaphore(%arg15 : memref<!tpu.dma_semaphore, #tpu.memory_space<semaphore_mem>>)
    %dma_start3A_17 = arith.constant 24 : i32
    %dma_start3A_18 = tpu.memref_slice %arg5[%dma_start3A_17] : memref<616xi32, #tpu.memory_space<vmem>> -> memref<8xi32, #tpu.memory_space<vmem>>
    %dma_start3A_19 = arith.constant 0 : i32
    %dma_start3A_20 = arith.constant 0 : i32
    %dma_start3A_21 = tpu.memref_slice %arg3[%dma_start3A_19, %dma_start3A_20] : memref<49408x768xf32, #tpu.memory_space<hbm>> -> memref<49408x768xf32, #tpu.memory_space<hbm>>
    tpu.enqueue_indirect_dma source(%dma_start3A_21 : memref<49408x768xf32, #tpu.memory_space<hbm>>) target(%arg9 : memref<8x768xf32, #tpu.memory_space<vmem>>) offsets(%dma_start3A_18 : memref<8xi32, #tpu.memory_space<vmem>>) semaphore(%arg16 : memref<!tpu.dma_semaphore, #tpu.memory_space<semaphore_mem>>)
    %dma_start3A_22 = arith.constant 32 : i32
    %dma_start3A_23 = tpu.memref_slice %arg5[%dma_start3A_22] : memref<616xi32, #tpu.memory_space<vmem>> -> memref<8xi32, #tpu.memory_space<vmem>>
    %dma_start3A_24 = arith.constant 0 : i32
    %dma_start3A_25 = arith.constant 0 : i32
    %dma_start3A_26 = tpu.memref_slice %arg3[%dma_start3A_24, %dma_start3A_25] : memref<49408x768xf32, #tpu.memory_space<hbm>> -> memref<49408x768xf32, #tpu.memory_space<hbm>>
    tpu.enqueue_indirect_dma source(%dma_start3A_26 : memref<49408x768xf32, #tpu.memory_space<hbm>>) target(%arg10 : memref<8x768xf32, #tpu.memory_space<vmem>>) offsets(%dma_start3A_23 : memref<8xi32, #tpu.memory_space<vmem>>) semaphore(%arg17 : memref<!tpu.dma_semaphore, #tpu.memory_space<semaphore_mem>>)
    %dma_start3A_27 = arith.constant 40 : i32
    %dma_start3A_28 = tpu.memref_slice %arg5[%dma_start3A_27] : memref<616xi32, #tpu.memory_space<vmem>> -> memref<8xi32, #tpu.memory_space<vmem>>
    %dma_start3A_29 = arith.constant 0 : i32
    %dma_start3A_30 = arith.constant 0 : i32
    %dma_start3A_31 = tpu.memref_slice %arg3[%dma_start3A_29, %dma_start3A_30] : memref<49408x768xf32, #tpu.memory_space<hbm>> -> memref<49408x768xf32, #tpu.memory_space<hbm>>
    tpu.enqueue_indirect_dma source(%dma_start3A_31 : memref<49408x768xf32, #tpu.memory_space<hbm>>) target(%arg11 : memref<8x768xf32, #tpu.memory_space<vmem>>) offsets(%dma_start3A_28 : memref<8xi32, #tpu.memory_space<vmem>>) semaphore(%arg18 : memref<!tpu.dma_semaphore, #tpu.memory_space<semaphore_mem>>)
    %scan3A = arith.constant 0 : i32
    %scan3A_32 = arith.constant 0 : i32
    %scan3A_33 = arith.constant 11 : i32
    %scan3A_34 = arith.addi %scan3A_32, %scan3A_33 : i32
    %scan3A_35 = arith.constant 1 : i32
    %scan3A_36 = scf.for %scan3A_43 = %scan3A_32 to %scan3A_34 step %scan3A_35 iter_args(%scan3A_44 = %scan3A) -> (i32)  : i32 {
      %mul3A_45 = arith.constant 7 : i32
      %mul3A_46 = arith.muli %scan3A_43, %mul3A_45 : i32
      %add3A_47 = arith.constant 0 : i32
      %add3A_48 = arith.addi %mul3A_46, %add3A_47 : i32
      %mul3A_49 = arith.constant 8 : i32
      %mul3A_50 = arith.muli %add3A_48, %mul3A_49 : i32
      %dma_wait3A_51 = tpu.memref_slice %arg5[%mul3A_50] : memref<616xi32, #tpu.memory_space<vmem>> -> memref<8xi32, #tpu.memory_space<vmem>>
      %dma_wait3A_52 = arith.constant 0 : i32
      %dma_wait3A_53 = arith.constant 0 : i32
      %dma_wait3A_54 = tpu.memref_slice %arg3[%dma_wait3A_52, %dma_wait3A_53] : memref<49408x768xf32, #tpu.memory_space<hbm>> -> memref<49408x768xf32, #tpu.memory_space<hbm>>
      tpu.wait_indirect_dma semaphore(%arg13 : memref<!tpu.dma_semaphore, #tpu.memory_space<semaphore_mem>>) src(%dma_wait3A_54 : memref<49408x768xf32, #tpu.memory_space<hbm>>) dst(%arg6 : memref<8x768xf32, #tpu.memory_space<vmem>>)
      %ge3A = arith.constant 1 : i32
      %ge3A_55 = arith.cmpi sge, %add3A_48, %ge3A : i32
      %convert_element_type3A = arith.extui %ge3A_55 : i1 to i32
      %cond3A = arith.constant 0 : i32
      %cond3A_56 = arith.cmpi ne, %convert_element_type3A, %cond3A : i32
      scf.if %cond3A_56 {
        %sub3A_258 = arith.constant 1 : i32
        %sub3A_259 = arith.subi %add3A_48, %sub3A_258 : i32
        %mul3A_260 = arith.constant 8 : i32
        %mul3A_261 = arith.muli %sub3A_259, %mul3A_260 : i32
        %add3A_262 = arith.addi %mul3A_2, %mul3A_261 : i32
        %dma_wait3A_263 = arith.constant 0 : i32
        %dma_wait3A_264 = tpu.memref_slice %arg4[%add3A_262, %dma_wait3A_263] : memref<19712x768xf32, #tpu.memory_space<hbm>> -> memref<8x768xf32, #tpu.memory_space<hbm>>
        %dma_wait3A_265 = arith.constant 0 : i32
        %dma_wait3A_266 = tpu.memref_slice %arg4[%add3A_262, %dma_wait3A_265] : memref<19712x768xf32, #tpu.memory_space<hbm>> -> memref<8x768xf32, #tpu.memory_space<hbm>>
        tpu.wait_dma2 semaphore(%arg26 : memref<!tpu.dma_semaphore, #tpu.memory_space<semaphore_mem>>) src(%arg12 : memref<8x768xf32, #tpu.memory_space<vmem>>) dst(%dma_wait3A_266 : memref<8x768xf32, #tpu.memory_space<hbm>>)
      } else {
      }
      %add3A_57 = arith.constant 7 : i32
      %add3A_58 = arith.addi %add3A_48, %add3A_57 : i32
      %sub3A = arith.constant 1 : i32
      %sub3A_59 = arith.subi %add3A_58, %sub3A : i32
      %lt3A = arith.constant 77 : i32
      %lt3A_60 = arith.cmpi slt, %sub3A_59, %lt3A : i32
      %convert_element_type3A_61 = arith.extui %lt3A_60 : i1 to i32
      %cond3A_62 = arith.constant 0 : i32
      %cond3A_63 = arith.cmpi ne, %convert_element_type3A_61, %cond3A_62 : i32
      scf.if %cond3A_63 {
        %add3A_258 = arith.constant 7 : i32
        %add3A_259 = arith.addi %add3A_48, %add3A_258 : i32
        %sub3A_260 = arith.constant 1 : i32
        %sub3A_261 = arith.subi %add3A_259, %sub3A_260 : i32
        %mul3A_262 = arith.constant 8 : i32
        %mul3A_263 = arith.muli %sub3A_261, %mul3A_262 : i32
        %dma_start3A_264 = tpu.memref_slice %arg5[%mul3A_263] : memref<616xi32, #tpu.memory_space<vmem>> -> memref<8xi32, #tpu.memory_space<vmem>>
        %dma_start3A_265 = arith.constant 0 : i32
        %dma_start3A_266 = arith.constant 0 : i32
        %dma_start3A_267 = tpu.memref_slice %arg3[%dma_start3A_265, %dma_start3A_266] : memref<49408x768xf32, #tpu.memory_space<hbm>> -> memref<49408x768xf32, #tpu.memory_space<hbm>>
        tpu.enqueue_indirect_dma source(%dma_start3A_267 : memref<49408x768xf32, #tpu.memory_space<hbm>>) target(%arg12 : memref<8x768xf32, #tpu.memory_space<vmem>>) offsets(%dma_start3A_264 : memref<8xi32, #tpu.memory_space<vmem>>) semaphore(%arg19 : memref<!tpu.dma_semaphore, #tpu.memory_space<semaphore_mem>>)
      } else {
      }
      %mul3A_64 = arith.constant 8 : i32
      %mul3A_65 = arith.muli %add3A_48, %mul3A_64 : i32
      %add3A_66 = arith.addi %mul3A_2, %mul3A_65 : i32
      %dma_start3A_67 = arith.constant 0 : i32
      %dma_start3A_68 = tpu.memref_slice %arg4[%add3A_66, %dma_start3A_67] : memref<19712x768xf32, #tpu.memory_space<hbm>> -> memref<8x768xf32, #tpu.memory_space<hbm>>
      %dma_start3A_69 = arith.constant 0 : i32
      %dma_start3A_70 = tpu.memref_slice %arg4[%add3A_66, %dma_start3A_69] : memref<19712x768xf32, #tpu.memory_space<hbm>> -> memref<8x768xf32, #tpu.memory_space<hbm>>
      tpu.enqueue_dma source(%arg6 : memref<8x768xf32, #tpu.memory_space<vmem>>) target(%dma_start3A_70 : memref<8x768xf32, #tpu.memory_space<hbm>>) target_semaphore(%arg20 : memref<!tpu.dma_semaphore, #tpu.memory_space<semaphore_mem>>)
      %mul3A_71 = arith.constant 7 : i32
      %mul3A_72 = arith.muli %scan3A_43, %mul3A_71 : i32
      %add3A_73 = arith.constant 1 : i32
      %add3A_74 = arith.addi %mul3A_72, %add3A_73 : i32
      %mul3A_75 = arith.constant 8 : i32
      %mul3A_76 = arith.muli %add3A_74, %mul3A_75 : i32
      %dma_wait3A_77 = tpu.memref_slice %arg5[%mul3A_76] : memref<616xi32, #tpu.memory_space<vmem>> -> memref<8xi32, #tpu.memory_space<vmem>>
      %dma_wait3A_78 = arith.constant 0 : i32
      %dma_wait3A_79 = arith.constant 0 : i32
      %dma_wait3A_80 = tpu.memref_slice %arg3[%dma_wait3A_78, %dma_wait3A_79] : memref<49408x768xf32, #tpu.memory_space<hbm>> -> memref<49408x768xf32, #tpu.memory_space<hbm>>
      tpu.wait_indirect_dma semaphore(%arg14 : memref<!tpu.dma_semaphore, #tpu.memory_space<semaphore_mem>>) src(%dma_wait3A_80 : memref<49408x768xf32, #tpu.memory_space<hbm>>) dst(%arg7 : memref<8x768xf32, #tpu.memory_space<vmem>>)
      %ge3A_81 = arith.constant 1 : i32
      %ge3A_82 = arith.cmpi sge, %add3A_74, %ge3A_81 : i32
      %convert_element_type3A_83 = arith.extui %ge3A_82 : i1 to i32
      %cond3A_84 = arith.constant 0 : i32
      %cond3A_85 = arith.cmpi ne, %convert_element_type3A_83, %cond3A_84 : i32
      scf.if %cond3A_85 {
        %sub3A_258 = arith.constant 1 : i32
        %sub3A_259 = arith.subi %add3A_74, %sub3A_258 : i32
        %mul3A_260 = arith.constant 8 : i32
        %mul3A_261 = arith.muli %sub3A_259, %mul3A_260 : i32
        %add3A_262 = arith.addi %mul3A_2, %mul3A_261 : i32
        %dma_wait3A_263 = arith.constant 0 : i32
        %dma_wait3A_264 = tpu.memref_slice %arg4[%add3A_262, %dma_wait3A_263] : memref<19712x768xf32, #tpu.memory_space<hbm>> -> memref<8x768xf32, #tpu.memory_space<hbm>>
        %dma_wait3A_265 = arith.constant 0 : i32
        %dma_wait3A_266 = tpu.memref_slice %arg4[%add3A_262, %dma_wait3A_265] : memref<19712x768xf32, #tpu.memory_space<hbm>> -> memref<8x768xf32, #tpu.memory_space<hbm>>
        tpu.wait_dma2 semaphore(%arg20 : memref<!tpu.dma_semaphore, #tpu.memory_space<semaphore_mem>>) src(%arg6 : memref<8x768xf32, #tpu.memory_space<vmem>>) dst(%dma_wait3A_266 : memref<8x768xf32, #tpu.memory_space<hbm>>)
      } else {
      }
      %add3A_86 = arith.constant 7 : i32
      %add3A_87 = arith.addi %add3A_74, %add3A_86 : i32
      %sub3A_88 = arith.constant 1 : i32
      %sub3A_89 = arith.subi %add3A_87, %sub3A_88 : i32
      %lt3A_90 = arith.constant 77 : i32
      %lt3A_91 = arith.cmpi slt, %sub3A_89, %lt3A_90 : i32
      %convert_element_type3A_92 = arith.extui %lt3A_91 : i1 to i32
      %cond3A_93 = arith.constant 0 : i32
      %cond3A_94 = arith.cmpi ne, %convert_element_type3A_92, %cond3A_93 : i32
      scf.if %cond3A_94 {
        %add3A_258 = arith.constant 7 : i32
        %add3A_259 = arith.addi %add3A_74, %add3A_258 : i32
        %sub3A_260 = arith.constant 1 : i32
        %sub3A_261 = arith.subi %add3A_259, %sub3A_260 : i32
        %mul3A_262 = arith.constant 8 : i32
        %mul3A_263 = arith.muli %sub3A_261, %mul3A_262 : i32
        %dma_start3A_264 = tpu.memref_slice %arg5[%mul3A_263] : memref<616xi32, #tpu.memory_space<vmem>> -> memref<8xi32, #tpu.memory_space<vmem>>
        %dma_start3A_265 = arith.constant 0 : i32
        %dma_start3A_266 = arith.constant 0 : i32
        %dma_start3A_267 = tpu.memref_slice %arg3[%dma_start3A_265, %dma_start3A_266] : memref<49408x768xf32, #tpu.memory_space<hbm>> -> memref<49408x768xf32, #tpu.memory_space<hbm>>
        tpu.enqueue_indirect_dma source(%dma_start3A_267 : memref<49408x768xf32, #tpu.memory_space<hbm>>) target(%arg6 : memref<8x768xf32, #tpu.memory_space<vmem>>) offsets(%dma_start3A_264 : memref<8xi32, #tpu.memory_space<vmem>>) semaphore(%arg13 : memref<!tpu.dma_semaphore, #tpu.memory_space<semaphore_mem>>)
      } else {
      }
      %mul3A_95 = arith.constant 8 : i32
      %mul3A_96 = arith.muli %add3A_74, %mul3A_95 : i32
      %add3A_97 = arith.addi %mul3A_2, %mul3A_96 : i32
      %dma_start3A_98 = arith.constant 0 : i32
      %dma_start3A_99 = tpu.memref_slice %arg4[%add3A_97, %dma_start3A_98] : memref<19712x768xf32, #tpu.memory_space<hbm>> -> memref<8x768xf32, #tpu.memory_space<hbm>>
      %dma_start3A_100 = arith.constant 0 : i32
      %dma_start3A_101 = tpu.memref_slice %arg4[%add3A_97, %dma_start3A_100] : memref<19712x768xf32, #tpu.memory_space<hbm>> -> memref<8x768xf32, #tpu.memory_space<hbm>>
      tpu.enqueue_dma source(%arg7 : memref<8x768xf32, #tpu.memory_space<vmem>>) target(%dma_start3A_101 : memref<8x768xf32, #tpu.memory_space<hbm>>) target_semaphore(%arg21 : memref<!tpu.dma_semaphore, #tpu.memory_space<semaphore_mem>>)
      %mul3A_102 = arith.constant 7 : i32
      %mul3A_103 = arith.muli %scan3A_43, %mul3A_102 : i32
      %add3A_104 = arith.constant 2 : i32
      %add3A_105 = arith.addi %mul3A_103, %add3A_104 : i32
      %mul3A_106 = arith.constant 8 : i32
      %mul3A_107 = arith.muli %add3A_105, %mul3A_106 : i32
      %dma_wait3A_108 = tpu.memref_slice %arg5[%mul3A_107] : memref<616xi32, #tpu.memory_space<vmem>> -> memref<8xi32, #tpu.memory_space<vmem>>
      %dma_wait3A_109 = arith.constant 0 : i32
      %dma_wait3A_110 = arith.constant 0 : i32
      %dma_wait3A_111 = tpu.memref_slice %arg3[%dma_wait3A_109, %dma_wait3A_110] : memref<49408x768xf32, #tpu.memory_space<hbm>> -> memref<49408x768xf32, #tpu.memory_space<hbm>>
      tpu.wait_indirect_dma semaphore(%arg15 : memref<!tpu.dma_semaphore, #tpu.memory_space<semaphore_mem>>) src(%dma_wait3A_111 : memref<49408x768xf32, #tpu.memory_space<hbm>>) dst(%arg8 : memref<8x768xf32, #tpu.memory_space<vmem>>)
      %ge3A_112 = arith.constant 1 : i32
      %ge3A_113 = arith.cmpi sge, %add3A_105, %ge3A_112 : i32
      %convert_element_type3A_114 = arith.extui %ge3A_113 : i1 to i32
      %cond3A_115 = arith.constant 0 : i32
      %cond3A_116 = arith.cmpi ne, %convert_element_type3A_114, %cond3A_115 : i32
      scf.if %cond3A_116 {
        %sub3A_258 = arith.constant 1 : i32
        %sub3A_259 = arith.subi %add3A_105, %sub3A_258 : i32
        %mul3A_260 = arith.constant 8 : i32
        %mul3A_261 = arith.muli %sub3A_259, %mul3A_260 : i32
        %add3A_262 = arith.addi %mul3A_2, %mul3A_261 : i32
        %dma_wait3A_263 = arith.constant 0 : i32
        %dma_wait3A_264 = tpu.memref_slice %arg4[%add3A_262, %dma_wait3A_263] : memref<19712x768xf32, #tpu.memory_space<hbm>> -> memref<8x768xf32, #tpu.memory_space<hbm>>
        %dma_wait3A_265 = arith.constant 0 : i32
        %dma_wait3A_266 = tpu.memref_slice %arg4[%add3A_262, %dma_wait3A_265] : memref<19712x768xf32, #tpu.memory_space<hbm>> -> memref<8x768xf32, #tpu.memory_space<hbm>>
        tpu.wait_dma2 semaphore(%arg21 : memref<!tpu.dma_semaphore, #tpu.memory_space<semaphore_mem>>) src(%arg7 : memref<8x768xf32, #tpu.memory_space<vmem>>) dst(%dma_wait3A_266 : memref<8x768xf32, #tpu.memory_space<hbm>>)
      } else {
      }
      %add3A_117 = arith.constant 7 : i32
      %add3A_118 = arith.addi %add3A_105, %add3A_117 : i32
      %sub3A_119 = arith.constant 1 : i32
      %sub3A_120 = arith.subi %add3A_118, %sub3A_119 : i32
      %lt3A_121 = arith.constant 77 : i32
      %lt3A_122 = arith.cmpi slt, %sub3A_120, %lt3A_121 : i32
      %convert_element_type3A_123 = arith.extui %lt3A_122 : i1 to i32
      %cond3A_124 = arith.constant 0 : i32
      %cond3A_125 = arith.cmpi ne, %convert_element_type3A_123, %cond3A_124 : i32
      scf.if %cond3A_125 {
        %add3A_258 = arith.constant 7 : i32
        %add3A_259 = arith.addi %add3A_105, %add3A_258 : i32
        %sub3A_260 = arith.constant 1 : i32
        %sub3A_261 = arith.subi %add3A_259, %sub3A_260 : i32
        %mul3A_262 = arith.constant 8 : i32
        %mul3A_263 = arith.muli %sub3A_261, %mul3A_262 : i32
        %dma_start3A_264 = tpu.memref_slice %arg5[%mul3A_263] : memref<616xi32, #tpu.memory_space<vmem>> -> memref<8xi32, #tpu.memory_space<vmem>>
        %dma_start3A_265 = arith.constant 0 : i32
        %dma_start3A_266 = arith.constant 0 : i32
        %dma_start3A_267 = tpu.memref_slice %arg3[%dma_start3A_265, %dma_start3A_266] : memref<49408x768xf32, #tpu.memory_space<hbm>> -> memref<49408x768xf32, #tpu.memory_space<hbm>>
        tpu.enqueue_indirect_dma source(%dma_start3A_267 : memref<49408x768xf32, #tpu.memory_space<hbm>>) target(%arg7 : memref<8x768xf32, #tpu.memory_space<vmem>>) offsets(%dma_start3A_264 : memref<8xi32, #tpu.memory_space<vmem>>) semaphore(%arg14 : memref<!tpu.dma_semaphore, #tpu.memory_space<semaphore_mem>>)
      } else {
      }
      %mul3A_126 = arith.constant 8 : i32
      %mul3A_127 = arith.muli %add3A_105, %mul3A_126 : i32
      %add3A_128 = arith.addi %mul3A_2, %mul3A_127 : i32
      %dma_start3A_129 = arith.constant 0 : i32
      %dma_start3A_130 = tpu.memref_slice %arg4[%add3A_128, %dma_start3A_129] : memref<19712x768xf32, #tpu.memory_space<hbm>> -> memref<8x768xf32, #tpu.memory_space<hbm>>
      %dma_start3A_131 = arith.constant 0 : i32
      %dma_start3A_132 = tpu.memref_slice %arg4[%add3A_128, %dma_start3A_131] : memref<19712x768xf32, #tpu.memory_space<hbm>> -> memref<8x768xf32, #tpu.memory_space<hbm>>
      tpu.enqueue_dma source(%arg8 : memref<8x768xf32, #tpu.memory_space<vmem>>) target(%dma_start3A_132 : memref<8x768xf32, #tpu.memory_space<hbm>>) target_semaphore(%arg22 : memref<!tpu.dma_semaphore, #tpu.memory_space<semaphore_mem>>)
      %mul3A_133 = arith.constant 7 : i32
      %mul3A_134 = arith.muli %scan3A_43, %mul3A_133 : i32
      %add3A_135 = arith.constant 3 : i32
      %add3A_136 = arith.addi %mul3A_134, %add3A_135 : i32
      %mul3A_137 = arith.constant 8 : i32
      %mul3A_138 = arith.muli %add3A_136, %mul3A_137 : i32
      %dma_wait3A_139 = tpu.memref_slice %arg5[%mul3A_138] : memref<616xi32, #tpu.memory_space<vmem>> -> memref<8xi32, #tpu.memory_space<vmem>>
      %dma_wait3A_140 = arith.constant 0 : i32
      %dma_wait3A_141 = arith.constant 0 : i32
      %dma_wait3A_142 = tpu.memref_slice %arg3[%dma_wait3A_140, %dma_wait3A_141] : memref<49408x768xf32, #tpu.memory_space<hbm>> -> memref<49408x768xf32, #tpu.memory_space<hbm>>
      tpu.wait_indirect_dma semaphore(%arg16 : memref<!tpu.dma_semaphore, #tpu.memory_space<semaphore_mem>>) src(%dma_wait3A_142 : memref<49408x768xf32, #tpu.memory_space<hbm>>) dst(%arg9 : memref<8x768xf32, #tpu.memory_space<vmem>>)
      %ge3A_143 = arith.constant 1 : i32
      %ge3A_144 = arith.cmpi sge, %add3A_136, %ge3A_143 : i32
      %convert_element_type3A_145 = arith.extui %ge3A_144 : i1 to i32
      %cond3A_146 = arith.constant 0 : i32
      %cond3A_147 = arith.cmpi ne, %convert_element_type3A_145, %cond3A_146 : i32
      scf.if %cond3A_147 {
        %sub3A_258 = arith.constant 1 : i32
        %sub3A_259 = arith.subi %add3A_136, %sub3A_258 : i32
        %mul3A_260 = arith.constant 8 : i32
        %mul3A_261 = arith.muli %sub3A_259, %mul3A_260 : i32
        %add3A_262 = arith.addi %mul3A_2, %mul3A_261 : i32
        %dma_wait3A_263 = arith.constant 0 : i32
        %dma_wait3A_264 = tpu.memref_slice %arg4[%add3A_262, %dma_wait3A_263] : memref<19712x768xf32, #tpu.memory_space<hbm>> -> memref<8x768xf32, #tpu.memory_space<hbm>>
        %dma_wait3A_265 = arith.constant 0 : i32
        %dma_wait3A_266 = tpu.memref_slice %arg4[%add3A_262, %dma_wait3A_265] : memref<19712x768xf32, #tpu.memory_space<hbm>> -> memref<8x768xf32, #tpu.memory_space<hbm>>
        tpu.wait_dma2 semaphore(%arg22 : memref<!tpu.dma_semaphore, #tpu.memory_space<semaphore_mem>>) src(%arg8 : memref<8x768xf32, #tpu.memory_space<vmem>>) dst(%dma_wait3A_266 : memref<8x768xf32, #tpu.memory_space<hbm>>)
      } else {
      }
      %add3A_148 = arith.constant 7 : i32
      %add3A_149 = arith.addi %add3A_136, %add3A_148 : i32
      %sub3A_150 = arith.constant 1 : i32
      %sub3A_151 = arith.subi %add3A_149, %sub3A_150 : i32
      %lt3A_152 = arith.constant 77 : i32
      %lt3A_153 = arith.cmpi slt, %sub3A_151, %lt3A_152 : i32
      %convert_element_type3A_154 = arith.extui %lt3A_153 : i1 to i32
      %cond3A_155 = arith.constant 0 : i32
      %cond3A_156 = arith.cmpi ne, %convert_element_type3A_154, %cond3A_155 : i32
      scf.if %cond3A_156 {
        %add3A_258 = arith.constant 7 : i32
        %add3A_259 = arith.addi %add3A_136, %add3A_258 : i32
        %sub3A_260 = arith.constant 1 : i32
        %sub3A_261 = arith.subi %add3A_259, %sub3A_260 : i32
        %mul3A_262 = arith.constant 8 : i32
        %mul3A_263 = arith.muli %sub3A_261, %mul3A_262 : i32
        %dma_start3A_264 = tpu.memref_slice %arg5[%mul3A_263] : memref<616xi32, #tpu.memory_space<vmem>> -> memref<8xi32, #tpu.memory_space<vmem>>
        %dma_start3A_265 = arith.constant 0 : i32
        %dma_start3A_266 = arith.constant 0 : i32
        %dma_start3A_267 = tpu.memref_slice %arg3[%dma_start3A_265, %dma_start3A_266] : memref<49408x768xf32, #tpu.memory_space<hbm>> -> memref<49408x768xf32, #tpu.memory_space<hbm>>
        tpu.enqueue_indirect_dma source(%dma_start3A_267 : memref<49408x768xf32, #tpu.memory_space<hbm>>) target(%arg8 : memref<8x768xf32, #tpu.memory_space<vmem>>) offsets(%dma_start3A_264 : memref<8xi32, #tpu.memory_space<vmem>>) semaphore(%arg15 : memref<!tpu.dma_semaphore, #tpu.memory_space<semaphore_mem>>)
      } else {
      }
      %mul3A_157 = arith.constant 8 : i32
      %mul3A_158 = arith.muli %add3A_136, %mul3A_157 : i32
      %add3A_159 = arith.addi %mul3A_2, %mul3A_158 : i32
      %dma_start3A_160 = arith.constant 0 : i32
      %dma_start3A_161 = tpu.memref_slice %arg4[%add3A_159, %dma_start3A_160] : memref<19712x768xf32, #tpu.memory_space<hbm>> -> memref<8x768xf32, #tpu.memory_space<hbm>>
      %dma_start3A_162 = arith.constant 0 : i32
      %dma_start3A_163 = tpu.memref_slice %arg4[%add3A_159, %dma_start3A_162] : memref<19712x768xf32, #tpu.memory_space<hbm>> -> memref<8x768xf32, #tpu.memory_space<hbm>>
      tpu.enqueue_dma source(%arg9 : memref<8x768xf32, #tpu.memory_space<vmem>>) target(%dma_start3A_163 : memref<8x768xf32, #tpu.memory_space<hbm>>) target_semaphore(%arg23 : memref<!tpu.dma_semaphore, #tpu.memory_space<semaphore_mem>>)
      %mul3A_164 = arith.constant 7 : i32
      %mul3A_165 = arith.muli %scan3A_43, %mul3A_164 : i32
      %add3A_166 = arith.constant 4 : i32
      %add3A_167 = arith.addi %mul3A_165, %add3A_166 : i32
      %mul3A_168 = arith.constant 8 : i32
      %mul3A_169 = arith.muli %add3A_167, %mul3A_168 : i32
      %dma_wait3A_170 = tpu.memref_slice %arg5[%mul3A_169] : memref<616xi32, #tpu.memory_space<vmem>> -> memref<8xi32, #tpu.memory_space<vmem>>
      %dma_wait3A_171 = arith.constant 0 : i32
      %dma_wait3A_172 = arith.constant 0 : i32
      %dma_wait3A_173 = tpu.memref_slice %arg3[%dma_wait3A_171, %dma_wait3A_172] : memref<49408x768xf32, #tpu.memory_space<hbm>> -> memref<49408x768xf32, #tpu.memory_space<hbm>>
      tpu.wait_indirect_dma semaphore(%arg17 : memref<!tpu.dma_semaphore, #tpu.memory_space<semaphore_mem>>) src(%dma_wait3A_173 : memref<49408x768xf32, #tpu.memory_space<hbm>>) dst(%arg10 : memref<8x768xf32, #tpu.memory_space<vmem>>)
      %ge3A_174 = arith.constant 1 : i32
      %ge3A_175 = arith.cmpi sge, %add3A_167, %ge3A_174 : i32
      %convert_element_type3A_176 = arith.extui %ge3A_175 : i1 to i32
      %cond3A_177 = arith.constant 0 : i32
      %cond3A_178 = arith.cmpi ne, %convert_element_type3A_176, %cond3A_177 : i32
      scf.if %cond3A_178 {
        %sub3A_258 = arith.constant 1 : i32
        %sub3A_259 = arith.subi %add3A_167, %sub3A_258 : i32
        %mul3A_260 = arith.constant 8 : i32
        %mul3A_261 = arith.muli %sub3A_259, %mul3A_260 : i32
        %add3A_262 = arith.addi %mul3A_2, %mul3A_261 : i32
        %dma_wait3A_263 = arith.constant 0 : i32
        %dma_wait3A_264 = tpu.memref_slice %arg4[%add3A_262, %dma_wait3A_263] : memref<19712x768xf32, #tpu.memory_space<hbm>> -> memref<8x768xf32, #tpu.memory_space<hbm>>
        %dma_wait3A_265 = arith.constant 0 : i32
        %dma_wait3A_266 = tpu.memref_slice %arg4[%add3A_262, %dma_wait3A_265] : memref<19712x768xf32, #tpu.memory_space<hbm>> -> memref<8x768xf32, #tpu.memory_space<hbm>>
        tpu.wait_dma2 semaphore(%arg23 : memref<!tpu.dma_semaphore, #tpu.memory_space<semaphore_mem>>) src(%arg9 : memref<8x768xf32, #tpu.memory_space<vmem>>) dst(%dma_wait3A_266 : memref<8x768xf32, #tpu.memory_space<hbm>>)
      } else {
      }
      %add3A_179 = arith.constant 7 : i32
      %add3A_180 = arith.addi %add3A_167, %add3A_179 : i32
      %sub3A_181 = arith.constant 1 : i32
      %sub3A_182 = arith.subi %add3A_180, %sub3A_181 : i32
      %lt3A_183 = arith.constant 77 : i32
      %lt3A_184 = arith.cmpi slt, %sub3A_182, %lt3A_183 : i32
      %convert_element_type3A_185 = arith.extui %lt3A_184 : i1 to i32
      %cond3A_186 = arith.constant 0 : i32
      %cond3A_187 = arith.cmpi ne, %convert_element_type3A_185, %cond3A_186 : i32
      scf.if %cond3A_187 {
        %add3A_258 = arith.constant 7 : i32
        %add3A_259 = arith.addi %add3A_167, %add3A_258 : i32
        %sub3A_260 = arith.constant 1 : i32
        %sub3A_261 = arith.subi %add3A_259, %sub3A_260 : i32
        %mul3A_262 = arith.constant 8 : i32
        %mul3A_263 = arith.muli %sub3A_261, %mul3A_262 : i32
        %dma_start3A_264 = tpu.memref_slice %arg5[%mul3A_263] : memref<616xi32, #tpu.memory_space<vmem>> -> memref<8xi32, #tpu.memory_space<vmem>>
        %dma_start3A_265 = arith.constant 0 : i32
        %dma_start3A_266 = arith.constant 0 : i32
        %dma_start3A_267 = tpu.memref_slice %arg3[%dma_start3A_265, %dma_start3A_266] : memref<49408x768xf32, #tpu.memory_space<hbm>> -> memref<49408x768xf32, #tpu.memory_space<hbm>>
        tpu.enqueue_indirect_dma source(%dma_start3A_267 : memref<49408x768xf32, #tpu.memory_space<hbm>>) target(%arg9 : memref<8x768xf32, #tpu.memory_space<vmem>>) offsets(%dma_start3A_264 : memref<8xi32, #tpu.memory_space<vmem>>) semaphore(%arg16 : memref<!tpu.dma_semaphore, #tpu.memory_space<semaphore_mem>>)
      } else {
      }
      %mul3A_188 = arith.constant 8 : i32
      %mul3A_189 = arith.muli %add3A_167, %mul3A_188 : i32
      %add3A_190 = arith.addi %mul3A_2, %mul3A_189 : i32
      %dma_start3A_191 = arith.constant 0 : i32
      %dma_start3A_192 = tpu.memref_slice %arg4[%add3A_190, %dma_start3A_191] : memref<19712x768xf32, #tpu.memory_space<hbm>> -> memref<8x768xf32, #tpu.memory_space<hbm>>
      %dma_start3A_193 = arith.constant 0 : i32
      %dma_start3A_194 = tpu.memref_slice %arg4[%add3A_190, %dma_start3A_193] : memref<19712x768xf32, #tpu.memory_space<hbm>> -> memref<8x768xf32, #tpu.memory_space<hbm>>
      tpu.enqueue_dma source(%arg10 : memref<8x768xf32, #tpu.memory_space<vmem>>) target(%dma_start3A_194 : memref<8x768xf32, #tpu.memory_space<hbm>>) target_semaphore(%arg24 : memref<!tpu.dma_semaphore, #tpu.memory_space<semaphore_mem>>)
      %mul3A_195 = arith.constant 7 : i32
      %mul3A_196 = arith.muli %scan3A_43, %mul3A_195 : i32
      %add3A_197 = arith.constant 5 : i32
      %add3A_198 = arith.addi %mul3A_196, %add3A_197 : i32
      %mul3A_199 = arith.constant 8 : i32
      %mul3A_200 = arith.muli %add3A_198, %mul3A_199 : i32
      %dma_wait3A_201 = tpu.memref_slice %arg5[%mul3A_200] : memref<616xi32, #tpu.memory_space<vmem>> -> memref<8xi32, #tpu.memory_space<vmem>>
      %dma_wait3A_202 = arith.constant 0 : i32
      %dma_wait3A_203 = arith.constant 0 : i32
      %dma_wait3A_204 = tpu.memref_slice %arg3[%dma_wait3A_202, %dma_wait3A_203] : memref<49408x768xf32, #tpu.memory_space<hbm>> -> memref<49408x768xf32, #tpu.memory_space<hbm>>
      tpu.wait_indirect_dma semaphore(%arg18 : memref<!tpu.dma_semaphore, #tpu.memory_space<semaphore_mem>>) src(%dma_wait3A_204 : memref<49408x768xf32, #tpu.memory_space<hbm>>) dst(%arg11 : memref<8x768xf32, #tpu.memory_space<vmem>>)
      %ge3A_205 = arith.constant 1 : i32
      %ge3A_206 = arith.cmpi sge, %add3A_198, %ge3A_205 : i32
      %convert_element_type3A_207 = arith.extui %ge3A_206 : i1 to i32
      %cond3A_208 = arith.constant 0 : i32
      %cond3A_209 = arith.cmpi ne, %convert_element_type3A_207, %cond3A_208 : i32
      scf.if %cond3A_209 {
        %sub3A_258 = arith.constant 1 : i32
        %sub3A_259 = arith.subi %add3A_198, %sub3A_258 : i32
        %mul3A_260 = arith.constant 8 : i32
        %mul3A_261 = arith.muli %sub3A_259, %mul3A_260 : i32
        %add3A_262 = arith.addi %mul3A_2, %mul3A_261 : i32
        %dma_wait3A_263 = arith.constant 0 : i32
        %dma_wait3A_264 = tpu.memref_slice %arg4[%add3A_262, %dma_wait3A_263] : memref<19712x768xf32, #tpu.memory_space<hbm>> -> memref<8x768xf32, #tpu.memory_space<hbm>>
        %dma_wait3A_265 = arith.constant 0 : i32
        %dma_wait3A_266 = tpu.memref_slice %arg4[%add3A_262, %dma_wait3A_265] : memref<19712x768xf32, #tpu.memory_space<hbm>> -> memref<8x768xf32, #tpu.memory_space<hbm>>
        tpu.wait_dma2 semaphore(%arg24 : memref<!tpu.dma_semaphore, #tpu.memory_space<semaphore_mem>>) src(%arg10 : memref<8x768xf32, #tpu.memory_space<vmem>>) dst(%dma_wait3A_266 : memref<8x768xf32, #tpu.memory_space<hbm>>)
      } else {
      }
      %add3A_210 = arith.constant 7 : i32
      %add3A_211 = arith.addi %add3A_198, %add3A_210 : i32
      %sub3A_212 = arith.constant 1 : i32
      %sub3A_213 = arith.subi %add3A_211, %sub3A_212 : i32
      %lt3A_214 = arith.constant 77 : i32
      %lt3A_215 = arith.cmpi slt, %sub3A_213, %lt3A_214 : i32
      %convert_element_type3A_216 = arith.extui %lt3A_215 : i1 to i32
      %cond3A_217 = arith.constant 0 : i32
      %cond3A_218 = arith.cmpi ne, %convert_element_type3A_216, %cond3A_217 : i32
      scf.if %cond3A_218 {
        %add3A_258 = arith.constant 7 : i32
        %add3A_259 = arith.addi %add3A_198, %add3A_258 : i32
        %sub3A_260 = arith.constant 1 : i32
        %sub3A_261 = arith.subi %add3A_259, %sub3A_260 : i32
        %mul3A_262 = arith.constant 8 : i32
        %mul3A_263 = arith.muli %sub3A_261, %mul3A_262 : i32
        %dma_start3A_264 = tpu.memref_slice %arg5[%mul3A_263] : memref<616xi32, #tpu.memory_space<vmem>> -> memref<8xi32, #tpu.memory_space<vmem>>
        %dma_start3A_265 = arith.constant 0 : i32
        %dma_start3A_266 = arith.constant 0 : i32
        %dma_start3A_267 = tpu.memref_slice %arg3[%dma_start3A_265, %dma_start3A_266] : memref<49408x768xf32, #tpu.memory_space<hbm>> -> memref<49408x768xf32, #tpu.memory_space<hbm>>
        tpu.enqueue_indirect_dma source(%dma_start3A_267 : memref<49408x768xf32, #tpu.memory_space<hbm>>) target(%arg10 : memref<8x768xf32, #tpu.memory_space<vmem>>) offsets(%dma_start3A_264 : memref<8xi32, #tpu.memory_space<vmem>>) semaphore(%arg17 : memref<!tpu.dma_semaphore, #tpu.memory_space<semaphore_mem>>)
      } else {
      }
      %mul3A_219 = arith.constant 8 : i32
      %mul3A_220 = arith.muli %add3A_198, %mul3A_219 : i32
      %add3A_221 = arith.addi %mul3A_2, %mul3A_220 : i32
      %dma_start3A_222 = arith.constant 0 : i32
      %dma_start3A_223 = tpu.memref_slice %arg4[%add3A_221, %dma_start3A_222] : memref<19712x768xf32, #tpu.memory_space<hbm>> -> memref<8x768xf32, #tpu.memory_space<hbm>>
      %dma_start3A_224 = arith.constant 0 : i32
      %dma_start3A_225 = tpu.memref_slice %arg4[%add3A_221, %dma_start3A_224] : memref<19712x768xf32, #tpu.memory_space<hbm>> -> memref<8x768xf32, #tpu.memory_space<hbm>>
      tpu.enqueue_dma source(%arg11 : memref<8x768xf32, #tpu.memory_space<vmem>>) target(%dma_start3A_225 : memref<8x768xf32, #tpu.memory_space<hbm>>) target_semaphore(%arg25 : memref<!tpu.dma_semaphore, #tpu.memory_space<semaphore_mem>>)
      %mul3A_226 = arith.constant 7 : i32
      %mul3A_227 = arith.muli %scan3A_43, %mul3A_226 : i32
      %add3A_228 = arith.constant 6 : i32
      %add3A_229 = arith.addi %mul3A_227, %add3A_228 : i32
      %mul3A_230 = arith.constant 8 : i32
      %mul3A_231 = arith.muli %add3A_229, %mul3A_230 : i32
      %dma_wait3A_232 = tpu.memref_slice %arg5[%mul3A_231] : memref<616xi32, #tpu.memory_space<vmem>> -> memref<8xi32, #tpu.memory_space<vmem>>
      %dma_wait3A_233 = arith.constant 0 : i32
      %dma_wait3A_234 = arith.constant 0 : i32
      %dma_wait3A_235 = tpu.memref_slice %arg3[%dma_wait3A_233, %dma_wait3A_234] : memref<49408x768xf32, #tpu.memory_space<hbm>> -> memref<49408x768xf32, #tpu.memory_space<hbm>>
      tpu.wait_indirect_dma semaphore(%arg19 : memref<!tpu.dma_semaphore, #tpu.memory_space<semaphore_mem>>) src(%dma_wait3A_235 : memref<49408x768xf32, #tpu.memory_space<hbm>>) dst(%arg12 : memref<8x768xf32, #tpu.memory_space<vmem>>)
      %ge3A_236 = arith.constant 1 : i32
      %ge3A_237 = arith.cmpi sge, %add3A_229, %ge3A_236 : i32
      %convert_element_type3A_238 = arith.extui %ge3A_237 : i1 to i32
      %cond3A_239 = arith.constant 0 : i32
      %cond3A_240 = arith.cmpi ne, %convert_element_type3A_238, %cond3A_239 : i32
      scf.if %cond3A_240 {
        %sub3A_258 = arith.constant 1 : i32
        %sub3A_259 = arith.subi %add3A_229, %sub3A_258 : i32
        %mul3A_260 = arith.constant 8 : i32
        %mul3A_261 = arith.muli %sub3A_259, %mul3A_260 : i32
        %add3A_262 = arith.addi %mul3A_2, %mul3A_261 : i32
        %dma_wait3A_263 = arith.constant 0 : i32
        %dma_wait3A_264 = tpu.memref_slice %arg4[%add3A_262, %dma_wait3A_263] : memref<19712x768xf32, #tpu.memory_space<hbm>> -> memref<8x768xf32, #tpu.memory_space<hbm>>
        %dma_wait3A_265 = arith.constant 0 : i32
        %dma_wait3A_266 = tpu.memref_slice %arg4[%add3A_262, %dma_wait3A_265] : memref<19712x768xf32, #tpu.memory_space<hbm>> -> memref<8x768xf32, #tpu.memory_space<hbm>>
        tpu.wait_dma2 semaphore(%arg25 : memref<!tpu.dma_semaphore, #tpu.memory_space<semaphore_mem>>) src(%arg11 : memref<8x768xf32, #tpu.memory_space<vmem>>) dst(%dma_wait3A_266 : memref<8x768xf32, #tpu.memory_space<hbm>>)
      } else {
      }
      %add3A_241 = arith.constant 7 : i32
      %add3A_242 = arith.addi %add3A_229, %add3A_241 : i32
      %sub3A_243 = arith.constant 1 : i32
      %sub3A_244 = arith.subi %add3A_242, %sub3A_243 : i32
      %lt3A_245 = arith.constant 77 : i32
      %lt3A_246 = arith.cmpi slt, %sub3A_244, %lt3A_245 : i32
      %convert_element_type3A_247 = arith.extui %lt3A_246 : i1 to i32
      %cond3A_248 = arith.constant 0 : i32
      %cond3A_249 = arith.cmpi ne, %convert_element_type3A_247, %cond3A_248 : i32
      scf.if %cond3A_249 {
        %add3A_258 = arith.constant 7 : i32
        %add3A_259 = arith.addi %add3A_229, %add3A_258 : i32
        %sub3A_260 = arith.constant 1 : i32
        %sub3A_261 = arith.subi %add3A_259, %sub3A_260 : i32
        %mul3A_262 = arith.constant 8 : i32
        %mul3A_263 = arith.muli %sub3A_261, %mul3A_262 : i32
        %dma_start3A_264 = tpu.memref_slice %arg5[%mul3A_263] : memref<616xi32, #tpu.memory_space<vmem>> -> memref<8xi32, #tpu.memory_space<vmem>>
        %dma_start3A_265 = arith.constant 0 : i32
        %dma_start3A_266 = arith.constant 0 : i32
        %dma_start3A_267 = tpu.memref_slice %arg3[%dma_start3A_265, %dma_start3A_266] : memref<49408x768xf32, #tpu.memory_space<hbm>> -> memref<49408x768xf32, #tpu.memory_space<hbm>>
        tpu.enqueue_indirect_dma source(%dma_start3A_267 : memref<49408x768xf32, #tpu.memory_space<hbm>>) target(%arg11 : memref<8x768xf32, #tpu.memory_space<vmem>>) offsets(%dma_start3A_264 : memref<8xi32, #tpu.memory_space<vmem>>) semaphore(%arg18 : memref<!tpu.dma_semaphore, #tpu.memory_space<semaphore_mem>>)
      } else {
      }
      %mul3A_250 = arith.constant 8 : i32
      %mul3A_251 = arith.muli %add3A_229, %mul3A_250 : i32
      %add3A_252 = arith.addi %mul3A_2, %mul3A_251 : i32
      %dma_start3A_253 = arith.constant 0 : i32
      %dma_start3A_254 = tpu.memref_slice %arg4[%add3A_252, %dma_start3A_253] : memref<19712x768xf32, #tpu.memory_space<hbm>> -> memref<8x768xf32, #tpu.memory_space<hbm>>
      %dma_start3A_255 = arith.constant 0 : i32
      %dma_start3A_256 = tpu.memref_slice %arg4[%add3A_252, %dma_start3A_255] : memref<19712x768xf32, #tpu.memory_space<hbm>> -> memref<8x768xf32, #tpu.memory_space<hbm>>
      tpu.enqueue_dma source(%arg12 : memref<8x768xf32, #tpu.memory_space<vmem>>) target(%dma_start3A_256 : memref<8x768xf32, #tpu.memory_space<hbm>>) target_semaphore(%arg26 : memref<!tpu.dma_semaphore, #tpu.memory_space<semaphore_mem>>)
      %scan3A_257 = arith.constant 0 : i32
      scf.yield %scan3A_257 : i32
    }
    %scan3A_37 = arith.constant 11 : i32
    %add3A_38 = arith.constant 608 : i32
    %add3A_39 = arith.addi %mul3A_2, %add3A_38 : i32
    %dma_wait3A = arith.constant 0 : i32
    %dma_wait3A_40 = tpu.memref_slice %arg4[%add3A_39, %dma_wait3A] : memref<19712x768xf32, #tpu.memory_space<hbm>> -> memref<8x768xf32, #tpu.memory_space<hbm>>
    %dma_wait3A_41 = arith.constant 0 : i32
    %dma_wait3A_42 = tpu.memref_slice %arg4[%add3A_39, %dma_wait3A_41] : memref<19712x768xf32, #tpu.memory_space<hbm>> -> memref<8x768xf32, #tpu.memory_space<hbm>>
    tpu.wait_dma2 semaphore(%arg26 : memref<!tpu.dma_semaphore, #tpu.memory_space<semaphore_mem>>) src(%arg12 : memref<8x768xf32, #tpu.memory_space<vmem>>) dst(%dma_wait3A_42 : memref<8x768xf32, #tpu.memory_space<hbm>>)
    return
  }
}

#map = affine_map<(d0, d1) -> (0)>
#map1 = affine_map<(d0, d1) -> (0, 0)>
module attributes {stable_mosaic.version = 14 : i64} {
  func.func @_gather_kernel(%arg0: i32, %arg1: i32, %arg2: memref<19712xi32, #tpu.memory_space<hbm>>, %arg3: memref<49408x768xf32, #tpu.memory_space<hbm>>, %arg4: memref<19712x768xf32, #tpu.memory_space<hbm>>, %arg5: memref<616xi32, #tpu.memory_space<vmem>>, %arg6: memref<8x768xf32, #tpu.memory_space<vmem>>, %arg7: memref<8x768xf32, #tpu.memory_space<vmem>>, %arg8: memref<8x768xf32, #tpu.memory_space<vmem>>, %arg9: memref<8x768xf32, #tpu.memory_space<vmem>>, %arg10: memref<8x768xf32, #tpu.memory_space<vmem>>, %arg11: memref<8x768xf32, #tpu.memory_space<vmem>>, %arg12: memref<8x768xf32, #tpu.memory_space<vmem>>, %arg13: memref<!tpu.dma_semaphore, #tpu.memory_space<semaphore_mem>>, %arg14: memref<!tpu.dma_semaphore, #tpu.memory_space<semaphore_mem>>, %arg15: memref<!tpu.dma_semaphore, #tpu.memory_space<semaphore_mem>>, %arg16: memref<!tpu.dma_semaphore, #tpu.memory_space<semaphore_mem>>, %arg17: memref<!tpu.dma_semaphore, #tpu.memory_space<semaphore_mem>>, %arg18: memref<!tpu.dma_semaphore, #tpu.memory_space<semaphore_mem>>, %arg19: memref<!tpu.dma_semaphore, #tpu.memory_space<semaphore_mem>>, %arg20: memref<!tpu.dma_semaphore, #tpu.memory_space<semaphore_mem>>, %arg21: memref<!tpu.dma_semaphore, #tpu.memory_space<semaphore_mem>>, %arg22: memref<!tpu.dma_semaphore, #tpu.memory_space<semaphore_mem>>, %arg23: memref<!tpu.dma_semaphore, #tpu.memory_space<semaphore_mem>>, %arg24: memref<!tpu.dma_semaphore, #tpu.memory_space<semaphore_mem>>, %arg25: memref<!tpu.dma_semaphore, #tpu.memory_space<semaphore_mem>>, %arg26: memref<!tpu.dma_semaphore, #tpu.memory_space<semaphore_mem>>) attributes {dimension_semantics = [#tpu.dimension_semantics<core_parallel>, #tpu.dimension_semantics<subcore_parallel>], iteration_bounds = array<i64: 2, 16>, scalar_prefetch = 0 : i64, scratch_operands = 22 : i64, tpu.core_type = #tpu.core_type<sc_vector_subcore>, window_params = [{transform_indices = #map}, {transform_indices = #map1}, {transform_indices = #map1}]} {
    %mul3A = arith.constant 2 : i32
    %mul3A_0 = arith.muli %arg1, %mul3A : i32
    %add3A = arith.addi %mul3A_0, %arg0 : i32
    %mul3A_1 = arith.constant 616 : i32
    %mul3A_2 = arith.muli %add3A, %mul3A_1 : i32
    "tpu.region"() ({
      %run_scoped3A = tpu.sem_alloc : memref<!tpu.dma_semaphore, #tpu.memory_space<semaphore_mem>>
      %dma_start3A_43 = tpu.memref_slice %arg2[%mul3A_2] : memref<19712xi32, #tpu.memory_space<hbm>> -> memref<616xi32, #tpu.memory_space<hbm>>
      %dma_start3A_44 = tpu.memref_slice %arg2[%mul3A_2] : memref<19712xi32, #tpu.memory_space<hbm>> -> memref<616xi32, #tpu.memory_space<hbm>>
      tpu.enqueue_dma source(%dma_start3A_44 : memref<616xi32, #tpu.memory_space<hbm>>) target(%arg5 : memref<616xi32, #tpu.memory_space<vmem>>) target_semaphore(%run_scoped3A : memref<!tpu.dma_semaphore, #tpu.memory_space<semaphore_mem>>)
      %dma_wait3A_45 = tpu.memref_slice %arg2[%mul3A_2] : memref<19712xi32, #tpu.memory_space<hbm>> -> memref<616xi32, #tpu.memory_space<hbm>>
      %dma_wait3A_46 = tpu.memref_slice %arg2[%mul3A_2] : memref<19712xi32, #tpu.memory_space<hbm>> -> memref<616xi32, #tpu.memory_space<hbm>>
      tpu.wait_dma2 semaphore(%run_scoped3A : memref<!tpu.dma_semaphore, #tpu.memory_space<semaphore_mem>>) src(%dma_wait3A_46 : memref<616xi32, #tpu.memory_space<hbm>>) dst(%arg5 : memref<616xi32, #tpu.memory_space<vmem>>)
      tpu.yield
    }) : () -> ()
    %dma_start3A = arith.constant 0 : i32
    %dma_start3A_3 = tpu.memref_slice %arg5[%dma_start3A] : memref<616xi32, #tpu.memory_space<vmem>> -> memref<8xi32, #tpu.memory_space<vmem>>
    %dma_start3A_4 = arith.constant 0 : i32
    %dma_start3A_5 = arith.constant 0 : i32
    %dma_start3A_6 = tpu.memref_slice %arg3[%dma_start3A_4, %dma_start3A_5] : memref<49408x768xf32, #tpu.memory_space<hbm>> -> memref<49408x768xf32, #tpu.memory_space<hbm>>
    tpu.enqueue_indirect_dma source(%dma_start3A_6 : memref<49408x768xf32, #tpu.memory_space<hbm>>) target(%arg6 : memref<8x768xf32, #tpu.memory_space<vmem>>) offsets(%dma_start3A_3 : memref<8xi32, #tpu.memory_space<vmem>>) semaphore(%arg13 : memref<!tpu.dma_semaphore, #tpu.memory_space<semaphore_mem>>)
    %dma_start3A_7 = arith.constant 8 : i32
    %dma_start3A_8 = tpu.memref_slice %arg5[%dma_start3A_7] : memref<616xi32, #tpu.memory_space<vmem>> -> memref<8xi32, #tpu.memory_space<vmem>>
    %dma_start3A_9 = arith.constant 0 : i32
    %dma_start3A_10 = arith.constant 0 : i32
    %dma_start3A_11 = tpu.memref_slice %arg3[%dma_start3A_9, %dma_start3A_10] : memref<49408x768xf32, #tpu.memory_space<hbm>> -> memref<49408x768xf32, #tpu.memory_space<hbm>>
    tpu.enqueue_indirect_dma source(%dma_start3A_11 : memref<49408x768xf32, #tpu.memory_space<hbm>>) target(%arg7 : memref<8x768xf32, #tpu.memory_space<vmem>>) offsets(%dma_start3A_8 : memref<8xi32, #tpu.memory_space<vmem>>) semaphore(%arg14 : memref<!tpu.dma_semaphore, #tpu.memory_space<semaphore_mem>>)
    %dma_start3A_12 = arith.constant 16 : i32
    %dma_start3A_13 = tpu.memref_slice %arg5[%dma_start3A_12] : memref<616xi32, #tpu.memory_space<vmem>> -> memref<8xi32, #tpu.memory_space<vmem>>
    %dma_start3A_14 = arith.constant 0 : i32
    %dma_start3A_15 = arith.constant 0 : i32
    %dma_start3A_16 = tpu.memref_slice %arg3[%dma_start3A_14, %dma_start3A_15] : memref<49408x768xf32, #tpu.memory_space<hbm>> -> memref<49408x768xf32, #tpu.memory_space<hbm>>
    tpu.enqueue_indirect_dma source(%dma_start3A_16 : memref<49408x768xf32, #tpu.memory_space<hbm>>) target(%arg8 : memref<8x768xf32, #tpu.memory_space<vmem>>) offsets(%dma_start3A_13 : memref<8xi32, #tpu.memory_space<vmem>>) semaphore(%arg15 : memref<!tpu.dma_semaphore, #tpu.memory_space<semaphore_mem>>)
    %dma_start3A_17 = arith.constant 24 : i32
    %dma_start3A_18 = tpu.memref_slice %arg5[%dma_start3A_17] : memref<616xi32, #tpu.memory_space<vmem>> -> memref<8xi32, #tpu.memory_space<vmem>>
    %dma_start3A_19 = arith.constant 0 : i32
    %dma_start3A_20 = arith.constant 0 : i32
    %dma_start3A_21 = tpu.memref_slice %arg3[%dma_start3A_19, %dma_start3A_20] : memref<49408x768xf32, #tpu.memory_space<hbm>> -> memref<49408x768xf32, #tpu.memory_space<hbm>>
    tpu.enqueue_indirect_dma source(%dma_start3A_21 : memref<49408x768xf32, #tpu.memory_space<hbm>>) target(%arg9 : memref<8x768xf32, #tpu.memory_space<vmem>>) offsets(%dma_start3A_18 : memref<8xi32, #tpu.memory_space<vmem>>) semaphore(%arg16 : memref<!tpu.dma_semaphore, #tpu.memory_space<semaphore_mem>>)
    %dma_start3A_22 = arith.constant 32 : i32
    %dma_start3A_23 = tpu.memref_slice %arg5[%dma_start3A_22] : memref<616xi32, #tpu.memory_space<vmem>> -> memref<8xi32, #tpu.memory_space<vmem>>
    %dma_start3A_24 = arith.constant 0 : i32
    %dma_start3A_25 = arith.constant 0 : i32
    %dma_start3A_26 = tpu.memref_slice %arg3[%dma_start3A_24, %dma_start3A_25] : memref<49408x768xf32, #tpu.memory_space<hbm>> -> memref<49408x768xf32, #tpu.memory_space<hbm>>
    tpu.enqueue_indirect_dma source(%dma_start3A_26 : memref<49408x768xf32, #tpu.memory_space<hbm>>) target(%arg10 : memref<8x768xf32, #tpu.memory_space<vmem>>) offsets(%dma_start3A_23 : memref<8xi32, #tpu.memory_space<vmem>>) semaphore(%arg17 : memref<!tpu.dma_semaphore, #tpu.memory_space<semaphore_mem>>)
    %dma_start3A_27 = arith.constant 40 : i32
    %dma_start3A_28 = tpu.memref_slice %arg5[%dma_start3A_27] : memref<616xi32, #tpu.memory_space<vmem>> -> memref<8xi32, #tpu.memory_space<vmem>>
    %dma_start3A_29 = arith.constant 0 : i32
    %dma_start3A_30 = arith.constant 0 : i32
    %dma_start3A_31 = tpu.memref_slice %arg3[%dma_start3A_29, %dma_start3A_30] : memref<49408x768xf32, #tpu.memory_space<hbm>> -> memref<49408x768xf32, #tpu.memory_space<hbm>>
    tpu.enqueue_indirect_dma source(%dma_start3A_31 : memref<49408x768xf32, #tpu.memory_space<hbm>>) target(%arg11 : memref<8x768xf32, #tpu.memory_space<vmem>>) offsets(%dma_start3A_28 : memref<8xi32, #tpu.memory_space<vmem>>) semaphore(%arg18 : memref<!tpu.dma_semaphore, #tpu.memory_space<semaphore_mem>>)
    %scan3A = arith.constant 0 : i32
    %scan3A_32 = arith.constant 0 : i32
    %scan3A_33 = arith.constant 11 : i32
    %scan3A_34 = arith.addi %scan3A_32, %scan3A_33 : i32
    %scan3A_35 = arith.constant 1 : i32
    %scan3A_36 = scf.for %scan3A_43 = %scan3A_32 to %scan3A_34 step %scan3A_35 iter_args(%scan3A_44 = %scan3A) -> (i32)  : i32 {
      %mul3A_45 = arith.constant 7 : i32
      %mul3A_46 = arith.muli %scan3A_43, %mul3A_45 : i32
      %add3A_47 = arith.constant 0 : i32
      %add3A_48 = arith.addi %mul3A_46, %add3A_47 : i32
      %mul3A_49 = arith.constant 8 : i32
      %mul3A_50 = arith.muli %add3A_48, %mul3A_49 : i32
      %dma_wait3A_51 = tpu.memref_slice %arg5[%mul3A_50] : memref<616xi32, #tpu.memory_space<vmem>> -> memref<8xi32, #tpu.memory_space<vmem>>
      %dma_wait3A_52 = arith.constant 0 : i32
      %dma_wait3A_53 = arith.constant 0 : i32
      %dma_wait3A_54 = tpu.memref_slice %arg3[%dma_wait3A_52, %dma_wait3A_53] : memref<49408x768xf32, #tpu.memory_space<hbm>> -> memref<49408x768xf32, #tpu.memory_space<hbm>>
      tpu.wait_indirect_dma semaphore(%arg13 : memref<!tpu.dma_semaphore, #tpu.memory_space<semaphore_mem>>) src(%dma_wait3A_54 : memref<49408x768xf32, #tpu.memory_space<hbm>>) dst(%arg6 : memref<8x768xf32, #tpu.memory_space<vmem>>)
      %ge3A = arith.constant 1 : i32
      %ge3A_55 = arith.cmpi sge, %add3A_48, %ge3A : i32
      %convert_element_type3A = arith.extui %ge3A_55 : i1 to i32
      %cond3A = arith.constant 0 : i32
      %cond3A_56 = arith.cmpi ne, %convert_element_type3A, %cond3A : i32
      scf.if %cond3A_56 {
        %sub3A_258 = arith.constant 1 : i32
        %sub3A_259 = arith.subi %add3A_48, %sub3A_258 : i32
        %mul3A_260 = arith.constant 8 : i32
        %mul3A_261 = arith.muli %sub3A_259, %mul3A_260 : i32
        %add3A_262 = arith.addi %mul3A_2, %mul3A_261 : i32
        %dma_wait3A_263 = arith.constant 0 : i32
        %dma_wait3A_264 = tpu.memref_slice %arg4[%add3A_262, %dma_wait3A_263] : memref<19712x768xf32, #tpu.memory_space<hbm>> -> memref<8x768xf32, #tpu.memory_space<hbm>>
        %dma_wait3A_265 = arith.constant 0 : i32
        %dma_wait3A_266 = tpu.memref_slice %arg4[%add3A_262, %dma_wait3A_265] : memref<19712x768xf32, #tpu.memory_space<hbm>> -> memref<8x768xf32, #tpu.memory_space<hbm>>
        tpu.wait_dma2 semaphore(%arg26 : memref<!tpu.dma_semaphore, #tpu.memory_space<semaphore_mem>>) src(%arg12 : memref<8x768xf32, #tpu.memory_space<vmem>>) dst(%dma_wait3A_266 : memref<8x768xf32, #tpu.memory_space<hbm>>)
      } else {
      }
      %add3A_57 = arith.constant 7 : i32
      %add3A_58 = arith.addi %add3A_48, %add3A_57 : i32
      %sub3A = arith.constant 1 : i32
      %sub3A_59 = arith.subi %add3A_58, %sub3A : i32
      %lt3A = arith.constant 77 : i32
      %lt3A_60 = arith.cmpi slt, %sub3A_59, %lt3A : i32
      %convert_element_type3A_61 = arith.extui %lt3A_60 : i1 to i32
      %cond3A_62 = arith.constant 0 : i32
      %cond3A_63 = arith.cmpi ne, %convert_element_type3A_61, %cond3A_62 : i32
      scf.if %cond3A_63 {
        %add3A_258 = arith.constant 7 : i32
        %add3A_259 = arith.addi %add3A_48, %add3A_258 : i32
        %sub3A_260 = arith.constant 1 : i32
        %sub3A_261 = arith.subi %add3A_259, %sub3A_260 : i32
        %mul3A_262 = arith.constant 8 : i32
        %mul3A_263 = arith.muli %sub3A_261, %mul3A_262 : i32
        %dma_start3A_264 = tpu.memref_slice %arg5[%mul3A_263] : memref<616xi32, #tpu.memory_space<vmem>> -> memref<8xi32, #tpu.memory_space<vmem>>
        %dma_start3A_265 = arith.constant 0 : i32
        %dma_start3A_266 = arith.constant 0 : i32
        %dma_start3A_267 = tpu.memref_slice %arg3[%dma_start3A_265, %dma_start3A_266] : memref<49408x768xf32, #tpu.memory_space<hbm>> -> memref<49408x768xf32, #tpu.memory_space<hbm>>
        tpu.enqueue_indirect_dma source(%dma_start3A_267 : memref<49408x768xf32, #tpu.memory_space<hbm>>) target(%arg12 : memref<8x768xf32, #tpu.memory_space<vmem>>) offsets(%dma_start3A_264 : memref<8xi32, #tpu.memory_space<vmem>>) semaphore(%arg19 : memref<!tpu.dma_semaphore, #tpu.memory_space<semaphore_mem>>)
      } else {
      }
      %mul3A_64 = arith.constant 8 : i32
      %mul3A_65 = arith.muli %add3A_48, %mul3A_64 : i32
      %add3A_66 = arith.addi %mul3A_2, %mul3A_65 : i32
      %dma_start3A_67 = arith.constant 0 : i32
      %dma_start3A_68 = tpu.memref_slice %arg4[%add3A_66, %dma_start3A_67] : memref<19712x768xf32, #tpu.memory_space<hbm>> -> memref<8x768xf32, #tpu.memory_space<hbm>>
      %dma_start3A_69 = arith.constant 0 : i32
      %dma_start3A_70 = tpu.memref_slice %arg4[%add3A_66, %dma_start3A_69] : memref<19712x768xf32, #tpu.memory_space<hbm>> -> memref<8x768xf32, #tpu.memory_space<hbm>>
      tpu.enqueue_dma source(%arg6 : memref<8x768xf32, #tpu.memory_space<vmem>>) target(%dma_start3A_70 : memref<8x768xf32, #tpu.memory_space<hbm>>) target_semaphore(%arg20 : memref<!tpu.dma_semaphore, #tpu.memory_space<semaphore_mem>>)
      %mul3A_71 = arith.constant 7 : i32
      %mul3A_72 = arith.muli %scan3A_43, %mul3A_71 : i32
      %add3A_73 = arith.constant 1 : i32
      %add3A_74 = arith.addi %mul3A_72, %add3A_73 : i32
      %mul3A_75 = arith.constant 8 : i32
      %mul3A_76 = arith.muli %add3A_74, %mul3A_75 : i32
      %dma_wait3A_77 = tpu.memref_slice %arg5[%mul3A_76] : memref<616xi32, #tpu.memory_space<vmem>> -> memref<8xi32, #tpu.memory_space<vmem>>
      %dma_wait3A_78 = arith.constant 0 : i32
      %dma_wait3A_79 = arith.constant 0 : i32
      %dma_wait3A_80 = tpu.memref_slice %arg3[%dma_wait3A_78, %dma_wait3A_79] : memref<49408x768xf32, #tpu.memory_space<hbm>> -> memref<49408x768xf32, #tpu.memory_space<hbm>>
      tpu.wait_indirect_dma semaphore(%arg14 : memref<!tpu.dma_semaphore, #tpu.memory_space<semaphore_mem>>) src(%dma_wait3A_80 : memref<49408x768xf32, #tpu.memory_space<hbm>>) dst(%arg7 : memref<8x768xf32, #tpu.memory_space<vmem>>)
      %ge3A_81 = arith.constant 1 : i32
      %ge3A_82 = arith.cmpi sge, %add3A_74, %ge3A_81 : i32
      %convert_element_type3A_83 = arith.extui %ge3A_82 : i1 to i32
      %cond3A_84 = arith.constant 0 : i32
      %cond3A_85 = arith.cmpi ne, %convert_element_type3A_83, %cond3A_84 : i32
      scf.if %cond3A_85 {
        %sub3A_258 = arith.constant 1 : i32
        %sub3A_259 = arith.subi %add3A_74, %sub3A_258 : i32
        %mul3A_260 = arith.constant 8 : i32
        %mul3A_261 = arith.muli %sub3A_259, %mul3A_260 : i32
        %add3A_262 = arith.addi %mul3A_2, %mul3A_261 : i32
        %dma_wait3A_263 = arith.constant 0 : i32
        %dma_wait3A_264 = tpu.memref_slice %arg4[%add3A_262, %dma_wait3A_263] : memref<19712x768xf32, #tpu.memory_space<hbm>> -> memref<8x768xf32, #tpu.memory_space<hbm>>
        %dma_wait3A_265 = arith.constant 0 : i32
        %dma_wait3A_266 = tpu.memref_slice %arg4[%add3A_262, %dma_wait3A_265] : memref<19712x768xf32, #tpu.memory_space<hbm>> -> memref<8x768xf32, #tpu.memory_space<hbm>>
        tpu.wait_dma2 semaphore(%arg20 : memref<!tpu.dma_semaphore, #tpu.memory_space<semaphore_mem>>) src(%arg6 : memref<8x768xf32, #tpu.memory_space<vmem>>) dst(%dma_wait3A_266 : memref<8x768xf32, #tpu.memory_space<hbm>>)
      } else {
      }
      %add3A_86 = arith.constant 7 : i32
      %add3A_87 = arith.addi %add3A_74, %add3A_86 : i32
      %sub3A_88 = arith.constant 1 : i32
      %sub3A_89 = arith.subi %add3A_87, %sub3A_88 : i32
      %lt3A_90 = arith.constant 77 : i32
      %lt3A_91 = arith.cmpi slt, %sub3A_89, %lt3A_90 : i32
      %convert_element_type3A_92 = arith.extui %lt3A_91 : i1 to i32
      %cond3A_93 = arith.constant 0 : i32
      %cond3A_94 = arith.cmpi ne, %convert_element_type3A_92, %cond3A_93 : i32
      scf.if %cond3A_94 {
        %add3A_258 = arith.constant 7 : i32
        %add3A_259 = arith.addi %add3A_74, %add3A_258 : i32
        %sub3A_260 = arith.constant 1 : i32
        %sub3A_261 = arith.subi %add3A_259, %sub3A_260 : i32
        %mul3A_262 = arith.constant 8 : i32
        %mul3A_263 = arith.muli %sub3A_261, %mul3A_262 : i32
        %dma_start3A_264 = tpu.memref_slice %arg5[%mul3A_263] : memref<616xi32, #tpu.memory_space<vmem>> -> memref<8xi32, #tpu.memory_space<vmem>>
        %dma_start3A_265 = arith.constant 0 : i32
        %dma_start3A_266 = arith.constant 0 : i32
        %dma_start3A_267 = tpu.memref_slice %arg3[%dma_start3A_265, %dma_start3A_266] : memref<49408x768xf32, #tpu.memory_space<hbm>> -> memref<49408x768xf32, #tpu.memory_space<hbm>>
        tpu.enqueue_indirect_dma source(%dma_start3A_267 : memref<49408x768xf32, #tpu.memory_space<hbm>>) target(%arg6 : memref<8x768xf32, #tpu.memory_space<vmem>>) offsets(%dma_start3A_264 : memref<8xi32, #tpu.memory_space<vmem>>) semaphore(%arg13 : memref<!tpu.dma_semaphore, #tpu.memory_space<semaphore_mem>>)
      } else {
      }
      %mul3A_95 = arith.constant 8 : i32
      %mul3A_96 = arith.muli %add3A_74, %mul3A_95 : i32
      %add3A_97 = arith.addi %mul3A_2, %mul3A_96 : i32
      %dma_start3A_98 = arith.constant 0 : i32
      %dma_start3A_99 = tpu.memref_slice %arg4[%add3A_97, %dma_start3A_98] : memref<19712x768xf32, #tpu.memory_space<hbm>> -> memref<8x768xf32, #tpu.memory_space<hbm>>
      %dma_start3A_100 = arith.constant 0 : i32
      %dma_start3A_101 = tpu.memref_slice %arg4[%add3A_97, %dma_start3A_100] : memref<19712x768xf32, #tpu.memory_space<hbm>> -> memref<8x768xf32, #tpu.memory_space<hbm>>
      tpu.enqueue_dma source(%arg7 : memref<8x768xf32, #tpu.memory_space<vmem>>) target(%dma_start3A_101 : memref<8x768xf32, #tpu.memory_space<hbm>>) target_semaphore(%arg21 : memref<!tpu.dma_semaphore, #tpu.memory_space<semaphore_mem>>)
      %mul3A_102 = arith.constant 7 : i32
      %mul3A_103 = arith.muli %scan3A_43, %mul3A_102 : i32
      %add3A_104 = arith.constant 2 : i32
      %add3A_105 = arith.addi %mul3A_103, %add3A_104 : i32
      %mul3A_106 = arith.constant 8 : i32
      %mul3A_107 = arith.muli %add3A_105, %mul3A_106 : i32
      %dma_wait3A_108 = tpu.memref_slice %arg5[%mul3A_107] : memref<616xi32, #tpu.memory_space<vmem>> -> memref<8xi32, #tpu.memory_space<vmem>>
      %dma_wait3A_109 = arith.constant 0 : i32
      %dma_wait3A_110 = arith.constant 0 : i32
      %dma_wait3A_111 = tpu.memref_slice %arg3[%dma_wait3A_109, %dma_wait3A_110] : memref<49408x768xf32, #tpu.memory_space<hbm>> -> memref<49408x768xf32, #tpu.memory_space<hbm>>
      tpu.wait_indirect_dma semaphore(%arg15 : memref<!tpu.dma_semaphore, #tpu.memory_space<semaphore_mem>>) src(%dma_wait3A_111 : memref<49408x768xf32, #tpu.memory_space<hbm>>) dst(%arg8 : memref<8x768xf32, #tpu.memory_space<vmem>>)
      %ge3A_112 = arith.constant 1 : i32
      %ge3A_113 = arith.cmpi sge, %add3A_105, %ge3A_112 : i32
      %convert_element_type3A_114 = arith.extui %ge3A_113 : i1 to i32
      %cond3A_115 = arith.constant 0 : i32
      %cond3A_116 = arith.cmpi ne, %convert_element_type3A_114, %cond3A_115 : i32
      scf.if %cond3A_116 {
        %sub3A_258 = arith.constant 1 : i32
        %sub3A_259 = arith.subi %add3A_105, %sub3A_258 : i32
        %mul3A_260 = arith.constant 8 : i32
        %mul3A_261 = arith.muli %sub3A_259, %mul3A_260 : i32
        %add3A_262 = arith.addi %mul3A_2, %mul3A_261 : i32
        %dma_wait3A_263 = arith.constant 0 : i32
        %dma_wait3A_264 = tpu.memref_slice %arg4[%add3A_262, %dma_wait3A_263] : memref<19712x768xf32, #tpu.memory_space<hbm>> -> memref<8x768xf32, #tpu.memory_space<hbm>>
        %dma_wait3A_265 = arith.constant 0 : i32
        %dma_wait3A_266 = tpu.memref_slice %arg4[%add3A_262, %dma_wait3A_265] : memref<19712x768xf32, #tpu.memory_space<hbm>> -> memref<8x768xf32, #tpu.memory_space<hbm>>
        tpu.wait_dma2 semaphore(%arg21 : memref<!tpu.dma_semaphore, #tpu.memory_space<semaphore_mem>>) src(%arg7 : memref<8x768xf32, #tpu.memory_space<vmem>>) dst(%dma_wait3A_266 : memref<8x768xf32, #tpu.memory_space<hbm>>)
      } else {
      }
      %add3A_117 = arith.constant 7 : i32
      %add3A_118 = arith.addi %add3A_105, %add3A_117 : i32
      %sub3A_119 = arith.constant 1 : i32
      %sub3A_120 = arith.subi %add3A_118, %sub3A_119 : i32
      %lt3A_121 = arith.constant 77 : i32
      %lt3A_122 = arith.cmpi slt, %sub3A_120, %lt3A_121 : i32
      %convert_element_type3A_123 = arith.extui %lt3A_122 : i1 to i32
      %cond3A_124 = arith.constant 0 : i32
      %cond3A_125 = arith.cmpi ne, %convert_element_type3A_123, %cond3A_124 : i32
      scf.if %cond3A_125 {
        %add3A_258 = arith.constant 7 : i32
        %add3A_259 = arith.addi %add3A_105, %add3A_258 : i32
        %sub3A_260 = arith.constant 1 : i32
        %sub3A_261 = arith.subi %add3A_259, %sub3A_260 : i32
        %mul3A_262 = arith.constant 8 : i32
        %mul3A_263 = arith.muli %sub3A_261, %mul3A_262 : i32
        %dma_start3A_264 = tpu.memref_slice %arg5[%mul3A_263] : memref<616xi32, #tpu.memory_space<vmem>> -> memref<8xi32, #tpu.memory_space<vmem>>
        %dma_start3A_265 = arith.constant 0 : i32
        %dma_start3A_266 = arith.constant 0 : i32
        %dma_start3A_267 = tpu.memref_slice %arg3[%dma_start3A_265, %dma_start3A_266] : memref<49408x768xf32, #tpu.memory_space<hbm>> -> memref<49408x768xf32, #tpu.memory_space<hbm>>
        tpu.enqueue_indirect_dma source(%dma_start3A_267 : memref<49408x768xf32, #tpu.memory_space<hbm>>) target(%arg7 : memref<8x768xf32, #tpu.memory_space<vmem>>) offsets(%dma_start3A_264 : memref<8xi32, #tpu.memory_space<vmem>>) semaphore(%arg14 : memref<!tpu.dma_semaphore, #tpu.memory_space<semaphore_mem>>)
      } else {
      }
      %mul3A_126 = arith.constant 8 : i32
      %mul3A_127 = arith.muli %add3A_105, %mul3A_126 : i32
      %add3A_128 = arith.addi %mul3A_2, %mul3A_127 : i32
      %dma_start3A_129 = arith.constant 0 : i32
      %dma_start3A_130 = tpu.memref_slice %arg4[%add3A_128, %dma_start3A_129] : memref<19712x768xf32, #tpu.memory_space<hbm>> -> memref<8x768xf32, #tpu.memory_space<hbm>>
      %dma_start3A_131 = arith.constant 0 : i32
      %dma_start3A_132 = tpu.memref_slice %arg4[%add3A_128, %dma_start3A_131] : memref<19712x768xf32, #tpu.memory_space<hbm>> -> memref<8x768xf32, #tpu.memory_space<hbm>>
      tpu.enqueue_dma source(%arg8 : memref<8x768xf32, #tpu.memory_space<vmem>>) target(%dma_start3A_132 : memref<8x768xf32, #tpu.memory_space<hbm>>) target_semaphore(%arg22 : memref<!tpu.dma_semaphore, #tpu.memory_space<semaphore_mem>>)
      %mul3A_133 = arith.constant 7 : i32
      %mul3A_134 = arith.muli %scan3A_43, %mul3A_133 : i32
      %add3A_135 = arith.constant 3 : i32
      %add3A_136 = arith.addi %mul3A_134, %add3A_135 : i32
      %mul3A_137 = arith.constant 8 : i32
      %mul3A_138 = arith.muli %add3A_136, %mul3A_137 : i32
      %dma_wait3A_139 = tpu.memref_slice %arg5[%mul3A_138] : memref<616xi32, #tpu.memory_space<vmem>> -> memref<8xi32, #tpu.memory_space<vmem>>
      %dma_wait3A_140 = arith.constant 0 : i32
      %dma_wait3A_141 = arith.constant 0 : i32
      %dma_wait3A_142 = tpu.memref_slice %arg3[%dma_wait3A_140, %dma_wait3A_141] : memref<49408x768xf32, #tpu.memory_space<hbm>> -> memref<49408x768xf32, #tpu.memory_space<hbm>>
      tpu.wait_indirect_dma semaphore(%arg16 : memref<!tpu.dma_semaphore, #tpu.memory_space<semaphore_mem>>) src(%dma_wait3A_142 : memref<49408x768xf32, #tpu.memory_space<hbm>>) dst(%arg9 : memref<8x768xf32, #tpu.memory_space<vmem>>)
      %ge3A_143 = arith.constant 1 : i32
      %ge3A_144 = arith.cmpi sge, %add3A_136, %ge3A_143 : i32
      %convert_element_type3A_145 = arith.extui %ge3A_144 : i1 to i32
      %cond3A_146 = arith.constant 0 : i32
      %cond3A_147 = arith.cmpi ne, %convert_element_type3A_145, %cond3A_146 : i32
      scf.if %cond3A_147 {
        %sub3A_258 = arith.constant 1 : i32
        %sub3A_259 = arith.subi %add3A_136, %sub3A_258 : i32
        %mul3A_260 = arith.constant 8 : i32
        %mul3A_261 = arith.muli %sub3A_259, %mul3A_260 : i32
        %add3A_262 = arith.addi %mul3A_2, %mul3A_261 : i32
        %dma_wait3A_263 = arith.constant 0 : i32
        %dma_wait3A_264 = tpu.memref_slice %arg4[%add3A_262, %dma_wait3A_263] : memref<19712x768xf32, #tpu.memory_space<hbm>> -> memref<8x768xf32, #tpu.memory_space<hbm>>
        %dma_wait3A_265 = arith.constant 0 : i32
        %dma_wait3A_266 = tpu.memref_slice %arg4[%add3A_262, %dma_wait3A_265] : memref<19712x768xf32, #tpu.memory_space<hbm>> -> memref<8x768xf32, #tpu.memory_space<hbm>>
        tpu.wait_dma2 semaphore(%arg22 : memref<!tpu.dma_semaphore, #tpu.memory_space<semaphore_mem>>) src(%arg8 : memref<8x768xf32, #tpu.memory_space<vmem>>) dst(%dma_wait3A_266 : memref<8x768xf32, #tpu.memory_space<hbm>>)
      } else {
      }
      %add3A_148 = arith.constant 7 : i32
      %add3A_149 = arith.addi %add3A_136, %add3A_148 : i32
      %sub3A_150 = arith.constant 1 : i32
      %sub3A_151 = arith.subi %add3A_149, %sub3A_150 : i32
      %lt3A_152 = arith.constant 77 : i32
      %lt3A_153 = arith.cmpi slt, %sub3A_151, %lt3A_152 : i32
      %convert_element_type3A_154 = arith.extui %lt3A_153 : i1 to i32
      %cond3A_155 = arith.constant 0 : i32
      %cond3A_156 = arith.cmpi ne, %convert_element_type3A_154, %cond3A_155 : i32
      scf.if %cond3A_156 {
        %add3A_258 = arith.constant 7 : i32
        %add3A_259 = arith.addi %add3A_136, %add3A_258 : i32
        %sub3A_260 = arith.constant 1 : i32
        %sub3A_261 = arith.subi %add3A_259, %sub3A_260 : i32
        %mul3A_262 = arith.constant 8 : i32
        %mul3A_263 = arith.muli %sub3A_261, %mul3A_262 : i32
        %dma_start3A_264 = tpu.memref_slice %arg5[%mul3A_263] : memref<616xi32, #tpu.memory_space<vmem>> -> memref<8xi32, #tpu.memory_space<vmem>>
        %dma_start3A_265 = arith.constant 0 : i32
        %dma_start3A_266 = arith.constant 0 : i32
        %dma_start3A_267 = tpu.memref_slice %arg3[%dma_start3A_265, %dma_start3A_266] : memref<49408x768xf32, #tpu.memory_space<hbm>> -> memref<49408x768xf32, #tpu.memory_space<hbm>>
        tpu.enqueue_indirect_dma source(%dma_start3A_267 : memref<49408x768xf32, #tpu.memory_space<hbm>>) target(%arg8 : memref<8x768xf32, #tpu.memory_space<vmem>>) offsets(%dma_start3A_264 : memref<8xi32, #tpu.memory_space<vmem>>) semaphore(%arg15 : memref<!tpu.dma_semaphore, #tpu.memory_space<semaphore_mem>>)
      } else {
      }
      %mul3A_157 = arith.constant 8 : i32
      %mul3A_158 = arith.muli %add3A_136, %mul3A_157 : i32
      %add3A_159 = arith.addi %mul3A_2, %mul3A_158 : i32
      %dma_start3A_160 = arith.constant 0 : i32
      %dma_start3A_161 = tpu.memref_slice %arg4[%add3A_159, %dma_start3A_160] : memref<19712x768xf32, #tpu.memory_space<hbm>> -> memref<8x768xf32, #tpu.memory_space<hbm>>
      %dma_start3A_162 = arith.constant 0 : i32
      %dma_start3A_163 = tpu.memref_slice %arg4[%add3A_159, %dma_start3A_162] : memref<19712x768xf32, #tpu.memory_space<hbm>> -> memref<8x768xf32, #tpu.memory_space<hbm>>
      tpu.enqueue_dma source(%arg9 : memref<8x768xf32, #tpu.memory_space<vmem>>) target(%dma_start3A_163 : memref<8x768xf32, #tpu.memory_space<hbm>>) target_semaphore(%arg23 : memref<!tpu.dma_semaphore, #tpu.memory_space<semaphore_mem>>)
      %mul3A_164 = arith.constant 7 : i32
      %mul3A_165 = arith.muli %scan3A_43, %mul3A_164 : i32
      %add3A_166 = arith.constant 4 : i32
      %add3A_167 = arith.addi %mul3A_165, %add3A_166 : i32
      %mul3A_168 = arith.constant 8 : i32
      %mul3A_169 = arith.muli %add3A_167, %mul3A_168 : i32
      %dma_wait3A_170 = tpu.memref_slice %arg5[%mul3A_169] : memref<616xi32, #tpu.memory_space<vmem>> -> memref<8xi32, #tpu.memory_space<vmem>>
      %dma_wait3A_171 = arith.constant 0 : i32
      %dma_wait3A_172 = arith.constant 0 : i32
      %dma_wait3A_173 = tpu.memref_slice %arg3[%dma_wait3A_171, %dma_wait3A_172] : memref<49408x768xf32, #tpu.memory_space<hbm>> -> memref<49408x768xf32, #tpu.memory_space<hbm>>
      tpu.wait_indirect_dma semaphore(%arg17 : memref<!tpu.dma_semaphore, #tpu.memory_space<semaphore_mem>>) src(%dma_wait3A_173 : memref<49408x768xf32, #tpu.memory_space<hbm>>) dst(%arg10 : memref<8x768xf32, #tpu.memory_space<vmem>>)
      %ge3A_174 = arith.constant 1 : i32
      %ge3A_175 = arith.cmpi sge, %add3A_167, %ge3A_174 : i32
      %convert_element_type3A_176 = arith.extui %ge3A_175 : i1 to i32
      %cond3A_177 = arith.constant 0 : i32
      %cond3A_178 = arith.cmpi ne, %convert_element_type3A_176, %cond3A_177 : i32
      scf.if %cond3A_178 {
        %sub3A_258 = arith.constant 1 : i32
        %sub3A_259 = arith.subi %add3A_167, %sub3A_258 : i32
        %mul3A_260 = arith.constant 8 : i32
        %mul3A_261 = arith.muli %sub3A_259, %mul3A_260 : i32
        %add3A_262 = arith.addi %mul3A_2, %mul3A_261 : i32
        %dma_wait3A_263 = arith.constant 0 : i32
        %dma_wait3A_264 = tpu.memref_slice %arg4[%add3A_262, %dma_wait3A_263] : memref<19712x768xf32, #tpu.memory_space<hbm>> -> memref<8x768xf32, #tpu.memory_space<hbm>>
        %dma_wait3A_265 = arith.constant 0 : i32
        %dma_wait3A_266 = tpu.memref_slice %arg4[%add3A_262, %dma_wait3A_265] : memref<19712x768xf32, #tpu.memory_space<hbm>> -> memref<8x768xf32, #tpu.memory_space<hbm>>
        tpu.wait_dma2 semaphore(%arg23 : memref<!tpu.dma_semaphore, #tpu.memory_space<semaphore_mem>>) src(%arg9 : memref<8x768xf32, #tpu.memory_space<vmem>>) dst(%dma_wait3A_266 : memref<8x768xf32, #tpu.memory_space<hbm>>)
      } else {
      }
      %add3A_179 = arith.constant 7 : i32
      %add3A_180 = arith.addi %add3A_167, %add3A_179 : i32
      %sub3A_181 = arith.constant 1 : i32
      %sub3A_182 = arith.subi %add3A_180, %sub3A_181 : i32
      %lt3A_183 = arith.constant 77 : i32
      %lt3A_184 = arith.cmpi slt, %sub3A_182, %lt3A_183 : i32
      %convert_element_type3A_185 = arith.extui %lt3A_184 : i1 to i32
      %cond3A_186 = arith.constant 0 : i32
      %cond3A_187 = arith.cmpi ne, %convert_element_type3A_185, %cond3A_186 : i32
      scf.if %cond3A_187 {
        %add3A_258 = arith.constant 7 : i32
        %add3A_259 = arith.addi %add3A_167, %add3A_258 : i32
        %sub3A_260 = arith.constant 1 : i32
        %sub3A_261 = arith.subi %add3A_259, %sub3A_260 : i32
        %mul3A_262 = arith.constant 8 : i32
        %mul3A_263 = arith.muli %sub3A_261, %mul3A_262 : i32
        %dma_start3A_264 = tpu.memref_slice %arg5[%mul3A_263] : memref<616xi32, #tpu.memory_space<vmem>> -> memref<8xi32, #tpu.memory_space<vmem>>
        %dma_start3A_265 = arith.constant 0 : i32
        %dma_start3A_266 = arith.constant 0 : i32
        %dma_start3A_267 = tpu.memref_slice %arg3[%dma_start3A_265, %dma_start3A_266] : memref<49408x768xf32, #tpu.memory_space<hbm>> -> memref<49408x768xf32, #tpu.memory_space<hbm>>
        tpu.enqueue_indirect_dma source(%dma_start3A_267 : memref<49408x768xf32, #tpu.memory_space<hbm>>) target(%arg9 : memref<8x768xf32, #tpu.memory_space<vmem>>) offsets(%dma_start3A_264 : memref<8xi32, #tpu.memory_space<vmem>>) semaphore(%arg16 : memref<!tpu.dma_semaphore, #tpu.memory_space<semaphore_mem>>)
      } else {
      }
      %mul3A_188 = arith.constant 8 : i32
      %mul3A_189 = arith.muli %add3A_167, %mul3A_188 : i32
      %add3A_190 = arith.addi %mul3A_2, %mul3A_189 : i32
      %dma_start3A_191 = arith.constant 0 : i32
      %dma_start3A_192 = tpu.memref_slice %arg4[%add3A_190, %dma_start3A_191] : memref<19712x768xf32, #tpu.memory_space<hbm>> -> memref<8x768xf32, #tpu.memory_space<hbm>>
      %dma_start3A_193 = arith.constant 0 : i32
      %dma_start3A_194 = tpu.memref_slice %arg4[%add3A_190, %dma_start3A_193] : memref<19712x768xf32, #tpu.memory_space<hbm>> -> memref<8x768xf32, #tpu.memory_space<hbm>>
      tpu.enqueue_dma source(%arg10 : memref<8x768xf32, #tpu.memory_space<vmem>>) target(%dma_start3A_194 : memref<8x768xf32, #tpu.memory_space<hbm>>) target_semaphore(%arg24 : memref<!tpu.dma_semaphore, #tpu.memory_space<semaphore_mem>>)
      %mul3A_195 = arith.constant 7 : i32
      %mul3A_196 = arith.muli %scan3A_43, %mul3A_195 : i32
      %add3A_197 = arith.constant 5 : i32
      %add3A_198 = arith.addi %mul3A_196, %add3A_197 : i32
      %mul3A_199 = arith.constant 8 : i32
      %mul3A_200 = arith.muli %add3A_198, %mul3A_199 : i32
      %dma_wait3A_201 = tpu.memref_slice %arg5[%mul3A_200] : memref<616xi32, #tpu.memory_space<vmem>> -> memref<8xi32, #tpu.memory_space<vmem>>
      %dma_wait3A_202 = arith.constant 0 : i32
      %dma_wait3A_203 = arith.constant 0 : i32
      %dma_wait3A_204 = tpu.memref_slice %arg3[%dma_wait3A_202, %dma_wait3A_203] : memref<49408x768xf32, #tpu.memory_space<hbm>> -> memref<49408x768xf32, #tpu.memory_space<hbm>>
      tpu.wait_indirect_dma semaphore(%arg18 : memref<!tpu.dma_semaphore, #tpu.memory_space<semaphore_mem>>) src(%dma_wait3A_204 : memref<49408x768xf32, #tpu.memory_space<hbm>>) dst(%arg11 : memref<8x768xf32, #tpu.memory_space<vmem>>)
      %ge3A_205 = arith.constant 1 : i32
      %ge3A_206 = arith.cmpi sge, %add3A_198, %ge3A_205 : i32
      %convert_element_type3A_207 = arith.extui %ge3A_206 : i1 to i32
      %cond3A_208 = arith.constant 0 : i32
      %cond3A_209 = arith.cmpi ne, %convert_element_type3A_207, %cond3A_208 : i32
      scf.if %cond3A_209 {
        %sub3A_258 = arith.constant 1 : i32
        %sub3A_259 = arith.subi %add3A_198, %sub3A_258 : i32
        %mul3A_260 = arith.constant 8 : i32
        %mul3A_261 = arith.muli %sub3A_259, %mul3A_260 : i32
        %add3A_262 = arith.addi %mul3A_2, %mul3A_261 : i32
        %dma_wait3A_263 = arith.constant 0 : i32
        %dma_wait3A_264 = tpu.memref_slice %arg4[%add3A_262, %dma_wait3A_263] : memref<19712x768xf32, #tpu.memory_space<hbm>> -> memref<8x768xf32, #tpu.memory_space<hbm>>
        %dma_wait3A_265 = arith.constant 0 : i32
        %dma_wait3A_266 = tpu.memref_slice %arg4[%add3A_262, %dma_wait3A_265] : memref<19712x768xf32, #tpu.memory_space<hbm>> -> memref<8x768xf32, #tpu.memory_space<hbm>>
        tpu.wait_dma2 semaphore(%arg24 : memref<!tpu.dma_semaphore, #tpu.memory_space<semaphore_mem>>) src(%arg10 : memref<8x768xf32, #tpu.memory_space<vmem>>) dst(%dma_wait3A_266 : memref<8x768xf32, #tpu.memory_space<hbm>>)
      } else {
      }
      %add3A_210 = arith.constant 7 : i32
      %add3A_211 = arith.addi %add3A_198, %add3A_210 : i32
      %sub3A_212 = arith.constant 1 : i32
      %sub3A_213 = arith.subi %add3A_211, %sub3A_212 : i32
      %lt3A_214 = arith.constant 77 : i32
      %lt3A_215 = arith.cmpi slt, %sub3A_213, %lt3A_214 : i32
      %convert_element_type3A_216 = arith.extui %lt3A_215 : i1 to i32
      %cond3A_217 = arith.constant 0 : i32
      %cond3A_218 = arith.cmpi ne, %convert_element_type3A_216, %cond3A_217 : i32
      scf.if %cond3A_218 {
        %add3A_258 = arith.constant 7 : i32
        %add3A_259 = arith.addi %add3A_198, %add3A_258 : i32
        %sub3A_260 = arith.constant 1 : i32
        %sub3A_261 = arith.subi %add3A_259, %sub3A_260 : i32
        %mul3A_262 = arith.constant 8 : i32
        %mul3A_263 = arith.muli %sub3A_261, %mul3A_262 : i32
        %dma_start3A_264 = tpu.memref_slice %arg5[%mul3A_263] : memref<616xi32, #tpu.memory_space<vmem>> -> memref<8xi32, #tpu.memory_space<vmem>>
        %dma_start3A_265 = arith.constant 0 : i32
        %dma_start3A_266 = arith.constant 0 : i32
        %dma_start3A_267 = tpu.memref_slice %arg3[%dma_start3A_265, %dma_start3A_266] : memref<49408x768xf32, #tpu.memory_space<hbm>> -> memref<49408x768xf32, #tpu.memory_space<hbm>>
        tpu.enqueue_indirect_dma source(%dma_start3A_267 : memref<49408x768xf32, #tpu.memory_space<hbm>>) target(%arg10 : memref<8x768xf32, #tpu.memory_space<vmem>>) offsets(%dma_start3A_264 : memref<8xi32, #tpu.memory_space<vmem>>) semaphore(%arg17 : memref<!tpu.dma_semaphore, #tpu.memory_space<semaphore_mem>>)
      } else {
      }
      %mul3A_219 = arith.constant 8 : i32
      %mul3A_220 = arith.muli %add3A_198, %mul3A_219 : i32
      %add3A_221 = arith.addi %mul3A_2, %mul3A_220 : i32
      %dma_start3A_222 = arith.constant 0 : i32
      %dma_start3A_223 = tpu.memref_slice %arg4[%add3A_221, %dma_start3A_222] : memref<19712x768xf32, #tpu.memory_space<hbm>> -> memref<8x768xf32, #tpu.memory_space<hbm>>
      %dma_start3A_224 = arith.constant 0 : i32
      %dma_start3A_225 = tpu.memref_slice %arg4[%add3A_221, %dma_start3A_224] : memref<19712x768xf32, #tpu.memory_space<hbm>> -> memref<8x768xf32, #tpu.memory_space<hbm>>
      tpu.enqueue_dma source(%arg11 : memref<8x768xf32, #tpu.memory_space<vmem>>) target(%dma_start3A_225 : memref<8x768xf32, #tpu.memory_space<hbm>>) target_semaphore(%arg25 : memref<!tpu.dma_semaphore, #tpu.memory_space<semaphore_mem>>)
      %mul3A_226 = arith.constant 7 : i32
      %mul3A_227 = arith.muli %scan3A_43, %mul3A_226 : i32
      %add3A_228 = arith.constant 6 : i32
      %add3A_229 = arith.addi %mul3A_227, %add3A_228 : i32
      %mul3A_230 = arith.constant 8 : i32
      %mul3A_231 = arith.muli %add3A_229, %mul3A_230 : i32
      %dma_wait3A_232 = tpu.memref_slice %arg5[%mul3A_231] : memref<616xi32, #tpu.memory_space<vmem>> -> memref<8xi32, #tpu.memory_space<vmem>>
      %dma_wait3A_233 = arith.constant 0 : i32
      %dma_wait3A_234 = arith.constant 0 : i32
      %dma_wait3A_235 = tpu.memref_slice %arg3[%dma_wait3A_233, %dma_wait3A_234] : memref<49408x768xf32, #tpu.memory_space<hbm>> -> memref<49408x768xf32, #tpu.memory_space<hbm>>
      tpu.wait_indirect_dma semaphore(%arg19 : memref<!tpu.dma_semaphore, #tpu.memory_space<semaphore_mem>>) src(%dma_wait3A_235 : memref<49408x768xf32, #tpu.memory_space<hbm>>) dst(%arg12 : memref<8x768xf32, #tpu.memory_space<vmem>>)
      %ge3A_236 = arith.constant 1 : i32
      %ge3A_237 = arith.cmpi sge, %add3A_229, %ge3A_236 : i32
      %convert_element_type3A_238 = arith.extui %ge3A_237 : i1 to i32
      %cond3A_239 = arith.constant 0 : i32
      %cond3A_240 = arith.cmpi ne, %convert_element_type3A_238, %cond3A_239 : i32
      scf.if %cond3A_240 {
        %sub3A_258 = arith.constant 1 : i32
        %sub3A_259 = arith.subi %add3A_229, %sub3A_258 : i32
        %mul3A_260 = arith.constant 8 : i32
        %mul3A_261 = arith.muli %sub3A_259, %mul3A_260 : i32
        %add3A_262 = arith.addi %mul3A_2, %mul3A_261 : i32
        %dma_wait3A_263 = arith.constant 0 : i32
        %dma_wait3A_264 = tpu.memref_slice %arg4[%add3A_262, %dma_wait3A_263] : memref<19712x768xf32, #tpu.memory_space<hbm>> -> memref<8x768xf32, #tpu.memory_space<hbm>>
        %dma_wait3A_265 = arith.constant 0 : i32
        %dma_wait3A_266 = tpu.memref_slice %arg4[%add3A_262, %dma_wait3A_265] : memref<19712x768xf32, #tpu.memory_space<hbm>> -> memref<8x768xf32, #tpu.memory_space<hbm>>
        tpu.wait_dma2 semaphore(%arg25 : memref<!tpu.dma_semaphore, #tpu.memory_space<semaphore_mem>>) src(%arg11 : memref<8x768xf32, #tpu.memory_space<vmem>>) dst(%dma_wait3A_266 : memref<8x768xf32, #tpu.memory_space<hbm>>)
      } else {
      }
      %add3A_241 = arith.constant 7 : i32
      %add3A_242 = arith.addi %add3A_229, %add3A_241 : i32
      %sub3A_243 = arith.constant 1 : i32
      %sub3A_244 = arith.subi %add3A_242, %sub3A_243 : i32
      %lt3A_245 = arith.constant 77 : i32
      %lt3A_246 = arith.cmpi slt, %sub3A_244, %lt3A_245 : i32
      %convert_element_type3A_247 = arith.extui %lt3A_246 : i1 to i32
      %cond3A_248 = arith.constant 0 : i32
      %cond3A_249 = arith.cmpi ne, %convert_element_type3A_247, %cond3A_248 : i32
      scf.if %cond3A_249 {
        %add3A_258 = arith.constant 7 : i32
        %add3A_259 = arith.addi %add3A_229, %add3A_258 : i32
        %sub3A_260 = arith.constant 1 : i32
        %sub3A_261 = arith.subi %add3A_259, %sub3A_260 : i32
        %mul3A_262 = arith.constant 8 : i32
        %mul3A_263 = arith.muli %sub3A_261, %mul3A_262 : i32
        %dma_start3A_264 = tpu.memref_slice %arg5[%mul3A_263] : memref<616xi32, #tpu.memory_space<vmem>> -> memref<8xi32, #tpu.memory_space<vmem>>
        %dma_start3A_265 = arith.constant 0 : i32
        %dma_start3A_266 = arith.constant 0 : i32
        %dma_start3A_267 = tpu.memref_slice %arg3[%dma_start3A_265, %dma_start3A_266] : memref<49408x768xf32, #tpu.memory_space<hbm>> -> memref<49408x768xf32, #tpu.memory_space<hbm>>
        tpu.enqueue_indirect_dma source(%dma_start3A_267 : memref<49408x768xf32, #tpu.memory_space<hbm>>) target(%arg11 : memref<8x768xf32, #tpu.memory_space<vmem>>) offsets(%dma_start3A_264 : memref<8xi32, #tpu.memory_space<vmem>>) semaphore(%arg18 : memref<!tpu.dma_semaphore, #tpu.memory_space<semaphore_mem>>)
      } else {
      }
      %mul3A_250 = arith.constant 8 : i32
      %mul3A_251 = arith.muli %add3A_229, %mul3A_250 : i32
      %add3A_252 = arith.addi %mul3A_2, %mul3A_251 : i32
      %dma_start3A_253 = arith.constant 0 : i32
      %dma_start3A_254 = tpu.memref_slice %arg4[%add3A_252, %dma_start3A_253] : memref<19712x768xf32, #tpu.memory_space<hbm>> -> memref<8x768xf32, #tpu.memory_space<hbm>>
      %dma_start3A_255 = arith.constant 0 : i32
      %dma_start3A_256 = tpu.memref_slice %arg4[%add3A_252, %dma_start3A_255] : memref<19712x768xf32, #tpu.memory_space<hbm>> -> memref<8x768xf32, #tpu.memory_space<hbm>>
      tpu.enqueue_dma source(%arg12 : memref<8x768xf32, #tpu.memory_space<vmem>>) target(%dma_start3A_256 : memref<8x768xf32, #tpu.memory_space<hbm>>) target_semaphore(%arg26 : memref<!tpu.dma_semaphore, #tpu.memory_space<semaphore_mem>>)
      %scan3A_257 = arith.constant 0 : i32
      scf.yield %scan3A_257 : i32
    }
    %scan3A_37 = arith.constant 11 : i32
    %add3A_38 = arith.constant 608 : i32
    %add3A_39 = arith.addi %mul3A_2, %add3A_38 : i32
    %dma_wait3A = arith.constant 0 : i32
    %dma_wait3A_40 = tpu.memref_slice %arg4[%add3A_39, %dma_wait3A] : memref<19712x768xf32, #tpu.memory_space<hbm>> -> memref<8x768xf32, #tpu.memory_space<hbm>>
    %dma_wait3A_41 = arith.constant 0 : i32
    %dma_wait3A_42 = tpu.memref_slice %arg4[%add3A_39, %dma_wait3A_41] : memref<19712x768xf32, #tpu.memory_space<hbm>> -> memref<8x768xf32, #tpu.memory_space<hbm>>
    tpu.wait_dma2 semaphore(%arg26 : memref<!tpu.dma_semaphore, #tpu.memory_space<semaphore_mem>>) src(%arg12 : memref<8x768xf32, #tpu.memory_space<vmem>>) dst(%dma_wait3A_42 : memref<8x768xf32, #tpu.memory_space<hbm>>)
    return
  }
}

#map = affine_map<(d0, d1) -> (0)>
#map1 = affine_map<(d0, d1) -> (0, 0)>
module attributes {stable_mosaic.version = 14 : i64} {
  func.func @_gather_kernel(%arg0: i32, %arg1: i32, %arg2: memref<19712xi32, #tpu.memory_space<hbm>>, %arg3: memref<49408x768xf32, #tpu.memory_space<hbm>>, %arg4: memref<19712x768xf32, #tpu.memory_space<hbm>>, %arg5: memref<616xi32, #tpu.memory_space<vmem>>, %arg6: memref<8x768xf32, #tpu.memory_space<vmem>>, %arg7: memref<8x768xf32, #tpu.memory_space<vmem>>, %arg8: memref<8x768xf32, #tpu.memory_space<vmem>>, %arg9: memref<8x768xf32, #tpu.memory_space<vmem>>, %arg10: memref<8x768xf32, #tpu.memory_space<vmem>>, %arg11: memref<8x768xf32, #tpu.memory_space<vmem>>, %arg12: memref<8x768xf32, #tpu.memory_space<vmem>>, %arg13: memref<!tpu.dma_semaphore, #tpu.memory_space<semaphore_mem>>, %arg14: memref<!tpu.dma_semaphore, #tpu.memory_space<semaphore_mem>>, %arg15: memref<!tpu.dma_semaphore, #tpu.memory_space<semaphore_mem>>, %arg16: memref<!tpu.dma_semaphore, #tpu.memory_space<semaphore_mem>>, %arg17: memref<!tpu.dma_semaphore, #tpu.memory_space<semaphore_mem>>, %arg18: memref<!tpu.dma_semaphore, #tpu.memory_space<semaphore_mem>>, %arg19: memref<!tpu.dma_semaphore, #tpu.memory_space<semaphore_mem>>, %arg20: memref<!tpu.dma_semaphore, #tpu.memory_space<semaphore_mem>>, %arg21: memref<!tpu.dma_semaphore, #tpu.memory_space<semaphore_mem>>, %arg22: memref<!tpu.dma_semaphore, #tpu.memory_space<semaphore_mem>>, %arg23: memref<!tpu.dma_semaphore, #tpu.memory_space<semaphore_mem>>, %arg24: memref<!tpu.dma_semaphore, #tpu.memory_space<semaphore_mem>>, %arg25: memref<!tpu.dma_semaphore, #tpu.memory_space<semaphore_mem>>, %arg26: memref<!tpu.dma_semaphore, #tpu.memory_space<semaphore_mem>>) attributes {dimension_semantics = [#tpu.dimension_semantics<core_parallel>, #tpu.dimension_semantics<subcore_parallel>], iteration_bounds = array<i64: 2, 16>, scalar_prefetch = 0 : i64, scratch_operands = 22 : i64, tpu.core_type = #tpu.core_type<sc_vector_subcore>, window_params = [{transform_indices = #map}, {transform_indices = #map1}, {transform_indices = #map1}]} {
    %mul3A = arith.constant 2 : i32
    %mul3A_0 = arith.muli %arg1, %mul3A : i32
    %add3A = arith.addi %mul3A_0, %arg0 : i32
    %mul3A_1 = arith.constant 616 : i32
    %mul3A_2 = arith.muli %add3A, %mul3A_1 : i32
    "tpu.region"() ({
      %run_scoped3A = tpu.sem_alloc : memref<!tpu.dma_semaphore, #tpu.memory_space<semaphore_mem>>
      %dma_start3A_43 = tpu.memref_slice %arg2[%mul3A_2] : memref<19712xi32, #tpu.memory_space<hbm>> -> memref<616xi32, #tpu.memory_space<hbm>>
      %dma_start3A_44 = tpu.memref_slice %arg2[%mul3A_2] : memref<19712xi32, #tpu.memory_space<hbm>> -> memref<616xi32, #tpu.memory_space<hbm>>
      tpu.enqueue_dma source(%dma_start3A_44 : memref<616xi32, #tpu.memory_space<hbm>>) target(%arg5 : memref<616xi32, #tpu.memory_space<vmem>>) target_semaphore(%run_scoped3A : memref<!tpu.dma_semaphore, #tpu.memory_space<semaphore_mem>>)
      %dma_wait3A_45 = tpu.memref_slice %arg2[%mul3A_2] : memref<19712xi32, #tpu.memory_space<hbm>> -> memref<616xi32, #tpu.memory_space<hbm>>
      %dma_wait3A_46 = tpu.memref_slice %arg2[%mul3A_2] : memref<19712xi32, #tpu.memory_space<hbm>> -> memref<616xi32, #tpu.memory_space<hbm>>
      tpu.wait_dma2 semaphore(%run_scoped3A : memref<!tpu.dma_semaphore, #tpu.memory_space<semaphore_mem>>) src(%dma_wait3A_46 : memref<616xi32, #tpu.memory_space<hbm>>) dst(%arg5 : memref<616xi32, #tpu.memory_space<vmem>>)
      tpu.yield
    }) : () -> ()
    %dma_start3A = arith.constant 0 : i32
    %dma_start3A_3 = tpu.memref_slice %arg5[%dma_start3A] : memref<616xi32, #tpu.memory_space<vmem>> -> memref<8xi32, #tpu.memory_space<vmem>>
    %dma_start3A_4 = arith.constant 0 : i32
    %dma_start3A_5 = arith.constant 0 : i32
    %dma_start3A_6 = tpu.memref_slice %arg3[%dma_start3A_4, %dma_start3A_5] : memref<49408x768xf32, #tpu.memory_space<hbm>> -> memref<49408x768xf32, #tpu.memory_space<hbm>>
    tpu.enqueue_indirect_dma source(%dma_start3A_6 : memref<49408x768xf32, #tpu.memory_space<hbm>>) target(%arg6 : memref<8x768xf32, #tpu.memory_space<vmem>>) offsets(%dma_start3A_3 : memref<8xi32, #tpu.memory_space<vmem>>) semaphore(%arg13 : memref<!tpu.dma_semaphore, #tpu.memory_space<semaphore_mem>>)
    %dma_start3A_7 = arith.constant 8 : i32
    %dma_start3A_8 = tpu.memref_slice %arg5[%dma_start3A_7] : memref<616xi32, #tpu.memory_space<vmem>> -> memref<8xi32, #tpu.memory_space<vmem>>
    %dma_start3A_9 = arith.constant 0 : i32
    %dma_start3A_10 = arith.constant 0 : i32
    %dma_start3A_11 = tpu.memref_slice %arg3[%dma_start3A_9, %dma_start3A_10] : memref<49408x768xf32, #tpu.memory_space<hbm>> -> memref<49408x768xf32, #tpu.memory_space<hbm>>
    tpu.enqueue_indirect_dma source(%dma_start3A_11 : memref<49408x768xf32, #tpu.memory_space<hbm>>) target(%arg7 : memref<8x768xf32, #tpu.memory_space<vmem>>) offsets(%dma_start3A_8 : memref<8xi32, #tpu.memory_space<vmem>>) semaphore(%arg14 : memref<!tpu.dma_semaphore, #tpu.memory_space<semaphore_mem>>)
    %dma_start3A_12 = arith.constant 16 : i32
    %dma_start3A_13 = tpu.memref_slice %arg5[%dma_start3A_12] : memref<616xi32, #tpu.memory_space<vmem>> -> memref<8xi32, #tpu.memory_space<vmem>>
    %dma_start3A_14 = arith.constant 0 : i32
    %dma_start3A_15 = arith.constant 0 : i32
    %dma_start3A_16 = tpu.memref_slice %arg3[%dma_start3A_14, %dma_start3A_15] : memref<49408x768xf32, #tpu.memory_space<hbm>> -> memref<49408x768xf32, #tpu.memory_space<hbm>>
    tpu.enqueue_indirect_dma source(%dma_start3A_16 : memref<49408x768xf32, #tpu.memory_space<hbm>>) target(%arg8 : memref<8x768xf32, #tpu.memory_space<vmem>>) offsets(%dma_start3A_13 : memref<8xi32, #tpu.memory_space<vmem>>) semaphore(%arg15 : memref<!tpu.dma_semaphore, #tpu.memory_space<semaphore_mem>>)
    %dma_start3A_17 = arith.constant 24 : i32
    %dma_start3A_18 = tpu.memref_slice %arg5[%dma_start3A_17] : memref<616xi32, #tpu.memory_space<vmem>> -> memref<8xi32, #tpu.memory_space<vmem>>
    %dma_start3A_19 = arith.constant 0 : i32
    %dma_start3A_20 = arith.constant 0 : i32
    %dma_start3A_21 = tpu.memref_slice %arg3[%dma_start3A_19, %dma_start3A_20] : memref<49408x768xf32, #tpu.memory_space<hbm>> -> memref<49408x768xf32, #tpu.memory_space<hbm>>
    tpu.enqueue_indirect_dma source(%dma_start3A_21 : memref<49408x768xf32, #tpu.memory_space<hbm>>) target(%arg9 : memref<8x768xf32, #tpu.memory_space<vmem>>) offsets(%dma_start3A_18 : memref<8xi32, #tpu.memory_space<vmem>>) semaphore(%arg16 : memref<!tpu.dma_semaphore, #tpu.memory_space<semaphore_mem>>)
    %dma_start3A_22 = arith.constant 32 : i32
    %dma_start3A_23 = tpu.memref_slice %arg5[%dma_start3A_22] : memref<616xi32, #tpu.memory_space<vmem>> -> memref<8xi32, #tpu.memory_space<vmem>>
    %dma_start3A_24 = arith.constant 0 : i32
    %dma_start3A_25 = arith.constant 0 : i32
    %dma_start3A_26 = tpu.memref_slice %arg3[%dma_start3A_24, %dma_start3A_25] : memref<49408x768xf32, #tpu.memory_space<hbm>> -> memref<49408x768xf32, #tpu.memory_space<hbm>>
    tpu.enqueue_indirect_dma source(%dma_start3A_26 : memref<49408x768xf32, #tpu.memory_space<hbm>>) target(%arg10 : memref<8x768xf32, #tpu.memory_space<vmem>>) offsets(%dma_start3A_23 : memref<8xi32, #tpu.memory_space<vmem>>) semaphore(%arg17 : memref<!tpu.dma_semaphore, #tpu.memory_space<semaphore_mem>>)
    %dma_start3A_27 = arith.constant 40 : i32
    %dma_start3A_28 = tpu.memref_slice %arg5[%dma_start3A_27] : memref<616xi32, #tpu.memory_space<vmem>> -> memref<8xi32, #tpu.memory_space<vmem>>
    %dma_start3A_29 = arith.constant 0 : i32
    %dma_start3A_30 = arith.constant 0 : i32
    %dma_start3A_31 = tpu.memref_slice %arg3[%dma_start3A_29, %dma_start3A_30] : memref<49408x768xf32, #tpu.memory_space<hbm>> -> memref<49408x768xf32, #tpu.memory_space<hbm>>
    tpu.enqueue_indirect_dma source(%dma_start3A_31 : memref<49408x768xf32, #tpu.memory_space<hbm>>) target(%arg11 : memref<8x768xf32, #tpu.memory_space<vmem>>) offsets(%dma_start3A_28 : memref<8xi32, #tpu.memory_space<vmem>>) semaphore(%arg18 : memref<!tpu.dma_semaphore, #tpu.memory_space<semaphore_mem>>)
    %scan3A = arith.constant 0 : i32
    %scan3A_32 = arith.constant 0 : i32
    %scan3A_33 = arith.constant 11 : i32
    %scan3A_34 = arith.addi %scan3A_32, %scan3A_33 : i32
    %scan3A_35 = arith.constant 1 : i32
    %scan3A_36 = scf.for %scan3A_43 = %scan3A_32 to %scan3A_34 step %scan3A_35 iter_args(%scan3A_44 = %scan3A) -> (i32)  : i32 {
      %mul3A_45 = arith.constant 7 : i32
      %mul3A_46 = arith.muli %scan3A_43, %mul3A_45 : i32
      %add3A_47 = arith.constant 0 : i32
      %add3A_48 = arith.addi %mul3A_46, %add3A_47 : i32
      %mul3A_49 = arith.constant 8 : i32
      %mul3A_50 = arith.muli %add3A_48, %mul3A_49 : i32
      %dma_wait3A_51 = tpu.memref_slice %arg5[%mul3A_50] : memref<616xi32, #tpu.memory_space<vmem>> -> memref<8xi32, #tpu.memory_space<vmem>>
      %dma_wait3A_52 = arith.constant 0 : i32
      %dma_wait3A_53 = arith.constant 0 : i32
      %dma_wait3A_54 = tpu.memref_slice %arg3[%dma_wait3A_52, %dma_wait3A_53] : memref<49408x768xf32, #tpu.memory_space<hbm>> -> memref<49408x768xf32, #tpu.memory_space<hbm>>
      tpu.wait_indirect_dma semaphore(%arg13 : memref<!tpu.dma_semaphore, #tpu.memory_space<semaphore_mem>>) src(%dma_wait3A_54 : memref<49408x768xf32, #tpu.memory_space<hbm>>) dst(%arg6 : memref<8x768xf32, #tpu.memory_space<vmem>>)
      %ge3A = arith.constant 1 : i32
      %ge3A_55 = arith.cmpi sge, %add3A_48, %ge3A : i32
      %convert_element_type3A = arith.extui %ge3A_55 : i1 to i32
      %cond3A = arith.constant 0 : i32
      %cond3A_56 = arith.cmpi ne, %convert_element_type3A, %cond3A : i32
      scf.if %cond3A_56 {
        %sub3A_258 = arith.constant 1 : i32
        %sub3A_259 = arith.subi %add3A_48, %sub3A_258 : i32
        %mul3A_260 = arith.constant 8 : i32
        %mul3A_261 = arith.muli %sub3A_259, %mul3A_260 : i32
        %add3A_262 = arith.addi %mul3A_2, %mul3A_261 : i32
        %dma_wait3A_263 = arith.constant 0 : i32
        %dma_wait3A_264 = tpu.memref_slice %arg4[%add3A_262, %dma_wait3A_263] : memref<19712x768xf32, #tpu.memory_space<hbm>> -> memref<8x768xf32, #tpu.memory_space<hbm>>
        %dma_wait3A_265 = arith.constant 0 : i32
        %dma_wait3A_266 = tpu.memref_slice %arg4[%add3A_262, %dma_wait3A_265] : memref<19712x768xf32, #tpu.memory_space<hbm>> -> memref<8x768xf32, #tpu.memory_space<hbm>>
        tpu.wait_dma2 semaphore(%arg26 : memref<!tpu.dma_semaphore, #tpu.memory_space<semaphore_mem>>) src(%arg12 : memref<8x768xf32, #tpu.memory_space<vmem>>) dst(%dma_wait3A_266 : memref<8x768xf32, #tpu.memory_space<hbm>>)
      } else {
      }
      %add3A_57 = arith.constant 7 : i32
      %add3A_58 = arith.addi %add3A_48, %add3A_57 : i32
      %sub3A = arith.constant 1 : i32
      %sub3A_59 = arith.subi %add3A_58, %sub3A : i32
      %lt3A = arith.constant 77 : i32
      %lt3A_60 = arith.cmpi slt, %sub3A_59, %lt3A : i32
      %convert_element_type3A_61 = arith.extui %lt3A_60 : i1 to i32
      %cond3A_62 = arith.constant 0 : i32
      %cond3A_63 = arith.cmpi ne, %convert_element_type3A_61, %cond3A_62 : i32
      scf.if %cond3A_63 {
        %add3A_258 = arith.constant 7 : i32
        %add3A_259 = arith.addi %add3A_48, %add3A_258 : i32
        %sub3A_260 = arith.constant 1 : i32
        %sub3A_261 = arith.subi %add3A_259, %sub3A_260 : i32
        %mul3A_262 = arith.constant 8 : i32
        %mul3A_263 = arith.muli %sub3A_261, %mul3A_262 : i32
        %dma_start3A_264 = tpu.memref_slice %arg5[%mul3A_263] : memref<616xi32, #tpu.memory_space<vmem>> -> memref<8xi32, #tpu.memory_space<vmem>>
        %dma_start3A_265 = arith.constant 0 : i32
        %dma_start3A_266 = arith.constant 0 : i32
        %dma_start3A_267 = tpu.memref_slice %arg3[%dma_start3A_265, %dma_start3A_266] : memref<49408x768xf32, #tpu.memory_space<hbm>> -> memref<49408x768xf32, #tpu.memory_space<hbm>>
        tpu.enqueue_indirect_dma source(%dma_start3A_267 : memref<49408x768xf32, #tpu.memory_space<hbm>>) target(%arg12 : memref<8x768xf32, #tpu.memory_space<vmem>>) offsets(%dma_start3A_264 : memref<8xi32, #tpu.memory_space<vmem>>) semaphore(%arg19 : memref<!tpu.dma_semaphore, #tpu.memory_space<semaphore_mem>>)
      } else {
      }
      %mul3A_64 = arith.constant 8 : i32
      %mul3A_65 = arith.muli %add3A_48, %mul3A_64 : i32
      %add3A_66 = arith.addi %mul3A_2, %mul3A_65 : i32
      %dma_start3A_67 = arith.constant 0 : i32
      %dma_start3A_68 = tpu.memref_slice %arg4[%add3A_66, %dma_start3A_67] : memref<19712x768xf32, #tpu.memory_space<hbm>> -> memref<8x768xf32, #tpu.memory_space<hbm>>
      %dma_start3A_69 = arith.constant 0 : i32
      %dma_start3A_70 = tpu.memref_slice %arg4[%add3A_66, %dma_start3A_69] : memref<19712x768xf32, #tpu.memory_space<hbm>> -> memref<8x768xf32, #tpu.memory_space<hbm>>
      tpu.enqueue_dma source(%arg6 : memref<8x768xf32, #tpu.memory_space<vmem>>) target(%dma_start3A_70 : memref<8x768xf32, #tpu.memory_space<hbm>>) target_semaphore(%arg20 : memref<!tpu.dma_semaphore, #tpu.memory_space<semaphore_mem>>)
      %mul3A_71 = arith.constant 7 : i32
      %mul3A_72 = arith.muli %scan3A_43, %mul3A_71 : i32
      %add3A_73 = arith.constant 1 : i32
      %add3A_74 = arith.addi %mul3A_72, %add3A_73 : i32
      %mul3A_75 = arith.constant 8 : i32
      %mul3A_76 = arith.muli %add3A_74, %mul3A_75 : i32
      %dma_wait3A_77 = tpu.memref_slice %arg5[%mul3A_76] : memref<616xi32, #tpu.memory_space<vmem>> -> memref<8xi32, #tpu.memory_space<vmem>>
      %dma_wait3A_78 = arith.constant 0 : i32
      %dma_wait3A_79 = arith.constant 0 : i32
      %dma_wait3A_80 = tpu.memref_slice %arg3[%dma_wait3A_78, %dma_wait3A_79] : memref<49408x768xf32, #tpu.memory_space<hbm>> -> memref<49408x768xf32, #tpu.memory_space<hbm>>
      tpu.wait_indirect_dma semaphore(%arg14 : memref<!tpu.dma_semaphore, #tpu.memory_space<semaphore_mem>>) src(%dma_wait3A_80 : memref<49408x768xf32, #tpu.memory_space<hbm>>) dst(%arg7 : memref<8x768xf32, #tpu.memory_space<vmem>>)
      %ge3A_81 = arith.constant 1 : i32
      %ge3A_82 = arith.cmpi sge, %add3A_74, %ge3A_81 : i32
      %convert_element_type3A_83 = arith.extui %ge3A_82 : i1 to i32
      %cond3A_84 = arith.constant 0 : i32
      %cond3A_85 = arith.cmpi ne, %convert_element_type3A_83, %cond3A_84 : i32
      scf.if %cond3A_85 {
        %sub3A_258 = arith.constant 1 : i32
        %sub3A_259 = arith.subi %add3A_74, %sub3A_258 : i32
        %mul3A_260 = arith.constant 8 : i32
        %mul3A_261 = arith.muli %sub3A_259, %mul3A_260 : i32
        %add3A_262 = arith.addi %mul3A_2, %mul3A_261 : i32
        %dma_wait3A_263 = arith.constant 0 : i32
        %dma_wait3A_264 = tpu.memref_slice %arg4[%add3A_262, %dma_wait3A_263] : memref<19712x768xf32, #tpu.memory_space<hbm>> -> memref<8x768xf32, #tpu.memory_space<hbm>>
        %dma_wait3A_265 = arith.constant 0 : i32
        %dma_wait3A_266 = tpu.memref_slice %arg4[%add3A_262, %dma_wait3A_265] : memref<19712x768xf32, #tpu.memory_space<hbm>> -> memref<8x768xf32, #tpu.memory_space<hbm>>
        tpu.wait_dma2 semaphore(%arg20 : memref<!tpu.dma_semaphore, #tpu.memory_space<semaphore_mem>>) src(%arg6 : memref<8x768xf32, #tpu.memory_space<vmem>>) dst(%dma_wait3A_266 : memref<8x768xf32, #tpu.memory_space<hbm>>)
      } else {
      }
      %add3A_86 = arith.constant 7 : i32
      %add3A_87 = arith.addi %add3A_74, %add3A_86 : i32
      %sub3A_88 = arith.constant 1 : i32
      %sub3A_89 = arith.subi %add3A_87, %sub3A_88 : i32
      %lt3A_90 = arith.constant 77 : i32
      %lt3A_91 = arith.cmpi slt, %sub3A_89, %lt3A_90 : i32
      %convert_element_type3A_92 = arith.extui %lt3A_91 : i1 to i32
      %cond3A_93 = arith.constant 0 : i32
      %cond3A_94 = arith.cmpi ne, %convert_element_type3A_92, %cond3A_93 : i32
      scf.if %cond3A_94 {
        %add3A_258 = arith.constant 7 : i32
        %add3A_259 = arith.addi %add3A_74, %add3A_258 : i32
        %sub3A_260 = arith.constant 1 : i32
        %sub3A_261 = arith.subi %add3A_259, %sub3A_260 : i32
        %mul3A_262 = arith.constant 8 : i32
        %mul3A_263 = arith.muli %sub3A_261, %mul3A_262 : i32
        %dma_start3A_264 = tpu.memref_slice %arg5[%mul3A_263] : memref<616xi32, #tpu.memory_space<vmem>> -> memref<8xi32, #tpu.memory_space<vmem>>
        %dma_start3A_265 = arith.constant 0 : i32
        %dma_start3A_266 = arith.constant 0 : i32
        %dma_start3A_267 = tpu.memref_slice %arg3[%dma_start3A_265, %dma_start3A_266] : memref<49408x768xf32, #tpu.memory_space<hbm>> -> memref<49408x768xf32, #tpu.memory_space<hbm>>
        tpu.enqueue_indirect_dma source(%dma_start3A_267 : memref<49408x768xf32, #tpu.memory_space<hbm>>) target(%arg6 : memref<8x768xf32, #tpu.memory_space<vmem>>) offsets(%dma_start3A_264 : memref<8xi32, #tpu.memory_space<vmem>>) semaphore(%arg13 : memref<!tpu.dma_semaphore, #tpu.memory_space<semaphore_mem>>)
      } else {
      }
      %mul3A_95 = arith.constant 8 : i32
      %mul3A_96 = arith.muli %add3A_74, %mul3A_95 : i32
      %add3A_97 = arith.addi %mul3A_2, %mul3A_96 : i32
      %dma_start3A_98 = arith.constant 0 : i32
      %dma_start3A_99 = tpu.memref_slice %arg4[%add3A_97, %dma_start3A_98] : memref<19712x768xf32, #tpu.memory_space<hbm>> -> memref<8x768xf32, #tpu.memory_space<hbm>>
      %dma_start3A_100 = arith.constant 0 : i32
      %dma_start3A_101 = tpu.memref_slice %arg4[%add3A_97, %dma_start3A_100] : memref<19712x768xf32, #tpu.memory_space<hbm>> -> memref<8x768xf32, #tpu.memory_space<hbm>>
      tpu.enqueue_dma source(%arg7 : memref<8x768xf32, #tpu.memory_space<vmem>>) target(%dma_start3A_101 : memref<8x768xf32, #tpu.memory_space<hbm>>) target_semaphore(%arg21 : memref<!tpu.dma_semaphore, #tpu.memory_space<semaphore_mem>>)
      %mul3A_102 = arith.constant 7 : i32
      %mul3A_103 = arith.muli %scan3A_43, %mul3A_102 : i32
      %add3A_104 = arith.constant 2 : i32
      %add3A_105 = arith.addi %mul3A_103, %add3A_104 : i32
      %mul3A_106 = arith.constant 8 : i32
      %mul3A_107 = arith.muli %add3A_105, %mul3A_106 : i32
      %dma_wait3A_108 = tpu.memref_slice %arg5[%mul3A_107] : memref<616xi32, #tpu.memory_space<vmem>> -> memref<8xi32, #tpu.memory_space<vmem>>
      %dma_wait3A_109 = arith.constant 0 : i32
      %dma_wait3A_110 = arith.constant 0 : i32
      %dma_wait3A_111 = tpu.memref_slice %arg3[%dma_wait3A_109, %dma_wait3A_110] : memref<49408x768xf32, #tpu.memory_space<hbm>> -> memref<49408x768xf32, #tpu.memory_space<hbm>>
      tpu.wait_indirect_dma semaphore(%arg15 : memref<!tpu.dma_semaphore, #tpu.memory_space<semaphore_mem>>) src(%dma_wait3A_111 : memref<49408x768xf32, #tpu.memory_space<hbm>>) dst(%arg8 : memref<8x768xf32, #tpu.memory_space<vmem>>)
      %ge3A_112 = arith.constant 1 : i32
      %ge3A_113 = arith.cmpi sge, %add3A_105, %ge3A_112 : i32
      %convert_element_type3A_114 = arith.extui %ge3A_113 : i1 to i32
      %cond3A_115 = arith.constant 0 : i32
      %cond3A_116 = arith.cmpi ne, %convert_element_type3A_114, %cond3A_115 : i32
      scf.if %cond3A_116 {
        %sub3A_258 = arith.constant 1 : i32
        %sub3A_259 = arith.subi %add3A_105, %sub3A_258 : i32
        %mul3A_260 = arith.constant 8 : i32
        %mul3A_261 = arith.muli %sub3A_259, %mul3A_260 : i32
        %add3A_262 = arith.addi %mul3A_2, %mul3A_261 : i32
        %dma_wait3A_263 = arith.constant 0 : i32
        %dma_wait3A_264 = tpu.memref_slice %arg4[%add3A_262, %dma_wait3A_263] : memref<19712x768xf32, #tpu.memory_space<hbm>> -> memref<8x768xf32, #tpu.memory_space<hbm>>
        %dma_wait3A_265 = arith.constant 0 : i32
        %dma_wait3A_266 = tpu.memref_slice %arg4[%add3A_262, %dma_wait3A_265] : memref<19712x768xf32, #tpu.memory_space<hbm>> -> memref<8x768xf32, #tpu.memory_space<hbm>>
        tpu.wait_dma2 semaphore(%arg21 : memref<!tpu.dma_semaphore, #tpu.memory_space<semaphore_mem>>) src(%arg7 : memref<8x768xf32, #tpu.memory_space<vmem>>) dst(%dma_wait3A_266 : memref<8x768xf32, #tpu.memory_space<hbm>>)
      } else {
      }
      %add3A_117 = arith.constant 7 : i32
      %add3A_118 = arith.addi %add3A_105, %add3A_117 : i32
      %sub3A_119 = arith.constant 1 : i32
      %sub3A_120 = arith.subi %add3A_118, %sub3A_119 : i32
      %lt3A_121 = arith.constant 77 : i32
      %lt3A_122 = arith.cmpi slt, %sub3A_120, %lt3A_121 : i32
      %convert_element_type3A_123 = arith.extui %lt3A_122 : i1 to i32
      %cond3A_124 = arith.constant 0 : i32
      %cond3A_125 = arith.cmpi ne, %convert_element_type3A_123, %cond3A_124 : i32
      scf.if %cond3A_125 {
        %add3A_258 = arith.constant 7 : i32
        %add3A_259 = arith.addi %add3A_105, %add3A_258 : i32
        %sub3A_260 = arith.constant 1 : i32
        %sub3A_261 = arith.subi %add3A_259, %sub3A_260 : i32
        %mul3A_262 = arith.constant 8 : i32
        %mul3A_263 = arith.muli %sub3A_261, %mul3A_262 : i32
        %dma_start3A_264 = tpu.memref_slice %arg5[%mul3A_263] : memref<616xi32, #tpu.memory_space<vmem>> -> memref<8xi32, #tpu.memory_space<vmem>>
        %dma_start3A_265 = arith.constant 0 : i32
        %dma_start3A_266 = arith.constant 0 : i32
        %dma_start3A_267 = tpu.memref_slice %arg3[%dma_start3A_265, %dma_start3A_266] : memref<49408x768xf32, #tpu.memory_space<hbm>> -> memref<49408x768xf32, #tpu.memory_space<hbm>>
        tpu.enqueue_indirect_dma source(%dma_start3A_267 : memref<49408x768xf32, #tpu.memory_space<hbm>>) target(%arg7 : memref<8x768xf32, #tpu.memory_space<vmem>>) offsets(%dma_start3A_264 : memref<8xi32, #tpu.memory_space<vmem>>) semaphore(%arg14 : memref<!tpu.dma_semaphore, #tpu.memory_space<semaphore_mem>>)
      } else {
      }
      %mul3A_126 = arith.constant 8 : i32
      %mul3A_127 = arith.muli %add3A_105, %mul3A_126 : i32
      %add3A_128 = arith.addi %mul3A_2, %mul3A_127 : i32
      %dma_start3A_129 = arith.constant 0 : i32
      %dma_start3A_130 = tpu.memref_slice %arg4[%add3A_128, %dma_start3A_129] : memref<19712x768xf32, #tpu.memory_space<hbm>> -> memref<8x768xf32, #tpu.memory_space<hbm>>
      %dma_start3A_131 = arith.constant 0 : i32
      %dma_start3A_132 = tpu.memref_slice %arg4[%add3A_128, %dma_start3A_131] : memref<19712x768xf32, #tpu.memory_space<hbm>> -> memref<8x768xf32, #tpu.memory_space<hbm>>
      tpu.enqueue_dma source(%arg8 : memref<8x768xf32, #tpu.memory_space<vmem>>) target(%dma_start3A_132 : memref<8x768xf32, #tpu.memory_space<hbm>>) target_semaphore(%arg22 : memref<!tpu.dma_semaphore, #tpu.memory_space<semaphore_mem>>)
      %mul3A_133 = arith.constant 7 : i32
      %mul3A_134 = arith.muli %scan3A_43, %mul3A_133 : i32
      %add3A_135 = arith.constant 3 : i32
      %add3A_136 = arith.addi %mul3A_134, %add3A_135 : i32
      %mul3A_137 = arith.constant 8 : i32
      %mul3A_138 = arith.muli %add3A_136, %mul3A_137 : i32
      %dma_wait3A_139 = tpu.memref_slice %arg5[%mul3A_138] : memref<616xi32, #tpu.memory_space<vmem>> -> memref<8xi32, #tpu.memory_space<vmem>>
      %dma_wait3A_140 = arith.constant 0 : i32
      %dma_wait3A_141 = arith.constant 0 : i32
      %dma_wait3A_142 = tpu.memref_slice %arg3[%dma_wait3A_140, %dma_wait3A_141] : memref<49408x768xf32, #tpu.memory_space<hbm>> -> memref<49408x768xf32, #tpu.memory_space<hbm>>
      tpu.wait_indirect_dma semaphore(%arg16 : memref<!tpu.dma_semaphore, #tpu.memory_space<semaphore_mem>>) src(%dma_wait3A_142 : memref<49408x768xf32, #tpu.memory_space<hbm>>) dst(%arg9 : memref<8x768xf32, #tpu.memory_space<vmem>>)
      %ge3A_143 = arith.constant 1 : i32
      %ge3A_144 = arith.cmpi sge, %add3A_136, %ge3A_143 : i32
      %convert_element_type3A_145 = arith.extui %ge3A_144 : i1 to i32
      %cond3A_146 = arith.constant 0 : i32
      %cond3A_147 = arith.cmpi ne, %convert_element_type3A_145, %cond3A_146 : i32
      scf.if %cond3A_147 {
        %sub3A_258 = arith.constant 1 : i32
        %sub3A_259 = arith.subi %add3A_136, %sub3A_258 : i32
        %mul3A_260 = arith.constant 8 : i32
        %mul3A_261 = arith.muli %sub3A_259, %mul3A_260 : i32
        %add3A_262 = arith.addi %mul3A_2, %mul3A_261 : i32
        %dma_wait3A_263 = arith.constant 0 : i32
        %dma_wait3A_264 = tpu.memref_slice %arg4[%add3A_262, %dma_wait3A_263] : memref<19712x768xf32, #tpu.memory_space<hbm>> -> memref<8x768xf32, #tpu.memory_space<hbm>>
        %dma_wait3A_265 = arith.constant 0 : i32
        %dma_wait3A_266 = tpu.memref_slice %arg4[%add3A_262, %dma_wait3A_265] : memref<19712x768xf32, #tpu.memory_space<hbm>> -> memref<8x768xf32, #tpu.memory_space<hbm>>
        tpu.wait_dma2 semaphore(%arg22 : memref<!tpu.dma_semaphore, #tpu.memory_space<semaphore_mem>>) src(%arg8 : memref<8x768xf32, #tpu.memory_space<vmem>>) dst(%dma_wait3A_266 : memref<8x768xf32, #tpu.memory_space<hbm>>)
      } else {
      }
      %add3A_148 = arith.constant 7 : i32
      %add3A_149 = arith.addi %add3A_136, %add3A_148 : i32
      %sub3A_150 = arith.constant 1 : i32
      %sub3A_151 = arith.subi %add3A_149, %sub3A_150 : i32
      %lt3A_152 = arith.constant 77 : i32
      %lt3A_153 = arith.cmpi slt, %sub3A_151, %lt3A_152 : i32
      %convert_element_type3A_154 = arith.extui %lt3A_153 : i1 to i32
      %cond3A_155 = arith.constant 0 : i32
      %cond3A_156 = arith.cmpi ne, %convert_element_type3A_154, %cond3A_155 : i32
      scf.if %cond3A_156 {
        %add3A_258 = arith.constant 7 : i32
        %add3A_259 = arith.addi %add3A_136, %add3A_258 : i32
        %sub3A_260 = arith.constant 1 : i32
        %sub3A_261 = arith.subi %add3A_259, %sub3A_260 : i32
        %mul3A_262 = arith.constant 8 : i32
        %mul3A_263 = arith.muli %sub3A_261, %mul3A_262 : i32
        %dma_start3A_264 = tpu.memref_slice %arg5[%mul3A_263] : memref<616xi32, #tpu.memory_space<vmem>> -> memref<8xi32, #tpu.memory_space<vmem>>
        %dma_start3A_265 = arith.constant 0 : i32
        %dma_start3A_266 = arith.constant 0 : i32
        %dma_start3A_267 = tpu.memref_slice %arg3[%dma_start3A_265, %dma_start3A_266] : memref<49408x768xf32, #tpu.memory_space<hbm>> -> memref<49408x768xf32, #tpu.memory_space<hbm>>
        tpu.enqueue_indirect_dma source(%dma_start3A_267 : memref<49408x768xf32, #tpu.memory_space<hbm>>) target(%arg8 : memref<8x768xf32, #tpu.memory_space<vmem>>) offsets(%dma_start3A_264 : memref<8xi32, #tpu.memory_space<vmem>>) semaphore(%arg15 : memref<!tpu.dma_semaphore, #tpu.memory_space<semaphore_mem>>)
      } else {
      }
      %mul3A_157 = arith.constant 8 : i32
      %mul3A_158 = arith.muli %add3A_136, %mul3A_157 : i32
      %add3A_159 = arith.addi %mul3A_2, %mul3A_158 : i32
      %dma_start3A_160 = arith.constant 0 : i32
      %dma_start3A_161 = tpu.memref_slice %arg4[%add3A_159, %dma_start3A_160] : memref<19712x768xf32, #tpu.memory_space<hbm>> -> memref<8x768xf32, #tpu.memory_space<hbm>>
      %dma_start3A_162 = arith.constant 0 : i32
      %dma_start3A_163 = tpu.memref_slice %arg4[%add3A_159, %dma_start3A_162] : memref<19712x768xf32, #tpu.memory_space<hbm>> -> memref<8x768xf32, #tpu.memory_space<hbm>>
      tpu.enqueue_dma source(%arg9 : memref<8x768xf32, #tpu.memory_space<vmem>>) target(%dma_start3A_163 : memref<8x768xf32, #tpu.memory_space<hbm>>) target_semaphore(%arg23 : memref<!tpu.dma_semaphore, #tpu.memory_space<semaphore_mem>>)
      %mul3A_164 = arith.constant 7 : i32
      %mul3A_165 = arith.muli %scan3A_43, %mul3A_164 : i32
      %add3A_166 = arith.constant 4 : i32
      %add3A_167 = arith.addi %mul3A_165, %add3A_166 : i32
      %mul3A_168 = arith.constant 8 : i32
      %mul3A_169 = arith.muli %add3A_167, %mul3A_168 : i32
      %dma_wait3A_170 = tpu.memref_slice %arg5[%mul3A_169] : memref<616xi32, #tpu.memory_space<vmem>> -> memref<8xi32, #tpu.memory_space<vmem>>
      %dma_wait3A_171 = arith.constant 0 : i32
      %dma_wait3A_172 = arith.constant 0 : i32
      %dma_wait3A_173 = tpu.memref_slice %arg3[%dma_wait3A_171, %dma_wait3A_172] : memref<49408x768xf32, #tpu.memory_space<hbm>> -> memref<49408x768xf32, #tpu.memory_space<hbm>>
      tpu.wait_indirect_dma semaphore(%arg17 : memref<!tpu.dma_semaphore, #tpu.memory_space<semaphore_mem>>) src(%dma_wait3A_173 : memref<49408x768xf32, #tpu.memory_space<hbm>>) dst(%arg10 : memref<8x768xf32, #tpu.memory_space<vmem>>)
      %ge3A_174 = arith.constant 1 : i32
      %ge3A_175 = arith.cmpi sge, %add3A_167, %ge3A_174 : i32
      %convert_element_type3A_176 = arith.extui %ge3A_175 : i1 to i32
      %cond3A_177 = arith.constant 0 : i32
      %cond3A_178 = arith.cmpi ne, %convert_element_type3A_176, %cond3A_177 : i32
      scf.if %cond3A_178 {
        %sub3A_258 = arith.constant 1 : i32
        %sub3A_259 = arith.subi %add3A_167, %sub3A_258 : i32
        %mul3A_260 = arith.constant 8 : i32
        %mul3A_261 = arith.muli %sub3A_259, %mul3A_260 : i32
        %add3A_262 = arith.addi %mul3A_2, %mul3A_261 : i32
        %dma_wait3A_263 = arith.constant 0 : i32
        %dma_wait3A_264 = tpu.memref_slice %arg4[%add3A_262, %dma_wait3A_263] : memref<19712x768xf32, #tpu.memory_space<hbm>> -> memref<8x768xf32, #tpu.memory_space<hbm>>
        %dma_wait3A_265 = arith.constant 0 : i32
        %dma_wait3A_266 = tpu.memref_slice %arg4[%add3A_262, %dma_wait3A_265] : memref<19712x768xf32, #tpu.memory_space<hbm>> -> memref<8x768xf32, #tpu.memory_space<hbm>>
        tpu.wait_dma2 semaphore(%arg23 : memref<!tpu.dma_semaphore, #tpu.memory_space<semaphore_mem>>) src(%arg9 : memref<8x768xf32, #tpu.memory_space<vmem>>) dst(%dma_wait3A_266 : memref<8x768xf32, #tpu.memory_space<hbm>>)
      } else {
      }
      %add3A_179 = arith.constant 7 : i32
      %add3A_180 = arith.addi %add3A_167, %add3A_179 : i32
      %sub3A_181 = arith.constant 1 : i32
      %sub3A_182 = arith.subi %add3A_180, %sub3A_181 : i32
      %lt3A_183 = arith.constant 77 : i32
      %lt3A_184 = arith.cmpi slt, %sub3A_182, %lt3A_183 : i32
      %convert_element_type3A_185 = arith.extui %lt3A_184 : i1 to i32
      %cond3A_186 = arith.constant 0 : i32
      %cond3A_187 = arith.cmpi ne, %convert_element_type3A_185, %cond3A_186 : i32
      scf.if %cond3A_187 {
        %add3A_258 = arith.constant 7 : i32
        %add3A_259 = arith.addi %add3A_167, %add3A_258 : i32
        %sub3A_260 = arith.constant 1 : i32
        %sub3A_261 = arith.subi %add3A_259, %sub3A_260 : i32
        %mul3A_262 = arith.constant 8 : i32
        %mul3A_263 = arith.muli %sub3A_261, %mul3A_262 : i32
        %dma_start3A_264 = tpu.memref_slice %arg5[%mul3A_263] : memref<616xi32, #tpu.memory_space<vmem>> -> memref<8xi32, #tpu.memory_space<vmem>>
        %dma_start3A_265 = arith.constant 0 : i32
        %dma_start3A_266 = arith.constant 0 : i32
        %dma_start3A_267 = tpu.memref_slice %arg3[%dma_start3A_265, %dma_start3A_266] : memref<49408x768xf32, #tpu.memory_space<hbm>> -> memref<49408x768xf32, #tpu.memory_space<hbm>>
        tpu.enqueue_indirect_dma source(%dma_start3A_267 : memref<49408x768xf32, #tpu.memory_space<hbm>>) target(%arg9 : memref<8x768xf32, #tpu.memory_space<vmem>>) offsets(%dma_start3A_264 : memref<8xi32, #tpu.memory_space<vmem>>) semaphore(%arg16 : memref<!tpu.dma_semaphore, #tpu.memory_space<semaphore_mem>>)
      } else {
      }
      %mul3A_188 = arith.constant 8 : i32
      %mul3A_189 = arith.muli %add3A_167, %mul3A_188 : i32
      %add3A_190 = arith.addi %mul3A_2, %mul3A_189 : i32
      %dma_start3A_191 = arith.constant 0 : i32
      %dma_start3A_192 = tpu.memref_slice %arg4[%add3A_190, %dma_start3A_191] : memref<19712x768xf32, #tpu.memory_space<hbm>> -> memref<8x768xf32, #tpu.memory_space<hbm>>
      %dma_start3A_193 = arith.constant 0 : i32
      %dma_start3A_194 = tpu.memref_slice %arg4[%add3A_190, %dma_start3A_193] : memref<19712x768xf32, #tpu.memory_space<hbm>> -> memref<8x768xf32, #tpu.memory_space<hbm>>
      tpu.enqueue_dma source(%arg10 : memref<8x768xf32, #tpu.memory_space<vmem>>) target(%dma_start3A_194 : memref<8x768xf32, #tpu.memory_space<hbm>>) target_semaphore(%arg24 : memref<!tpu.dma_semaphore, #tpu.memory_space<semaphore_mem>>)
      %mul3A_195 = arith.constant 7 : i32
      %mul3A_196 = arith.muli %scan3A_43, %mul3A_195 : i32
      %add3A_197 = arith.constant 5 : i32
      %add3A_198 = arith.addi %mul3A_196, %add3A_197 : i32
      %mul3A_199 = arith.constant 8 : i32
      %mul3A_200 = arith.muli %add3A_198, %mul3A_199 : i32
      %dma_wait3A_201 = tpu.memref_slice %arg5[%mul3A_200] : memref<616xi32, #tpu.memory_space<vmem>> -> memref<8xi32, #tpu.memory_space<vmem>>
      %dma_wait3A_202 = arith.constant 0 : i32
      %dma_wait3A_203 = arith.constant 0 : i32
      %dma_wait3A_204 = tpu.memref_slice %arg3[%dma_wait3A_202, %dma_wait3A_203] : memref<49408x768xf32, #tpu.memory_space<hbm>> -> memref<49408x768xf32, #tpu.memory_space<hbm>>
      tpu.wait_indirect_dma semaphore(%arg18 : memref<!tpu.dma_semaphore, #tpu.memory_space<semaphore_mem>>) src(%dma_wait3A_204 : memref<49408x768xf32, #tpu.memory_space<hbm>>) dst(%arg11 : memref<8x768xf32, #tpu.memory_space<vmem>>)
      %ge3A_205 = arith.constant 1 : i32
      %ge3A_206 = arith.cmpi sge, %add3A_198, %ge3A_205 : i32
      %convert_element_type3A_207 = arith.extui %ge3A_206 : i1 to i32
      %cond3A_208 = arith.constant 0 : i32
      %cond3A_209 = arith.cmpi ne, %convert_element_type3A_207, %cond3A_208 : i32
      scf.if %cond3A_209 {
        %sub3A_258 = arith.constant 1 : i32
        %sub3A_259 = arith.subi %add3A_198, %sub3A_258 : i32
        %mul3A_260 = arith.constant 8 : i32
        %mul3A_261 = arith.muli %sub3A_259, %mul3A_260 : i32
        %add3A_262 = arith.addi %mul3A_2, %mul3A_261 : i32
        %dma_wait3A_263 = arith.constant 0 : i32
        %dma_wait3A_264 = tpu.memref_slice %arg4[%add3A_262, %dma_wait3A_263] : memref<19712x768xf32, #tpu.memory_space<hbm>> -> memref<8x768xf32, #tpu.memory_space<hbm>>
        %dma_wait3A_265 = arith.constant 0 : i32
        %dma_wait3A_266 = tpu.memref_slice %arg4[%add3A_262, %dma_wait3A_265] : memref<19712x768xf32, #tpu.memory_space<hbm>> -> memref<8x768xf32, #tpu.memory_space<hbm>>
        tpu.wait_dma2 semaphore(%arg24 : memref<!tpu.dma_semaphore, #tpu.memory_space<semaphore_mem>>) src(%arg10 : memref<8x768xf32, #tpu.memory_space<vmem>>) dst(%dma_wait3A_266 : memref<8x768xf32, #tpu.memory_space<hbm>>)
      } else {
      }
      %add3A_210 = arith.constant 7 : i32
      %add3A_211 = arith.addi %add3A_198, %add3A_210 : i32
      %sub3A_212 = arith.constant 1 : i32
      %sub3A_213 = arith.subi %add3A_211, %sub3A_212 : i32
      %lt3A_214 = arith.constant 77 : i32
      %lt3A_215 = arith.cmpi slt, %sub3A_213, %lt3A_214 : i32
      %convert_element_type3A_216 = arith.extui %lt3A_215 : i1 to i32
      %cond3A_217 = arith.constant 0 : i32
      %cond3A_218 = arith.cmpi ne, %convert_element_type3A_216, %cond3A_217 : i32
      scf.if %cond3A_218 {
        %add3A_258 = arith.constant 7 : i32
        %add3A_259 = arith.addi %add3A_198, %add3A_258 : i32
        %sub3A_260 = arith.constant 1 : i32
        %sub3A_261 = arith.subi %add3A_259, %sub3A_260 : i32
        %mul3A_262 = arith.constant 8 : i32
        %mul3A_263 = arith.muli %sub3A_261, %mul3A_262 : i32
        %dma_start3A_264 = tpu.memref_slice %arg5[%mul3A_263] : memref<616xi32, #tpu.memory_space<vmem>> -> memref<8xi32, #tpu.memory_space<vmem>>
        %dma_start3A_265 = arith.constant 0 : i32
        %dma_start3A_266 = arith.constant 0 : i32
        %dma_start3A_267 = tpu.memref_slice %arg3[%dma_start3A_265, %dma_start3A_266] : memref<49408x768xf32, #tpu.memory_space<hbm>> -> memref<49408x768xf32, #tpu.memory_space<hbm>>
        tpu.enqueue_indirect_dma source(%dma_start3A_267 : memref<49408x768xf32, #tpu.memory_space<hbm>>) target(%arg10 : memref<8x768xf32, #tpu.memory_space<vmem>>) offsets(%dma_start3A_264 : memref<8xi32, #tpu.memory_space<vmem>>) semaphore(%arg17 : memref<!tpu.dma_semaphore, #tpu.memory_space<semaphore_mem>>)
      } else {
      }
      %mul3A_219 = arith.constant 8 : i32
      %mul3A_220 = arith.muli %add3A_198, %mul3A_219 : i32
      %add3A_221 = arith.addi %mul3A_2, %mul3A_220 : i32
      %dma_start3A_222 = arith.constant 0 : i32
      %dma_start3A_223 = tpu.memref_slice %arg4[%add3A_221, %dma_start3A_222] : memref<19712x768xf32, #tpu.memory_space<hbm>> -> memref<8x768xf32, #tpu.memory_space<hbm>>
      %dma_start3A_224 = arith.constant 0 : i32
      %dma_start3A_225 = tpu.memref_slice %arg4[%add3A_221, %dma_start3A_224] : memref<19712x768xf32, #tpu.memory_space<hbm>> -> memref<8x768xf32, #tpu.memory_space<hbm>>
      tpu.enqueue_dma source(%arg11 : memref<8x768xf32, #tpu.memory_space<vmem>>) target(%dma_start3A_225 : memref<8x768xf32, #tpu.memory_space<hbm>>) target_semaphore(%arg25 : memref<!tpu.dma_semaphore, #tpu.memory_space<semaphore_mem>>)
      %mul3A_226 = arith.constant 7 : i32
      %mul3A_227 = arith.muli %scan3A_43, %mul3A_226 : i32
      %add3A_228 = arith.constant 6 : i32
      %add3A_229 = arith.addi %mul3A_227, %add3A_228 : i32
      %mul3A_230 = arith.constant 8 : i32
      %mul3A_231 = arith.muli %add3A_229, %mul3A_230 : i32
      %dma_wait3A_232 = tpu.memref_slice %arg5[%mul3A_231] : memref<616xi32, #tpu.memory_space<vmem>> -> memref<8xi32, #tpu.memory_space<vmem>>
      %dma_wait3A_233 = arith.constant 0 : i32
      %dma_wait3A_234 = arith.constant 0 : i32
      %dma_wait3A_235 = tpu.memref_slice %arg3[%dma_wait3A_233, %dma_wait3A_234] : memref<49408x768xf32, #tpu.memory_space<hbm>> -> memref<49408x768xf32, #tpu.memory_space<hbm>>
      tpu.wait_indirect_dma semaphore(%arg19 : memref<!tpu.dma_semaphore, #tpu.memory_space<semaphore_mem>>) src(%dma_wait3A_235 : memref<49408x768xf32, #tpu.memory_space<hbm>>) dst(%arg12 : memref<8x768xf32, #tpu.memory_space<vmem>>)
      %ge3A_236 = arith.constant 1 : i32
      %ge3A_237 = arith.cmpi sge, %add3A_229, %ge3A_236 : i32
      %convert_element_type3A_238 = arith.extui %ge3A_237 : i1 to i32
      %cond3A_239 = arith.constant 0 : i32
      %cond3A_240 = arith.cmpi ne, %convert_element_type3A_238, %cond3A_239 : i32
      scf.if %cond3A_240 {
        %sub3A_258 = arith.constant 1 : i32
        %sub3A_259 = arith.subi %add3A_229, %sub3A_258 : i32
        %mul3A_260 = arith.constant 8 : i32
        %mul3A_261 = arith.muli %sub3A_259, %mul3A_260 : i32
        %add3A_262 = arith.addi %mul3A_2, %mul3A_261 : i32
        %dma_wait3A_263 = arith.constant 0 : i32
        %dma_wait3A_264 = tpu.memref_slice %arg4[%add3A_262, %dma_wait3A_263] : memref<19712x768xf32, #tpu.memory_space<hbm>> -> memref<8x768xf32, #tpu.memory_space<hbm>>
        %dma_wait3A_265 = arith.constant 0 : i32
        %dma_wait3A_266 = tpu.memref_slice %arg4[%add3A_262, %dma_wait3A_265] : memref<19712x768xf32, #tpu.memory_space<hbm>> -> memref<8x768xf32, #tpu.memory_space<hbm>>
        tpu.wait_dma2 semaphore(%arg25 : memref<!tpu.dma_semaphore, #tpu.memory_space<semaphore_mem>>) src(%arg11 : memref<8x768xf32, #tpu.memory_space<vmem>>) dst(%dma_wait3A_266 : memref<8x768xf32, #tpu.memory_space<hbm>>)
      } else {
      }
      %add3A_241 = arith.constant 7 : i32
      %add3A_242 = arith.addi %add3A_229, %add3A_241 : i32
      %sub3A_243 = arith.constant 1 : i32
      %sub3A_244 = arith.subi %add3A_242, %sub3A_243 : i32
      %lt3A_245 = arith.constant 77 : i32
      %lt3A_246 = arith.cmpi slt, %sub3A_244, %lt3A_245 : i32
      %convert_element_type3A_247 = arith.extui %lt3A_246 : i1 to i32
      %cond3A_248 = arith.constant 0 : i32
      %cond3A_249 = arith.cmpi ne, %convert_element_type3A_247, %cond3A_248 : i32
      scf.if %cond3A_249 {
        %add3A_258 = arith.constant 7 : i32
        %add3A_259 = arith.addi %add3A_229, %add3A_258 : i32
        %sub3A_260 = arith.constant 1 : i32
        %sub3A_261 = arith.subi %add3A_259, %sub3A_260 : i32
        %mul3A_262 = arith.constant 8 : i32
        %mul3A_263 = arith.muli %sub3A_261, %mul3A_262 : i32
        %dma_start3A_264 = tpu.memref_slice %arg5[%mul3A_263] : memref<616xi32, #tpu.memory_space<vmem>> -> memref<8xi32, #tpu.memory_space<vmem>>
        %dma_start3A_265 = arith.constant 0 : i32
        %dma_start3A_266 = arith.constant 0 : i32
        %dma_start3A_267 = tpu.memref_slice %arg3[%dma_start3A_265, %dma_start3A_266] : memref<49408x768xf32, #tpu.memory_space<hbm>> -> memref<49408x768xf32, #tpu.memory_space<hbm>>
        tpu.enqueue_indirect_dma source(%dma_start3A_267 : memref<49408x768xf32, #tpu.memory_space<hbm>>) target(%arg11 : memref<8x768xf32, #tpu.memory_space<vmem>>) offsets(%dma_start3A_264 : memref<8xi32, #tpu.memory_space<vmem>>) semaphore(%arg18 : memref<!tpu.dma_semaphore, #tpu.memory_space<semaphore_mem>>)
      } else {
      }
      %mul3A_250 = arith.constant 8 : i32
      %mul3A_251 = arith.muli %add3A_229, %mul3A_250 : i32
      %add3A_252 = arith.addi %mul3A_2, %mul3A_251 : i32
      %dma_start3A_253 = arith.constant 0 : i32
      %dma_start3A_254 = tpu.memref_slice %arg4[%add3A_252, %dma_start3A_253] : memref<19712x768xf32, #tpu.memory_space<hbm>> -> memref<8x768xf32, #tpu.memory_space<hbm>>
      %dma_start3A_255 = arith.constant 0 : i32
      %dma_start3A_256 = tpu.memref_slice %arg4[%add3A_252, %dma_start3A_255] : memref<19712x768xf32, #tpu.memory_space<hbm>> -> memref<8x768xf32, #tpu.memory_space<hbm>>
      tpu.enqueue_dma source(%arg12 : memref<8x768xf32, #tpu.memory_space<vmem>>) target(%dma_start3A_256 : memref<8x768xf32, #tpu.memory_space<hbm>>) target_semaphore(%arg26 : memref<!tpu.dma_semaphore, #tpu.memory_space<semaphore_mem>>)
      %scan3A_257 = arith.constant 0 : i32
      scf.yield %scan3A_257 : i32
    }
    %scan3A_37 = arith.constant 11 : i32
    %add3A_38 = arith.constant 608 : i32
    %add3A_39 = arith.addi %mul3A_2, %add3A_38 : i32
    %dma_wait3A = arith.constant 0 : i32
    %dma_wait3A_40 = tpu.memref_slice %arg4[%add3A_39, %dma_wait3A] : memref<19712x768xf32, #tpu.memory_space<hbm>> -> memref<8x768xf32, #tpu.memory_space<hbm>>
    %dma_wait3A_41 = arith.constant 0 : i32
    %dma_wait3A_42 = tpu.memref_slice %arg4[%add3A_39, %dma_wait3A_41] : memref<19712x768xf32, #tpu.memory_space<hbm>> -> memref<8x768xf32, #tpu.memory_space<hbm>>
    tpu.wait_dma2 semaphore(%arg26 : memref<!tpu.dma_semaphore, #tpu.memory_space<semaphore_mem>>) src(%arg12 : memref<8x768xf32, #tpu.memory_space<vmem>>) dst(%dma_wait3A_42 : memref<8x768xf32, #tpu.memory_space<hbm>>)
    return
  }
}

module attributes {stable_mosaic.version = 14 : i64} {
  func.func @_add_body_first(%arg0: i32, %arg1: memref<616x768xf32, #tpu.memory_space<vmem>>, %arg2: memref<616x768xf32, #tpu.memory_space<vmem>>, %arg3: memref<8x77x768xf32, #tpu.memory_space<vmem>>) attributes {dimension_semantics = [#tpu.dimension_semantics<arbitrary>], iteration_bounds = array<i64: 32>, scalar_prefetch = 0 : i64, scratch_operands = 0 : i64, tpu.core_type = #tpu.core_type<tc>, window_params = [{transform_indices = @transform_0, window_bounds = array<i64: 616, 768>}, {pipeline_mode = #tpu.pipeline_mode<synchronous>, transform_indices = @transform_1, window_bounds = array<i64: 616, 768>}, {transform_indices = @transform_2, window_bounds = array<i64: 8, 77, 768>}]} {
    %get3A = arith.constant 0 : index
    %get3A_0 = arith.constant 0 : index
    %get3A_1 = vector.load %arg1[%get3A, %get3A_0] : memref<616x768xf32, #tpu.memory_space<vmem>>, vector<77x768xf32>
    %get3A_2 = arith.constant 0 : index
    %get3A_3 = arith.constant 0 : index
    %get3A_4 = vector.load %arg2[%get3A_2, %get3A_3] : memref<616x768xf32, #tpu.memory_space<vmem>>, vector<77x768xf32>
    %add3A = arith.addf %get3A_1, %get3A_4 : vector<77x768xf32>
    %swap3A = arith.constant 0 : index
    %swap3A_5 = arith.constant 0 : index
    %swap3A_6 = arith.constant 0 : index
    %swap3A_7 = vector.load %arg3[%swap3A, %swap3A_5, %swap3A_6] : memref<8x77x768xf32, #tpu.memory_space<vmem>>, vector<1x77x768xf32>
    %swap3A_8 = vector.shape_cast %swap3A_7 : vector<1x77x768xf32> to vector<77x768xf32>
    %swap3A_9 = vector.shape_cast %add3A : vector<77x768xf32> to vector<1x77x768xf32>
    tpu.vector_store %arg3[%swap3A, %swap3A_5, %swap3A_6], %swap3A_9 {strides = array<i32>} : memref<8x77x768xf32, #tpu.memory_space<vmem>>, vector<1x77x768xf32>,
    %get3A_10 = arith.constant 77 : index
    %get3A_11 = arith.constant 0 : index
    %get3A_12 = vector.load %arg1[%get3A_10, %get3A_11] : memref<616x768xf32, #tpu.memory_space<vmem>>, vector<77x768xf32>
    %get3A_13 = arith.constant 77 : index
    %get3A_14 = arith.constant 0 : index
    %get3A_15 = vector.load %arg2[%get3A_13, %get3A_14] : memref<616x768xf32, #tpu.memory_space<vmem>>, vector<77x768xf32>
    %add3A_16 = arith.addf %get3A_12, %get3A_15 : vector<77x768xf32>
    %swap3A_17 = arith.constant 1 : index
    %swap3A_18 = arith.constant 0 : index
    %swap3A_19 = arith.constant 0 : index
    %swap3A_20 = vector.load %arg3[%swap3A_17, %swap3A_18, %swap3A_19] : memref<8x77x768xf32, #tpu.memory_space<vmem>>, vector<1x77x768xf32>
    %swap3A_21 = vector.shape_cast %swap3A_20 : vector<1x77x768xf32> to vector<77x768xf32>
    %swap3A_22 = vector.shape_cast %add3A_16 : vector<77x768xf32> to vector<1x77x768xf32>
    tpu.vector_store %arg3[%swap3A_17, %swap3A_18, %swap3A_19], %swap3A_22 {strides = array<i32>} : memref<8x77x768xf32, #tpu.memory_space<vmem>>, vector<1x77x768xf32>,
    %get3A_23 = arith.constant 154 : index
    %get3A_24 = arith.constant 0 : index
    %get3A_25 = vector.load %arg1[%get3A_23, %get3A_24] : memref<616x768xf32, #tpu.memory_space<vmem>>, vector<77x768xf32>
    %get3A_26 = arith.constant 154 : index
    %get3A_27 = arith.constant 0 : index
    %get3A_28 = vector.load %arg2[%get3A_26, %get3A_27] : memref<616x768xf32, #tpu.memory_space<vmem>>, vector<77x768xf32>
    %add3A_29 = arith.addf %get3A_25, %get3A_28 : vector<77x768xf32>
    %swap3A_30 = arith.constant 2 : index
    %swap3A_31 = arith.constant 0 : index
    %swap3A_32 = arith.constant 0 : index
    %swap3A_33 = vector.load %arg3[%swap3A_30, %swap3A_31, %swap3A_32] : memref<8x77x768xf32, #tpu.memory_space<vmem>>, vector<1x77x768xf32>
    %swap3A_34 = vector.shape_cast %swap3A_33 : vector<1x77x768xf32> to vector<77x768xf32>
    %swap3A_35 = vector.shape_cast %add3A_29 : vector<77x768xf32> to vector<1x77x768xf32>
    tpu.vector_store %arg3[%swap3A_30, %swap3A_31, %swap3A_32], %swap3A_35 {strides = array<i32>} : memref<8x77x768xf32, #tpu.memory_space<vmem>>, vector<1x77x768xf32>,
    %get3A_36 = arith.constant 231 : index
    %get3A_37 = arith.constant 0 : index
    %get3A_38 = vector.load %arg1[%get3A_36, %get3A_37] : memref<616x768xf32, #tpu.memory_space<vmem>>, vector<77x768xf32>
    %get3A_39 = arith.constant 231 : index
    %get3A_40 = arith.constant 0 : index
    %get3A_41 = vector.load %arg2[%get3A_39, %get3A_40] : memref<616x768xf32, #tpu.memory_space<vmem>>, vector<77x768xf32>
    %add3A_42 = arith.addf %get3A_38, %get3A_41 : vector<77x768xf32>
    %swap3A_43 = arith.constant 3 : index
    %swap3A_44 = arith.constant 0 : index
    %swap3A_45 = arith.constant 0 : index
    %swap3A_46 = vector.load %arg3[%swap3A_43, %swap3A_44, %swap3A_45] : memref<8x77x768xf32, #tpu.memory_space<vmem>>, vector<1x77x768xf32>
    %swap3A_47 = vector.shape_cast %swap3A_46 : vector<1x77x768xf32> to vector<77x768xf32>
    %swap3A_48 = vector.shape_cast %add3A_42 : vector<77x768xf32> to vector<1x77x768xf32>
    tpu.vector_store %arg3[%swap3A_43, %swap3A_44, %swap3A_45], %swap3A_48 {strides = array<i32>} : memref<8x77x768xf32, #tpu.memory_space<vmem>>, vector<1x77x768xf32>,
    %get3A_49 = arith.constant 308 : index
    %get3A_50 = arith.constant 0 : index
    %get3A_51 = vector.load %arg1[%get3A_49, %get3A_50] : memref<616x768xf32, #tpu.memory_space<vmem>>, vector<77x768xf32>
    %get3A_52 = arith.constant 308 : index
    %get3A_53 = arith.constant 0 : index
    %get3A_54 = vector.load %arg2[%get3A_52, %get3A_53] : memref<616x768xf32, #tpu.memory_space<vmem>>, vector<77x768xf32>
    %add3A_55 = arith.addf %get3A_51, %get3A_54 : vector<77x768xf32>
    %swap3A_56 = arith.constant 4 : index
    %swap3A_57 = arith.constant 0 : index
    %swap3A_58 = arith.constant 0 : index
    %swap3A_59 = vector.load %arg3[%swap3A_56, %swap3A_57, %swap3A_58] : memref<8x77x768xf32, #tpu.memory_space<vmem>>, vector<1x77x768xf32>
    %swap3A_60 = vector.shape_cast %swap3A_59 : vector<1x77x768xf32> to vector<77x768xf32>
    %swap3A_61 = vector.shape_cast %add3A_55 : vector<77x768xf32> to vector<1x77x768xf32>
    tpu.vector_store %arg3[%swap3A_56, %swap3A_57, %swap3A_58], %swap3A_61 {strides = array<i32>} : memref<8x77x768xf32, #tpu.memory_space<vmem>>, vector<1x77x768xf32>,
    %get3A_62 = arith.constant 385 : index
    %get3A_63 = arith.constant 0 : index
    %get3A_64 = vector.load %arg1[%get3A_62, %get3A_63] : memref<616x768xf32, #tpu.memory_space<vmem>>, vector<77x768xf32>
    %get3A_65 = arith.constant 385 : index
    %get3A_66 = arith.constant 0 : index
    %get3A_67 = vector.load %arg2[%get3A_65, %get3A_66] : memref<616x768xf32, #tpu.memory_space<vmem>>, vector<77x768xf32>
    %add3A_68 = arith.addf %get3A_64, %get3A_67 : vector<77x768xf32>
    %swap3A_69 = arith.constant 5 : index
    %swap3A_70 = arith.constant 0 : index
    %swap3A_71 = arith.constant 0 : index
    %swap3A_72 = vector.load %arg3[%swap3A_69, %swap3A_70, %swap3A_71] : memref<8x77x768xf32, #tpu.memory_space<vmem>>, vector<1x77x768xf32>
    %swap3A_73 = vector.shape_cast %swap3A_72 : vector<1x77x768xf32> to vector<77x768xf32>
    %swap3A_74 = vector.shape_cast %add3A_68 : vector<77x768xf32> to vector<1x77x768xf32>
    tpu.vector_store %arg3[%swap3A_69, %swap3A_70, %swap3A_71], %swap3A_74 {strides = array<i32>} : memref<8x77x768xf32, #tpu.memory_space<vmem>>, vector<1x77x768xf32>,
    %get3A_75 = arith.constant 462 : index
    %get3A_76 = arith.constant 0 : index
    %get3A_77 = vector.load %arg1[%get3A_75, %get3A_76] : memref<616x768xf32, #tpu.memory_space<vmem>>, vector<77x768xf32>
    %get3A_78 = arith.constant 462 : index
    %get3A_79 = arith.constant 0 : index
    %get3A_80 = vector.load %arg2[%get3A_78, %get3A_79] : memref<616x768xf32, #tpu.memory_space<vmem>>, vector<77x768xf32>
    %add3A_81 = arith.addf %get3A_77, %get3A_80 : vector<77x768xf32>
    %swap3A_82 = arith.constant 6 : index
    %swap3A_83 = arith.constant 0 : index
    %swap3A_84 = arith.constant 0 : index
    %swap3A_85 = vector.load %arg3[%swap3A_82, %swap3A_83, %swap3A_84] : memref<8x77x768xf32, #tpu.memory_space<vmem>>, vector<1x77x768xf32>
    %swap3A_86 = vector.shape_cast %swap3A_85 : vector<1x77x768xf32> to vector<77x768xf32>
    %swap3A_87 = vector.shape_cast %add3A_81 : vector<77x768xf32> to vector<1x77x768xf32>
    tpu.vector_store %arg3[%swap3A_82, %swap3A_83, %swap3A_84], %swap3A_87 {strides = array<i32>} : memref<8x77x768xf32, #tpu.memory_space<vmem>>, vector<1x77x768xf32>,
    %get3A_88 = arith.constant 539 : index
    %get3A_89 = arith.constant 0 : index
    %get3A_90 = vector.load %arg1[%get3A_88, %get3A_89] : memref<616x768xf32, #tpu.memory_space<vmem>>, vector<77x768xf32>
    %get3A_91 = arith.constant 539 : index
    %get3A_92 = arith.constant 0 : index
    %get3A_93 = vector.load %arg2[%get3A_91, %get3A_92] : memref<616x768xf32, #tpu.memory_space<vmem>>, vector<77x768xf32>
    %add3A_94 = arith.addf %get3A_90, %get3A_93 : vector<77x768xf32>
    %swap3A_95 = arith.constant 7 : index
    %swap3A_96 = arith.constant 0 : index
    %swap3A_97 = arith.constant 0 : index
    %swap3A_98 = vector.load %arg3[%swap3A_95, %swap3A_96, %swap3A_97] : memref<8x77x768xf32, #tpu.memory_space<vmem>>, vector<1x77x768xf32>
    %swap3A_99 = vector.shape_cast %swap3A_98 : vector<1x77x768xf32> to vector<77x768xf32>
    %swap3A_100 = vector.shape_cast %add3A_94 : vector<77x768xf32> to vector<1x77x768xf32>
    tpu.vector_store %arg3[%swap3A_95, %swap3A_96, %swap3A_97], %swap3A_100 {strides = array<i32>} : memref<8x77x768xf32, #tpu.memory_space<vmem>>, vector<1x77x768xf32>,
    return
  }
  func.func @transform_0(%arg0: i32) -> (i32, i32) {
    %c0_i32 = arith.constant 0 : i32
    %c0_i32_0 = arith.constant 0 : i32
    return %arg0, %c0_i32 : i32, i32
  }
  func.func @transform_1(%arg0: i32) -> (i32, i32) {
    %c0_i32 = arith.constant 0 : i32
    %c0_i32_0 = arith.constant 0 : i32
    %c0_i32_1 = arith.constant 0 : i32
    return %c0_i32, %c0_i32_0 : i32, i32
  }
  func.func @transform_2(%arg0: i32) -> (i32, i32, i32) {
    %add3A = arith.constant 0 : i32
    %add3A_0 = arith.addi %add3A, %arg0 : i32
    %c0_i32 = arith.constant 0 : i32
    %c0_i32_1 = arith.constant 0 : i32
    %c0_i32_2 = arith.constant 0 : i32
    return %add3A_0, %c0_i32, %c0_i32_1 : i32, i32, i32
  }
}

module attributes {stable_mosaic.version = 14 : i64} {
  func.func @_add_body_next(%arg0: i32, %arg1: memref<616x768xf32, #tpu.memory_space<vmem>>, %arg2: memref<616x768xf32, #tpu.memory_space<vmem>>, %arg3: memref<1024x77x768xf32, #tpu.memory_space<any>>, %arg4: memref<8x77x768xf32, #tpu.memory_space<vmem>>) attributes {dimension_semantics = [#tpu.dimension_semantics<arbitrary>], iteration_bounds = array<i64: 32>, scalar_prefetch = 0 : i64, scratch_operands = 0 : i64, tpu.core_type = #tpu.core_type<tc>, window_params = [{transform_indices = @transform_0, window_bounds = array<i64: 616, 768>}, {pipeline_mode = #tpu.pipeline_mode<synchronous>, transform_indices = @transform_1, window_bounds = array<i64: 616, 768>}, {}, {transform_indices = @transform_3, window_bounds = array<i64: 8, 77, 768>}]} {
    %get3A = arith.constant 0 : index
    %get3A_0 = arith.constant 0 : index
    %get3A_1 = vector.load %arg1[%get3A, %get3A_0] : memref<616x768xf32, #tpu.memory_space<vmem>>, vector<77x768xf32>
    %get3A_2 = arith.constant 0 : index
    %get3A_3 = arith.constant 0 : index
    %get3A_4 = vector.load %arg2[%get3A_2, %get3A_3] : memref<616x768xf32, #tpu.memory_space<vmem>>, vector<77x768xf32>
    %add3A = arith.addf %get3A_1, %get3A_4 : vector<77x768xf32>
    %swap3A = arith.constant 0 : index
    %swap3A_5 = arith.constant 0 : index
    %swap3A_6 = arith.constant 0 : index
    %swap3A_7 = vector.load %arg4[%swap3A, %swap3A_5, %swap3A_6] : memref<8x77x768xf32, #tpu.memory_space<vmem>>, vector<1x77x768xf32>
    %swap3A_8 = vector.shape_cast %swap3A_7 : vector<1x77x768xf32> to vector<77x768xf32>
    %swap3A_9 = vector.shape_cast %add3A : vector<77x768xf32> to vector<1x77x768xf32>
    tpu.vector_store %arg4[%swap3A, %swap3A_5, %swap3A_6], %swap3A_9 {strides = array<i32>} : memref<8x77x768xf32, #tpu.memory_space<vmem>>, vector<1x77x768xf32>,
    %get3A_10 = arith.constant 77 : index
    %get3A_11 = arith.constant 0 : index
    %get3A_12 = vector.load %arg1[%get3A_10, %get3A_11] : memref<616x768xf32, #tpu.memory_space<vmem>>, vector<77x768xf32>
    %get3A_13 = arith.constant 77 : index
    %get3A_14 = arith.constant 0 : index
    %get3A_15 = vector.load %arg2[%get3A_13, %get3A_14] : memref<616x768xf32, #tpu.memory_space<vmem>>, vector<77x768xf32>
    %add3A_16 = arith.addf %get3A_12, %get3A_15 : vector<77x768xf32>
    %swap3A_17 = arith.constant 1 : index
    %swap3A_18 = arith.constant 0 : index
    %swap3A_19 = arith.constant 0 : index
    %swap3A_20 = vector.load %arg4[%swap3A_17, %swap3A_18, %swap3A_19] : memref<8x77x768xf32, #tpu.memory_space<vmem>>, vector<1x77x768xf32>
    %swap3A_21 = vector.shape_cast %swap3A_20 : vector<1x77x768xf32> to vector<77x768xf32>
    %swap3A_22 = vector.shape_cast %add3A_16 : vector<77x768xf32> to vector<1x77x768xf32>
    tpu.vector_store %arg4[%swap3A_17, %swap3A_18, %swap3A_19], %swap3A_22 {strides = array<i32>} : memref<8x77x768xf32, #tpu.memory_space<vmem>>, vector<1x77x768xf32>,
    %get3A_23 = arith.constant 154 : index
    %get3A_24 = arith.constant 0 : index
    %get3A_25 = vector.load %arg1[%get3A_23, %get3A_24] : memref<616x768xf32, #tpu.memory_space<vmem>>, vector<77x768xf32>
    %get3A_26 = arith.constant 154 : index
    %get3A_27 = arith.constant 0 : index
    %get3A_28 = vector.load %arg2[%get3A_26, %get3A_27] : memref<616x768xf32, #tpu.memory_space<vmem>>, vector<77x768xf32>
    %add3A_29 = arith.addf %get3A_25, %get3A_28 : vector<77x768xf32>
    %swap3A_30 = arith.constant 2 : index
    %swap3A_31 = arith.constant 0 : index
    %swap3A_32 = arith.constant 0 : index
    %swap3A_33 = vector.load %arg4[%swap3A_30, %swap3A_31, %swap3A_32] : memref<8x77x768xf32, #tpu.memory_space<vmem>>, vector<1x77x768xf32>
    %swap3A_34 = vector.shape_cast %swap3A_33 : vector<1x77x768xf32> to vector<77x768xf32>
    %swap3A_35 = vector.shape_cast %add3A_29 : vector<77x768xf32> to vector<1x77x768xf32>
    tpu.vector_store %arg4[%swap3A_30, %swap3A_31, %swap3A_32], %swap3A_35 {strides = array<i32>} : memref<8x77x768xf32, #tpu.memory_space<vmem>>, vector<1x77x768xf32>,
    %get3A_36 = arith.constant 231 : index
    %get3A_37 = arith.constant 0 : index
    %get3A_38 = vector.load %arg1[%get3A_36, %get3A_37] : memref<616x768xf32, #tpu.memory_space<vmem>>, vector<77x768xf32>
    %get3A_39 = arith.constant 231 : index
    %get3A_40 = arith.constant 0 : index
    %get3A_41 = vector.load %arg2[%get3A_39, %get3A_40] : memref<616x768xf32, #tpu.memory_space<vmem>>, vector<77x768xf32>
    %add3A_42 = arith.addf %get3A_38, %get3A_41 : vector<77x768xf32>
    %swap3A_43 = arith.constant 3 : index
    %swap3A_44 = arith.constant 0 : index
    %swap3A_45 = arith.constant 0 : index
    %swap3A_46 = vector.load %arg4[%swap3A_43, %swap3A_44, %swap3A_45] : memref<8x77x768xf32, #tpu.memory_space<vmem>>, vector<1x77x768xf32>
    %swap3A_47 = vector.shape_cast %swap3A_46 : vector<1x77x768xf32> to vector<77x768xf32>
    %swap3A_48 = vector.shape_cast %add3A_42 : vector<77x768xf32> to vector<1x77x768xf32>
    tpu.vector_store %arg4[%swap3A_43, %swap3A_44, %swap3A_45], %swap3A_48 {strides = array<i32>} : memref<8x77x768xf32, #tpu.memory_space<vmem>>, vector<1x77x768xf32>,
    %get3A_49 = arith.constant 308 : index
    %get3A_50 = arith.constant 0 : index
    %get3A_51 = vector.load %arg1[%get3A_49, %get3A_50] : memref<616x768xf32, #tpu.memory_space<vmem>>, vector<77x768xf32>
    %get3A_52 = arith.constant 308 : index
    %get3A_53 = arith.constant 0 : index
    %get3A_54 = vector.load %arg2[%get3A_52, %get3A_53] : memref<616x768xf32, #tpu.memory_space<vmem>>, vector<77x768xf32>
    %add3A_55 = arith.addf %get3A_51, %get3A_54 : vector<77x768xf32>
    %swap3A_56 = arith.constant 4 : index
    %swap3A_57 = arith.constant 0 : index
    %swap3A_58 = arith.constant 0 : index
    %swap3A_59 = vector.load %arg4[%swap3A_56, %swap3A_57, %swap3A_58] : memref<8x77x768xf32, #tpu.memory_space<vmem>>, vector<1x77x768xf32>
    %swap3A_60 = vector.shape_cast %swap3A_59 : vector<1x77x768xf32> to vector<77x768xf32>
    %swap3A_61 = vector.shape_cast %add3A_55 : vector<77x768xf32> to vector<1x77x768xf32>
    tpu.vector_store %arg4[%swap3A_56, %swap3A_57, %swap3A_58], %swap3A_61 {strides = array<i32>} : memref<8x77x768xf32, #tpu.memory_space<vmem>>, vector<1x77x768xf32>,
    %get3A_62 = arith.constant 385 : index
    %get3A_63 = arith.constant 0 : index
    %get3A_64 = vector.load %arg1[%get3A_62, %get3A_63] : memref<616x768xf32, #tpu.memory_space<vmem>>, vector<77x768xf32>
    %get3A_65 = arith.constant 385 : index
    %get3A_66 = arith.constant 0 : index
    %get3A_67 = vector.load %arg2[%get3A_65, %get3A_66] : memref<616x768xf32, #tpu.memory_space<vmem>>, vector<77x768xf32>
    %add3A_68 = arith.addf %get3A_64, %get3A_67 : vector<77x768xf32>
    %swap3A_69 = arith.constant 5 : index
    %swap3A_70 = arith.constant 0 : index
    %swap3A_71 = arith.constant 0 : index
    %swap3A_72 = vector.load %arg4[%swap3A_69, %swap3A_70, %swap3A_71] : memref<8x77x768xf32, #tpu.memory_space<vmem>>, vector<1x77x768xf32>
    %swap3A_73 = vector.shape_cast %swap3A_72 : vector<1x77x768xf32> to vector<77x768xf32>
    %swap3A_74 = vector.shape_cast %add3A_68 : vector<77x768xf32> to vector<1x77x768xf32>
    tpu.vector_store %arg4[%swap3A_69, %swap3A_70, %swap3A_71], %swap3A_74 {strides = array<i32>} : memref<8x77x768xf32, #tpu.memory_space<vmem>>, vector<1x77x768xf32>,
    %get3A_75 = arith.constant 462 : index
    %get3A_76 = arith.constant 0 : index
    %get3A_77 = vector.load %arg1[%get3A_75, %get3A_76] : memref<616x768xf32, #tpu.memory_space<vmem>>, vector<77x768xf32>
    %get3A_78 = arith.constant 462 : index
    %get3A_79 = arith.constant 0 : index
    %get3A_80 = vector.load %arg2[%get3A_78, %get3A_79] : memref<616x768xf32, #tpu.memory_space<vmem>>, vector<77x768xf32>
    %add3A_81 = arith.addf %get3A_77, %get3A_80 : vector<77x768xf32>
    %swap3A_82 = arith.constant 6 : index
    %swap3A_83 = arith.constant 0 : index
    %swap3A_84 = arith.constant 0 : index
    %swap3A_85 = vector.load %arg4[%swap3A_82, %swap3A_83, %swap3A_84] : memref<8x77x768xf32, #tpu.memory_space<vmem>>, vector<1x77x768xf32>
    %swap3A_86 = vector.shape_cast %swap3A_85 : vector<1x77x768xf32> to vector<77x768xf32>
    %swap3A_87 = vector.shape_cast %add3A_81 : vector<77x768xf32> to vector<1x77x768xf32>
    tpu.vector_store %arg4[%swap3A_82, %swap3A_83, %swap3A_84], %swap3A_87 {strides = array<i32>} : memref<8x77x768xf32, #tpu.memory_space<vmem>>, vector<1x77x768xf32>,
    %get3A_88 = arith.constant 539 : index
    %get3A_89 = arith.constant 0 : index
    %get3A_90 = vector.load %arg1[%get3A_88, %get3A_89] : memref<616x768xf32, #tpu.memory_space<vmem>>, vector<77x768xf32>
    %get3A_91 = arith.constant 539 : index
    %get3A_92 = arith.constant 0 : index
    %get3A_93 = vector.load %arg2[%get3A_91, %get3A_92] : memref<616x768xf32, #tpu.memory_space<vmem>>, vector<77x768xf32>
    %add3A_94 = arith.addf %get3A_90, %get3A_93 : vector<77x768xf32>
    %swap3A_95 = arith.constant 7 : index
    %swap3A_96 = arith.constant 0 : index
    %swap3A_97 = arith.constant 0 : index
    %swap3A_98 = vector.load %arg4[%swap3A_95, %swap3A_96, %swap3A_97] : memref<8x77x768xf32, #tpu.memory_space<vmem>>, vector<1x77x768xf32>
    %swap3A_99 = vector.shape_cast %swap3A_98 : vector<1x77x768xf32> to vector<77x768xf32>
    %swap3A_100 = vector.shape_cast %add3A_94 : vector<77x768xf32> to vector<1x77x768xf32>
    tpu.vector_store %arg4[%swap3A_95, %swap3A_96, %swap3A_97], %swap3A_100 {strides = array<i32>} : memref<8x77x768xf32, #tpu.memory_space<vmem>>, vector<1x77x768xf32>,
    return
  }
  func.func @transform_0(%arg0: i32) -> (i32, i32) {
    %c0_i32 = arith.constant 0 : i32
    %c0_i32_0 = arith.constant 0 : i32
    return %arg0, %c0_i32 : i32, i32
  }
  func.func @transform_1(%arg0: i32) -> (i32, i32) {
    %c0_i32 = arith.constant 0 : i32
    %c0_i32_0 = arith.constant 0 : i32
    %c0_i32_1 = arith.constant 0 : i32
    return %c0_i32, %c0_i32_0 : i32, i32
  }
  func.func @transform_3(%arg0: i32) -> (i32, i32, i32) {
    %add3A = arith.constant 32 : i32
    %add3A_0 = arith.addi %add3A, %arg0 : i32
    %c0_i32 = arith.constant 0 : i32
    %c0_i32_1 = arith.constant 0 : i32
    %c0_i32_2 = arith.constant 0 : i32
    return %add3A_0, %c0_i32, %c0_i32_1 : i32, i32, i32
  }
}

module attributes {stable_mosaic.version = 14 : i64} {
  func.func @_add_body_next(%arg0: i32, %arg1: memref<616x768xf32, #tpu.memory_space<vmem>>, %arg2: memref<616x768xf32, #tpu.memory_space<vmem>>, %arg3: memref<1024x77x768xf32, #tpu.memory_space<any>>, %arg4: memref<8x77x768xf32, #tpu.memory_space<vmem>>) attributes {dimension_semantics = [#tpu.dimension_semantics<arbitrary>], iteration_bounds = array<i64: 32>, scalar_prefetch = 0 : i64, scratch_operands = 0 : i64, tpu.core_type = #tpu.core_type<tc>, window_params = [{transform_indices = @transform_0, window_bounds = array<i64: 616, 768>}, {pipeline_mode = #tpu.pipeline_mode<synchronous>, transform_indices = @transform_1, window_bounds = array<i64: 616, 768>}, {}, {transform_indices = @transform_3, window_bounds = array<i64: 8, 77, 768>}]} {
    %get3A = arith.constant 0 : index
    %get3A_0 = arith.constant 0 : index
    %get3A_1 = vector.load %arg1[%get3A, %get3A_0] : memref<616x768xf32, #tpu.memory_space<vmem>>, vector<77x768xf32>
    %get3A_2 = arith.constant 0 : index
    %get3A_3 = arith.constant 0 : index
    %get3A_4 = vector.load %arg2[%get3A_2, %get3A_3] : memref<616x768xf32, #tpu.memory_space<vmem>>, vector<77x768xf32>
    %add3A = arith.addf %get3A_1, %get3A_4 : vector<77x768xf32>
    %swap3A = arith.constant 0 : index
    %swap3A_5 = arith.constant 0 : index
    %swap3A_6 = arith.constant 0 : index
    %swap3A_7 = vector.load %arg4[%swap3A, %swap3A_5, %swap3A_6] : memref<8x77x768xf32, #tpu.memory_space<vmem>>, vector<1x77x768xf32>
    %swap3A_8 = vector.shape_cast %swap3A_7 : vector<1x77x768xf32> to vector<77x768xf32>
    %swap3A_9 = vector.shape_cast %add3A : vector<77x768xf32> to vector<1x77x768xf32>
    tpu.vector_store %arg4[%swap3A, %swap3A_5, %swap3A_6], %swap3A_9 {strides = array<i32>} : memref<8x77x768xf32, #tpu.memory_space<vmem>>, vector<1x77x768xf32>,
    %get3A_10 = arith.constant 77 : index
    %get3A_11 = arith.constant 0 : index
    %get3A_12 = vector.load %arg1[%get3A_10, %get3A_11] : memref<616x768xf32, #tpu.memory_space<vmem>>, vector<77x768xf32>
    %get3A_13 = arith.constant 77 : index
    %get3A_14 = arith.constant 0 : index
    %get3A_15 = vector.load %arg2[%get3A_13, %get3A_14] : memref<616x768xf32, #tpu.memory_space<vmem>>, vector<77x768xf32>
    %add3A_16 = arith.addf %get3A_12, %get3A_15 : vector<77x768xf32>
    %swap3A_17 = arith.constant 1 : index
    %swap3A_18 = arith.constant 0 : index
    %swap3A_19 = arith.constant 0 : index
    %swap3A_20 = vector.load %arg4[%swap3A_17, %swap3A_18, %swap3A_19] : memref<8x77x768xf32, #tpu.memory_space<vmem>>, vector<1x77x768xf32>
    %swap3A_21 = vector.shape_cast %swap3A_20 : vector<1x77x768xf32> to vector<77x768xf32>
    %swap3A_22 = vector.shape_cast %add3A_16 : vector<77x768xf32> to vector<1x77x768xf32>
    tpu.vector_store %arg4[%swap3A_17, %swap3A_18, %swap3A_19], %swap3A_22 {strides = array<i32>} : memref<8x77x768xf32, #tpu.memory_space<vmem>>, vector<1x77x768xf32>,
    %get3A_23 = arith.constant 154 : index
    %get3A_24 = arith.constant 0 : index
    %get3A_25 = vector.load %arg1[%get3A_23, %get3A_24] : memref<616x768xf32, #tpu.memory_space<vmem>>, vector<77x768xf32>
    %get3A_26 = arith.constant 154 : index
    %get3A_27 = arith.constant 0 : index
    %get3A_28 = vector.load %arg2[%get3A_26, %get3A_27] : memref<616x768xf32, #tpu.memory_space<vmem>>, vector<77x768xf32>
    %add3A_29 = arith.addf %get3A_25, %get3A_28 : vector<77x768xf32>
    %swap3A_30 = arith.constant 2 : index
    %swap3A_31 = arith.constant 0 : index
    %swap3A_32 = arith.constant 0 : index
    %swap3A_33 = vector.load %arg4[%swap3A_30, %swap3A_31, %swap3A_32] : memref<8x77x768xf32, #tpu.memory_space<vmem>>, vector<1x77x768xf32>
    %swap3A_34 = vector.shape_cast %swap3A_33 : vector<1x77x768xf32> to vector<77x768xf32>
    %swap3A_35 = vector.shape_cast %add3A_29 : vector<77x768xf32> to vector<1x77x768xf32>
    tpu.vector_store %arg4[%swap3A_30, %swap3A_31, %swap3A_32], %swap3A_35 {strides = array<i32>} : memref<8x77x768xf32, #tpu.memory_space<vmem>>, vector<1x77x768xf32>,
    %get3A_36 = arith.constant 231 : index
    %get3A_37 = arith.constant 0 : index
    %get3A_38 = vector.load %arg1[%get3A_36, %get3A_37] : memref<616x768xf32, #tpu.memory_space<vmem>>, vector<77x768xf32>
    %get3A_39 = arith.constant 231 : index
    %get3A_40 = arith.constant 0 : index
    %get3A_41 = vector.load %arg2[%get3A_39, %get3A_40] : memref<616x768xf32, #tpu.memory_space<vmem>>, vector<77x768xf32>
    %add3A_42 = arith.addf %get3A_38, %get3A_41 : vector<77x768xf32>
    %swap3A_43 = arith.constant 3 : index
    %swap3A_44 = arith.constant 0 : index
    %swap3A_45 = arith.constant 0 : index
    %swap3A_46 = vector.load %arg4[%swap3A_43, %swap3A_44, %swap3A_45] : memref<8x77x768xf32, #tpu.memory_space<vmem>>, vector<1x77x768xf32>
    %swap3A_47 = vector.shape_cast %swap3A_46 : vector<1x77x768xf32> to vector<77x768xf32>
    %swap3A_48 = vector.shape_cast %add3A_42 : vector<77x768xf32> to vector<1x77x768xf32>
    tpu.vector_store %arg4[%swap3A_43, %swap3A_44, %swap3A_45], %swap3A_48 {strides = array<i32>} : memref<8x77x768xf32, #tpu.memory_space<vmem>>, vector<1x77x768xf32>,
    %get3A_49 = arith.constant 308 : index
    %get3A_50 = arith.constant 0 : index
    %get3A_51 = vector.load %arg1[%get3A_49, %get3A_50] : memref<616x768xf32, #tpu.memory_space<vmem>>, vector<77x768xf32>
    %get3A_52 = arith.constant 308 : index
    %get3A_53 = arith.constant 0 : index
    %get3A_54 = vector.load %arg2[%get3A_52, %get3A_53] : memref<616x768xf32, #tpu.memory_space<vmem>>, vector<77x768xf32>
    %add3A_55 = arith.addf %get3A_51, %get3A_54 : vector<77x768xf32>
    %swap3A_56 = arith.constant 4 : index
    %swap3A_57 = arith.constant 0 : index
    %swap3A_58 = arith.constant 0 : index
    %swap3A_59 = vector.load %arg4[%swap3A_56, %swap3A_57, %swap3A_58] : memref<8x77x768xf32, #tpu.memory_space<vmem>>, vector<1x77x768xf32>
    %swap3A_60 = vector.shape_cast %swap3A_59 : vector<1x77x768xf32> to vector<77x768xf32>
    %swap3A_61 = vector.shape_cast %add3A_55 : vector<77x768xf32> to vector<1x77x768xf32>
    tpu.vector_store %arg4[%swap3A_56, %swap3A_57, %swap3A_58], %swap3A_61 {strides = array<i32>} : memref<8x77x768xf32, #tpu.memory_space<vmem>>, vector<1x77x768xf32>,
    %get3A_62 = arith.constant 385 : index
    %get3A_63 = arith.constant 0 : index
    %get3A_64 = vector.load %arg1[%get3A_62, %get3A_63] : memref<616x768xf32, #tpu.memory_space<vmem>>, vector<77x768xf32>
    %get3A_65 = arith.constant 385 : index
    %get3A_66 = arith.constant 0 : index
    %get3A_67 = vector.load %arg2[%get3A_65, %get3A_66] : memref<616x768xf32, #tpu.memory_space<vmem>>, vector<77x768xf32>
    %add3A_68 = arith.addf %get3A_64, %get3A_67 : vector<77x768xf32>
    %swap3A_69 = arith.constant 5 : index
    %swap3A_70 = arith.constant 0 : index
    %swap3A_71 = arith.constant 0 : index
    %swap3A_72 = vector.load %arg4[%swap3A_69, %swap3A_70, %swap3A_71] : memref<8x77x768xf32, #tpu.memory_space<vmem>>, vector<1x77x768xf32>
    %swap3A_73 = vector.shape_cast %swap3A_72 : vector<1x77x768xf32> to vector<77x768xf32>
    %swap3A_74 = vector.shape_cast %add3A_68 : vector<77x768xf32> to vector<1x77x768xf32>
    tpu.vector_store %arg4[%swap3A_69, %swap3A_70, %swap3A_71], %swap3A_74 {strides = array<i32>} : memref<8x77x768xf32, #tpu.memory_space<vmem>>, vector<1x77x768xf32>,
    %get3A_75 = arith.constant 462 : index
    %get3A_76 = arith.constant 0 : index
    %get3A_77 = vector.load %arg1[%get3A_75, %get3A_76] : memref<616x768xf32, #tpu.memory_space<vmem>>, vector<77x768xf32>
    %get3A_78 = arith.constant 462 : index
    %get3A_79 = arith.constant 0 : index
    %get3A_80 = vector.load %arg2[%get3A_78, %get3A_79] : memref<616x768xf32, #tpu.memory_space<vmem>>, vector<77x768xf32>
    %add3A_81 = arith.addf %get3A_77, %get3A_80 : vector<77x768xf32>
    %swap3A_82 = arith.constant 6 : index
    %swap3A_83 = arith.constant 0 : index
    %swap3A_84 = arith.constant 0 : index
    %swap3A_85 = vector.load %arg4[%swap3A_82, %swap3A_83, %swap3A_84] : memref<8x77x768xf32, #tpu.memory_space<vmem>>, vector<1x77x768xf32>
    %swap3A_86 = vector.shape_cast %swap3A_85 : vector<1x77x768xf32> to vector<77x768xf32>
    %swap3A_87 = vector.shape_cast %add3A_81 : vector<77x768xf32> to vector<1x77x768xf32>
    tpu.vector_store %arg4[%swap3A_82, %swap3A_83, %swap3A_84], %swap3A_87 {strides = array<i32>} : memref<8x77x768xf32, #tpu.memory_space<vmem>>, vector<1x77x768xf32>,
    %get3A_88 = arith.constant 539 : index
    %get3A_89 = arith.constant 0 : index
    %get3A_90 = vector.load %arg1[%get3A_88, %get3A_89] : memref<616x768xf32, #tpu.memory_space<vmem>>, vector<77x768xf32>
    %get3A_91 = arith.constant 539 : index
    %get3A_92 = arith.constant 0 : index
    %get3A_93 = vector.load %arg2[%get3A_91, %get3A_92] : memref<616x768xf32, #tpu.memory_space<vmem>>, vector<77x768xf32>
    %add3A_94 = arith.addf %get3A_90, %get3A_93 : vector<77x768xf32>
    %swap3A_95 = arith.constant 7 : index
    %swap3A_96 = arith.constant 0 : index
    %swap3A_97 = arith.constant 0 : index
    %swap3A_98 = vector.load %arg4[%swap3A_95, %swap3A_96, %swap3A_97] : memref<8x77x768xf32, #tpu.memory_space<vmem>>, vector<1x77x768xf32>
    %swap3A_99 = vector.shape_cast %swap3A_98 : vector<1x77x768xf32> to vector<77x768xf32>
    %swap3A_100 = vector.shape_cast %add3A_94 : vector<77x768xf32> to vector<1x77x768xf32>
    tpu.vector_store %arg4[%swap3A_95, %swap3A_96, %swap3A_97], %swap3A_100 {strides = array<i32>} : memref<8x77x768xf32, #tpu.memory_space<vmem>>, vector<1x77x768xf32>,
    return
  }
  func.func @transform_0(%arg0: i32) -> (i32, i32) {
    %c0_i32 = arith.constant 0 : i32
    %c0_i32_0 = arith.constant 0 : i32
    return %arg0, %c0_i32 : i32, i32
  }
  func.func @transform_1(%arg0: i32) -> (i32, i32) {
    %c0_i32 = arith.constant 0 : i32
    %c0_i32_0 = arith.constant 0 : i32
    %c0_i32_1 = arith.constant 0 : i32
    return %c0_i32, %c0_i32_0 : i32, i32
  }
  func.func @transform_3(%arg0: i32) -> (i32, i32, i32) {
    %add3A = arith.constant 64 : i32
    %add3A_0 = arith.addi %add3A, %arg0 : i32
    %c0_i32 = arith.constant 0 : i32
    %c0_i32_1 = arith.constant 0 : i32
    %c0_i32_2 = arith.constant 0 : i32
    return %add3A_0, %c0_i32, %c0_i32_1 : i32, i32, i32
  }
}

module attributes {stable_mosaic.version = 14 : i64} {
  func.func @_add_body_next(%arg0: i32, %arg1: memref<616x768xf32, #tpu.memory_space<vmem>>, %arg2: memref<616x768xf32, #tpu.memory_space<vmem>>, %arg3: memref<1024x77x768xf32, #tpu.memory_space<any>>, %arg4: memref<8x77x768xf32, #tpu.memory_space<vmem>>) attributes {dimension_semantics = [#tpu.dimension_semantics<arbitrary>], iteration_bounds = array<i64: 32>, scalar_prefetch = 0 : i64, scratch_operands = 0 : i64, tpu.core_type = #tpu.core_type<tc>, window_params = [{transform_indices = @transform_0, window_bounds = array<i64: 616, 768>}, {pipeline_mode = #tpu.pipeline_mode<synchronous>, transform_indices = @transform_1, window_bounds = array<i64: 616, 768>}, {}, {transform_indices = @transform_3, window_bounds = array<i64: 8, 77, 768>}]} {
    %get3A = arith.constant 0 : index
    %get3A_0 = arith.constant 0 : index
    %get3A_1 = vector.load %arg1[%get3A, %get3A_0] : memref<616x768xf32, #tpu.memory_space<vmem>>, vector<77x768xf32>
    %get3A_2 = arith.constant 0 : index
    %get3A_3 = arith.constant 0 : index
    %get3A_4 = vector.load %arg2[%get3A_2, %get3A_3] : memref<616x768xf32, #tpu.memory_space<vmem>>, vector<77x768xf32>
    %add3A = arith.addf %get3A_1, %get3A_4 : vector<77x768xf32>
    %swap3A = arith.constant 0 : index
    %swap3A_5 = arith.constant 0 : index
    %swap3A_6 = arith.constant 0 : index
    %swap3A_7 = vector.load %arg4[%swap3A, %swap3A_5, %swap3A_6] : memref<8x77x768xf32, #tpu.memory_space<vmem>>, vector<1x77x768xf32>
    %swap3A_8 = vector.shape_cast %swap3A_7 : vector<1x77x768xf32> to vector<77x768xf32>
    %swap3A_9 = vector.shape_cast %add3A : vector<77x768xf32> to vector<1x77x768xf32>
    tpu.vector_store %arg4[%swap3A, %swap3A_5, %swap3A_6], %swap3A_9 {strides = array<i32>} : memref<8x77x768xf32, #tpu.memory_space<vmem>>, vector<1x77x768xf32>,
    %get3A_10 = arith.constant 77 : index
    %get3A_11 = arith.constant 0 : index
    %get3A_12 = vector.load %arg1[%get3A_10, %get3A_11] : memref<616x768xf32, #tpu.memory_space<vmem>>, vector<77x768xf32>
    %get3A_13 = arith.constant 77 : index
    %get3A_14 = arith.constant 0 : index
    %get3A_15 = vector.load %arg2[%get3A_13, %get3A_14] : memref<616x768xf32, #tpu.memory_space<vmem>>, vector<77x768xf32>
    %add3A_16 = arith.addf %get3A_12, %get3A_15 : vector<77x768xf32>
    %swap3A_17 = arith.constant 1 : index
    %swap3A_18 = arith.constant 0 : index
    %swap3A_19 = arith.constant 0 : index
    %swap3A_20 = vector.load %arg4[%swap3A_17, %swap3A_18, %swap3A_19] : memref<8x77x768xf32, #tpu.memory_space<vmem>>, vector<1x77x768xf32>
    %swap3A_21 = vector.shape_cast %swap3A_20 : vector<1x77x768xf32> to vector<77x768xf32>
    %swap3A_22 = vector.shape_cast %add3A_16 : vector<77x768xf32> to vector<1x77x768xf32>
    tpu.vector_store %arg4[%swap3A_17, %swap3A_18, %swap3A_19], %swap3A_22 {strides = array<i32>} : memref<8x77x768xf32, #tpu.memory_space<vmem>>, vector<1x77x768xf32>,
    %get3A_23 = arith.constant 154 : index
    %get3A_24 = arith.constant 0 : index
    %get3A_25 = vector.load %arg1[%get3A_23, %get3A_24] : memref<616x768xf32, #tpu.memory_space<vmem>>, vector<77x768xf32>
    %get3A_26 = arith.constant 154 : index
    %get3A_27 = arith.constant 0 : index
    %get3A_28 = vector.load %arg2[%get3A_26, %get3A_27] : memref<616x768xf32, #tpu.memory_space<vmem>>, vector<77x768xf32>
    %add3A_29 = arith.addf %get3A_25, %get3A_28 : vector<77x768xf32>
    %swap3A_30 = arith.constant 2 : index
    %swap3A_31 = arith.constant 0 : index
    %swap3A_32 = arith.constant 0 : index
    %swap3A_33 = vector.load %arg4[%swap3A_30, %swap3A_31, %swap3A_32] : memref<8x77x768xf32, #tpu.memory_space<vmem>>, vector<1x77x768xf32>
    %swap3A_34 = vector.shape_cast %swap3A_33 : vector<1x77x768xf32> to vector<77x768xf32>
    %swap3A_35 = vector.shape_cast %add3A_29 : vector<77x768xf32> to vector<1x77x768xf32>
    tpu.vector_store %arg4[%swap3A_30, %swap3A_31, %swap3A_32], %swap3A_35 {strides = array<i32>} : memref<8x77x768xf32, #tpu.memory_space<vmem>>, vector<1x77x768xf32>,
    %get3A_36 = arith.constant 231 : index
    %get3A_37 = arith.constant 0 : index
    %get3A_38 = vector.load %arg1[%get3A_36, %get3A_37] : memref<616x768xf32, #tpu.memory_space<vmem>>, vector<77x768xf32>
    %get3A_39 = arith.constant 231 : index
    %get3A_40 = arith.constant 0 : index
    %get3A_41 = vector.load %arg2[%get3A_39, %get3A_40] : memref<616x768xf32, #tpu.memory_space<vmem>>, vector<77x768xf32>
    %add3A_42 = arith.addf %get3A_38, %get3A_41 : vector<77x768xf32>
    %swap3A_43 = arith.constant 3 : index
    %swap3A_44 = arith.constant 0 : index
    %swap3A_45 = arith.constant 0 : index
    %swap3A_46 = vector.load %arg4[%swap3A_43, %swap3A_44, %swap3A_45] : memref<8x77x768xf32, #tpu.memory_space<vmem>>, vector<1x77x768xf32>
    %swap3A_47 = vector.shape_cast %swap3A_46 : vector<1x77x768xf32> to vector<77x768xf32>
    %swap3A_48 = vector.shape_cast %add3A_42 : vector<77x768xf32> to vector<1x77x768xf32>
    tpu.vector_store %arg4[%swap3A_43, %swap3A_44, %swap3A_45], %swap3A_48 {strides = array<i32>} : memref<8x77x768xf32, #tpu.memory_space<vmem>>, vector<1x77x768xf32>,
    %get3A_49 = arith.constant 308 : index
    %get3A_50 = arith.constant 0 : index
    %get3A_51 = vector.load %arg1[%get3A_49, %get3A_50] : memref<616x768xf32, #tpu.memory_space<vmem>>, vector<77x768xf32>
    %get3A_52 = arith.constant 308 : index
    %get3A_53 = arith.constant 0 : index
    %get3A_54 = vector.load %arg2[%get3A_52, %get3A_53] : memref<616x768xf32, #tpu.memory_space<vmem>>, vector<77x768xf32>
    %add3A_55 = arith.addf %get3A_51, %get3A_54 : vector<77x768xf32>
    %swap3A_56 = arith.constant 4 : index
    %swap3A_57 = arith.constant 0 : index
    %swap3A_58 = arith.constant 0 : index
    %swap3A_59 = vector.load %arg4[%swap3A_56, %swap3A_57, %swap3A_58] : memref<8x77x768xf32, #tpu.memory_space<vmem>>, vector<1x77x768xf32>
    %swap3A_60 = vector.shape_cast %swap3A_59 : vector<1x77x768xf32> to vector<77x768xf32>
    %swap3A_61 = vector.shape_cast %add3A_55 : vector<77x768xf32> to vector<1x77x768xf32>
    tpu.vector_store %arg4[%swap3A_56, %swap3A_57, %swap3A_58], %swap3A_61 {strides = array<i32>} : memref<8x77x768xf32, #tpu.memory_space<vmem>>, vector<1x77x768xf32>,
    %get3A_62 = arith.constant 385 : index
    %get3A_63 = arith.constant 0 : index
    %get3A_64 = vector.load %arg1[%get3A_62, %get3A_63] : memref<616x768xf32, #tpu.memory_space<vmem>>, vector<77x768xf32>
    %get3A_65 = arith.constant 385 : index
    %get3A_66 = arith.constant 0 : index
    %get3A_67 = vector.load %arg2[%get3A_65, %get3A_66] : memref<616x768xf32, #tpu.memory_space<vmem>>, vector<77x768xf32>
    %add3A_68 = arith.addf %get3A_64, %get3A_67 : vector<77x768xf32>
    %swap3A_69 = arith.constant 5 : index
    %swap3A_70 = arith.constant 0 : index
    %swap3A_71 = arith.constant 0 : index
    %swap3A_72 = vector.load %arg4[%swap3A_69, %swap3A_70, %swap3A_71] : memref<8x77x768xf32, #tpu.memory_space<vmem>>, vector<1x77x768xf32>
    %swap3A_73 = vector.shape_cast %swap3A_72 : vector<1x77x768xf32> to vector<77x768xf32>
    %swap3A_74 = vector.shape_cast %add3A_68 : vector<77x768xf32> to vector<1x77x768xf32>
    tpu.vector_store %arg4[%swap3A_69, %swap3A_70, %swap3A_71], %swap3A_74 {strides = array<i32>} : memref<8x77x768xf32, #tpu.memory_space<vmem>>, vector<1x77x768xf32>,
    %get3A_75 = arith.constant 462 : index
    %get3A_76 = arith.constant 0 : index
    %get3A_77 = vector.load %arg1[%get3A_75, %get3A_76] : memref<616x768xf32, #tpu.memory_space<vmem>>, vector<77x768xf32>
    %get3A_78 = arith.constant 462 : index
    %get3A_79 = arith.constant 0 : index
    %get3A_80 = vector.load %arg2[%get3A_78, %get3A_79] : memref<616x768xf32, #tpu.memory_space<vmem>>, vector<77x768xf32>
    %add3A_81 = arith.addf %get3A_77, %get3A_80 : vector<77x768xf32>
    %swap3A_82 = arith.constant 6 : index
    %swap3A_83 = arith.constant 0 : index
    %swap3A_84 = arith.constant 0 : index
    %swap3A_85 = vector.load %arg4[%swap3A_82, %swap3A_83, %swap3A_84] : memref<8x77x768xf32, #tpu.memory_space<vmem>>, vector<1x77x768xf32>
    %swap3A_86 = vector.shape_cast %swap3A_85 : vector<1x77x768xf32> to vector<77x768xf32>
    %swap3A_87 = vector.shape_cast %add3A_81 : vector<77x768xf32> to vector<1x77x768xf32>
    tpu.vector_store %arg4[%swap3A_82, %swap3A_83, %swap3A_84], %swap3A_87 {strides = array<i32>} : memref<8x77x768xf32, #tpu.memory_space<vmem>>, vector<1x77x768xf32>,
    %get3A_88 = arith.constant 539 : index
    %get3A_89 = arith.constant 0 : index
    %get3A_90 = vector.load %arg1[%get3A_88, %get3A_89] : memref<616x768xf32, #tpu.memory_space<vmem>>, vector<77x768xf32>
    %get3A_91 = arith.constant 539 : index
    %get3A_92 = arith.constant 0 : index
    %get3A_93 = vector.load %arg2[%get3A_91, %get3A_92] : memref<616x768xf32, #tpu.memory_space<vmem>>, vector<77x768xf32>
    %add3A_94 = arith.addf %get3A_90, %get3A_93 : vector<77x768xf32>
    %swap3A_95 = arith.constant 7 : index
    %swap3A_96 = arith.constant 0 : index
    %swap3A_97 = arith.constant 0 : index
    %swap3A_98 = vector.load %arg4[%swap3A_95, %swap3A_96, %swap3A_97] : memref<8x77x768xf32, #tpu.memory_space<vmem>>, vector<1x77x768xf32>
    %swap3A_99 = vector.shape_cast %swap3A_98 : vector<1x77x768xf32> to vector<77x768xf32>
    %swap3A_100 = vector.shape_cast %add3A_94 : vector<77x768xf32> to vector<1x77x768xf32>
    tpu.vector_store %arg4[%swap3A_95, %swap3A_96, %swap3A_97], %swap3A_100 {strides = array<i32>} : memref<8x77x768xf32, #tpu.memory_space<vmem>>, vector<1x77x768xf32>,
    return
  }
  func.func @transform_0(%arg0: i32) -> (i32, i32) {
    %c0_i32 = arith.constant 0 : i32
    %c0_i32_0 = arith.constant 0 : i32
    return %arg0, %c0_i32 : i32, i32
  }
  func.func @transform_1(%arg0: i32) -> (i32, i32) {
    %c0_i32 = arith.constant 0 : i32
    %c0_i32_0 = arith.constant 0 : i32
    %c0_i32_1 = arith.constant 0 : i32
    return %c0_i32, %c0_i32_0 : i32, i32
  }
  func.func @transform_3(%arg0: i32) -> (i32, i32, i32) {
    %add3A = arith.constant 96 : i32
    %add3A_0 = arith.addi %add3A, %arg0 : i32
    %c0_i32 = arith.constant 0 : i32
    %c0_i32_1 = arith.constant 0 : i32
    %c0_i32_2 = arith.constant 0 : i32
    return %add3A_0, %c0_i32, %c0_i32_1 : i32, i32, i32
  }
}

</mosaic_0001>

<sc_bundles>
// kernel: kernel.10.cloned.1.call-start
scs
__scs_entry_jumppad:
0x0: {  	(pc) =	sbr.rel $0x88, $3  }
0x1: {  	(tag) =	ssettag $0x0;
	lr =	simm.s32 $0x1  }
0x2: {  	[smem:$0x3F9E] =	sst lr;
	_ =	strace $0xD0000000  }
0x3: {  	_ = 	snop  }
0x4: {  	_ = 	snop  }
0x5: {  	_ = 	snop  }
0x6: {  	_ = 	snop  }
0x7: {  	_ = 	snop  }
__scs_overlays_trampoline_lowered:
0x8: {  	[smem:$0x3FAD] =	sst s0  }
0x9: {  	[smem:$0x3FAE] =	sst s1  }
0xa: {  	[smem:$0x3FAF] =	sst s2  }
0xb: {  	[smem:$0x3FB0] =	sst s3  }
0xc: {  	[smem:$0x3FB1] =	sst s4  }
0xd: {  	[smem:$0x3FB2] =	sst s5  }
0xe: {  	[smem:$0x3FB3] =	sst s6  }
0xf: {  	[smem:$0x3FB4] =	sst s7  }
0x10: {  	[smem:$0x3FB5] =	sst s8  }
0x11: {  	[smem:$0x3FB6] =	sst s9;
	s0 =	simm.s32 @!p0 $0x0  }
0x12: {  	s1 =	sld [smem:$0x3F9C];
	s0 =	simm.s32 @p0 $0x1  }
0x13: {  	[smem:$0x3FB7] =	sst s0;
	s0 =	simm.s32 @!p1 $0x0  }
0x14: {  	s2 =	sld [smem:$0x3F9B];
	s0 =	simm.s32 @p1 $0x1  }
0x15: {  	[smem:$0x3FB8] =	sst s0;
	s0 =	simm.s32 @!p2 $0x0  }
0x16: {  	s3 =	sld [smem:$0x3FDB];
	s0 =	simm.s32 @p2 $0x1  }
0x17: {  	s4 =	simm.s32 $0x1BF5;
	[smem:$0x3FBA] =	sst s0  }
0x18: {  	s0 =	sld [smem:$0x3F9D];
	_ =	swait.ge [sflag:s4], $0x0  }
0x19: {  	s7 =	sld [smem:$0x3F9E]  }
0x1a: {  	s8 =	sadd.s32 $0xFFFFE003, lr  }
0x1b: {  	s9 =	sadd.s32 $0xFFFFFEF7, lr;
	s5 =	simm.s32 $0xFFFFFFFF;
	p2 =	slt.u32 s8, $0xFFFFF086  }
0x1c: {  	p1 =	slt.u32 s9, $0xF7A;
	s5 =	simm.s32 @!p2 $0x0  }
0x1d: {  	s5 =	simm.s32 @p1 $0x1;
	p0 =	seq.s32 s7, s2  }
0x1e: {  	s7 =	smul.u32 @!p0 $0xF7A, s2;
	p2 =	seq.s32 @!p0 s5, $0x0  }
0x1f: {  	s9 =	smul.u32 $0xF7A, s1;
	s8 =	simm.s32 @!p0 $0x1BF5;
	p2 =	por !p2, p0  }
0x20: {  	[sflag:s8] =	ssyncset.s32 @!p0 $0xFFFFF086;
	s6 =	sadd.s32 @!p0 s3, s7;
	s7 =	simm.s32 @!p0 $0x108  }
0x21: {  	s3 =	sadd.s32 s3, s9;
	s6 =	sadd.s32 @!p0 $0x88, s6;
	s7 =	simm.s32 @p2 $0x1082  }
0x22: {  	[simem:s7], [sflag:s8] =	dma.local @!p0 [hbm:s6], $0xF7A  }
0x23: {  	s9 =	sor.u32 $0xD0000000, s2;
	s6 =	simm.s32 $0x108;
	_ =	swait.ge @!p0 [sflag:s8], $0x0  }
0x24: {  	s3 =	sadd.s32 $0x88, s3;
	s6 =	simm.s32 @!p1 $0x1082;
	[sflag:s4] =	ssyncset.s32 $0xFFFFF086  }
0x25: {  	[simem:s6], [sflag:s4] =	dma.local [hbm:s3], $0xF7A  }
0x26: {  	[smem:$0x3F9E] =	sst s1;
	(tag) =	ssettag s2;
	_ =	strace s9  }
0x27: {  	s1 =	sld [smem:$0x3FAE]  }
0x28: {  	s2 =	sld [smem:$0x3FAF]  }
0x29: {  	s4 =	sld [smem:$0x3FB1]  }
0x2a: {  	p0 =	seq.s32 s5, $0x0;
	s5 =	sld [smem:$0x3FB2]  }
0x2b: {  	s6 =	sld [smem:$0x3FB3]  }
0x2c: {  	s7 =	sld [smem:$0x3FB4]  }
0x2d: {  	s3 =	simm.s32 $0x108;
	s8 =	sld [smem:$0x3FB5]  }
0x2e: {  	s3 =	simm.s32 @!p0 $0x1082;
	s9 =	sld [smem:$0x3FB6]  }
0x2f: {  	lr =	sadd.s32 s0, s3;
	s0 =	sld [smem:$0x3FAD]  }
0x30: {  	s3 =	sld [smem:$0x3FB0]  }
0x31: {  	[smem:$0x3FB9] =	sst s10  }
0x32: {  	s10 =	sld [smem:$0x3FB7];
	_ =	sdelay $0x3  }
0x33: {  	p0 =	seq.s32 s10, $0x1;
	s10 =	sld [smem:$0x3FB9];
	_ =	sdelay $0x3  }
0x34: {  	[smem:$0x3FB9] =	sst s10  }
0x35: {  	s10 =	sld [smem:$0x3FB8];
	_ =	sdelay $0x3  }
0x36: {  	p1 =	seq.s32 s10, $0x1;
	s10 =	sld [smem:$0x3FB9];
	_ =	sdelay $0x3  }
0x37: {  	[smem:$0x3FB9] =	sst s10  }
0x38: {  	s10 =	sld [smem:$0x3FBA]  }
0x39: {  	_ = 	snop;
	(pc) =	sbr.ind lr, $3  }
0x3a: {  	_ = 	snop  }
0x3b: {  	_ = 	snop  }
0x3c: {  	p2 =	seq.s32 s10, $0x1;
	s10 =	sld [smem:$0x3FB9]  }
0x3d: {  	_ =	shalt  }
0x3e: {  	_ =	shalt  }
0x3f: {  	_ =	shalt  }
0x40: {  	_ =	shalt  }
0x41: {  	_ =	shalt  }
0x42: {  	_ =	shalt  }
0x43: {  	_ =	shalt  }
0x44: {  	_ =	shalt  }
0x45: {  	_ =	shalt  }
0x46: {  	_ =	shalt  }
0x47: {  	_ =	shalt  }
0x48: {  	_ =	shalt  }
0x49: {  	_ =	shalt  }
0x4a: {  	_ =	shalt  }
0x4b: {  	_ =	shalt  }
0x4c: {  	_ =	shalt  }
0x4d: {  	_ =	shalt  }
0x4e: {  	_ =	shalt  }
0x4f: {  	_ =	shalt  }
0x50: {  	_ =	shalt  }
0x51: {  	_ =	shalt  }
0x52: {  	_ =	shalt  }
0x53: {  	_ =	shalt  }
0x54: {  	_ =	shalt  }
0x55: {  	_ =	shalt  }
0x56: {  	_ =	shalt  }
0x57: {  	_ =	shalt  }
0x58: {  	_ =	shalt  }
0x59: {  	_ =	shalt  }
0x5a: {  	_ =	shalt  }
0x5b: {  	_ =	shalt  }
0x5c: {  	_ =	shalt  }
0x5d: {  	_ =	shalt  }
0x5e: {  	_ =	shalt  }
0x5f: {  	_ =	shalt  }
0x60: {  	_ =	shalt  }
0x61: {  	_ =	shalt  }
0x62: {  	_ =	shalt  }
0x63: {  	_ =	shalt  }
0x64: {  	_ =	shalt  }
0x65: {  	_ =	shalt  }
0x66: {  	_ =	shalt  }
0x67: {  	_ =	shalt  }
0x68: {  	_ =	shalt  }
0x69: {  	_ =	shalt  }
0x6a: {  	_ =	shalt  }
0x6b: {  	_ =	shalt  }
0x6c: {  	_ =	shalt  }
0x6d: {  	_ =	shalt  }
0x6e: {  	_ =	shalt  }
0x6f: {  	_ =	shalt  }
0x70: {  	_ =	shalt  }
0x71: {  	_ =	shalt  }
0x72: {  	_ =	shalt  }
0x73: {  	_ =	shalt  }
0x74: {  	_ =	shalt  }
0x75: {  	_ =	shalt  }
0x76: {  	_ =	shalt  }
0x77: {  	_ =	shalt  }
0x78: {  	_ =	shalt  }
0x79: {  	_ =	shalt  }
0x7a: {  	_ =	shalt  }
0x7b: {  	_ =	shalt  }
0x7c: {  	_ =	shalt  }
0x7d: {  	_ =	shalt  }
0x7e: {  	_ =	shalt  }
0x7f: {  	_ =	shalt  }
0x80: {  	_ =	shalt  }
0x81: {  	_ =	shalt  }
0x82: {  	_ =	shalt  }
0x83: {  	_ =	shalt  }
0x84: {  	_ =	shalt  }
0x85: {  	_ =	shalt  }
0x86: {  	_ =	shalt  }
0x87: {  	_ =	shalt  }
.Lfunc_end0:
.L_simem_size_0:
called_computation_lowered:
.L_overlay_start_0:
0x88: {  	s2 =	sld [smem:$0x3FD9]  }
0x89: {  	s3 =	sld [smem:$0x3FFE];
	_ =	sdelay $0x1  }
0x8a: {  	s1 =	srdreg.scid  }
0x8b: {  	s0 =	sand.u32 $0x1, s1  }
0x8c: {  	s17 =	sshll.u32 s0, $0xA;
	s2 =	sadd.s32 s3, s2  }
0x8d: {  	s2 =	sadd.s32 s2, s17  }
0x8e: {  	[smem:$0x3FC5] =	sst s2  }
0x8f: {  	_ = 	snop  }
0x90: {  	s2 =	sld [smem:$0x3FC8];
	(tm) =	ssettm $0x1  }
0x91: {  	s18 =	sld [smem:$0x3FFB];
	_ =	sdelay $0x3  }
0x92: {  	_ =	strace s18  }
0x93: {  	s3 =	sld [smem:$0x3FFC];
	_ =	sdelay $0x3  }
0x94: {  	_ =	strace s3  }
0x95: {  	s3 =	sld [smem:$0x3FFD];
	_ =	sdelay $0x3  }
0x96: {  	_ =	strace s3  }
0x97: {  	_ =	strace $0x8FFFFFFF  }
0x98: {  	s19 =	sld [smem:$0x3FDB];
	_ =	sdelay $0x1  }
0x99: {  	s4 =	simm.s32 $_scs_section_size  }
0x9a: {  	s5 =	simm.s32 $_size__tile_overlayer_lowered;
	s6 =	simm.s32 $_tile_overlayer_lowered  }
0x9b: {  	s22 =	simm.s32 $0x1BFF;
	s21 =	sshll.u32 s6, $0x1;
	s3 =	sadd.s32 s4, s19  }
0x9c: {  	s7 =	simm.s32 $0x0;
	s20 =	sshll.u32 s5, $0x1;
	s5 =	sadd.s32 s21, s3  }
0x9d: {  	[timem:s7], [sflag:s22] =	dma.local [hbm:s5], s20  }
0x9e: {  	_ =	swait.ge [sflag:s22], s20  }
0x9f: {  	s4 =	ssub.s32 $0x0, s20;
	[sflag:s22] =	ssyncset.done $0x0  }
0xa0: {  	[sflag:s22] =	ssyncadd.s32 s4;
	_ =	sdelay $0x1  }
0xa1: {  	s23 =	simm.s32 $0x1B8B  }
0xa2: {  	_ =	swait.ge [sflag:s23], $0x1  }
0xa3: {  	[sflag:s23] =	ssyncset.done $0x0  }
0xa4: {  	s25 =	simm.s32 $0x1B8E;
	s24 =	sld [smem:$0x3FFE];
	[sflag:s23] =	ssyncadd.s32 $0xFFFFFFFF  }
0xa5: {  	s26 =	simm.s32 $execute0_lowered;
	[smem:$0x3FD2] =	sst s25  }
0xa6: {  	s5 =	sshll.u32 s26, $0x1;
	_ =	strace $0x80000046;
	[dreg:$0x1] =	wrdreg $0xFFFFFFFF  }
0xa7: {  	s28 =	simm.s32 $_size_execute0_lowered;
	s3 =	sadd.s32 s3, s5;
	[dreg:$0x0] =	wrdreg $0x0  }
0xa8: {  	s5 =	sshll.u32 s28, $0x1;
	[dreg:$0x2] =	wrdreg s3  }
0xa9: {  	[dreg:$0x3] =	wrdreg s5  }
0xaa: {  	[dreg:$0x4] =	wrdreg $0xC0  }
0xab: {  	_ =	task [dreg:s7], $0x5FFFF  }
0xac: {  	[dreg:$0x1] =	wrdreg $0xFFFFFFFF  }
0xad: {  	[dreg:$0x0] =	wrdreg $0x60  }
0xae: {  	[dreg:$0x2] =	wrdreg s24  }
0xaf: {  	[dreg:$0x3] =	wrdreg s2  }
0xb0: {  	[dreg:$0x4] =	wrdreg $0x9  }
0xb1: {  	_ =	task.clear_ibuf [dreg:s7], $0x5FFFF;
	_ =	strace $0x90000046  }
0xb2: {  	s29 =	simm.s32 $0x9;
	_ =	strace $0x80000048  }
0xb3: {  	_ =	swait.ge [sflag:s29], $0x1  }
0xb4: {  	[sflag:s29] =	ssyncadd.s32 $0xFFFFFFFF  }
0xb5: {  	_ =	strace $0x90000048  }
0xb6: {  	_ =	sfence  }
0xb7: {  	s30 =	sld [smem:$0x0];
	_ =	sdelay $0x2  }
0xb8: {  	s31 =	sshll.u32 s1, $0xD;
	s1 =	sshrl.u32 s1, $0x2  }
0xb9: {  	s3 =	sand.u32 $0x4000, s31;
	s1 =	sadd.s32 s1, s30  }
0xba: {  	s0 =	sor.u32 s3, s0;
	s1 =	sshll.u32 s1, $0x11  }
0xbb: {  	s0 =	sor.u32 s1, s0  }
0xbc: {  	s0 =	sadd.s32 $0x8F2B, s0  }
0xbd: {  	[sflag:s0] =	ssyncadd.remote.s32 $0x1  }
0xbe: {  	_ =	sfence.sel $0xFFFF  }
0xbf: {  	[dreg:$0x0] =	wrdreg $0xFFFFFFFF;
	(pc) =	sbr.abs _section_cstart, $3  }
0xc0: {  	[dreg:$0x1] =	wrdreg $0xFFFFFFFF  }
0xc1: {  	_ =	task.clear_ibuf [dreg:s7], $0x2FFFF;
	_ =	strace $0x9FFFFFFF  }
0xc2: {  	(tm) =	ssettm $0x7FFFFFFF  }
0xc3: {  	_ =	shalt  }
tec
execute0_lowered:
.L_overlay_start_1:
0x0: {  	(tag) =	ssettag $0x1  }
0x1: {  	s0 =	srdreg.scid  }
0x2: {  	s3 =	stileid.u32;
	s4 =	rddreg [dreg:$0x0]  }
0x3: {  	s2 =	rddreg [dreg:$0x1];
	s9 =	simm.s32 $0x280;
	s12 =	simm.s32 $0x1A80  }
0x4: {  	s15 =	simm.s32 $0x3280;
	s18 =	simm.s32 $0x4A80;
	s21 =	simm.s32 $0x6280  }
0x5: {  	s25 =	simm.s32 $0x9A80;
	s26 =	simm.s32 $0xA280;
	s28 =	simm.s32 $0x1  }
0x6: {  	s29 =	simm.s32 $0x9280;
	s30 =	simm.s32 $0x2;
	s31 =	simm.s32 $0x8  }
0x7: {  	s10 =	simm.s32 $0x4;
	s11 =	simm.s32 $0xA;
	s13 =	simm.s32 $0x5  }
0x8: {  	s14 =	simm.s32 $0xB;
	s16 =	simm.s32 $0x6;
	s17 =	simm.s32 $0xC  }
0x9: {  	s19 =	simm.s32 $0x7;
	s0 =	sand.u32 $0x1, s0;
	s1 =	sshll.u32 s3, $0x1  }
0xa: {  	s5 =	smul.u32 $0x4D0, s3;
	s3 =	simm.s32 $0x0;
	s1 =	sor.u32 s0, s1  }
0xb: {  	s6 =	smul.u32 $0x268, s0;
	[smem:$0x7FF] =	sst s3;
	s0 =	ssub.s32 $0x2, s0  }
0xc: {  	s1 =	smul.u32 $0x268, s1;
	_ =	strace $0x80000047;
	[dreg:$0x5] =	wrdreg s25  }
0xd: {  	s20 =	simm.s32 $0xD;
	s7 =	sshrl.u32 s0, $0x1;
	[dreg:$0x6] =	wrdreg s26  }
0xe: {  	s5 =	sadd.s32 s6, s5;
	s0 =	ssub.s32 s0, s7;
	s1 =	sshrl.u32 s1, $0x3  }
0xf: {  	s6 =	sshrl.u32 s5, $0x3;
	s5 =	sadd.s32 $0x8, s5;
	s0 =	smax.u32 s0, $0x1  }
0x10: {  	s1 =	sadd.s32 s1, s4;
	s6 =	smul.u32 $0x300, s6;
	s5 =	sshrl.u32 s5, $0x3  }
0x11: {  	s4 =	sadd.s32 $0x2000, s4;
	[dreg:$0x8] =	wrdreg s0;
	s0 =	simm.s32 $0x9  }
0x12: {  	s8 =	smul.u32 $0x300, s5;
	s1 =	sadd.s32 $0x1600, s1;
	s5 =	sadd.s32 $0x100, s2  }
0x13: {  	v0 =	vlaneseq.u32;
	[dreg:$0x7] =	wrdreg s1;
	s23 =	sadd.s32 s6, s4;
	s6 =	sadd.s32 $0x200, s2  }
0x14: {  	v1 =	vshrl.u32 v0, $0x3;
	s1 =	simm.s32 $0x3;
	[dreg:$0x3] =	wrdreg s23;
	s24 =	sadd.s32 s8, s4  }
0x15: {  	vm0 =	vmmov $0xffff;
	v0 =	vand.u32 $0x7, v0;
	v1 =	vmul.u32 $0x8, v1;
	s23 =	simm.s32 $0x0;
	[dreg:$0x4] =	wrdreg s24;
	s24 =	simm.s32 $0x7A80  }
.LBB2_1:
0x16: {  	s4 =	rddreg [dreg:$0x7];
	s22 =	simm.s32 $0xF  }
0x17: {  	[tilespmem:s3], [sflag:$0xF] =	stream.linear.gather [hbm4b:s4+s3], $0x268, $0x38;
	[tilespmem:$0xAA80] =	vst v63  }
0x18: {  	_ =	swait.ge [sflag:s22], $0x268  }
0x19: {  	[sflag:s22] =	ssyncset.done $0x0  }
0x1a: {  	[sflag:s22] =	ssyncadd.s32 $0xFFFFFD98  }
0x1b: {  	v2 =	vld.msk [tilespmem:$0x0], $0xff;
	_ =	sdelay $0x4  }
0x1c: {  	v3 =	vshrl.u32 v2, $0x3  }
0x1d: {  	v3 =	vmul.u32 $0x30, v3  }
0x1e: {  	v2 =	vand.u32 $0x7, v2  }
0x1f: {  	v2 =	vor.u32 v2, v3  }
0x20: {  	v2 =	vperm.xlane v2, v0;
	_ =	sdelay $0x1  }
0x21: {  	v2 =	vadd.s32 v1, v2;
	_ =	sdelay $0x4  }
0x22: {  	[tilespmem:s9], [sflag:$0x1] =	stream.indirect_vreg.gather [hbm4b:s2+s3], $0x80, v2, vm0, $0xb8;
	[tilespmem:$0xAA80] =	vst v63  }
0x23: {  	s25 =	simm.s32 $0xA80  }
0x24: {  	[tilespmem:s25], [sflag:$0x1] =	stream.indirect_vreg.gather [hbm4b:s5+s3], $0x80, v2, vm0, $0xb8;
	[tilespmem:$0xAA80] =	vst v63  }
0x25: {  	s26 =	simm.s32 $0x1280  }
0x26: {  	[tilespmem:s26], [sflag:$0x1] =	stream.indirect_vreg.gather [hbm4b:s6+s3], $0x80, v2, vm0, $0xb8;
	[tilespmem:$0xAA80] =	vst v63  }
0x27: {  	v2 =	vld.msk [tilespmem:$0x8], $0xff;
	_ =	sdelay $0x4  }
0x28: {  	v3 =	vshrl.u32 v2, $0x3  }
0x29: {  	v3 =	vmul.u32 $0x30, v3  }
0x2a: {  	v2 =	vand.u32 $0x7, v2  }
0x2b: {  	v2 =	vor.u32 v2, v3  }
0x2c: {  	v2 =	vperm.xlane v2, v0;
	_ =	sdelay $0x1  }
0x2d: {  	v2 =	vadd.s32 v1, v2;
	_ =	sdelay $0x4  }
0x2e: {  	[tilespmem:s12], [sflag:$0x2] =	stream.indirect_vreg.gather [hbm4b:s2+s3], $0x80, v2, vm0, $0xb8;
	[tilespmem:$0xAA80] =	vst v63  }
0x2f: {  	s7 =	simm.s32 $0x2280  }
0x30: {  	[tilespmem:s7], [sflag:$0x2] =	stream.indirect_vreg.gather [hbm4b:s5+s3], $0x80, v2, vm0, $0xb8;
	[tilespmem:$0xAA80] =	vst v63  }
0x31: {  	s8 =	simm.s32 $0x2A80  }
0x32: {  	[tilespmem:s8], [sflag:$0x2] =	stream.indirect_vreg.gather [hbm4b:s6+s3], $0x80, v2, vm0, $0xb8;
	[tilespmem:$0xAA80] =	vst v63  }
0x33: {  	v2 =	vld.msk [tilespmem:$0x10], $0xff;
	_ =	sdelay $0x4  }
0x34: {  	v3 =	vshrl.u32 v2, $0x3  }
0x35: {  	v3 =	vmul.u32 $0x30, v3  }
0x36: {  	v2 =	vand.u32 $0x7, v2  }
0x37: {  	v2 =	vor.u32 v2, v3  }
0x38: {  	v2 =	vperm.xlane v2, v0;
	_ =	sdelay $0x1  }
0x39: {  	v2 =	vadd.s32 v1, v2;
	_ =	sdelay $0x4  }
0x3a: {  	[tilespmem:s15], [sflag:$0x3] =	stream.indirect_vreg.gather [hbm4b:s2+s3], $0x80, v2, vm0, $0xb8;
	[tilespmem:$0xAA80] =	vst v63  }
0x3b: {  	s22 =	simm.s32 $0x3A80  }
0x3c: {  	[tilespmem:s22], [sflag:$0x3] =	stream.indirect_vreg.gather [hbm4b:s5+s3], $0x80, v2, vm0, $0xb8;
	[tilespmem:$0xAA80] =	vst v63  }
0x3d: {  	s25 =	simm.s32 $0x4280  }
0x3e: {  	[tilespmem:s25], [sflag:$0x3] =	stream.indirect_vreg.gather [hbm4b:s6+s3], $0x80, v2, vm0, $0xb8;
	[tilespmem:$0xAA80] =	vst v63  }
0x3f: {  	v2 =	vld.msk [tilespmem:$0x18], $0xff;
	_ =	sdelay $0x4  }
0x40: {  	v3 =	vshrl.u32 v2, $0x3  }
0x41: {  	v3 =	vmul.u32 $0x30, v3  }
0x42: {  	v2 =	vand.u32 $0x7, v2  }
0x43: {  	v2 =	vor.u32 v2, v3  }
0x44: {  	v2 =	vperm.xlane v2, v0;
	_ =	sdelay $0x1  }
0x45: {  	v2 =	vadd.s32 v1, v2;
	_ =	sdelay $0x4  }
0x46: {  	[tilespmem:s18], [sflag:$0x4] =	stream.indirect_vreg.gather [hbm4b:s2+s3], $0x80, v2, vm0, $0xb8;
	[tilespmem:$0xAA80] =	vst v63  }
0x47: {  	s26 =	simm.s32 $0x5280  }
0x48: {  	[tilespmem:s26], [sflag:$0x4] =	stream.indirect_vreg.gather [hbm4b:s5+s3], $0x80, v2, vm0, $0xb8;
	[tilespmem:$0xAA80] =	vst v63  }
0x49: {  	s7 =	simm.s32 $0x5A80  }
0x4a: {  	[tilespmem:s7], [sflag:$0x4] =	stream.indirect_vreg.gather [hbm4b:s6+s3], $0x80, v2, vm0, $0xb8;
	[tilespmem:$0xAA80] =	vst v63  }
0x4b: {  	v2 =	vld.msk [tilespmem:$0x20], $0xff;
	_ =	sdelay $0x4  }
0x4c: {  	v3 =	vshrl.u32 v2, $0x3  }
0x4d: {  	v3 =	vmul.u32 $0x30, v3  }
0x4e: {  	v2 =	vand.u32 $0x7, v2  }
0x4f: {  	v2 =	vor.u32 v2, v3  }
0x50: {  	v2 =	vperm.xlane v2, v0;
	_ =	sdelay $0x1  }
0x51: {  	v2 =	vadd.s32 v1, v2;
	_ =	sdelay $0x4  }
0x52: {  	[tilespmem:s21], [sflag:$0x5] =	stream.indirect_vreg.gather [hbm4b:s2+s3], $0x80, v2, vm0, $0xb8;
	[tilespmem:$0xAA80] =	vst v63  }
0x53: {  	s8 =	simm.s32 $0x6A80  }
0x54: {  	[tilespmem:s8], [sflag:$0x5] =	stream.indirect_vreg.gather [hbm4b:s5+s3], $0x80, v2, vm0, $0xb8;
	[tilespmem:$0xAA80] =	vst v63  }
0x55: {  	s22 =	simm.s32 $0x7280  }
0x56: {  	[tilespmem:s22], [sflag:$0x5] =	stream.indirect_vreg.gather [hbm4b:s6+s3], $0x80, v2, vm0, $0xb8;
	[tilespmem:$0xAA80] =	vst v63  }
0x57: {  	v2 =	vld.msk [tilespmem:$0x28], $0xff;
	_ =	sdelay $0x4  }
0x58: {  	v3 =	vshrl.u32 v2, $0x3  }
0x59: {  	v3 =	vmul.u32 $0x30, v3  }
0x5a: {  	v2 =	vand.u32 $0x7, v2  }
0x5b: {  	v2 =	vor.u32 v2, v3  }
0x5c: {  	v2 =	vperm.xlane v2, v0;
	_ =	sdelay $0x1  }
0x5d: {  	v2 =	vadd.s32 v1, v2;
	_ =	sdelay $0x4  }
0x5e: {  	[tilespmem:s24], [sflag:$0x6] =	stream.indirect_vreg.gather [hbm4b:s2+s3], $0x80, v2, vm0, $0xb8;
	[tilespmem:$0xAA80] =	vst v63  }
0x5f: {  	s25 =	simm.s32 $0x8280  }
0x60: {  	[tilespmem:s25], [sflag:$0x6] =	stream.indirect_vreg.gather [hbm4b:s5+s3], $0x80, v2, vm0, $0xb8;
	[tilespmem:$0xAA80] =	vst v63  }
0x61: {  	s26 =	simm.s32 $0x8A80  }
0x62: {  	[tilespmem:s26], [sflag:$0x6] =	stream.indirect_vreg.gather [hbm4b:s6+s3], $0x80, v2, vm0, $0xb8;
	[tilespmem:$0xAA80] =	vst v63  }
0x63: {  	s25 =	simm.s32 $0x60;
	s26 =	simm.s32 $0x0  }
.LBB2_2:
0x64: {  	_ =	swait.ge [sflag:s28], $0x1800  }
0x65: {  	p0 =	seq.s32 s26, $0x0;
	[sflag:s28] =	ssyncset.done $0x0  }
0x66: {  	s4 =	simm.s32 @!p0 $0xE;
	[sflag:s28] =	ssyncadd.s32 $0xFFFFE800  }
0x67: {  	_ =	swait.ge @!p0 [sflag:s4], $0x1800  }
0x68: {  	[sflag:s4] =	ssyncset.done @!p0 $0x0  }
0x69: {  	[sflag:s4] =	ssyncadd.s32 @!p0 $0xFFFFE800  }
0x6a: {  	v2 =	vld.msk [tilespmem:s25+$0xFFFFFFD0], $0xff;
	_ =	sdelay $0x4  }
0x6b: {  	v3 =	vshrl.u32 v2, $0x3  }
0x6c: {  	v3 =	vmul.u32 $0x30, v3  }
0x6d: {  	v2 =	vand.u32 $0x7, v2  }
0x6e: {  	v2 =	vor.u32 v2, v3  }
0x6f: {  	v2 =	vperm.xlane v2, v0;
	_ =	sdelay $0x1  }
0x70: {  	v2 =	vadd.s32 v1, v2;
	_ =	sdelay $0x3  }
0x71: {  	s7 =	rddreg [dreg:$0x5]  }
0x72: {  	[tilespmem:s29], [sflag:$0x7] =	stream.indirect_vreg.gather [hbm4b:s2+s3], $0x80, v2, vm0, $0xb8;
	[tilespmem:$0xAA80] =	vst v63  }
0x73: {  	s8 =	rddreg [dreg:$0x6]  }
0x74: {  	[tilespmem:s7], [sflag:$0x7] =	stream.indirect_vreg.gather [hbm4b:s5+s3], $0x80, v2, vm0, $0xb8;
	[tilespmem:$0xAA80] =	vst v63  }
0x75: {  	s7 =	rddreg [dreg:$0x3]  }
0x76: {  	[tilespmem:s8], [sflag:$0x7] =	stream.indirect_vreg.gather [hbm4b:s6+s3], $0x80, v2, vm0, $0xb8;
	[tilespmem:$0xAA80] =	vst v63  }
0x77: {  	s4 =	sadd.s32 s26, s7  }
0x78: {  	[hbm4b:s4+s3] =	stream.linear.scatter [tilespmem:s9], [sflag:$0x8], $0x1800, $0x38;
	[tilespmem:$0xAA80] =	vst v63  }
0x79: {  	_ =	swait.ge [sflag:s30], $0x1800  }
0x7a: {  	[sflag:s30] =	ssyncset.done $0x0  }
0x7b: {  	[sflag:s30] =	ssyncadd.s32 $0xFFFFE800  }
0x7c: {  	_ =	swait.ge [sflag:s31], $0x1800  }
0x7d: {  	[sflag:s31] =	ssyncset.done $0x0  }
0x7e: {  	p0 =	seq.s32 s26, $0xD200;
	[sflag:s31] =	ssyncadd.s32 $0xFFFFE800  }
0x7f: {  	v2 =	vld.msk @!p0 [tilespmem:s25+$0xFFFFFFD8], $0xff;
	_ =	sdelay $0x4  }
0x80: {  	v3 =	vshrl.u32 @!p0 v2, $0x3  }
0x81: {  	v3 =	vmul.u32 @!p0 $0x30, v3  }
0x82: {  	v4 =	vlaneseq.u32 @!p0;
	v2 =	vand.u32 @!p0 $0x7, v2  }
0x83: {  	v2 =	vor.u32 @!p0 v2, v3;
	v3 =	vand.u32 @!p0 $0x7, v4;
	v4 =	vshrl.u32 @!p0 v4, $0x3  }
0x84: {  	v2 =	vperm.xlane @!p0 v2, v3;
	v4 =	vmul.u32 @!p0 $0x8, v4;
	_ =	sdelay $0x1  }
0x85: {  	v2 =	vadd.s32 @!p0 v4, v2;
	_ =	sdelay $0x3  }
0x86: {  	vm1 =	vmmov @!p0 $0xffff;
	s7 =	simm.s32 @!p0 $0x0;
	s8 =	simm.s32 @!p0 $0x280  }
0x87: {  	[tilespmem:s8], [sflag:$0x1] =	stream.indirect_vreg.gather @!p0 [hbm4b:s2+s7], $0x80, v2, vm1, $0xb8;
	[tilespmem:$0xAA80] =	vst v63  }
0x88: {  	s8 =	simm.s32 @!p0 $0xA80  }
0x89: {  	[tilespmem:s8], [sflag:$0x1] =	stream.indirect_vreg.gather @!p0 [hbm4b:s5+s7], $0x80, v2, vm1, $0xb8;
	[tilespmem:$0xAA80] =	vst v63  }
0x8a: {  	s22 =	simm.s32 @!p0 $0x1280;
	s8 =	rddreg [dreg:$0x4]  }
0x8b: {  	[tilespmem:s22], [sflag:$0x1] =	stream.indirect_vreg.gather @!p0 [hbm4b:s6+s7], $0x80, v2, vm1, $0xb8;
	[tilespmem:$0xAA80] =	vst v63  }
0x8c: {  	s8 =	sadd.s32 s26, s8  }
0x8d: {  	[hbm4b:s8+s3] =	stream.linear.scatter [tilespmem:s12], [sflag:$0x9], $0x1800, $0x38;
	[tilespmem:$0xAA80] =	vst v63  }
0x8e: {  	_ =	swait.ge [sflag:s1], $0x1800  }
0x8f: {  	[sflag:s1] =	ssyncset.done $0x0  }
0x90: {  	[sflag:s1] =	ssyncadd.s32 $0xFFFFE800  }
0x91: {  	_ =	swait.ge [sflag:s0], $0x1800  }
0x92: {  	[sflag:s0] =	ssyncset.done $0x0  }
0x93: {  	[sflag:s0] =	ssyncadd.s32 $0xFFFFE800  }
0x94: {  	v2 =	vld.msk @!p0 [tilespmem:s25+$0xFFFFFFE0], $0xff;
	_ =	sdelay $0x4  }
0x95: {  	v5 =	vshrl.u32 @!p0 v2, $0x3  }
0x96: {  	v5 =	vmul.u32 @!p0 $0x30, v5  }
0x97: {  	v2 =	vand.u32 @!p0 $0x7, v2  }
0x98: {  	v2 =	vor.u32 @!p0 v2, v5  }
0x99: {  	v2 =	vperm.xlane @!p0 v2, v3;
	_ =	sdelay $0x1  }
0x9a: {  	v2 =	vadd.s32 @!p0 v4, v2;
	_ =	sdelay $0x3  }
0x9b: {  	s8 =	simm.s32 @!p0 $0x1A80  }
0x9c: {  	[tilespmem:s8], [sflag:$0x2] =	stream.indirect_vreg.gather @!p0 [hbm4b:s2+s7], $0x80, v2, vm1, $0xb8;
	[tilespmem:$0xAA80] =	vst v63  }
0x9d: {  	s8 =	simm.s32 @!p0 $0x2280  }
0x9e: {  	[tilespmem:s8], [sflag:$0x2] =	stream.indirect_vreg.gather @!p0 [hbm4b:s5+s7], $0x80, v2, vm1, $0xb8;
	[tilespmem:$0xAA80] =	vst v63  }
0x9f: {  	s8 =	simm.s32 @!p0 $0x2A80  }
0xa0: {  	[tilespmem:s8], [sflag:$0x2] =	stream.indirect_vreg.gather @!p0 [hbm4b:s6+s7], $0x80, v2, vm1, $0xb8;
	[tilespmem:$0xAA80] =	vst v63  }
0xa1: {  	s22 =	sadd.s32 $0x600, s4  }
0xa2: {  	[hbm4b:s22+s3] =	stream.linear.scatter [tilespmem:s15], [sflag:$0xA], $0x1800, $0x38;
	[tilespmem:$0xAA80] =	vst v63  }
0xa3: {  	_ =	swait.ge [sflag:s10], $0x1800  }
0xa4: {  	[sflag:s10] =	ssyncset.done $0x0  }
0xa5: {  	[sflag:s10] =	ssyncadd.s32 $0xFFFFE800  }
0xa6: {  	_ =	swait.ge [sflag:s11], $0x1800  }
0xa7: {  	[sflag:s11] =	ssyncset.done $0x0  }
0xa8: {  	[sflag:s11] =	ssyncadd.s32 $0xFFFFE800  }
0xa9: {  	v2 =	vld.msk @!p0 [tilespmem:s25+$0xFFFFFFE8], $0xff;
	_ =	sdelay $0x4  }
0xaa: {  	v5 =	vshrl.u32 @!p0 v2, $0x3  }
0xab: {  	v5 =	vmul.u32 @!p0 $0x30, v5  }
0xac: {  	v2 =	vand.u32 @!p0 $0x7, v2  }
0xad: {  	v2 =	vor.u32 @!p0 v2, v5  }
0xae: {  	v2 =	vperm.xlane @!p0 v2, v3;
	_ =	sdelay $0x1  }
0xaf: {  	v2 =	vadd.s32 @!p0 v4, v2;
	_ =	sdelay $0x3  }
0xb0: {  	s8 =	simm.s32 @!p0 $0x3280  }
0xb1: {  	[tilespmem:s8], [sflag:$0x3] =	stream.indirect_vreg.gather @!p0 [hbm4b:s2+s7], $0x80, v2, vm1, $0xb8;
	[tilespmem:$0xAA80] =	vst v63  }
0xb2: {  	s8 =	simm.s32 @!p0 $0x3A80  }
0xb3: {  	[tilespmem:s8], [sflag:$0x3] =	stream.indirect_vreg.gather @!p0 [hbm4b:s5+s7], $0x80, v2, vm1, $0xb8;
	[tilespmem:$0xAA80] =	vst v63  }
0xb4: {  	s8 =	simm.s32 @!p0 $0x4280  }
0xb5: {  	[tilespmem:s8], [sflag:$0x3] =	stream.indirect_vreg.gather @!p0 [hbm4b:s6+s7], $0x80, v2, vm1, $0xb8;
	[tilespmem:$0xAA80] =	vst v63  }
0xb6: {  	s22 =	sadd.s32 $0x900, s4  }
0xb7: {  	[hbm4b:s22+s3] =	stream.linear.scatter [tilespmem:s18], [sflag:$0xB], $0x1800, $0x38;
	[tilespmem:$0xAA80] =	vst v63  }
0xb8: {  	_ =	swait.ge [sflag:s13], $0x1800  }
0xb9: {  	[sflag:s13] =	ssyncset.done $0x0  }
0xba: {  	[sflag:s13] =	ssyncadd.s32 $0xFFFFE800  }
0xbb: {  	_ =	swait.ge [sflag:s14], $0x1800  }
0xbc: {  	[sflag:s14] =	ssyncset.done $0x0  }
0xbd: {  	[sflag:s14] =	ssyncadd.s32 $0xFFFFE800  }
0xbe: {  	v2 =	vld.msk @!p0 [tilespmem:s25+$0xFFFFFFF0], $0xff;
	_ =	sdelay $0x4  }
0xbf: {  	v5 =	vshrl.u32 @!p0 v2, $0x3  }
0xc0: {  	v5 =	vmul.u32 @!p0 $0x30, v5  }
0xc1: {  	v2 =	vand.u32 @!p0 $0x7, v2  }
0xc2: {  	v2 =	vor.u32 @!p0 v2, v5  }
0xc3: {  	v2 =	vperm.xlane @!p0 v2, v3;
	_ =	sdelay $0x1  }
0xc4: {  	v2 =	vadd.s32 @!p0 v4, v2;
	_ =	sdelay $0x3  }
0xc5: {  	s8 =	simm.s32 @!p0 $0x4A80  }
0xc6: {  	[tilespmem:s8], [sflag:$0x4] =	stream.indirect_vreg.gather @!p0 [hbm4b:s2+s7], $0x80, v2, vm1, $0xb8;
	[tilespmem:$0xAA80] =	vst v63  }
0xc7: {  	s8 =	simm.s32 @!p0 $0x5280  }
0xc8: {  	[tilespmem:s8], [sflag:$0x4] =	stream.indirect_vreg.gather @!p0 [hbm4b:s5+s7], $0x80, v2, vm1, $0xb8;
	[tilespmem:$0xAA80] =	vst v63  }
0xc9: {  	s8 =	simm.s32 @!p0 $0x5A80  }
0xca: {  	[tilespmem:s8], [sflag:$0x4] =	stream.indirect_vreg.gather @!p0 [hbm4b:s6+s7], $0x80, v2, vm1, $0xb8;
	[tilespmem:$0xAA80] =	vst v63  }
0xcb: {  	s22 =	sadd.s32 $0xC00, s4  }
0xcc: {  	[hbm4b:s22+s3] =	stream.linear.scatter [tilespmem:s21], [sflag:$0xC], $0x1800, $0x38;
	[tilespmem:$0xAA80] =	vst v63  }
0xcd: {  	_ =	swait.ge [sflag:s16], $0x1800  }
0xce: {  	[sflag:s16] =	ssyncset.done $0x0  }
0xcf: {  	[sflag:s16] =	ssyncadd.s32 $0xFFFFE800  }
0xd0: {  	_ =	swait.ge [sflag:s17], $0x1800  }
0xd1: {  	[sflag:s17] =	ssyncset.done $0x0  }
0xd2: {  	[sflag:s17] =	ssyncadd.s32 $0xFFFFE800  }
0xd3: {  	v2 =	vld.msk @!p0 [tilespmem:s25+$0xFFFFFFF8], $0xff;
	_ =	sdelay $0x4  }
0xd4: {  	v5 =	vshrl.u32 @!p0 v2, $0x3  }
0xd5: {  	v5 =	vmul.u32 @!p0 $0x30, v5  }
0xd6: {  	v2 =	vand.u32 @!p0 $0x7, v2  }
0xd7: {  	v2 =	vor.u32 @!p0 v2, v5  }
0xd8: {  	v2 =	vperm.xlane @!p0 v2, v3;
	_ =	sdelay $0x1  }
0xd9: {  	v2 =	vadd.s32 @!p0 v4, v2;
	_ =	sdelay $0x3  }
0xda: {  	s8 =	simm.s32 @!p0 $0x6280  }
0xdb: {  	[tilespmem:s8], [sflag:$0x5] =	stream.indirect_vreg.gather @!p0 [hbm4b:s2+s7], $0x80, v2, vm1, $0xb8;
	[tilespmem:$0xAA80] =	vst v63  }
0xdc: {  	s8 =	simm.s32 @!p0 $0x6A80  }
0xdd: {  	[tilespmem:s8], [sflag:$0x5] =	stream.indirect_vreg.gather @!p0 [hbm4b:s5+s7], $0x80, v2, vm1, $0xb8;
	[tilespmem:$0xAA80] =	vst v63  }
0xde: {  	s8 =	simm.s32 @!p0 $0x7280  }
0xdf: {  	[tilespmem:s8], [sflag:$0x5] =	stream.indirect_vreg.gather @!p0 [hbm4b:s6+s7], $0x80, v2, vm1, $0xb8;
	[tilespmem:$0xAA80] =	vst v63  }
0xe0: {  	s22 =	sadd.s32 $0xF00, s4  }
0xe1: {  	[hbm4b:s22+s3] =	stream.linear.scatter [tilespmem:s24], [sflag:$0xD], $0x1800, $0x38;
	[tilespmem:$0xAA80] =	vst v63  }
0xe2: {  	_ =	swait.ge [sflag:s19], $0x1800  }
0xe3: {  	[sflag:s19] =	ssyncset.done $0x0  }
0xe4: {  	[sflag:s19] =	ssyncadd.s32 $0xFFFFE800  }
0xe5: {  	_ =	swait.ge [sflag:s20], $0x1800  }
0xe6: {  	[sflag:s20] =	ssyncset.done $0x0  }
0xe7: {  	[sflag:s20] =	ssyncadd.s32 $0xFFFFE800  }
0xe8: {  	v2 =	vld.msk @!p0 [tilespmem:s25+$0x0], $0xff;
	_ =	sdelay $0x4  }
0xe9: {  	v5 =	vshrl.u32 @!p0 v2, $0x3  }
0xea: {  	v5 =	vmul.u32 @!p0 $0x30, v5  }
0xeb: {  	v2 =	vand.u32 @!p0 $0x7, v2  }
0xec: {  	v2 =	vor.u32 @!p0 v2, v5  }
0xed: {  	v2 =	vperm.xlane @!p0 v2, v3;
	_ =	sdelay $0x1  }
0xee: {  	v2 =	vadd.s32 @!p0 v4, v2;
	_ =	sdelay $0x3  }
0xef: {  	s8 =	simm.s32 @!p0 $0x7A80  }
0xf0: {  	[tilespmem:s8], [sflag:$0x6] =	stream.indirect_vreg.gather @!p0 [hbm4b:s2+s7], $0x80, v2, vm1, $0xb8;
	[tilespmem:$0xAA80] =	vst v63  }
0xf1: {  	s8 =	simm.s32 @!p0 $0x8280  }
0xf2: {  	[tilespmem:s8], [sflag:$0x6] =	stream.indirect_vreg.gather @!p0 [hbm4b:s5+s7], $0x80, v2, vm1, $0xb8;
	[tilespmem:$0xAA80] =	vst v63  }
0xf3: {  	s26 =	sadd.s32 $0x1500, s26;
	s8 =	simm.s32 @!p0 $0x8A80  }
0xf4: {  	[tilespmem:s8], [sflag:$0x6] =	stream.indirect_vreg.gather @!p0 [hbm4b:s6+s7], $0x80, v2, vm1, $0xb8;
	[tilespmem:$0xAA80] =	vst v63  }
0xf5: {  	p0 =	sne.s32 s26, $0xE700  }
.Ltmp0:
0xf6: {  	_ = 	snop;
	(pc) =	sbr.rel @p0 .LBB2_2-.Ltmp0, $3  }
0xf7: {  	_ =	sdelay $0x1  }
0xf8: {  	s4 =	sadd.s32 $0x1200, s4;
	s25 =	sadd.s32 $0x38, s25  }
0xf9: {  	[hbm4b:s4+s3] =	stream.linear.scatter [tilespmem:s29], [sflag:$0xE], $0x1800, $0x38;
	[tilespmem:$0xAA80] =	vst v63  }
0xfa: {  	s7 =	simm.s32 $0xE  }
0xfb: {  	_ =	swait.ge [sflag:s7], $0x1800  }
0xfc: {  	s23 =	sadd.s32 $0x1, s23;
	s4 =	rddreg [dreg:$0x8]  }
0xfd: {  	p0 =	sne.s32 s23, s4  }
.Ltmp1:
0xfe: {  	_ = 	snop;
	(pc) =	sbr.rel @p0 .LBB2_1-.Ltmp1, $3  }
0xff: {  	_ =	sdelay $0x1  }
0x100: {  	[sflag:s7] =	ssyncset.done $0x0  }
0x101: {  	[sflag:s7] =	ssyncadd.s32 $0xFFFFE800  }
0x102: {  	_ =	sfence.sel $0x180000  }
0x103: {  	[bflag:$0x0] =	sbarrier.arrive $0xFFFF  }
0x104: {  	_ =	strace $0x90000047  }
0x105: {  	s0 =	stileid.u32;
	[bflag:$0x2] =	sbarrier.arrive $0xFFFF  }
0x106: {  	p0 =	sne.s32 s0, $0x0;
	s0 =	rddreg [dreg:$0x2]  }
0x107: {  	s0 =	sadd.s32 @!p0 $0x100000, s0  }
0x108: {  	[sflag:s0] =	ssyncadd.tile.s32 @!p0 $0x1;
	_ =	shalt  }
.Lfunc_end2:
_tile_overlayer_lowered:
.L_overlay_start_2:
0x109: {  	(tag) =	ssettag $0x2  }
0x10a: {  	s0 =	rddreg [dreg:$0x0];
	s2 =	stileid.u32  }
0x10b: {  	s1 =	rddreg [dreg:$0x1];
	p0 =	sne.s32 s2, $0x0  }
0x10c: {  	s3 =	rddreg [dreg:$0x2];
	[bflag:$0x3] =	sbarrier.arrive $0xFFFF;
	s2 =	simm.s32 @!p0 $0x1C0F  }
0x10d: {  	[timem:s3], [sflag:s2] =	dma.local @!p0 [hbm:s0], s1  }
0x10e: {  	s0 =	simm.s32 @!p0 $0xF  }
0x10f: {  	_ =	swait.ge @!p0 [sflag:s0], s1  }
0x110: {  	s1 =	ssub.s32 @!p0 $0x0, s1;
	[sflag:s0] =	ssyncset.done @!p0 $0x0  }
0x111: {  	[sflag:s0] =	ssyncadd.s32 @!p0 s1  }
0x112: {  	[bflag:$0x3] =	sbarrier.arrive $0xFFFF  }
0x113: {  	_ =	shalt  }

// kernel: kernel.13.cloned.1.call-start
scs
__scs_entry_jumppad:
0x0: {  	(pc) =	sbr.rel $0x88, $3  }
0x1: {  	(tag) =	ssettag $0x0;
	lr =	simm.s32 $0x1  }
0x2: {  	[smem:$0x3F9E] =	sst lr;
	_ =	strace $0xD0000000  }
0x3: {  	_ = 	snop  }
0x4: {  	_ = 	snop  }
0x5: {  	_ = 	snop  }
0x6: {  	_ = 	snop  }
0x7: {  	_ = 	snop  }
__scs_overlays_trampoline_lowered:
0x8: {  	[smem:$0x3FAD] =	sst s0  }
0x9: {  	[smem:$0x3FAE] =	sst s1  }
0xa: {  	[smem:$0x3FAF] =	sst s2  }
0xb: {  	[smem:$0x3FB0] =	sst s3  }
0xc: {  	[smem:$0x3FB1] =	sst s4  }
0xd: {  	[smem:$0x3FB2] =	sst s5  }
0xe: {  	[smem:$0x3FB3] =	sst s6  }
0xf: {  	[smem:$0x3FB4] =	sst s7  }
0x10: {  	[smem:$0x3FB5] =	sst s8  }
0x11: {  	[smem:$0x3FB6] =	sst s9;
	s0 =	simm.s32 @!p0 $0x0  }
0x12: {  	s1 =	sld [smem:$0x3F9C];
	s0 =	simm.s32 @p0 $0x1  }
0x13: {  	[smem:$0x3FB7] =	sst s0;
	s0 =	simm.s32 @!p1 $0x0  }
0x14: {  	s2 =	sld [smem:$0x3F9B];
	s0 =	simm.s32 @p1 $0x1  }
0x15: {  	[smem:$0x3FB8] =	sst s0;
	s0 =	simm.s32 @!p2 $0x0  }
0x16: {  	s3 =	sld [smem:$0x3FDB];
	s0 =	simm.s32 @p2 $0x1  }
0x17: {  	s4 =	simm.s32 $0x1BF5;
	[smem:$0x3FBA] =	sst s0  }
0x18: {  	s0 =	sld [smem:$0x3F9D];
	_ =	swait.ge [sflag:s4], $0x0  }
0x19: {  	s7 =	sld [smem:$0x3F9E]  }
0x1a: {  	s8 =	sadd.s32 $0xFFFFE003, lr  }
0x1b: {  	s9 =	sadd.s32 $0xFFFFFEF7, lr;
	s5 =	simm.s32 $0xFFFFFFFF;
	p2 =	slt.u32 s8, $0xFFFFF086  }
0x1c: {  	p1 =	slt.u32 s9, $0xF7A;
	s5 =	simm.s32 @!p2 $0x0  }
0x1d: {  	s5 =	simm.s32 @p1 $0x1;
	p0 =	seq.s32 s7, s2  }
0x1e: {  	s7 =	smul.u32 @!p0 $0xF7A, s2;
	p2 =	seq.s32 @!p0 s5, $0x0  }
0x1f: {  	s9 =	smul.u32 $0xF7A, s1;
	s8 =	simm.s32 @!p0 $0x1BF5;
	p2 =	por !p2, p0  }
0x20: {  	[sflag:s8] =	ssyncset.s32 @!p0 $0xFFFFF086;
	s6 =	sadd.s32 @!p0 s3, s7;
	s7 =	simm.s32 @!p0 $0x108  }
0x21: {  	s3 =	sadd.s32 s3, s9;
	s6 =	sadd.s32 @!p0 $0x88, s6;
	s7 =	simm.s32 @p2 $0x1082  }
0x22: {  	[simem:s7], [sflag:s8] =	dma.local @!p0 [hbm:s6], $0xF7A  }
0x23: {  	s9 =	sor.u32 $0xD0000000, s2;
	s6 =	simm.s32 $0x108;
	_ =	swait.ge @!p0 [sflag:s8], $0x0  }
0x24: {  	s3 =	sadd.s32 $0x88, s3;
	s6 =	simm.s32 @!p1 $0x1082;
	[sflag:s4] =	ssyncset.s32 $0xFFFFF086  }
0x25: {  	[simem:s6], [sflag:s4] =	dma.local [hbm:s3], $0xF7A  }
0x26: {  	[smem:$0x3F9E] =	sst s1;
	(tag) =	ssettag s2;
	_ =	strace s9  }
0x27: {  	s1 =	sld [smem:$0x3FAE]  }
0x28: {  	s2 =	sld [smem:$0x3FAF]  }
0x29: {  	s4 =	sld [smem:$0x3FB1]  }
0x2a: {  	p0 =	seq.s32 s5, $0x0;
	s5 =	sld [smem:$0x3FB2]  }
0x2b: {  	s6 =	sld [smem:$0x3FB3]  }
0x2c: {  	s7 =	sld [smem:$0x3FB4]  }
0x2d: {  	s3 =	simm.s32 $0x108;
	s8 =	sld [smem:$0x3FB5]  }
0x2e: {  	s3 =	simm.s32 @!p0 $0x1082;
	s9 =	sld [smem:$0x3FB6]  }
0x2f: {  	lr =	sadd.s32 s0, s3;
	s0 =	sld [smem:$0x3FAD]  }
0x30: {  	s3 =	sld [smem:$0x3FB0]  }
0x31: {  	[smem:$0x3FB9] =	sst s10  }
0x32: {  	s10 =	sld [smem:$0x3FB7];
	_ =	sdelay $0x3  }
0x33: {  	p0 =	seq.s32 s10, $0x1;
	s10 =	sld [smem:$0x3FB9];
	_ =	sdelay $0x3  }
0x34: {  	[smem:$0x3FB9] =	sst s10  }
0x35: {  	s10 =	sld [smem:$0x3FB8];
	_ =	sdelay $0x3  }
0x36: {  	p1 =	seq.s32 s10, $0x1;
	s10 =	sld [smem:$0x3FB9];
	_ =	sdelay $0x3  }
0x37: {  	[smem:$0x3FB9] =	sst s10  }
0x38: {  	s10 =	sld [smem:$0x3FBA]  }
0x39: {  	_ = 	snop;
	(pc) =	sbr.ind lr, $3  }
0x3a: {  	_ = 	snop  }
0x3b: {  	_ = 	snop  }
0x3c: {  	p2 =	seq.s32 s10, $0x1;
	s10 =	sld [smem:$0x3FB9]  }
0x3d: {  	_ =	shalt  }
0x3e: {  	_ =	shalt  }
0x3f: {  	_ =	shalt  }
0x40: {  	_ =	shalt  }
0x41: {  	_ =	shalt  }
0x42: {  	_ =	shalt  }
0x43: {  	_ =	shalt  }
0x44: {  	_ =	shalt  }
0x45: {  	_ =	shalt  }
0x46: {  	_ =	shalt  }
0x47: {  	_ =	shalt  }
0x48: {  	_ =	shalt  }
0x49: {  	_ =	shalt  }
0x4a: {  	_ =	shalt  }
0x4b: {  	_ =	shalt  }
0x4c: {  	_ =	shalt  }
0x4d: {  	_ =	shalt  }
0x4e: {  	_ =	shalt  }
0x4f: {  	_ =	shalt  }
0x50: {  	_ =	shalt  }
0x51: {  	_ =	shalt  }
0x52: {  	_ =	shalt  }
0x53: {  	_ =	shalt  }
0x54: {  	_ =	shalt  }
0x55: {  	_ =	shalt  }
0x56: {  	_ =	shalt  }
0x57: {  	_ =	shalt  }
0x58: {  	_ =	shalt  }
0x59: {  	_ =	shalt  }
0x5a: {  	_ =	shalt  }
0x5b: {  	_ =	shalt  }
0x5c: {  	_ =	shalt  }
0x5d: {  	_ =	shalt  }
0x5e: {  	_ =	shalt  }
0x5f: {  	_ =	shalt  }
0x60: {  	_ =	shalt  }
0x61: {  	_ =	shalt  }
0x62: {  	_ =	shalt  }
0x63: {  	_ =	shalt  }
0x64: {  	_ =	shalt  }
0x65: {  	_ =	shalt  }
0x66: {  	_ =	shalt  }
0x67: {  	_ =	shalt  }
0x68: {  	_ =	shalt  }
0x69: {  	_ =	shalt  }
0x6a: {  	_ =	shalt  }
0x6b: {  	_ =	shalt  }
0x6c: {  	_ =	shalt  }
0x6d: {  	_ =	shalt  }
0x6e: {  	_ =	shalt  }
0x6f: {  	_ =	shalt  }
0x70: {  	_ =	shalt  }
0x71: {  	_ =	shalt  }
0x72: {  	_ =	shalt  }
0x73: {  	_ =	shalt  }
0x74: {  	_ =	shalt  }
0x75: {  	_ =	shalt  }
0x76: {  	_ =	shalt  }
0x77: {  	_ =	shalt  }
0x78: {  	_ =	shalt  }
0x79: {  	_ =	shalt  }
0x7a: {  	_ =	shalt  }
0x7b: {  	_ =	shalt  }
0x7c: {  	_ =	shalt  }
0x7d: {  	_ =	shalt  }
0x7e: {  	_ =	shalt  }
0x7f: {  	_ =	shalt  }
0x80: {  	_ =	shalt  }
0x81: {  	_ =	shalt  }
0x82: {  	_ =	shalt  }
0x83: {  	_ =	shalt  }
0x84: {  	_ =	shalt  }
0x85: {  	_ =	shalt  }
0x86: {  	_ =	shalt  }
0x87: {  	_ =	shalt  }
.Lfunc_end0:
.L_simem_size_0:
called_computation.1_lowered:
.L_overlay_start_0:
0x88: {  	s2 =	sld [smem:$0x3FD9]  }
0x89: {  	s3 =	sld [smem:$0x3FFE];
	_ =	sdelay $0x1  }
0x8a: {  	s1 =	srdreg.scid  }
0x8b: {  	s0 =	sand.u32 $0x1, s1  }
0x8c: {  	s17 =	sshll.u32 s0, $0xA;
	s2 =	sadd.s32 s3, s2  }
0x8d: {  	s2 =	sadd.s32 s2, s17  }
0x8e: {  	[smem:$0x3FC5] =	sst s2  }
0x8f: {  	_ = 	snop  }
0x90: {  	s18 =	sld [smem:$0x3FC8];
	(tm) =	ssettm $0x1  }
0x91: {  	s19 =	sld [smem:$0x3FFB];
	_ =	sdelay $0x3  }
0x92: {  	_ =	strace s19  }
0x93: {  	s2 =	sld [smem:$0x3FFC];
	_ =	sdelay $0x3  }
0x94: {  	_ =	strace s2  }
0x95: {  	s2 =	sld [smem:$0x3FFD];
	_ =	sdelay $0x3  }
0x96: {  	_ =	strace s2  }
0x97: {  	_ =	strace $0x8FFFFFFF  }
0x98: {  	s20 =	sld [smem:$0x3FDB];
	_ =	sdelay $0x1  }
0x99: {  	s4 =	simm.s32 $_scs_section_size  }
0x9a: {  	s5 =	simm.s32 $_size__tile_overlayer_lowered;
	s6 =	simm.s32 $_tile_overlayer_lowered  }
0x9b: {  	s7 =	simm.s32 $0x1BFF;
	s21 =	sshll.u32 s6, $0x1;
	s4 =	sadd.s32 s4, s20  }
0x9c: {  	s22 =	simm.s32 $0x0;
	s5 =	sshll.u32 s5, $0x1;
	s6 =	sadd.s32 s21, s4  }
0x9d: {  	[timem:s22], [sflag:s7] =	dma.local [hbm:s6], s5  }
0x9e: {  	_ =	swait.ge [sflag:s7], s5  }
0x9f: {  	s5 =	ssub.s32 $0x0, s5;
	[sflag:s7] =	ssyncset.done $0x0  }
0xa0: {  	[sflag:s7] =	ssyncadd.s32 s5;
	_ =	sdelay $0x1  }
0xa1: {  	s23 =	simm.s32 $0x1B8B  }
0xa2: {  	_ =	swait.ge [sflag:s23], $0x1  }
0xa3: {  	[sflag:s23] =	ssyncset.done $0x0  }
0xa4: {  	[sflag:s23] =	ssyncadd.s32 $0xFFFFFFFF  }
0xa5: {  	s5 =	sld [smem:$0x0]  }
0xa6: {  	s6 =	sand.u32 $0xFFFFFFFE, s1  }
0xa7: {  	p0 =	sne.s32 s1, s6  }
0xa8: {  	s6 =	sshll.u32 @p0 s6, $0xE  }
0xa9: {  	s6 =	sadd.s32 @p0 $0x11B8D, s6;
	s7 =	sshll.u32 @p0 s5, $0x11  }
0xaa: {  	s6 =	sor.u32 @p0 s7, s6  }
0xab: {  	[sflag:s6] =	ssyncadd.remote.s32 @p0 $0x1;
	_ =	sdelay $0x1  }
0xac: {  	s6 =	simm.s32 @p0 $0x1B8D  }
0xad: {  	_ =	swait.eq @p0 [sflag:s6], $0x1  }
0xae: {  	[sflag:s6] =	ssyncadd.s32 @p0 $0xFFFFFFFF  }
0xaf: {  	s7 =	sshll.u32 @!p0 s1, $0xE  }
0xb0: {  	s7 =	sor.u32 @!p0 $0x4000, s7;
	s6 =	simm.s32 @!p0 $0x1B8D  }
0xb1: {  	s5 =	sshll.u32 @!p0 s5, $0x11;
	s7 =	sadd.s32 @!p0 $0x11B8D, s7;
	_ =	swait.eq @!p0 [sflag:s6], $0x1  }
0xb2: {  	s5 =	sor.u32 @!p0 s5, s7;
	[sflag:s6] =	ssyncadd.s32 @!p0 $0xFFFFFFFF  }
0xb3: {  	s25 =	simm.s32 $0x1B8E;
	s24 =	sld [smem:$0x3FFE];
	[sflag:s5] =	ssyncadd.remote.s32 @!p0 $0x1  }
0xb4: {  	s26 =	simm.s32 $execute0_lowered;
	[smem:$0x3FD2] =	sst s25  }
0xb5: {  	s6 =	sshll.u32 s26, $0x1;
	_ =	strace $0x80000049;
	[dreg:$0x1] =	wrdreg $0xFFFFFFFF  }
0xb6: {  	s28 =	simm.s32 $_size_execute0_lowered;
	s4 =	sadd.s32 s4, s6;
	[dreg:$0x0] =	wrdreg $0x0  }
0xb7: {  	s6 =	sshll.u32 s28, $0x1;
	[dreg:$0x2] =	wrdreg s4  }
0xb8: {  	[dreg:$0x3] =	wrdreg s6  }
0xb9: {  	[dreg:$0x4] =	wrdreg $0xC0  }
0xba: {  	_ =	task [dreg:s22], $0x5FFFF  }
0xbb: {  	[dreg:$0x1] =	wrdreg $0xFFFFFFFF  }
0xbc: {  	[dreg:$0x0] =	wrdreg $0x60  }
0xbd: {  	[dreg:$0x2] =	wrdreg s24  }
0xbe: {  	[dreg:$0x3] =	wrdreg s18  }
0xbf: {  	[dreg:$0x4] =	wrdreg $0xA  }
0xc0: {  	_ =	task.clear_ibuf [dreg:s22], $0x5FFFF;
	_ =	strace $0x90000049  }
0xc1: {  	s29 =	simm.s32 $0xA;
	_ =	strace $0x8000004B  }
0xc2: {  	_ =	swait.ge [sflag:s29], $0x1  }
0xc3: {  	[sflag:s29] =	ssyncadd.s32 $0xFFFFFFFF  }
0xc4: {  	_ =	strace $0x9000004B  }
0xc5: {  	_ =	sfence  }
0xc6: {  	s30 =	sld [smem:$0x0];
	_ =	sdelay $0x2  }
0xc7: {  	s31 =	sshll.u32 s1, $0xD;
	s1 =	sshrl.u32 s1, $0x2  }
0xc8: {  	s4 =	sand.u32 $0x4000, s31;
	s1 =	sadd.s32 s1, s30  }
0xc9: {  	s0 =	sor.u32 s4, s0;
	s1 =	sshll.u32 s1, $0x11  }
0xca: {  	s0 =	sor.u32 s1, s0  }
0xcb: {  	s0 =	sadd.s32 $0x8F2B, s0  }
0xcc: {  	[sflag:s0] =	ssyncadd.remote.s32 $0x1  }
0xcd: {  	_ =	sfence.sel $0xFFFF  }
0xce: {  	[dreg:$0x0] =	wrdreg $0xFFFFFFFF;
	(pc) =	sbr.abs _section_cstart, $3  }
0xcf: {  	[dreg:$0x1] =	wrdreg $0xFFFFFFFF  }
0xd0: {  	_ =	task.clear_ibuf [dreg:s22], $0x2FFFF;
	_ =	strace $0x9FFFFFFF  }
0xd1: {  	(tm) =	ssettm $0x7FFFFFFF  }
tec
execute0_lowered:
.L_overlay_start_1:
0x0: {  	(tag) =	ssettag $0x1  }
0x1: {  	s0 =	srdreg.scid  }
0x2: {  	s3 =	stileid.u32;
	s4 =	rddreg [dreg:$0x0]  }
0x3: {  	s2 =	rddreg [dreg:$0x1];
	s9 =	simm.s32 $0x280;
	s12 =	simm.s32 $0x1A80  }
0x4: {  	s15 =	simm.s32 $0x3280;
	s18 =	simm.s32 $0x4A80;
	s21 =	simm.s32 $0x6280  }
0x5: {  	s25 =	simm.s32 $0x9A80;
	s26 =	simm.s32 $0xA280;
	s28 =	simm.s32 $0x1  }
0x6: {  	s29 =	simm.s32 $0x9280;
	s30 =	simm.s32 $0x2;
	s31 =	simm.s32 $0x8  }
0x7: {  	s10 =	simm.s32 $0x4;
	s11 =	simm.s32 $0xA;
	s13 =	simm.s32 $0x5  }
0x8: {  	s14 =	simm.s32 $0xB;
	s16 =	simm.s32 $0x6;
	s17 =	simm.s32 $0xC  }
0x9: {  	s19 =	simm.s32 $0x7;
	s0 =	sand.u32 $0x1, s0;
	s1 =	sshll.u32 s3, $0x1  }
0xa: {  	s5 =	smul.u32 $0x4D0, s3;
	s3 =	simm.s32 $0x0;
	s1 =	sor.u32 s0, s1  }
0xb: {  	s6 =	smul.u32 $0x268, s0;
	[smem:$0x7FF] =	sst s3;
	s0 =	ssub.s32 $0x2, s0  }
0xc: {  	s1 =	smul.u32 $0x268, s1;
	_ =	strace $0x8000004A;
	[dreg:$0x5] =	wrdreg s25  }
0xd: {  	s20 =	simm.s32 $0xD;
	s7 =	sshrl.u32 s0, $0x1;
	[dreg:$0x6] =	wrdreg s26  }
0xe: {  	s5 =	sadd.s32 s6, s5;
	s0 =	ssub.s32 s0, s7;
	s1 =	sshrl.u32 s1, $0x3  }
0xf: {  	s6 =	sshrl.u32 s5, $0x3;
	s5 =	sadd.s32 $0x8, s5;
	s0 =	smax.u32 s0, $0x1  }
0x10: {  	s1 =	sadd.s32 s1, s4;
	s6 =	smul.u32 $0x300, s6;
	s5 =	sshrl.u32 s5, $0x3  }
0x11: {  	s4 =	sadd.s32 $0x1D1E00, s4;
	[dreg:$0x8] =	wrdreg s0;
	s0 =	simm.s32 $0x9  }
0x12: {  	s8 =	smul.u32 $0x300, s5;
	s1 =	sadd.s32 $0x1D0000, s1;
	s5 =	sadd.s32 $0x100, s2  }
0x13: {  	v0 =	vlaneseq.u32;
	[dreg:$0x7] =	wrdreg s1;
	s23 =	sadd.s32 s6, s4;
	s6 =	sadd.s32 $0x200, s2  }
0x14: {  	v1 =	vshrl.u32 v0, $0x3;
	s1 =	simm.s32 $0x3;
	[dreg:$0x3] =	wrdreg s23;
	s24 =	sadd.s32 s8, s4  }
0x15: {  	vm0 =	vmmov $0xffff;
	v0 =	vand.u32 $0x7, v0;
	v1 =	vmul.u32 $0x8, v1;
	s23 =	simm.s32 $0x0;
	[dreg:$0x4] =	wrdreg s24;
	s24 =	simm.s32 $0x7A80  }
.LBB2_1:
0x16: {  	s4 =	rddreg [dreg:$0x7];
	s22 =	simm.s32 $0xF  }
0x17: {  	[tilespmem:s3], [sflag:$0xF] =	stream.linear.gather [hbm4b:s4+s3], $0x268, $0x38;
	[tilespmem:$0xAA80] =	vst v63  }
0x18: {  	_ =	swait.ge [sflag:s22], $0x268  }
0x19: {  	[sflag:s22] =	ssyncset.done $0x0  }
0x1a: {  	[sflag:s22] =	ssyncadd.s32 $0xFFFFFD98  }
0x1b: {  	v2 =	vld.msk [tilespmem:$0x0], $0xff;
	_ =	sdelay $0x4  }
0x1c: {  	v3 =	vshrl.u32 v2, $0x3  }
0x1d: {  	v3 =	vmul.u32 $0x30, v3  }
0x1e: {  	v2 =	vand.u32 $0x7, v2  }
0x1f: {  	v2 =	vor.u32 v2, v3  }
0x20: {  	v2 =	vperm.xlane v2, v0;
	_ =	sdelay $0x1  }
0x21: {  	v2 =	vadd.s32 v1, v2;
	_ =	sdelay $0x4  }
0x22: {  	[tilespmem:s9], [sflag:$0x1] =	stream.indirect_vreg.gather [hbm4b:s2+s3], $0x80, v2, vm0, $0xb8;
	[tilespmem:$0xAA80] =	vst v63  }
0x23: {  	s25 =	simm.s32 $0xA80  }
0x24: {  	[tilespmem:s25], [sflag:$0x1] =	stream.indirect_vreg.gather [hbm4b:s5+s3], $0x80, v2, vm0, $0xb8;
	[tilespmem:$0xAA80] =	vst v63  }
0x25: {  	s26 =	simm.s32 $0x1280  }
0x26: {  	[tilespmem:s26], [sflag:$0x1] =	stream.indirect_vreg.gather [hbm4b:s6+s3], $0x80, v2, vm0, $0xb8;
	[tilespmem:$0xAA80] =	vst v63  }
0x27: {  	v2 =	vld.msk [tilespmem:$0x8], $0xff;
	_ =	sdelay $0x4  }
0x28: {  	v3 =	vshrl.u32 v2, $0x3  }
0x29: {  	v3 =	vmul.u32 $0x30, v3  }
0x2a: {  	v2 =	vand.u32 $0x7, v2  }
0x2b: {  	v2 =	vor.u32 v2, v3  }
0x2c: {  	v2 =	vperm.xlane v2, v0;
	_ =	sdelay $0x1  }
0x2d: {  	v2 =	vadd.s32 v1, v2;
	_ =	sdelay $0x4  }
0x2e: {  	[tilespmem:s12], [sflag:$0x2] =	stream.indirect_vreg.gather [hbm4b:s2+s3], $0x80, v2, vm0, $0xb8;
	[tilespmem:$0xAA80] =	vst v63  }
0x2f: {  	s7 =	simm.s32 $0x2280  }
0x30: {  	[tilespmem:s7], [sflag:$0x2] =	stream.indirect_vreg.gather [hbm4b:s5+s3], $0x80, v2, vm0, $0xb8;
	[tilespmem:$0xAA80] =	vst v63  }
0x31: {  	s8 =	simm.s32 $0x2A80  }
0x32: {  	[tilespmem:s8], [sflag:$0x2] =	stream.indirect_vreg.gather [hbm4b:s6+s3], $0x80, v2, vm0, $0xb8;
	[tilespmem:$0xAA80] =	vst v63  }
0x33: {  	v2 =	vld.msk [tilespmem:$0x10], $0xff;
	_ =	sdelay $0x4  }
0x34: {  	v3 =	vshrl.u32 v2, $0x3  }
0x35: {  	v3 =	vmul.u32 $0x30, v3  }
0x36: {  	v2 =	vand.u32 $0x7, v2  }
0x37: {  	v2 =	vor.u32 v2, v3  }
0x38: {  	v2 =	vperm.xlane v2, v0;
	_ =	sdelay $0x1  }
0x39: {  	v2 =	vadd.s32 v1, v2;
	_ =	sdelay $0x4  }
0x3a: {  	[tilespmem:s15], [sflag:$0x3] =	stream.indirect_vreg.gather [hbm4b:s2+s3], $0x80, v2, vm0, $0xb8;
	[tilespmem:$0xAA80] =	vst v63  }
0x3b: {  	s22 =	simm.s32 $0x3A80  }
0x3c: {  	[tilespmem:s22], [sflag:$0x3] =	stream.indirect_vreg.gather [hbm4b:s5+s3], $0x80, v2, vm0, $0xb8;
	[tilespmem:$0xAA80] =	vst v63  }
0x3d: {  	s25 =	simm.s32 $0x4280  }
0x3e: {  	[tilespmem:s25], [sflag:$0x3] =	stream.indirect_vreg.gather [hbm4b:s6+s3], $0x80, v2, vm0, $0xb8;
	[tilespmem:$0xAA80] =	vst v63  }
0x3f: {  	v2 =	vld.msk [tilespmem:$0x18], $0xff;
	_ =	sdelay $0x4  }
0x40: {  	v3 =	vshrl.u32 v2, $0x3  }
0x41: {  	v3 =	vmul.u32 $0x30, v3  }
0x42: {  	v2 =	vand.u32 $0x7, v2  }
0x43: {  	v2 =	vor.u32 v2, v3  }
0x44: {  	v2 =	vperm.xlane v2, v0;
	_ =	sdelay $0x1  }
0x45: {  	v2 =	vadd.s32 v1, v2;
	_ =	sdelay $0x4  }
0x46: {  	[tilespmem:s18], [sflag:$0x4] =	stream.indirect_vreg.gather [hbm4b:s2+s3], $0x80, v2, vm0, $0xb8;
	[tilespmem:$0xAA80] =	vst v63  }
0x47: {  	s26 =	simm.s32 $0x5280  }
0x48: {  	[tilespmem:s26], [sflag:$0x4] =	stream.indirect_vreg.gather [hbm4b:s5+s3], $0x80, v2, vm0, $0xb8;
	[tilespmem:$0xAA80] =	vst v63  }
0x49: {  	s7 =	simm.s32 $0x5A80  }
0x4a: {  	[tilespmem:s7], [sflag:$0x4] =	stream.indirect_vreg.gather [hbm4b:s6+s3], $0x80, v2, vm0, $0xb8;
	[tilespmem:$0xAA80] =	vst v63  }
0x4b: {  	v2 =	vld.msk [tilespmem:$0x20], $0xff;
	_ =	sdelay $0x4  }
0x4c: {  	v3 =	vshrl.u32 v2, $0x3  }
0x4d: {  	v3 =	vmul.u32 $0x30, v3  }
0x4e: {  	v2 =	vand.u32 $0x7, v2  }
0x4f: {  	v2 =	vor.u32 v2, v3  }
0x50: {  	v2 =	vperm.xlane v2, v0;
	_ =	sdelay $0x1  }
0x51: {  	v2 =	vadd.s32 v1, v2;
	_ =	sdelay $0x4  }
0x52: {  	[tilespmem:s21], [sflag:$0x5] =	stream.indirect_vreg.gather [hbm4b:s2+s3], $0x80, v2, vm0, $0xb8;
	[tilespmem:$0xAA80] =	vst v63  }
0x53: {  	s8 =	simm.s32 $0x6A80  }
0x54: {  	[tilespmem:s8], [sflag:$0x5] =	stream.indirect_vreg.gather [hbm4b:s5+s3], $0x80, v2, vm0, $0xb8;
	[tilespmem:$0xAA80] =	vst v63  }
0x55: {  	s22 =	simm.s32 $0x7280  }
0x56: {  	[tilespmem:s22], [sflag:$0x5] =	stream.indirect_vreg.gather [hbm4b:s6+s3], $0x80, v2, vm0, $0xb8;
	[tilespmem:$0xAA80] =	vst v63  }
0x57: {  	v2 =	vld.msk [tilespmem:$0x28], $0xff;
	_ =	sdelay $0x4  }
0x58: {  	v3 =	vshrl.u32 v2, $0x3  }
0x59: {  	v3 =	vmul.u32 $0x30, v3  }
0x5a: {  	v2 =	vand.u32 $0x7, v2  }
0x5b: {  	v2 =	vor.u32 v2, v3  }
0x5c: {  	v2 =	vperm.xlane v2, v0;
	_ =	sdelay $0x1  }
0x5d: {  	v2 =	vadd.s32 v1, v2;
	_ =	sdelay $0x4  }
0x5e: {  	[tilespmem:s24], [sflag:$0x6] =	stream.indirect_vreg.gather [hbm4b:s2+s3], $0x80, v2, vm0, $0xb8;
	[tilespmem:$0xAA80] =	vst v63  }
0x5f: {  	s25 =	simm.s32 $0x8280  }
0x60: {  	[tilespmem:s25], [sflag:$0x6] =	stream.indirect_vreg.gather [hbm4b:s5+s3], $0x80, v2, vm0, $0xb8;
	[tilespmem:$0xAA80] =	vst v63  }
0x61: {  	s26 =	simm.s32 $0x8A80  }
0x62: {  	[tilespmem:s26], [sflag:$0x6] =	stream.indirect_vreg.gather [hbm4b:s6+s3], $0x80, v2, vm0, $0xb8;
	[tilespmem:$0xAA80] =	vst v63  }
0x63: {  	s25 =	simm.s32 $0x60;
	s26 =	simm.s32 $0x0  }
.LBB2_2:
0x64: {  	_ =	swait.ge [sflag:s28], $0x1800  }
0x65: {  	p0 =	seq.s32 s26, $0x0;
	[sflag:s28] =	ssyncset.done $0x0  }
0x66: {  	s4 =	simm.s32 @!p0 $0xE;
	[sflag:s28] =	ssyncadd.s32 $0xFFFFE800  }
0x67: {  	_ =	swait.ge @!p0 [sflag:s4], $0x1800  }
0x68: {  	[sflag:s4] =	ssyncset.done @!p0 $0x0  }
0x69: {  	[sflag:s4] =	ssyncadd.s32 @!p0 $0xFFFFE800  }
0x6a: {  	v2 =	vld.msk [tilespmem:s25+$0xFFFFFFD0], $0xff;
	_ =	sdelay $0x4  }
0x6b: {  	v3 =	vshrl.u32 v2, $0x3  }
0x6c: {  	v3 =	vmul.u32 $0x30, v3  }
0x6d: {  	v2 =	vand.u32 $0x7, v2  }
0x6e: {  	v2 =	vor.u32 v2, v3  }
0x6f: {  	v2 =	vperm.xlane v2, v0;
	_ =	sdelay $0x1  }
0x70: {  	v2 =	vadd.s32 v1, v2;
	_ =	sdelay $0x3  }
0x71: {  	s7 =	rddreg [dreg:$0x5]  }
0x72: {  	[tilespmem:s29], [sflag:$0x7] =	stream.indirect_vreg.gather [hbm4b:s2+s3], $0x80, v2, vm0, $0xb8;
	[tilespmem:$0xAA80] =	vst v63  }
0x73: {  	s8 =	rddreg [dreg:$0x6]  }
0x74: {  	[tilespmem:s7], [sflag:$0x7] =	stream.indirect_vreg.gather [hbm4b:s5+s3], $0x80, v2, vm0, $0xb8;
	[tilespmem:$0xAA80] =	vst v63  }
0x75: {  	s7 =	rddreg [dreg:$0x3]  }
0x76: {  	[tilespmem:s8], [sflag:$0x7] =	stream.indirect_vreg.gather [hbm4b:s6+s3], $0x80, v2, vm0, $0xb8;
	[tilespmem:$0xAA80] =	vst v63  }
0x77: {  	s4 =	sadd.s32 s26, s7  }
0x78: {  	[hbm4b:s4+s3] =	stream.linear.scatter [tilespmem:s9], [sflag:$0x8], $0x1800, $0x38;
	[tilespmem:$0xAA80] =	vst v63  }
0x79: {  	_ =	swait.ge [sflag:s30], $0x1800  }
0x7a: {  	[sflag:s30] =	ssyncset.done $0x0  }
0x7b: {  	[sflag:s30] =	ssyncadd.s32 $0xFFFFE800  }
0x7c: {  	_ =	swait.ge [sflag:s31], $0x1800  }
0x7d: {  	[sflag:s31] =	ssyncset.done $0x0  }
0x7e: {  	p0 =	seq.s32 s26, $0xD200;
	[sflag:s31] =	ssyncadd.s32 $0xFFFFE800  }
0x7f: {  	v2 =	vld.msk @!p0 [tilespmem:s25+$0xFFFFFFD8], $0xff;
	_ =	sdelay $0x4  }
0x80: {  	v3 =	vshrl.u32 @!p0 v2, $0x3  }
0x81: {  	v3 =	vmul.u32 @!p0 $0x30, v3  }
0x82: {  	v4 =	vlaneseq.u32 @!p0;
	v2 =	vand.u32 @!p0 $0x7, v2  }
0x83: {  	v2 =	vor.u32 @!p0 v2, v3;
	v3 =	vand.u32 @!p0 $0x7, v4;
	v4 =	vshrl.u32 @!p0 v4, $0x3  }
0x84: {  	v2 =	vperm.xlane @!p0 v2, v3;
	v4 =	vmul.u32 @!p0 $0x8, v4;
	_ =	sdelay $0x1  }
0x85: {  	v2 =	vadd.s32 @!p0 v4, v2;
	_ =	sdelay $0x3  }
0x86: {  	vm1 =	vmmov @!p0 $0xffff;
	s7 =	simm.s32 @!p0 $0x0;
	s8 =	simm.s32 @!p0 $0x280  }
0x87: {  	[tilespmem:s8], [sflag:$0x1] =	stream.indirect_vreg.gather @!p0 [hbm4b:s2+s7], $0x80, v2, vm1, $0xb8;
	[tilespmem:$0xAA80] =	vst v63  }
0x88: {  	s8 =	simm.s32 @!p0 $0xA80  }
0x89: {  	[tilespmem:s8], [sflag:$0x1] =	stream.indirect_vreg.gather @!p0 [hbm4b:s5+s7], $0x80, v2, vm1, $0xb8;
	[tilespmem:$0xAA80] =	vst v63  }
0x8a: {  	s22 =	simm.s32 @!p0 $0x1280;
	s8 =	rddreg [dreg:$0x4]  }
0x8b: {  	[tilespmem:s22], [sflag:$0x1] =	stream.indirect_vreg.gather @!p0 [hbm4b:s6+s7], $0x80, v2, vm1, $0xb8;
	[tilespmem:$0xAA80] =	vst v63  }
0x8c: {  	s8 =	sadd.s32 s26, s8  }
0x8d: {  	[hbm4b:s8+s3] =	stream.linear.scatter [tilespmem:s12], [sflag:$0x9], $0x1800, $0x38;
	[tilespmem:$0xAA80] =	vst v63  }
0x8e: {  	_ =	swait.ge [sflag:s1], $0x1800  }
0x8f: {  	[sflag:s1] =	ssyncset.done $0x0  }
0x90: {  	[sflag:s1] =	ssyncadd.s32 $0xFFFFE800  }
0x91: {  	_ =	swait.ge [sflag:s0], $0x1800  }
0x92: {  	[sflag:s0] =	ssyncset.done $0x0  }
0x93: {  	[sflag:s0] =	ssyncadd.s32 $0xFFFFE800  }
0x94: {  	v2 =	vld.msk @!p0 [tilespmem:s25+$0xFFFFFFE0], $0xff;
	_ =	sdelay $0x4  }
0x95: {  	v5 =	vshrl.u32 @!p0 v2, $0x3  }
0x96: {  	v5 =	vmul.u32 @!p0 $0x30, v5  }
0x97: {  	v2 =	vand.u32 @!p0 $0x7, v2  }
0x98: {  	v2 =	vor.u32 @!p0 v2, v5  }
0x99: {  	v2 =	vperm.xlane @!p0 v2, v3;
	_ =	sdelay $0x1  }
0x9a: {  	v2 =	vadd.s32 @!p0 v4, v2;
	_ =	sdelay $0x3  }
0x9b: {  	s8 =	simm.s32 @!p0 $0x1A80  }
0x9c: {  	[tilespmem:s8], [sflag:$0x2] =	stream.indirect_vreg.gather @!p0 [hbm4b:s2+s7], $0x80, v2, vm1, $0xb8;
	[tilespmem:$0xAA80] =	vst v63  }
0x9d: {  	s8 =	simm.s32 @!p0 $0x2280  }
0x9e: {  	[tilespmem:s8], [sflag:$0x2] =	stream.indirect_vreg.gather @!p0 [hbm4b:s5+s7], $0x80, v2, vm1, $0xb8;
	[tilespmem:$0xAA80] =	vst v63  }
0x9f: {  	s8 =	simm.s32 @!p0 $0x2A80  }
0xa0: {  	[tilespmem:s8], [sflag:$0x2] =	stream.indirect_vreg.gather @!p0 [hbm4b:s6+s7], $0x80, v2, vm1, $0xb8;
	[tilespmem:$0xAA80] =	vst v63  }
0xa1: {  	s22 =	sadd.s32 $0x600, s4  }
0xa2: {  	[hbm4b:s22+s3] =	stream.linear.scatter [tilespmem:s15], [sflag:$0xA], $0x1800, $0x38;
	[tilespmem:$0xAA80] =	vst v63  }
0xa3: {  	_ =	swait.ge [sflag:s10], $0x1800  }
0xa4: {  	[sflag:s10] =	ssyncset.done $0x0  }
0xa5: {  	[sflag:s10] =	ssyncadd.s32 $0xFFFFE800  }
0xa6: {  	_ =	swait.ge [sflag:s11], $0x1800  }
0xa7: {  	[sflag:s11] =	ssyncset.done $0x0  }
0xa8: {  	[sflag:s11] =	ssyncadd.s32 $0xFFFFE800  }
0xa9: {  	v2 =	vld.msk @!p0 [tilespmem:s25+$0xFFFFFFE8], $0xff;
	_ =	sdelay $0x4  }
0xaa: {  	v5 =	vshrl.u32 @!p0 v2, $0x3  }
0xab: {  	v5 =	vmul.u32 @!p0 $0x30, v5  }
0xac: {  	v2 =	vand.u32 @!p0 $0x7, v2  }
0xad: {  	v2 =	vor.u32 @!p0 v2, v5  }
0xae: {  	v2 =	vperm.xlane @!p0 v2, v3;
	_ =	sdelay $0x1  }
0xaf: {  	v2 =	vadd.s32 @!p0 v4, v2;
	_ =	sdelay $0x3  }
0xb0: {  	s8 =	simm.s32 @!p0 $0x3280  }
0xb1: {  	[tilespmem:s8], [sflag:$0x3] =	stream.indirect_vreg.gather @!p0 [hbm4b:s2+s7], $0x80, v2, vm1, $0xb8;
	[tilespmem:$0xAA80] =	vst v63  }
0xb2: {  	s8 =	simm.s32 @!p0 $0x3A80  }
0xb3: {  	[tilespmem:s8], [sflag:$0x3] =	stream.indirect_vreg.gather @!p0 [hbm4b:s5+s7], $0x80, v2, vm1, $0xb8;
	[tilespmem:$0xAA80] =	vst v63  }
0xb4: {  	s8 =	simm.s32 @!p0 $0x4280  }
0xb5: {  	[tilespmem:s8], [sflag:$0x3] =	stream.indirect_vreg.gather @!p0 [hbm4b:s6+s7], $0x80, v2, vm1, $0xb8;
	[tilespmem:$0xAA80] =	vst v63  }
0xb6: {  	s22 =	sadd.s32 $0x900, s4  }
0xb7: {  	[hbm4b:s22+s3] =	stream.linear.scatter [tilespmem:s18], [sflag:$0xB], $0x1800, $0x38;
	[tilespmem:$0xAA80] =	vst v63  }
0xb8: {  	_ =	swait.ge [sflag:s13], $0x1800  }
0xb9: {  	[sflag:s13] =	ssyncset.done $0x0  }
0xba: {  	[sflag:s13] =	ssyncadd.s32 $0xFFFFE800  }
0xbb: {  	_ =	swait.ge [sflag:s14], $0x1800  }
0xbc: {  	[sflag:s14] =	ssyncset.done $0x0  }
0xbd: {  	[sflag:s14] =	ssyncadd.s32 $0xFFFFE800  }
0xbe: {  	v2 =	vld.msk @!p0 [tilespmem:s25+$0xFFFFFFF0], $0xff;
	_ =	sdelay $0x4  }
0xbf: {  	v5 =	vshrl.u32 @!p0 v2, $0x3  }
0xc0: {  	v5 =	vmul.u32 @!p0 $0x30, v5  }
0xc1: {  	v2 =	vand.u32 @!p0 $0x7, v2  }
0xc2: {  	v2 =	vor.u32 @!p0 v2, v5  }
0xc3: {  	v2 =	vperm.xlane @!p0 v2, v3;
	_ =	sdelay $0x1  }
0xc4: {  	v2 =	vadd.s32 @!p0 v4, v2;
	_ =	sdelay $0x3  }
0xc5: {  	s8 =	simm.s32 @!p0 $0x4A80  }
0xc6: {  	[tilespmem:s8], [sflag:$0x4] =	stream.indirect_vreg.gather @!p0 [hbm4b:s2+s7], $0x80, v2, vm1, $0xb8;
	[tilespmem:$0xAA80] =	vst v63  }
0xc7: {  	s8 =	simm.s32 @!p0 $0x5280  }
0xc8: {  	[tilespmem:s8], [sflag:$0x4] =	stream.indirect_vreg.gather @!p0 [hbm4b:s5+s7], $0x80, v2, vm1, $0xb8;
	[tilespmem:$0xAA80] =	vst v63  }
0xc9: {  	s8 =	simm.s32 @!p0 $0x5A80  }
0xca: {  	[tilespmem:s8], [sflag:$0x4] =	stream.indirect_vreg.gather @!p0 [hbm4b:s6+s7], $0x80, v2, vm1, $0xb8;
	[tilespmem:$0xAA80] =	vst v63  }
0xcb: {  	s22 =	sadd.s32 $0xC00, s4  }
0xcc: {  	[hbm4b:s22+s3] =	stream.linear.scatter [tilespmem:s21], [sflag:$0xC], $0x1800, $0x38;
	[tilespmem:$0xAA80] =	vst v63  }
0xcd: {  	_ =	swait.ge [sflag:s16], $0x1800  }
0xce: {  	[sflag:s16] =	ssyncset.done $0x0  }
0xcf: {  	[sflag:s16] =	ssyncadd.s32 $0xFFFFE800  }
0xd0: {  	_ =	swait.ge [sflag:s17], $0x1800  }
0xd1: {  	[sflag:s17] =	ssyncset.done $0x0  }
0xd2: {  	[sflag:s17] =	ssyncadd.s32 $0xFFFFE800  }
0xd3: {  	v2 =	vld.msk @!p0 [tilespmem:s25+$0xFFFFFFF8], $0xff;
	_ =	sdelay $0x4  }
0xd4: {  	v5 =	vshrl.u32 @!p0 v2, $0x3  }
0xd5: {  	v5 =	vmul.u32 @!p0 $0x30, v5  }
0xd6: {  	v2 =	vand.u32 @!p0 $0x7, v2  }
0xd7: {  	v2 =	vor.u32 @!p0 v2, v5  }
0xd8: {  	v2 =	vperm.xlane @!p0 v2, v3;
	_ =	sdelay $0x1  }
0xd9: {  	v2 =	vadd.s32 @!p0 v4, v2;
	_ =	sdelay $0x3  }
0xda: {  	s8 =	simm.s32 @!p0 $0x6280  }
0xdb: {  	[tilespmem:s8], [sflag:$0x5] =	stream.indirect_vreg.gather @!p0 [hbm4b:s2+s7], $0x80, v2, vm1, $0xb8;
	[tilespmem:$0xAA80] =	vst v63  }
0xdc: {  	s8 =	simm.s32 @!p0 $0x6A80  }
0xdd: {  	[tilespmem:s8], [sflag:$0x5] =	stream.indirect_vreg.gather @!p0 [hbm4b:s5+s7], $0x80, v2, vm1, $0xb8;
	[tilespmem:$0xAA80] =	vst v63  }
0xde: {  	s8 =	simm.s32 @!p0 $0x7280  }
0xdf: {  	[tilespmem:s8], [sflag:$0x5] =	stream.indirect_vreg.gather @!p0 [hbm4b:s6+s7], $0x80, v2, vm1, $0xb8;
	[tilespmem:$0xAA80] =	vst v63  }
0xe0: {  	s22 =	sadd.s32 $0xF00, s4  }
0xe1: {  	[hbm4b:s22+s3] =	stream.linear.scatter [tilespmem:s24], [sflag:$0xD], $0x1800, $0x38;
	[tilespmem:$0xAA80] =	vst v63  }
0xe2: {  	_ =	swait.ge [sflag:s19], $0x1800  }
0xe3: {  	[sflag:s19] =	ssyncset.done $0x0  }
0xe4: {  	[sflag:s19] =	ssyncadd.s32 $0xFFFFE800  }
0xe5: {  	_ =	swait.ge [sflag:s20], $0x1800  }
0xe6: {  	[sflag:s20] =	ssyncset.done $0x0  }
0xe7: {  	[sflag:s20] =	ssyncadd.s32 $0xFFFFE800  }
0xe8: {  	v2 =	vld.msk @!p0 [tilespmem:s25+$0x0], $0xff;
	_ =	sdelay $0x4  }
0xe9: {  	v5 =	vshrl.u32 @!p0 v2, $0x3  }
0xea: {  	v5 =	vmul.u32 @!p0 $0x30, v5  }
0xeb: {  	v2 =	vand.u32 @!p0 $0x7, v2  }
0xec: {  	v2 =	vor.u32 @!p0 v2, v5  }
0xed: {  	v2 =	vperm.xlane @!p0 v2, v3;
	_ =	sdelay $0x1  }
0xee: {  	v2 =	vadd.s32 @!p0 v4, v2;
	_ =	sdelay $0x3  }
0xef: {  	s8 =	simm.s32 @!p0 $0x7A80  }
0xf0: {  	[tilespmem:s8], [sflag:$0x6] =	stream.indirect_vreg.gather @!p0 [hbm4b:s2+s7], $0x80, v2, vm1, $0xb8;
	[tilespmem:$0xAA80] =	vst v63  }
0xf1: {  	s8 =	simm.s32 @!p0 $0x8280  }
0xf2: {  	[tilespmem:s8], [sflag:$0x6] =	stream.indirect_vreg.gather @!p0 [hbm4b:s5+s7], $0x80, v2, vm1, $0xb8;
	[tilespmem:$0xAA80] =	vst v63  }
0xf3: {  	s26 =	sadd.s32 $0x1500, s26;
	s8 =	simm.s32 @!p0 $0x8A80  }
0xf4: {  	[tilespmem:s8], [sflag:$0x6] =	stream.indirect_vreg.gather @!p0 [hbm4b:s6+s7], $0x80, v2, vm1, $0xb8;
	[tilespmem:$0xAA80] =	vst v63  }
0xf5: {  	p0 =	sne.s32 s26, $0xE700  }
.Ltmp0:
0xf6: {  	_ = 	snop;
	(pc) =	sbr.rel @p0 .LBB2_2-.Ltmp0, $3  }
0xf7: {  	_ =	sdelay $0x1  }
0xf8: {  	s4 =	sadd.s32 $0x1200, s4;
	s25 =	sadd.s32 $0x38, s25  }
0xf9: {  	[hbm4b:s4+s3] =	stream.linear.scatter [tilespmem:s29], [sflag:$0xE], $0x1800, $0x38;
	[tilespmem:$0xAA80] =	vst v63  }
0xfa: {  	s7 =	simm.s32 $0xE  }
0xfb: {  	_ =	swait.ge [sflag:s7], $0x1800  }
0xfc: {  	s23 =	sadd.s32 $0x1, s23;
	s4 =	rddreg [dreg:$0x8]  }
0xfd: {  	p0 =	sne.s32 s23, s4  }
.Ltmp1:
0xfe: {  	_ = 	snop;
	(pc) =	sbr.rel @p0 .LBB2_1-.Ltmp1, $3  }
0xff: {  	_ =	sdelay $0x1  }
0x100: {  	[sflag:s7] =	ssyncset.done $0x0  }
0x101: {  	[sflag:s7] =	ssyncadd.s32 $0xFFFFE800  }
0x102: {  	_ =	sfence.sel $0x180000  }
0x103: {  	[bflag:$0x0] =	sbarrier.arrive $0xFFFF  }
0x104: {  	_ =	strace $0x9000004A  }
0x105: {  	s0 =	stileid.u32;
	[bflag:$0x2] =	sbarrier.arrive $0xFFFF  }
0x106: {  	p0 =	sne.s32 s0, $0x0;
	s0 =	rddreg [dreg:$0x2]  }
0x107: {  	s0 =	sadd.s32 @!p0 $0x100000, s0  }
0x108: {  	[sflag:s0] =	ssyncadd.tile.s32 @!p0 $0x1;
	_ =	shalt  }
.Lfunc_end2:
_tile_overlayer_lowered:
.L_overlay_start_2:
0x109: {  	(tag) =	ssettag $0x2  }
0x10a: {  	s0 =	rddreg [dreg:$0x0];
	s2 =	stileid.u32  }
0x10b: {  	s1 =	rddreg [dreg:$0x1];
	p0 =	sne.s32 s2, $0x0  }
0x10c: {  	s3 =	rddreg [dreg:$0x2];
	[bflag:$0x3] =	sbarrier.arrive $0xFFFF;
	s2 =	simm.s32 @!p0 $0x1C0F  }
0x10d: {  	[timem:s3], [sflag:s2] =	dma.local @!p0 [hbm:s0], s1  }
0x10e: {  	s0 =	simm.s32 @!p0 $0xF  }
0x10f: {  	_ =	swait.ge @!p0 [sflag:s0], s1  }
0x110: {  	s1 =	ssub.s32 @!p0 $0x0, s1;
	[sflag:s0] =	ssyncset.done @!p0 $0x0  }
0x111: {  	[sflag:s0] =	ssyncadd.s32 @!p0 s1  }
0x112: {  	[bflag:$0x3] =	sbarrier.arrive $0xFFFF  }
0x113: {  	_ =	shalt  }

// kernel: kernel.16.cloned.1.call-start
scs
__scs_entry_jumppad:
0x0: {  	(pc) =	sbr.rel $0x88, $3  }
0x1: {  	(tag) =	ssettag $0x0;
	lr =	simm.s32 $0x1  }
0x2: {  	[smem:$0x3F9E] =	sst lr;
	_ =	strace $0xD0000000  }
0x3: {  	_ = 	snop  }
0x4: {  	_ = 	snop  }
0x5: {  	_ = 	snop  }
0x6: {  	_ = 	snop  }
0x7: {  	_ = 	snop  }
__scs_overlays_trampoline_lowered:
0x8: {  	[smem:$0x3FAD] =	sst s0  }
0x9: {  	[smem:$0x3FAE] =	sst s1  }
0xa: {  	[smem:$0x3FAF] =	sst s2  }
0xb: {  	[smem:$0x3FB0] =	sst s3  }
0xc: {  	[smem:$0x3FB1] =	sst s4  }
0xd: {  	[smem:$0x3FB2] =	sst s5  }
0xe: {  	[smem:$0x3FB3] =	sst s6  }
0xf: {  	[smem:$0x3FB4] =	sst s7  }
0x10: {  	[smem:$0x3FB5] =	sst s8  }
0x11: {  	[smem:$0x3FB6] =	sst s9;
	s0 =	simm.s32 @!p0 $0x0  }
0x12: {  	s1 =	sld [smem:$0x3F9C];
	s0 =	simm.s32 @p0 $0x1  }
0x13: {  	[smem:$0x3FB7] =	sst s0;
	s0 =	simm.s32 @!p1 $0x0  }
0x14: {  	s2 =	sld [smem:$0x3F9B];
	s0 =	simm.s32 @p1 $0x1  }
0x15: {  	[smem:$0x3FB8] =	sst s0;
	s0 =	simm.s32 @!p2 $0x0  }
0x16: {  	s3 =	sld [smem:$0x3FDB];
	s0 =	simm.s32 @p2 $0x1  }
0x17: {  	s4 =	simm.s32 $0x1BF5;
	[smem:$0x3FBA] =	sst s0  }
0x18: {  	s0 =	sld [smem:$0x3F9D];
	_ =	swait.ge [sflag:s4], $0x0  }
0x19: {  	s7 =	sld [smem:$0x3F9E]  }
0x1a: {  	s8 =	sadd.s32 $0xFFFFE003, lr  }
0x1b: {  	s9 =	sadd.s32 $0xFFFFFEF7, lr;
	s5 =	simm.s32 $0xFFFFFFFF;
	p2 =	slt.u32 s8, $0xFFFFF086  }
0x1c: {  	p1 =	slt.u32 s9, $0xF7A;
	s5 =	simm.s32 @!p2 $0x0  }
0x1d: {  	s5 =	simm.s32 @p1 $0x1;
	p0 =	seq.s32 s7, s2  }
0x1e: {  	s7 =	smul.u32 @!p0 $0xF7A, s2;
	p2 =	seq.s32 @!p0 s5, $0x0  }
0x1f: {  	s9 =	smul.u32 $0xF7A, s1;
	s8 =	simm.s32 @!p0 $0x1BF5;
	p2 =	por !p2, p0  }
0x20: {  	[sflag:s8] =	ssyncset.s32 @!p0 $0xFFFFF086;
	s6 =	sadd.s32 @!p0 s3, s7;
	s7 =	simm.s32 @!p0 $0x108  }
0x21: {  	s3 =	sadd.s32 s3, s9;
	s6 =	sadd.s32 @!p0 $0x88, s6;
	s7 =	simm.s32 @p2 $0x1082  }
0x22: {  	[simem:s7], [sflag:s8] =	dma.local @!p0 [hbm:s6], $0xF7A  }
0x23: {  	s9 =	sor.u32 $0xD0000000, s2;
	s6 =	simm.s32 $0x108;
	_ =	swait.ge @!p0 [sflag:s8], $0x0  }
0x24: {  	s3 =	sadd.s32 $0x88, s3;
	s6 =	simm.s32 @!p1 $0x1082;
	[sflag:s4] =	ssyncset.s32 $0xFFFFF086  }
0x25: {  	[simem:s6], [sflag:s4] =	dma.local [hbm:s3], $0xF7A  }
0x26: {  	[smem:$0x3F9E] =	sst s1;
	(tag) =	ssettag s2;
	_ =	strace s9  }
0x27: {  	s1 =	sld [smem:$0x3FAE]  }
0x28: {  	s2 =	sld [smem:$0x3FAF]  }
0x29: {  	s4 =	sld [smem:$0x3FB1]  }
0x2a: {  	p0 =	seq.s32 s5, $0x0;
	s5 =	sld [smem:$0x3FB2]  }
0x2b: {  	s6 =	sld [smem:$0x3FB3]  }
0x2c: {  	s7 =	sld [smem:$0x3FB4]  }
0x2d: {  	s3 =	simm.s32 $0x108;
	s8 =	sld [smem:$0x3FB5]  }
0x2e: {  	s3 =	simm.s32 @!p0 $0x1082;
	s9 =	sld [smem:$0x3FB6]  }
0x2f: {  	lr =	sadd.s32 s0, s3;
	s0 =	sld [smem:$0x3FAD]  }
0x30: {  	s3 =	sld [smem:$0x3FB0]  }
0x31: {  	[smem:$0x3FB9] =	sst s10  }
0x32: {  	s10 =	sld [smem:$0x3FB7];
	_ =	sdelay $0x3  }
0x33: {  	p0 =	seq.s32 s10, $0x1;
	s10 =	sld [smem:$0x3FB9];
	_ =	sdelay $0x3  }
0x34: {  	[smem:$0x3FB9] =	sst s10  }
0x35: {  	s10 =	sld [smem:$0x3FB8];
	_ =	sdelay $0x3  }
0x36: {  	p1 =	seq.s32 s10, $0x1;
	s10 =	sld [smem:$0x3FB9];
	_ =	sdelay $0x3  }
0x37: {  	[smem:$0x3FB9] =	sst s10  }
0x38: {  	s10 =	sld [smem:$0x3FBA]  }
0x39: {  	_ = 	snop;
	(pc) =	sbr.ind lr, $3  }
0x3a: {  	_ = 	snop  }
0x3b: {  	_ = 	snop  }
0x3c: {  	p2 =	seq.s32 s10, $0x1;
	s10 =	sld [smem:$0x3FB9]  }
0x3d: {  	_ =	shalt  }
0x3e: {  	_ =	shalt  }
0x3f: {  	_ =	shalt  }
0x40: {  	_ =	shalt  }
0x41: {  	_ =	shalt  }
0x42: {  	_ =	shalt  }
0x43: {  	_ =	shalt  }
0x44: {  	_ =	shalt  }
0x45: {  	_ =	shalt  }
0x46: {  	_ =	shalt  }
0x47: {  	_ =	shalt  }
0x48: {  	_ =	shalt  }
0x49: {  	_ =	shalt  }
0x4a: {  	_ =	shalt  }
0x4b: {  	_ =	shalt  }
0x4c: {  	_ =	shalt  }
0x4d: {  	_ =	shalt  }
0x4e: {  	_ =	shalt  }
0x4f: {  	_ =	shalt  }
0x50: {  	_ =	shalt  }
0x51: {  	_ =	shalt  }
0x52: {  	_ =	shalt  }
0x53: {  	_ =	shalt  }
0x54: {  	_ =	shalt  }
0x55: {  	_ =	shalt  }
0x56: {  	_ =	shalt  }
0x57: {  	_ =	shalt  }
0x58: {  	_ =	shalt  }
0x59: {  	_ =	shalt  }
0x5a: {  	_ =	shalt  }
0x5b: {  	_ =	shalt  }
0x5c: {  	_ =	shalt  }
0x5d: {  	_ =	shalt  }
0x5e: {  	_ =	shalt  }
0x5f: {  	_ =	shalt  }
0x60: {  	_ =	shalt  }
0x61: {  	_ =	shalt  }
0x62: {  	_ =	shalt  }
0x63: {  	_ =	shalt  }
0x64: {  	_ =	shalt  }
0x65: {  	_ =	shalt  }
0x66: {  	_ =	shalt  }
0x67: {  	_ =	shalt  }
0x68: {  	_ =	shalt  }
0x69: {  	_ =	shalt  }
0x6a: {  	_ =	shalt  }
0x6b: {  	_ =	shalt  }
0x6c: {  	_ =	shalt  }
0x6d: {  	_ =	shalt  }
0x6e: {  	_ =	shalt  }
0x6f: {  	_ =	shalt  }
0x70: {  	_ =	shalt  }
0x71: {  	_ =	shalt  }
0x72: {  	_ =	shalt  }
0x73: {  	_ =	shalt  }
0x74: {  	_ =	shalt  }
0x75: {  	_ =	shalt  }
0x76: {  	_ =	shalt  }
0x77: {  	_ =	shalt  }
0x78: {  	_ =	shalt  }
0x79: {  	_ =	shalt  }
0x7a: {  	_ =	shalt  }
0x7b: {  	_ =	shalt  }
0x7c: {  	_ =	shalt  }
0x7d: {  	_ =	shalt  }
0x7e: {  	_ =	shalt  }
0x7f: {  	_ =	shalt  }
0x80: {  	_ =	shalt  }
0x81: {  	_ =	shalt  }
0x82: {  	_ =	shalt  }
0x83: {  	_ =	shalt  }
0x84: {  	_ =	shalt  }
0x85: {  	_ =	shalt  }
0x86: {  	_ =	shalt  }
0x87: {  	_ =	shalt  }
.Lfunc_end0:
.L_simem_size_0:
called_computation.2_lowered:
.L_overlay_start_0:
0x88: {  	s2 =	sld [smem:$0x3FD9]  }
0x89: {  	s3 =	sld [smem:$0x3FFE];
	_ =	sdelay $0x1  }
0x8a: {  	s1 =	srdreg.scid  }
0x8b: {  	s0 =	sand.u32 $0x1, s1  }
0x8c: {  	s17 =	sshll.u32 s0, $0xA;
	s2 =	sadd.s32 s3, s2  }
0x8d: {  	s2 =	sadd.s32 s2, s17  }
0x8e: {  	[smem:$0x3FC5] =	sst s2  }
0x8f: {  	_ = 	snop  }
0x90: {  	s18 =	sld [smem:$0x3FC8];
	(tm) =	ssettm $0x1  }
0x91: {  	s19 =	sld [smem:$0x3FFB];
	_ =	sdelay $0x3  }
0x92: {  	_ =	strace s19  }
0x93: {  	s2 =	sld [smem:$0x3FFC];
	_ =	sdelay $0x3  }
0x94: {  	_ =	strace s2  }
0x95: {  	s2 =	sld [smem:$0x3FFD];
	_ =	sdelay $0x3  }
0x96: {  	_ =	strace s2  }
0x97: {  	_ =	strace $0x8FFFFFFF  }
0x98: {  	s20 =	sld [smem:$0x3FDB];
	_ =	sdelay $0x1  }
0x99: {  	s4 =	simm.s32 $_scs_section_size  }
0x9a: {  	s5 =	simm.s32 $_size__tile_overlayer_lowered;
	s6 =	simm.s32 $_tile_overlayer_lowered  }
0x9b: {  	s7 =	simm.s32 $0x1BFF;
	s21 =	sshll.u32 s6, $0x1;
	s4 =	sadd.s32 s4, s20  }
0x9c: {  	s22 =	simm.s32 $0x0;
	s5 =	sshll.u32 s5, $0x1;
	s6 =	sadd.s32 s21, s4  }
0x9d: {  	[timem:s22], [sflag:s7] =	dma.local [hbm:s6], s5  }
0x9e: {  	_ =	swait.ge [sflag:s7], s5  }
0x9f: {  	s5 =	ssub.s32 $0x0, s5;
	[sflag:s7] =	ssyncset.done $0x0  }
0xa0: {  	[sflag:s7] =	ssyncadd.s32 s5;
	_ =	sdelay $0x1  }
0xa1: {  	s23 =	simm.s32 $0x1B8B  }
0xa2: {  	_ =	swait.ge [sflag:s23], $0x1  }
0xa3: {  	[sflag:s23] =	ssyncset.done $0x0  }
0xa4: {  	[sflag:s23] =	ssyncadd.s32 $0xFFFFFFFF  }
0xa5: {  	s5 =	sld [smem:$0x0]  }
0xa6: {  	s6 =	sand.u32 $0xFFFFFFFE, s1  }
0xa7: {  	p0 =	sne.s32 s1, s6  }
0xa8: {  	s6 =	sshll.u32 @p0 s6, $0xE  }
0xa9: {  	s6 =	sadd.s32 @p0 $0x11B8D, s6;
	s7 =	sshll.u32 @p0 s5, $0x11  }
0xaa: {  	s6 =	sor.u32 @p0 s7, s6  }
0xab: {  	[sflag:s6] =	ssyncadd.remote.s32 @p0 $0x1;
	_ =	sdelay $0x1  }
0xac: {  	s6 =	simm.s32 @p0 $0x1B8D  }
0xad: {  	_ =	swait.eq @p0 [sflag:s6], $0x1  }
0xae: {  	[sflag:s6] =	ssyncadd.s32 @p0 $0xFFFFFFFF  }
0xaf: {  	s7 =	sshll.u32 @!p0 s1, $0xE  }
0xb0: {  	s7 =	sor.u32 @!p0 $0x4000, s7;
	s6 =	simm.s32 @!p0 $0x1B8D  }
0xb1: {  	s5 =	sshll.u32 @!p0 s5, $0x11;
	s7 =	sadd.s32 @!p0 $0x11B8D, s7;
	_ =	swait.eq @!p0 [sflag:s6], $0x1  }
0xb2: {  	s5 =	sor.u32 @!p0 s5, s7;
	[sflag:s6] =	ssyncadd.s32 @!p0 $0xFFFFFFFF  }
0xb3: {  	s25 =	simm.s32 $0x1B8E;
	s24 =	sld [smem:$0x3FFE];
	[sflag:s5] =	ssyncadd.remote.s32 @!p0 $0x1  }
0xb4: {  	s26 =	simm.s32 $execute0_lowered;
	[smem:$0x3FD2] =	sst s25  }
0xb5: {  	s6 =	sshll.u32 s26, $0x1;
	_ =	strace $0x8000004C;
	[dreg:$0x1] =	wrdreg $0xFFFFFFFF  }
0xb6: {  	s28 =	simm.s32 $_size_execute0_lowered;
	s4 =	sadd.s32 s4, s6;
	[dreg:$0x0] =	wrdreg $0x0  }
0xb7: {  	s6 =	sshll.u32 s28, $0x1;
	[dreg:$0x2] =	wrdreg s4  }
0xb8: {  	[dreg:$0x3] =	wrdreg s6  }
0xb9: {  	[dreg:$0x4] =	wrdreg $0xC0  }
0xba: {  	_ =	task [dreg:s22], $0x5FFFF  }
0xbb: {  	[dreg:$0x1] =	wrdreg $0xFFFFFFFF  }
0xbc: {  	[dreg:$0x0] =	wrdreg $0x60  }
0xbd: {  	[dreg:$0x2] =	wrdreg s24  }
0xbe: {  	[dreg:$0x3] =	wrdreg s18  }
0xbf: {  	[dreg:$0x4] =	wrdreg $0xB  }
0xc0: {  	_ =	task.clear_ibuf [dreg:s22], $0x5FFFF;
	_ =	strace $0x9000004C  }
0xc1: {  	s29 =	simm.s32 $0xB;
	_ =	strace $0x8000004E  }
0xc2: {  	_ =	swait.ge [sflag:s29], $0x1  }
0xc3: {  	[sflag:s29] =	ssyncadd.s32 $0xFFFFFFFF  }
0xc4: {  	_ =	strace $0x9000004E  }
0xc5: {  	_ =	sfence  }
0xc6: {  	s30 =	sld [smem:$0x0];
	_ =	sdelay $0x2  }
0xc7: {  	s31 =	sshll.u32 s1, $0xD;
	s1 =	sshrl.u32 s1, $0x2  }
0xc8: {  	s4 =	sand.u32 $0x4000, s31;
	s1 =	sadd.s32 s1, s30  }
0xc9: {  	s0 =	sor.u32 s4, s0;
	s1 =	sshll.u32 s1, $0x11  }
0xca: {  	s0 =	sor.u32 s1, s0  }
0xcb: {  	s0 =	sadd.s32 $0x8F2B, s0  }
0xcc: {  	[sflag:s0] =	ssyncadd.remote.s32 $0x1  }
0xcd: {  	_ =	sfence.sel $0xFFFF  }
0xce: {  	[dreg:$0x0] =	wrdreg $0xFFFFFFFF;
	(pc) =	sbr.abs _section_cstart, $3  }
0xcf: {  	[dreg:$0x1] =	wrdreg $0xFFFFFFFF  }
0xd0: {  	_ =	task.clear_ibuf [dreg:s22], $0x2FFFF;
	_ =	strace $0x9FFFFFFF  }
0xd1: {  	(tm) =	ssettm $0x7FFFFFFF  }
tec
execute0_lowered:
.L_overlay_start_1:
0x0: {  	(tag) =	ssettag $0x1  }
0x1: {  	s0 =	srdreg.scid  }
0x2: {  	s3 =	stileid.u32;
	s4 =	rddreg [dreg:$0x0]  }
0x3: {  	s2 =	rddreg [dreg:$0x1];
	s9 =	simm.s32 $0x280;
	s12 =	simm.s32 $0x1A80  }
0x4: {  	s15 =	simm.s32 $0x3280;
	s18 =	simm.s32 $0x4A80;
	s21 =	simm.s32 $0x6280  }
0x5: {  	s25 =	simm.s32 $0x9A80;
	s26 =	simm.s32 $0xA280;
	s28 =	simm.s32 $0x1  }
0x6: {  	s29 =	simm.s32 $0x9280;
	s30 =	simm.s32 $0x2;
	s31 =	simm.s32 $0x8  }
0x7: {  	s10 =	simm.s32 $0x4;
	s11 =	simm.s32 $0xA;
	s13 =	simm.s32 $0x5  }
0x8: {  	s14 =	simm.s32 $0xB;
	s16 =	simm.s32 $0x6;
	s17 =	simm.s32 $0xC  }
0x9: {  	s19 =	simm.s32 $0x7;
	s0 =	sand.u32 $0x1, s0;
	s1 =	sshll.u32 s3, $0x1  }
0xa: {  	s5 =	smul.u32 $0x4D0, s3;
	s3 =	simm.s32 $0x0;
	s1 =	sor.u32 s0, s1  }
0xb: {  	s6 =	smul.u32 $0x268, s0;
	[smem:$0x7FF] =	sst s3;
	s0 =	ssub.s32 $0x2, s0  }
0xc: {  	s1 =	smul.u32 $0x268, s1;
	_ =	strace $0x8000004D;
	[dreg:$0x5] =	wrdreg s25  }
0xd: {  	s20 =	simm.s32 $0xD;
	s7 =	sshrl.u32 s0, $0x1;
	[dreg:$0x6] =	wrdreg s26  }
0xe: {  	s5 =	sadd.s32 s6, s5;
	s0 =	ssub.s32 s0, s7;
	s1 =	sshrl.u32 s1, $0x3  }
0xf: {  	s6 =	sshrl.u32 s5, $0x3;
	s5 =	sadd.s32 $0x8, s5;
	s0 =	smax.u32 s0, $0x1  }
0x10: {  	s1 =	sadd.s32 s1, s4;
	s6 =	smul.u32 $0x300, s6;
	s5 =	sshrl.u32 s5, $0x3  }
0x11: {  	s4 =	sadd.s32 $0x39FE00, s4;
	[dreg:$0x8] =	wrdreg s0;
	s0 =	simm.s32 $0x9  }
0x12: {  	s8 =	smul.u32 $0x300, s5;
	s1 =	sadd.s32 $0x1D0A00, s1;
	s5 =	sadd.s32 $0x100, s2  }
0x13: {  	v0 =	vlaneseq.u32;
	[dreg:$0x7] =	wrdreg s1;
	s23 =	sadd.s32 s6, s4;
	s6 =	sadd.s32 $0x200, s2  }
0x14: {  	v1 =	vshrl.u32 v0, $0x3;
	s1 =	simm.s32 $0x3;
	[dreg:$0x3] =	wrdreg s23;
	s24 =	sadd.s32 s8, s4  }
0x15: {  	vm0 =	vmmov $0xffff;
	v0 =	vand.u32 $0x7, v0;
	v1 =	vmul.u32 $0x8, v1;
	s23 =	simm.s32 $0x0;
	[dreg:$0x4] =	wrdreg s24;
	s24 =	simm.s32 $0x7A80  }
.LBB2_1:
0x16: {  	s4 =	rddreg [dreg:$0x7];
	s22 =	simm.s32 $0xF  }
0x17: {  	[tilespmem:s3], [sflag:$0xF] =	stream.linear.gather [hbm4b:s4+s3], $0x268, $0x38;
	[tilespmem:$0xAA80] =	vst v63  }
0x18: {  	_ =	swait.ge [sflag:s22], $0x268  }
0x19: {  	[sflag:s22] =	ssyncset.done $0x0  }
0x1a: {  	[sflag:s22] =	ssyncadd.s32 $0xFFFFFD98  }
0x1b: {  	v2 =	vld.msk [tilespmem:$0x0], $0xff;
	_ =	sdelay $0x4  }
0x1c: {  	v3 =	vshrl.u32 v2, $0x3  }
0x1d: {  	v3 =	vmul.u32 $0x30, v3  }
0x1e: {  	v2 =	vand.u32 $0x7, v2  }
0x1f: {  	v2 =	vor.u32 v2, v3  }
0x20: {  	v2 =	vperm.xlane v2, v0;
	_ =	sdelay $0x1  }
0x21: {  	v2 =	vadd.s32 v1, v2;
	_ =	sdelay $0x4  }
0x22: {  	[tilespmem:s9], [sflag:$0x1] =	stream.indirect_vreg.gather [hbm4b:s2+s3], $0x80, v2, vm0, $0xb8;
	[tilespmem:$0xAA80] =	vst v63  }
0x23: {  	s25 =	simm.s32 $0xA80  }
0x24: {  	[tilespmem:s25], [sflag:$0x1] =	stream.indirect_vreg.gather [hbm4b:s5+s3], $0x80, v2, vm0, $0xb8;
	[tilespmem:$0xAA80] =	vst v63  }
0x25: {  	s26 =	simm.s32 $0x1280  }
0x26: {  	[tilespmem:s26], [sflag:$0x1] =	stream.indirect_vreg.gather [hbm4b:s6+s3], $0x80, v2, vm0, $0xb8;
	[tilespmem:$0xAA80] =	vst v63  }
0x27: {  	v2 =	vld.msk [tilespmem:$0x8], $0xff;
	_ =	sdelay $0x4  }
0x28: {  	v3 =	vshrl.u32 v2, $0x3  }
0x29: {  	v3 =	vmul.u32 $0x30, v3  }
0x2a: {  	v2 =	vand.u32 $0x7, v2  }
0x2b: {  	v2 =	vor.u32 v2, v3  }
0x2c: {  	v2 =	vperm.xlane v2, v0;
	_ =	sdelay $0x1  }
0x2d: {  	v2 =	vadd.s32 v1, v2;
	_ =	sdelay $0x4  }
0x2e: {  	[tilespmem:s12], [sflag:$0x2] =	stream.indirect_vreg.gather [hbm4b:s2+s3], $0x80, v2, vm0, $0xb8;
	[tilespmem:$0xAA80] =	vst v63  }
0x2f: {  	s7 =	simm.s32 $0x2280  }
0x30: {  	[tilespmem:s7], [sflag:$0x2] =	stream.indirect_vreg.gather [hbm4b:s5+s3], $0x80, v2, vm0, $0xb8;
	[tilespmem:$0xAA80] =	vst v63  }
0x31: {  	s8 =	simm.s32 $0x2A80  }
0x32: {  	[tilespmem:s8], [sflag:$0x2] =	stream.indirect_vreg.gather [hbm4b:s6+s3], $0x80, v2, vm0, $0xb8;
	[tilespmem:$0xAA80] =	vst v63  }
0x33: {  	v2 =	vld.msk [tilespmem:$0x10], $0xff;
	_ =	sdelay $0x4  }
0x34: {  	v3 =	vshrl.u32 v2, $0x3  }
0x35: {  	v3 =	vmul.u32 $0x30, v3  }
0x36: {  	v2 =	vand.u32 $0x7, v2  }
0x37: {  	v2 =	vor.u32 v2, v3  }
0x38: {  	v2 =	vperm.xlane v2, v0;
	_ =	sdelay $0x1  }
0x39: {  	v2 =	vadd.s32 v1, v2;
	_ =	sdelay $0x4  }
0x3a: {  	[tilespmem:s15], [sflag:$0x3] =	stream.indirect_vreg.gather [hbm4b:s2+s3], $0x80, v2, vm0, $0xb8;
	[tilespmem:$0xAA80] =	vst v63  }
0x3b: {  	s22 =	simm.s32 $0x3A80  }
0x3c: {  	[tilespmem:s22], [sflag:$0x3] =	stream.indirect_vreg.gather [hbm4b:s5+s3], $0x80, v2, vm0, $0xb8;
	[tilespmem:$0xAA80] =	vst v63  }
0x3d: {  	s25 =	simm.s32 $0x4280  }
0x3e: {  	[tilespmem:s25], [sflag:$0x3] =	stream.indirect_vreg.gather [hbm4b:s6+s3], $0x80, v2, vm0, $0xb8;
	[tilespmem:$0xAA80] =	vst v63  }
0x3f: {  	v2 =	vld.msk [tilespmem:$0x18], $0xff;
	_ =	sdelay $0x4  }
0x40: {  	v3 =	vshrl.u32 v2, $0x3  }
0x41: {  	v3 =	vmul.u32 $0x30, v3  }
0x42: {  	v2 =	vand.u32 $0x7, v2  }
0x43: {  	v2 =	vor.u32 v2, v3  }
0x44: {  	v2 =	vperm.xlane v2, v0;
	_ =	sdelay $0x1  }
0x45: {  	v2 =	vadd.s32 v1, v2;
	_ =	sdelay $0x4  }
0x46: {  	[tilespmem:s18], [sflag:$0x4] =	stream.indirect_vreg.gather [hbm4b:s2+s3], $0x80, v2, vm0, $0xb8;
	[tilespmem:$0xAA80] =	vst v63  }
0x47: {  	s26 =	simm.s32 $0x5280  }
0x48: {  	[tilespmem:s26], [sflag:$0x4] =	stream.indirect_vreg.gather [hbm4b:s5+s3], $0x80, v2, vm0, $0xb8;
	[tilespmem:$0xAA80] =	vst v63  }
0x49: {  	s7 =	simm.s32 $0x5A80  }
0x4a: {  	[tilespmem:s7], [sflag:$0x4] =	stream.indirect_vreg.gather [hbm4b:s6+s3], $0x80, v2, vm0, $0xb8;
	[tilespmem:$0xAA80] =	vst v63  }
0x4b: {  	v2 =	vld.msk [tilespmem:$0x20], $0xff;
	_ =	sdelay $0x4  }
0x4c: {  	v3 =	vshrl.u32 v2, $0x3  }
0x4d: {  	v3 =	vmul.u32 $0x30, v3  }
0x4e: {  	v2 =	vand.u32 $0x7, v2  }
0x4f: {  	v2 =	vor.u32 v2, v3  }
0x50: {  	v2 =	vperm.xlane v2, v0;
	_ =	sdelay $0x1  }
0x51: {  	v2 =	vadd.s32 v1, v2;
	_ =	sdelay $0x4  }
0x52: {  	[tilespmem:s21], [sflag:$0x5] =	stream.indirect_vreg.gather [hbm4b:s2+s3], $0x80, v2, vm0, $0xb8;
	[tilespmem:$0xAA80] =	vst v63  }
0x53: {  	s8 =	simm.s32 $0x6A80  }
0x54: {  	[tilespmem:s8], [sflag:$0x5] =	stream.indirect_vreg.gather [hbm4b:s5+s3], $0x80, v2, vm0, $0xb8;
	[tilespmem:$0xAA80] =	vst v63  }
0x55: {  	s22 =	simm.s32 $0x7280  }
0x56: {  	[tilespmem:s22], [sflag:$0x5] =	stream.indirect_vreg.gather [hbm4b:s6+s3], $0x80, v2, vm0, $0xb8;
	[tilespmem:$0xAA80] =	vst v63  }
0x57: {  	v2 =	vld.msk [tilespmem:$0x28], $0xff;
	_ =	sdelay $0x4  }
0x58: {  	v3 =	vshrl.u32 v2, $0x3  }
0x59: {  	v3 =	vmul.u32 $0x30, v3  }
0x5a: {  	v2 =	vand.u32 $0x7, v2  }
0x5b: {  	v2 =	vor.u32 v2, v3  }
0x5c: {  	v2 =	vperm.xlane v2, v0;
	_ =	sdelay $0x1  }
0x5d: {  	v2 =	vadd.s32 v1, v2;
	_ =	sdelay $0x4  }
0x5e: {  	[tilespmem:s24], [sflag:$0x6] =	stream.indirect_vreg.gather [hbm4b:s2+s3], $0x80, v2, vm0, $0xb8;
	[tilespmem:$0xAA80] =	vst v63  }
0x5f: {  	s25 =	simm.s32 $0x8280  }
0x60: {  	[tilespmem:s25], [sflag:$0x6] =	stream.indirect_vreg.gather [hbm4b:s5+s3], $0x80, v2, vm0, $0xb8;
	[tilespmem:$0xAA80] =	vst v63  }
0x61: {  	s26 =	simm.s32 $0x8A80  }
0x62: {  	[tilespmem:s26], [sflag:$0x6] =	stream.indirect_vreg.gather [hbm4b:s6+s3], $0x80, v2, vm0, $0xb8;
	[tilespmem:$0xAA80] =	vst v63  }
0x63: {  	s25 =	simm.s32 $0x60;
	s26 =	simm.s32 $0x0  }
.LBB2_2:
0x64: {  	_ =	swait.ge [sflag:s28], $0x1800  }
0x65: {  	p0 =	seq.s32 s26, $0x0;
	[sflag:s28] =	ssyncset.done $0x0  }
0x66: {  	s4 =	simm.s32 @!p0 $0xE;
	[sflag:s28] =	ssyncadd.s32 $0xFFFFE800  }
0x67: {  	_ =	swait.ge @!p0 [sflag:s4], $0x1800  }
0x68: {  	[sflag:s4] =	ssyncset.done @!p0 $0x0  }
0x69: {  	[sflag:s4] =	ssyncadd.s32 @!p0 $0xFFFFE800  }
0x6a: {  	v2 =	vld.msk [tilespmem:s25+$0xFFFFFFD0], $0xff;
	_ =	sdelay $0x4  }
0x6b: {  	v3 =	vshrl.u32 v2, $0x3  }
0x6c: {  	v3 =	vmul.u32 $0x30, v3  }
0x6d: {  	v2 =	vand.u32 $0x7, v2  }
0x6e: {  	v2 =	vor.u32 v2, v3  }
0x6f: {  	v2 =	vperm.xlane v2, v0;
	_ =	sdelay $0x1  }
0x70: {  	v2 =	vadd.s32 v1, v2;
	_ =	sdelay $0x3  }
0x71: {  	s7 =	rddreg [dreg:$0x5]  }
0x72: {  	[tilespmem:s29], [sflag:$0x7] =	stream.indirect_vreg.gather [hbm4b:s2+s3], $0x80, v2, vm0, $0xb8;
	[tilespmem:$0xAA80] =	vst v63  }
0x73: {  	s8 =	rddreg [dreg:$0x6]  }
0x74: {  	[tilespmem:s7], [sflag:$0x7] =	stream.indirect_vreg.gather [hbm4b:s5+s3], $0x80, v2, vm0, $0xb8;
	[tilespmem:$0xAA80] =	vst v63  }
0x75: {  	s7 =	rddreg [dreg:$0x3]  }
0x76: {  	[tilespmem:s8], [sflag:$0x7] =	stream.indirect_vreg.gather [hbm4b:s6+s3], $0x80, v2, vm0, $0xb8;
	[tilespmem:$0xAA80] =	vst v63  }
0x77: {  	s4 =	sadd.s32 s26, s7  }
0x78: {  	[hbm4b:s4+s3] =	stream.linear.scatter [tilespmem:s9], [sflag:$0x8], $0x1800, $0x38;
	[tilespmem:$0xAA80] =	vst v63  }
0x79: {  	_ =	swait.ge [sflag:s30], $0x1800  }
0x7a: {  	[sflag:s30] =	ssyncset.done $0x0  }
0x7b: {  	[sflag:s30] =	ssyncadd.s32 $0xFFFFE800  }
0x7c: {  	_ =	swait.ge [sflag:s31], $0x1800  }
0x7d: {  	[sflag:s31] =	ssyncset.done $0x0  }
0x7e: {  	p0 =	seq.s32 s26, $0xD200;
	[sflag:s31] =	ssyncadd.s32 $0xFFFFE800  }
0x7f: {  	v2 =	vld.msk @!p0 [tilespmem:s25+$0xFFFFFFD8], $0xff;
	_ =	sdelay $0x4  }
0x80: {  	v3 =	vshrl.u32 @!p0 v2, $0x3  }
0x81: {  	v3 =	vmul.u32 @!p0 $0x30, v3  }
0x82: {  	v4 =	vlaneseq.u32 @!p0;
	v2 =	vand.u32 @!p0 $0x7, v2  }
0x83: {  	v2 =	vor.u32 @!p0 v2, v3;
	v3 =	vand.u32 @!p0 $0x7, v4;
	v4 =	vshrl.u32 @!p0 v4, $0x3  }
0x84: {  	v2 =	vperm.xlane @!p0 v2, v3;
	v4 =	vmul.u32 @!p0 $0x8, v4;
	_ =	sdelay $0x1  }
0x85: {  	v2 =	vadd.s32 @!p0 v4, v2;
	_ =	sdelay $0x3  }
0x86: {  	vm1 =	vmmov @!p0 $0xffff;
	s7 =	simm.s32 @!p0 $0x0;
	s8 =	simm.s32 @!p0 $0x280  }
0x87: {  	[tilespmem:s8], [sflag:$0x1] =	stream.indirect_vreg.gather @!p0 [hbm4b:s2+s7], $0x80, v2, vm1, $0xb8;
	[tilespmem:$0xAA80] =	vst v63  }
0x88: {  	s8 =	simm.s32 @!p0 $0xA80  }
0x89: {  	[tilespmem:s8], [sflag:$0x1] =	stream.indirect_vreg.gather @!p0 [hbm4b:s5+s7], $0x80, v2, vm1, $0xb8;
	[tilespmem:$0xAA80] =	vst v63  }
0x8a: {  	s22 =	simm.s32 @!p0 $0x1280;
	s8 =	rddreg [dreg:$0x4]  }
0x8b: {  	[tilespmem:s22], [sflag:$0x1] =	stream.indirect_vreg.gather @!p0 [hbm4b:s6+s7], $0x80, v2, vm1, $0xb8;
	[tilespmem:$0xAA80] =	vst v63  }
0x8c: {  	s8 =	sadd.s32 s26, s8  }
0x8d: {  	[hbm4b:s8+s3] =	stream.linear.scatter [tilespmem:s12], [sflag:$0x9], $0x1800, $0x38;
	[tilespmem:$0xAA80] =	vst v63  }
0x8e: {  	_ =	swait.ge [sflag:s1], $0x1800  }
0x8f: {  	[sflag:s1] =	ssyncset.done $0x0  }
0x90: {  	[sflag:s1] =	ssyncadd.s32 $0xFFFFE800  }
0x91: {  	_ =	swait.ge [sflag:s0], $0x1800  }
0x92: {  	[sflag:s0] =	ssyncset.done $0x0  }
0x93: {  	[sflag:s0] =	ssyncadd.s32 $0xFFFFE800  }
0x94: {  	v2 =	vld.msk @!p0 [tilespmem:s25+$0xFFFFFFE0], $0xff;
	_ =	sdelay $0x4  }
0x95: {  	v5 =	vshrl.u32 @!p0 v2, $0x3  }
0x96: {  	v5 =	vmul.u32 @!p0 $0x30, v5  }
0x97: {  	v2 =	vand.u32 @!p0 $0x7, v2  }
0x98: {  	v2 =	vor.u32 @!p0 v2, v5  }
0x99: {  	v2 =	vperm.xlane @!p0 v2, v3;
	_ =	sdelay $0x1  }
0x9a: {  	v2 =	vadd.s32 @!p0 v4, v2;
	_ =	sdelay $0x3  }
0x9b: {  	s8 =	simm.s32 @!p0 $0x1A80  }
0x9c: {  	[tilespmem:s8], [sflag:$0x2] =	stream.indirect_vreg.gather @!p0 [hbm4b:s2+s7], $0x80, v2, vm1, $0xb8;
	[tilespmem:$0xAA80] =	vst v63  }
0x9d: {  	s8 =	simm.s32 @!p0 $0x2280  }
0x9e: {  	[tilespmem:s8], [sflag:$0x2] =	stream.indirect_vreg.gather @!p0 [hbm4b:s5+s7], $0x80, v2, vm1, $0xb8;
	[tilespmem:$0xAA80] =	vst v63  }
0x9f: {  	s8 =	simm.s32 @!p0 $0x2A80  }
0xa0: {  	[tilespmem:s8], [sflag:$0x2] =	stream.indirect_vreg.gather @!p0 [hbm4b:s6+s7], $0x80, v2, vm1, $0xb8;
	[tilespmem:$0xAA80] =	vst v63  }
0xa1: {  	s22 =	sadd.s32 $0x600, s4  }
0xa2: {  	[hbm4b:s22+s3] =	stream.linear.scatter [tilespmem:s15], [sflag:$0xA], $0x1800, $0x38;
	[tilespmem:$0xAA80] =	vst v63  }
0xa3: {  	_ =	swait.ge [sflag:s10], $0x1800  }
0xa4: {  	[sflag:s10] =	ssyncset.done $0x0  }
0xa5: {  	[sflag:s10] =	ssyncadd.s32 $0xFFFFE800  }
0xa6: {  	_ =	swait.ge [sflag:s11], $0x1800  }
0xa7: {  	[sflag:s11] =	ssyncset.done $0x0  }
0xa8: {  	[sflag:s11] =	ssyncadd.s32 $0xFFFFE800  }
0xa9: {  	v2 =	vld.msk @!p0 [tilespmem:s25+$0xFFFFFFE8], $0xff;
	_ =	sdelay $0x4  }
0xaa: {  	v5 =	vshrl.u32 @!p0 v2, $0x3  }
0xab: {  	v5 =	vmul.u32 @!p0 $0x30, v5  }
0xac: {  	v2 =	vand.u32 @!p0 $0x7, v2  }
0xad: {  	v2 =	vor.u32 @!p0 v2, v5  }
0xae: {  	v2 =	vperm.xlane @!p0 v2, v3;
	_ =	sdelay $0x1  }
0xaf: {  	v2 =	vadd.s32 @!p0 v4, v2;
	_ =	sdelay $0x3  }
0xb0: {  	s8 =	simm.s32 @!p0 $0x3280  }
0xb1: {  	[tilespmem:s8], [sflag:$0x3] =	stream.indirect_vreg.gather @!p0 [hbm4b:s2+s7], $0x80, v2, vm1, $0xb8;
	[tilespmem:$0xAA80] =	vst v63  }
0xb2: {  	s8 =	simm.s32 @!p0 $0x3A80  }
0xb3: {  	[tilespmem:s8], [sflag:$0x3] =	stream.indirect_vreg.gather @!p0 [hbm4b:s5+s7], $0x80, v2, vm1, $0xb8;
	[tilespmem:$0xAA80] =	vst v63  }
0xb4: {  	s8 =	simm.s32 @!p0 $0x4280  }
0xb5: {  	[tilespmem:s8], [sflag:$0x3] =	stream.indirect_vreg.gather @!p0 [hbm4b:s6+s7], $0x80, v2, vm1, $0xb8;
	[tilespmem:$0xAA80] =	vst v63  }
0xb6: {  	s22 =	sadd.s32 $0x900, s4  }
0xb7: {  	[hbm4b:s22+s3] =	stream.linear.scatter [tilespmem:s18], [sflag:$0xB], $0x1800, $0x38;
	[tilespmem:$0xAA80] =	vst v63  }
0xb8: {  	_ =	swait.ge [sflag:s13], $0x1800  }
0xb9: {  	[sflag:s13] =	ssyncset.done $0x0  }
0xba: {  	[sflag:s13] =	ssyncadd.s32 $0xFFFFE800  }
0xbb: {  	_ =	swait.ge [sflag:s14], $0x1800  }
0xbc: {  	[sflag:s14] =	ssyncset.done $0x0  }
0xbd: {  	[sflag:s14] =	ssyncadd.s32 $0xFFFFE800  }
0xbe: {  	v2 =	vld.msk @!p0 [tilespmem:s25+$0xFFFFFFF0], $0xff;
	_ =	sdelay $0x4  }
0xbf: {  	v5 =	vshrl.u32 @!p0 v2, $0x3  }
0xc0: {  	v5 =	vmul.u32 @!p0 $0x30, v5  }
0xc1: {  	v2 =	vand.u32 @!p0 $0x7, v2  }
0xc2: {  	v2 =	vor.u32 @!p0 v2, v5  }
0xc3: {  	v2 =	vperm.xlane @!p0 v2, v3;
	_ =	sdelay $0x1  }
0xc4: {  	v2 =	vadd.s32 @!p0 v4, v2;
	_ =	sdelay $0x3  }
0xc5: {  	s8 =	simm.s32 @!p0 $0x4A80  }
0xc6: {  	[tilespmem:s8], [sflag:$0x4] =	stream.indirect_vreg.gather @!p0 [hbm4b:s2+s7], $0x80, v2, vm1, $0xb8;
	[tilespmem:$0xAA80] =	vst v63  }
0xc7: {  	s8 =	simm.s32 @!p0 $0x5280  }
0xc8: {  	[tilespmem:s8], [sflag:$0x4] =	stream.indirect_vreg.gather @!p0 [hbm4b:s5+s7], $0x80, v2, vm1, $0xb8;
	[tilespmem:$0xAA80] =	vst v63  }
0xc9: {  	s8 =	simm.s32 @!p0 $0x5A80  }
0xca: {  	[tilespmem:s8], [sflag:$0x4] =	stream.indirect_vreg.gather @!p0 [hbm4b:s6+s7], $0x80, v2, vm1, $0xb8;
	[tilespmem:$0xAA80] =	vst v63  }
0xcb: {  	s22 =	sadd.s32 $0xC00, s4  }
0xcc: {  	[hbm4b:s22+s3] =	stream.linear.scatter [tilespmem:s21], [sflag:$0xC], $0x1800, $0x38;
	[tilespmem:$0xAA80] =	vst v63  }
0xcd: {  	_ =	swait.ge [sflag:s16], $0x1800  }
0xce: {  	[sflag:s16] =	ssyncset.done $0x0  }
0xcf: {  	[sflag:s16] =	ssyncadd.s32 $0xFFFFE800  }
0xd0: {  	_ =	swait.ge [sflag:s17], $0x1800  }
0xd1: {  	[sflag:s17] =	ssyncset.done $0x0  }
0xd2: {  	[sflag:s17] =	ssyncadd.s32 $0xFFFFE800  }
0xd3: {  	v2 =	vld.msk @!p0 [tilespmem:s25+$0xFFFFFFF8], $0xff;
	_ =	sdelay $0x4  }
0xd4: {  	v5 =	vshrl.u32 @!p0 v2, $0x3  }
0xd5: {  	v5 =	vmul.u32 @!p0 $0x30, v5  }
0xd6: {  	v2 =	vand.u32 @!p0 $0x7, v2  }
0xd7: {  	v2 =	vor.u32 @!p0 v2, v5  }
0xd8: {  	v2 =	vperm.xlane @!p0 v2, v3;
	_ =	sdelay $0x1  }
0xd9: {  	v2 =	vadd.s32 @!p0 v4, v2;
	_ =	sdelay $0x3  }
0xda: {  	s8 =	simm.s32 @!p0 $0x6280  }
0xdb: {  	[tilespmem:s8], [sflag:$0x5] =	stream.indirect_vreg.gather @!p0 [hbm4b:s2+s7], $0x80, v2, vm1, $0xb8;
	[tilespmem:$0xAA80] =	vst v63  }
0xdc: {  	s8 =	simm.s32 @!p0 $0x6A80  }
0xdd: {  	[tilespmem:s8], [sflag:$0x5] =	stream.indirect_vreg.gather @!p0 [hbm4b:s5+s7], $0x80, v2, vm1, $0xb8;
	[tilespmem:$0xAA80] =	vst v63  }
0xde: {  	s8 =	simm.s32 @!p0 $0x7280  }
0xdf: {  	[tilespmem:s8], [sflag:$0x5] =	stream.indirect_vreg.gather @!p0 [hbm4b:s6+s7], $0x80, v2, vm1, $0xb8;
	[tilespmem:$0xAA80] =	vst v63  }
0xe0: {  	s22 =	sadd.s32 $0xF00, s4  }
0xe1: {  	[hbm4b:s22+s3] =	stream.linear.scatter [tilespmem:s24], [sflag:$0xD], $0x1800, $0x38;
	[tilespmem:$0xAA80] =	vst v63  }
0xe2: {  	_ =	swait.ge [sflag:s19], $0x1800  }
0xe3: {  	[sflag:s19] =	ssyncset.done $0x0  }
0xe4: {  	[sflag:s19] =	ssyncadd.s32 $0xFFFFE800  }
0xe5: {  	_ =	swait.ge [sflag:s20], $0x1800  }
0xe6: {  	[sflag:s20] =	ssyncset.done $0x0  }
0xe7: {  	[sflag:s20] =	ssyncadd.s32 $0xFFFFE800  }
0xe8: {  	v2 =	vld.msk @!p0 [tilespmem:s25+$0x0], $0xff;
	_ =	sdelay $0x4  }
0xe9: {  	v5 =	vshrl.u32 @!p0 v2, $0x3  }
0xea: {  	v5 =	vmul.u32 @!p0 $0x30, v5  }
0xeb: {  	v2 =	vand.u32 @!p0 $0x7, v2  }
0xec: {  	v2 =	vor.u32 @!p0 v2, v5  }
0xed: {  	v2 =	vperm.xlane @!p0 v2, v3;
	_ =	sdelay $0x1  }
0xee: {  	v2 =	vadd.s32 @!p0 v4, v2;
	_ =	sdelay $0x3  }
0xef: {  	s8 =	simm.s32 @!p0 $0x7A80  }
0xf0: {  	[tilespmem:s8], [sflag:$0x6] =	stream.indirect_vreg.gather @!p0 [hbm4b:s2+s7], $0x80, v2, vm1, $0xb8;
	[tilespmem:$0xAA80] =	vst v63  }
0xf1: {  	s8 =	simm.s32 @!p0 $0x8280  }
0xf2: {  	[tilespmem:s8], [sflag:$0x6] =	stream.indirect_vreg.gather @!p0 [hbm4b:s5+s7], $0x80, v2, vm1, $0xb8;
	[tilespmem:$0xAA80] =	vst v63  }
0xf3: {  	s26 =	sadd.s32 $0x1500, s26;
	s8 =	simm.s32 @!p0 $0x8A80  }
0xf4: {  	[tilespmem:s8], [sflag:$0x6] =	stream.indirect_vreg.gather @!p0 [hbm4b:s6+s7], $0x80, v2, vm1, $0xb8;
	[tilespmem:$0xAA80] =	vst v63  }
0xf5: {  	p0 =	sne.s32 s26, $0xE700  }
.Ltmp0:
0xf6: {  	_ = 	snop;
	(pc) =	sbr.rel @p0 .LBB2_2-.Ltmp0, $3  }
0xf7: {  	_ =	sdelay $0x1  }
0xf8: {  	s4 =	sadd.s32 $0x1200, s4;
	s25 =	sadd.s32 $0x38, s25  }
0xf9: {  	[hbm4b:s4+s3] =	stream.linear.scatter [tilespmem:s29], [sflag:$0xE], $0x1800, $0x38;
	[tilespmem:$0xAA80] =	vst v63  }
0xfa: {  	s7 =	simm.s32 $0xE  }
0xfb: {  	_ =	swait.ge [sflag:s7], $0x1800  }
0xfc: {  	s23 =	sadd.s32 $0x1, s23;
	s4 =	rddreg [dreg:$0x8]  }
0xfd: {  	p0 =	sne.s32 s23, s4  }
.Ltmp1:
0xfe: {  	_ = 	snop;
	(pc) =	sbr.rel @p0 .LBB2_1-.Ltmp1, $3  }
0xff: {  	_ =	sdelay $0x1  }
0x100: {  	[sflag:s7] =	ssyncset.done $0x0  }
0x101: {  	[sflag:s7] =	ssyncadd.s32 $0xFFFFE800  }
0x102: {  	_ =	sfence.sel $0x180000  }
0x103: {  	[bflag:$0x0] =	sbarrier.arrive $0xFFFF  }
0x104: {  	_ =	strace $0x9000004D  }
0x105: {  	s0 =	stileid.u32;
	[bflag:$0x2] =	sbarrier.arrive $0xFFFF  }
0x106: {  	p0 =	sne.s32 s0, $0x0;
	s0 =	rddreg [dreg:$0x2]  }
0x107: {  	s0 =	sadd.s32 @!p0 $0x100000, s0  }
0x108: {  	[sflag:s0] =	ssyncadd.tile.s32 @!p0 $0x1;
	_ =	shalt  }
.Lfunc_end2:
_tile_overlayer_lowered:
.L_overlay_start_2:
0x109: {  	(tag) =	ssettag $0x2  }
0x10a: {  	s0 =	rddreg [dreg:$0x0];
	s2 =	stileid.u32  }
0x10b: {  	s1 =	rddreg [dreg:$0x1];
	p0 =	sne.s32 s2, $0x0  }
0x10c: {  	s3 =	rddreg [dreg:$0x2];
	[bflag:$0x3] =	sbarrier.arrive $0xFFFF;
	s2 =	simm.s32 @!p0 $0x1C0F  }
0x10d: {  	[timem:s3], [sflag:s2] =	dma.local @!p0 [hbm:s0], s1  }
0x10e: {  	s0 =	simm.s32 @!p0 $0xF  }
0x10f: {  	_ =	swait.ge @!p0 [sflag:s0], s1  }
0x110: {  	s1 =	ssub.s32 @!p0 $0x0, s1;
	[sflag:s0] =	ssyncset.done @!p0 $0x0  }
0x111: {  	[sflag:s0] =	ssyncadd.s32 @!p0 s1  }
0x112: {  	[bflag:$0x3] =	sbarrier.arrive $0xFFFF  }
0x113: {  	_ =	shalt  }

// kernel: kernel.19.cloned.1.call-start
scs
__scs_entry_jumppad:
0x0: {  	(pc) =	sbr.rel $0x88, $3  }
0x1: {  	(tag) =	ssettag $0x0;
	lr =	simm.s32 $0x1  }
0x2: {  	[smem:$0x3F9E] =	sst lr;
	_ =	strace $0xD0000000  }
0x3: {  	_ = 	snop  }
0x4: {  	_ = 	snop  }
0x5: {  	_ = 	snop  }
0x6: {  	_ = 	snop  }
0x7: {  	_ = 	snop  }
__scs_overlays_trampoline_lowered:
0x8: {  	[smem:$0x3FAD] =	sst s0  }
0x9: {  	[smem:$0x3FAE] =	sst s1  }
0xa: {  	[smem:$0x3FAF] =	sst s2  }
0xb: {  	[smem:$0x3FB0] =	sst s3  }
0xc: {  	[smem:$0x3FB1] =	sst s4  }
0xd: {  	[smem:$0x3FB2] =	sst s5  }
0xe: {  	[smem:$0x3FB3] =	sst s6  }
0xf: {  	[smem:$0x3FB4] =	sst s7  }
0x10: {  	[smem:$0x3FB5] =	sst s8  }
0x11: {  	[smem:$0x3FB6] =	sst s9;
	s0 =	simm.s32 @!p0 $0x0  }
0x12: {  	s1 =	sld [smem:$0x3F9C];
	s0 =	simm.s32 @p0 $0x1  }
0x13: {  	[smem:$0x3FB7] =	sst s0;
	s0 =	simm.s32 @!p1 $0x0  }
0x14: {  	s2 =	sld [smem:$0x3F9B];
	s0 =	simm.s32 @p1 $0x1  }
0x15: {  	[smem:$0x3FB8] =	sst s0;
	s0 =	simm.s32 @!p2 $0x0  }
0x16: {  	s3 =	sld [smem:$0x3FDB];
	s0 =	simm.s32 @p2 $0x1  }
0x17: {  	s4 =	simm.s32 $0x1BF5;
	[smem:$0x3FBA] =	sst s0  }
0x18: {  	s0 =	sld [smem:$0x3F9D];
	_ =	swait.ge [sflag:s4], $0x0  }
0x19: {  	s7 =	sld [smem:$0x3F9E]  }
0x1a: {  	s8 =	sadd.s32 $0xFFFFE003, lr  }
0x1b: {  	s9 =	sadd.s32 $0xFFFFFEF7, lr;
	s5 =	simm.s32 $0xFFFFFFFF;
	p2 =	slt.u32 s8, $0xFFFFF086  }
0x1c: {  	p1 =	slt.u32 s9, $0xF7A;
	s5 =	simm.s32 @!p2 $0x0  }
0x1d: {  	s5 =	simm.s32 @p1 $0x1;
	p0 =	seq.s32 s7, s2  }
0x1e: {  	s7 =	smul.u32 @!p0 $0xF7A, s2;
	p2 =	seq.s32 @!p0 s5, $0x0  }
0x1f: {  	s9 =	smul.u32 $0xF7A, s1;
	s8 =	simm.s32 @!p0 $0x1BF5;
	p2 =	por !p2, p0  }
0x20: {  	[sflag:s8] =	ssyncset.s32 @!p0 $0xFFFFF086;
	s6 =	sadd.s32 @!p0 s3, s7;
	s7 =	simm.s32 @!p0 $0x108  }
0x21: {  	s3 =	sadd.s32 s3, s9;
	s6 =	sadd.s32 @!p0 $0x88, s6;
	s7 =	simm.s32 @p2 $0x1082  }
0x22: {  	[simem:s7], [sflag:s8] =	dma.local @!p0 [hbm:s6], $0xF7A  }
0x23: {  	s9 =	sor.u32 $0xD0000000, s2;
	s6 =	simm.s32 $0x108;
	_ =	swait.ge @!p0 [sflag:s8], $0x0  }
0x24: {  	s3 =	sadd.s32 $0x88, s3;
	s6 =	simm.s32 @!p1 $0x1082;
	[sflag:s4] =	ssyncset.s32 $0xFFFFF086  }
0x25: {  	[simem:s6], [sflag:s4] =	dma.local [hbm:s3], $0xF7A  }
0x26: {  	[smem:$0x3F9E] =	sst s1;
	(tag) =	ssettag s2;
	_ =	strace s9  }
0x27: {  	s1 =	sld [smem:$0x3FAE]  }
0x28: {  	s2 =	sld [smem:$0x3FAF]  }
0x29: {  	s4 =	sld [smem:$0x3FB1]  }
0x2a: {  	p0 =	seq.s32 s5, $0x0;
	s5 =	sld [smem:$0x3FB2]  }
0x2b: {  	s6 =	sld [smem:$0x3FB3]  }
0x2c: {  	s7 =	sld [smem:$0x3FB4]  }
0x2d: {  	s3 =	simm.s32 $0x108;
	s8 =	sld [smem:$0x3FB5]  }
0x2e: {  	s3 =	simm.s32 @!p0 $0x1082;
	s9 =	sld [smem:$0x3FB6]  }
0x2f: {  	lr =	sadd.s32 s0, s3;
	s0 =	sld [smem:$0x3FAD]  }
0x30: {  	s3 =	sld [smem:$0x3FB0]  }
0x31: {  	[smem:$0x3FB9] =	sst s10  }
0x32: {  	s10 =	sld [smem:$0x3FB7];
	_ =	sdelay $0x3  }
0x33: {  	p0 =	seq.s32 s10, $0x1;
	s10 =	sld [smem:$0x3FB9];
	_ =	sdelay $0x3  }
0x34: {  	[smem:$0x3FB9] =	sst s10  }
0x35: {  	s10 =	sld [smem:$0x3FB8];
	_ =	sdelay $0x3  }
0x36: {  	p1 =	seq.s32 s10, $0x1;
	s10 =	sld [smem:$0x3FB9];
	_ =	sdelay $0x3  }
0x37: {  	[smem:$0x3FB9] =	sst s10  }
0x38: {  	s10 =	sld [smem:$0x3FBA]  }
0x39: {  	_ = 	snop;
	(pc) =	sbr.ind lr, $3  }
0x3a: {  	_ = 	snop  }
0x3b: {  	_ = 	snop  }
0x3c: {  	p2 =	seq.s32 s10, $0x1;
	s10 =	sld [smem:$0x3FB9]  }
0x3d: {  	_ =	shalt  }
0x3e: {  	_ =	shalt  }
0x3f: {  	_ =	shalt  }
0x40: {  	_ =	shalt  }
0x41: {  	_ =	shalt  }
0x42: {  	_ =	shalt  }
0x43: {  	_ =	shalt  }
0x44: {  	_ =	shalt  }
0x45: {  	_ =	shalt  }
0x46: {  	_ =	shalt  }
0x47: {  	_ =	shalt  }
0x48: {  	_ =	shalt  }
0x49: {  	_ =	shalt  }
0x4a: {  	_ =	shalt  }
0x4b: {  	_ =	shalt  }
0x4c: {  	_ =	shalt  }
0x4d: {  	_ =	shalt  }
0x4e: {  	_ =	shalt  }
0x4f: {  	_ =	shalt  }
0x50: {  	_ =	shalt  }
0x51: {  	_ =	shalt  }
0x52: {  	_ =	shalt  }
0x53: {  	_ =	shalt  }
0x54: {  	_ =	shalt  }
0x55: {  	_ =	shalt  }
0x56: {  	_ =	shalt  }
0x57: {  	_ =	shalt  }
0x58: {  	_ =	shalt  }
0x59: {  	_ =	shalt  }
0x5a: {  	_ =	shalt  }
0x5b: {  	_ =	shalt  }
0x5c: {  	_ =	shalt  }
0x5d: {  	_ =	shalt  }
0x5e: {  	_ =	shalt  }
0x5f: {  	_ =	shalt  }
0x60: {  	_ =	shalt  }
0x61: {  	_ =	shalt  }
0x62: {  	_ =	shalt  }
0x63: {  	_ =	shalt  }
0x64: {  	_ =	shalt  }
0x65: {  	_ =	shalt  }
0x66: {  	_ =	shalt  }
0x67: {  	_ =	shalt  }
0x68: {  	_ =	shalt  }
0x69: {  	_ =	shalt  }
0x6a: {  	_ =	shalt  }
0x6b: {  	_ =	shalt  }
0x6c: {  	_ =	shalt  }
0x6d: {  	_ =	shalt  }
0x6e: {  	_ =	shalt  }
0x6f: {  	_ =	shalt  }
0x70: {  	_ =	shalt  }
0x71: {  	_ =	shalt  }
0x72: {  	_ =	shalt  }
0x73: {  	_ =	shalt  }
0x74: {  	_ =	shalt  }
0x75: {  	_ =	shalt  }
0x76: {  	_ =	shalt  }
0x77: {  	_ =	shalt  }
0x78: {  	_ =	shalt  }
0x79: {  	_ =	shalt  }
0x7a: {  	_ =	shalt  }
0x7b: {  	_ =	shalt  }
0x7c: {  	_ =	shalt  }
0x7d: {  	_ =	shalt  }
0x7e: {  	_ =	shalt  }
0x7f: {  	_ =	shalt  }
0x80: {  	_ =	shalt  }
0x81: {  	_ =	shalt  }
0x82: {  	_ =	shalt  }
0x83: {  	_ =	shalt  }
0x84: {  	_ =	shalt  }
0x85: {  	_ =	shalt  }
0x86: {  	_ =	shalt  }
0x87: {  	_ =	shalt  }
.Lfunc_end0:
.L_simem_size_0:
called_computation.3_lowered:
.L_overlay_start_0:
0x88: {  	s2 =	sld [smem:$0x3FD9]  }
0x89: {  	s3 =	sld [smem:$0x3FFE];
	_ =	sdelay $0x1  }
0x8a: {  	s1 =	srdreg.scid  }
0x8b: {  	s0 =	sand.u32 $0x1, s1  }
0x8c: {  	s17 =	sshll.u32 s0, $0xA;
	s2 =	sadd.s32 s3, s2  }
0x8d: {  	s2 =	sadd.s32 s2, s17  }
0x8e: {  	[smem:$0x3FC5] =	sst s2  }
0x8f: {  	_ = 	snop  }
0x90: {  	s18 =	sld [smem:$0x3FC8]  }
0x91: {  	s4 =	sld [smem:$0x3FD0];
	(tm) =	ssettm $0x1  }
0x92: {  	s19 =	sld [smem:$0x3FFB];
	_ =	sdelay $0x3  }
0x93: {  	_ =	strace s19  }
0x94: {  	s2 =	sld [smem:$0x3FFC];
	_ =	sdelay $0x3  }
0x95: {  	_ =	strace s2  }
0x96: {  	s2 =	sld [smem:$0x3FFD];
	_ =	sdelay $0x3  }
0x97: {  	_ =	strace s2  }
0x98: {  	_ =	strace $0x8FFFFFFF  }
0x99: {  	s20 =	sld [smem:$0x3FDB];
	_ =	sdelay $0x1  }
0x9a: {  	s5 =	simm.s32 $_scs_section_size  }
0x9b: {  	s6 =	simm.s32 $_size__tile_overlayer_lowered;
	s7 =	simm.s32 $_tile_overlayer_lowered  }
0x9c: {  	s8 =	simm.s32 $0x1BFF;
	s21 =	sshll.u32 s7, $0x1;
	s5 =	sadd.s32 s5, s20  }
0x9d: {  	s22 =	simm.s32 $0x0;
	s6 =	sshll.u32 s6, $0x1;
	s7 =	sadd.s32 s21, s5  }
0x9e: {  	[timem:s22], [sflag:s8] =	dma.local [hbm:s7], s6  }
0x9f: {  	_ =	swait.ge [sflag:s8], s6  }
0xa0: {  	s6 =	ssub.s32 $0x0, s6;
	[sflag:s8] =	ssyncset.done $0x0  }
0xa1: {  	[sflag:s8] =	ssyncadd.s32 s6;
	_ =	sdelay $0x1  }
0xa2: {  	s23 =	simm.s32 $0x1B8B  }
0xa3: {  	_ =	swait.ge [sflag:s23], $0x1  }
0xa4: {  	[sflag:s23] =	ssyncset.done $0x0  }
0xa5: {  	[sflag:s23] =	ssyncadd.s32 $0xFFFFFFFF  }
0xa6: {  	s6 =	sld [smem:$0x0]  }
0xa7: {  	s7 =	sand.u32 $0xFFFFFFFE, s1  }
0xa8: {  	p0 =	sne.s32 s1, s7  }
0xa9: {  	s7 =	sshll.u32 @p0 s7, $0xE  }
0xaa: {  	s7 =	sadd.s32 @p0 $0x11B8D, s7;
	s8 =	sshll.u32 @p0 s6, $0x11  }
0xab: {  	s7 =	sor.u32 @p0 s8, s7  }
0xac: {  	[sflag:s7] =	ssyncadd.remote.s32 @p0 $0x1;
	_ =	sdelay $0x1  }
0xad: {  	s7 =	simm.s32 @p0 $0x1B8D  }
0xae: {  	_ =	swait.eq @p0 [sflag:s7], $0x1  }
0xaf: {  	[sflag:s7] =	ssyncadd.s32 @p0 $0xFFFFFFFF  }
0xb0: {  	s8 =	sshll.u32 @!p0 s1, $0xE  }
0xb1: {  	s8 =	sor.u32 @!p0 $0x4000, s8;
	s7 =	simm.s32 @!p0 $0x1B8D  }
0xb2: {  	s6 =	sshll.u32 @!p0 s6, $0x11;
	s8 =	sadd.s32 @!p0 $0x11B8D, s8;
	_ =	swait.eq @!p0 [sflag:s7], $0x1  }
0xb3: {  	s6 =	sor.u32 @!p0 s6, s8;
	[sflag:s7] =	ssyncadd.s32 @!p0 $0xFFFFFFFF  }
0xb4: {  	s25 =	simm.s32 $0x1B8E;
	s24 =	sld [smem:$0x3FFE];
	[sflag:s6] =	ssyncadd.remote.s32 @!p0 $0x1  }
0xb5: {  	s26 =	simm.s32 $execute0_lowered;
	[smem:$0x3FD2] =	sst s25  }
0xb6: {  	s7 =	sshll.u32 s26, $0x1;
	_ =	strace $0x8000004F;
	[dreg:$0x1] =	wrdreg $0xFFFFFFFF  }
0xb7: {  	s28 =	simm.s32 $_size_execute0_lowered;
	s5 =	sadd.s32 s5, s7;
	[dreg:$0x0] =	wrdreg $0x0  }
0xb8: {  	s7 =	sshll.u32 s28, $0x1;
	[dreg:$0x2] =	wrdreg s5  }
0xb9: {  	[dreg:$0x3] =	wrdreg s7  }
0xba: {  	[dreg:$0x4] =	wrdreg $0xC0  }
0xbb: {  	_ =	task [dreg:s22], $0x5FFFF  }
0xbc: {  	[dreg:$0x1] =	wrdreg $0xFFFFFFFF  }
0xbd: {  	[dreg:$0x0] =	wrdreg $0x60  }
0xbe: {  	[dreg:$0x2] =	wrdreg s24  }
0xbf: {  	[dreg:$0x3] =	wrdreg s18  }
0xc0: {  	[dreg:$0x4] =	wrdreg s4  }
0xc1: {  	[dreg:$0x5] =	wrdreg $0xC  }
0xc2: {  	_ =	task.clear_ibuf [dreg:s22], $0x6FFFF;
	_ =	strace $0x9000004F  }
0xc3: {  	s29 =	simm.s32 $0xC;
	_ =	strace $0x80000051  }
0xc4: {  	_ =	swait.ge [sflag:s29], $0x1  }
0xc5: {  	[sflag:s29] =	ssyncadd.s32 $0xFFFFFFFF  }
0xc6: {  	_ =	strace $0x90000051  }
0xc7: {  	_ =	sfence  }
0xc8: {  	s30 =	sld [smem:$0x0];
	_ =	sdelay $0x2  }
0xc9: {  	s31 =	sshll.u32 s1, $0xD;
	s1 =	sshrl.u32 s1, $0x2  }
0xca: {  	s4 =	sand.u32 $0x4000, s31;
	s1 =	sadd.s32 s1, s30  }
0xcb: {  	s0 =	sor.u32 s4, s0;
	s1 =	sshll.u32 s1, $0x11  }
0xcc: {  	s0 =	sor.u32 s1, s0  }
0xcd: {  	s0 =	sadd.s32 $0x8F2B, s0  }
0xce: {  	[sflag:s0] =	ssyncadd.remote.s32 $0x1  }
0xcf: {  	_ =	sfence.sel $0xFFFF  }
0xd0: {  	[dreg:$0x0] =	wrdreg $0xFFFFFFFF;
	(pc) =	sbr.abs _section_cstart, $3  }
0xd1: {  	[dreg:$0x1] =	wrdreg $0xFFFFFFFF  }
0xd2: {  	_ =	task.clear_ibuf [dreg:s22], $0x2FFFF;
	_ =	strace $0x9FFFFFFF  }
0xd3: {  	(tm) =	ssettm $0x7FFFFFFF  }
tec
execute0_lowered:
.L_overlay_start_1:
0x0: {  	(tag) =	ssettag $0x1  }
0x1: {  	s0 =	rddreg [dreg:$0x0]  }
0x2: {  	s2 =	rddreg [dreg:$0x1]  }
0x3: {  	s1 =	rddreg [dreg:$0x2]  }
0x4: {  	s3 =	srdreg.scid;
	s6 =	stileid.u32;
	s9 =	simm.s32 $0x280  }
0x5: {  	s12 =	simm.s32 $0x1A80;
	s15 =	simm.s32 $0x3280;
	s18 =	simm.s32 $0x4A80  }
0x6: {  	s25 =	simm.s32 $0x9A80;
	s26 =	simm.s32 $0xA280;
	s28 =	simm.s32 $0x1  }
0x7: {  	s29 =	simm.s32 $0x9280;
	s30 =	simm.s32 $0x2;
	s31 =	simm.s32 $0x8  }
0x8: {  	s10 =	simm.s32 $0x4;
	s11 =	simm.s32 $0xA;
	s13 =	simm.s32 $0x5  }
0x9: {  	s14 =	simm.s32 $0xB;
	s16 =	simm.s32 $0x6;
	s17 =	simm.s32 $0xC  }
0xa: {  	s19 =	simm.s32 $0x7;
	s20 =	simm.s32 $0xD;
	s4 =	sand.u32 $0x1, s3  }
0xb: {  	s5 =	sshll.u32 s6, $0x1;
	s6 =	smul.u32 $0x4D0, s6;
	s3 =	simm.s32 $0x0  }
0xc: {  	s5 =	sor.u32 s4, s5;
	s7 =	smul.u32 $0x268, s4;
	[smem:$0x7FF] =	sst s3  }
0xd: {  	s4 =	ssub.s32 $0x2, s4;
	_ =	strace $0x80000050;
	[dreg:$0x6] =	wrdreg s25  }
0xe: {  	s5 =	smul.u32 $0x268, s5;
	s21 =	sshrl.u32 s4, $0x1;
	[dreg:$0x7] =	wrdreg s26  }
0xf: {  	s6 =	sadd.s32 s7, s6;
	s4 =	ssub.s32 s4, s21;
	s21 =	simm.s32 $0x6280  }
0x10: {  	s5 =	sshrl.u32 s5, $0x3;
	s7 =	sshrl.u32 s6, $0x3;
	s6 =	sadd.s32 $0x8, s6  }
0x11: {  	s24 =	smax.u32 s4, $0x1;
	s7 =	smul.u32 $0x300, s7;
	s6 =	sshrl.u32 s6, $0x3  }
0x12: {  	s0 =	sadd.s32 s5, s0;
	s5 =	sadd.s32 $0x100, s2;
	[dreg:$0x9] =	wrdreg s24  }
0x13: {  	s24 =	simm.s32 $0x7A80;
	s6 =	smul.u32 $0x300, s6;
	s0 =	sadd.s32 $0x1D1400, s0  }
0x14: {  	v0 =	vlaneseq.u32;
	[dreg:$0x8] =	wrdreg s0;
	s22 =	sadd.s32 s7, s1;
	s0 =	simm.s32 $0x3  }
0x15: {  	v1 =	vshrl.u32 v0, $0x3;
	[dreg:$0x4] =	wrdreg s22;
	s23 =	sadd.s32 s6, s1;
	s6 =	sadd.s32 $0x200, s2  }
0x16: {  	vm0 =	vmmov $0xffff;
	v0 =	vand.u32 $0x7, v0;
	v1 =	vmul.u32 $0x8, v1;
	s1 =	simm.s32 $0x9;
	[dreg:$0x5] =	wrdreg s23;
	s23 =	simm.s32 $0x0  }
.LBB2_1:
0x17: {  	s4 =	rddreg [dreg:$0x8];
	s22 =	simm.s32 $0xF  }
0x18: {  	[tilespmem:s3], [sflag:$0xF] =	stream.linear.gather [hbm4b:s4+s3], $0x268, $0x38;
	[tilespmem:$0xAA80] =	vst v63  }
0x19: {  	_ =	swait.ge [sflag:s22], $0x268  }
0x1a: {  	[sflag:s22] =	ssyncset.done $0x0  }
0x1b: {  	[sflag:s22] =	ssyncadd.s32 $0xFFFFFD98  }
0x1c: {  	v2 =	vld.msk [tilespmem:$0x0], $0xff;
	_ =	sdelay $0x4  }
0x1d: {  	v3 =	vshrl.u32 v2, $0x3  }
0x1e: {  	v3 =	vmul.u32 $0x30, v3  }
0x1f: {  	v2 =	vand.u32 $0x7, v2  }
0x20: {  	v2 =	vor.u32 v2, v3  }
0x21: {  	v2 =	vperm.xlane v2, v0;
	_ =	sdelay $0x1  }
0x22: {  	v2 =	vadd.s32 v1, v2;
	_ =	sdelay $0x4  }
0x23: {  	[tilespmem:s9], [sflag:$0x1] =	stream.indirect_vreg.gather [hbm4b:s2+s3], $0x80, v2, vm0, $0xb8;
	[tilespmem:$0xAA80] =	vst v63  }
0x24: {  	s25 =	simm.s32 $0xA80  }
0x25: {  	[tilespmem:s25], [sflag:$0x1] =	stream.indirect_vreg.gather [hbm4b:s5+s3], $0x80, v2, vm0, $0xb8;
	[tilespmem:$0xAA80] =	vst v63  }
0x26: {  	s26 =	simm.s32 $0x1280  }
0x27: {  	[tilespmem:s26], [sflag:$0x1] =	stream.indirect_vreg.gather [hbm4b:s6+s3], $0x80, v2, vm0, $0xb8;
	[tilespmem:$0xAA80] =	vst v63  }
0x28: {  	v2 =	vld.msk [tilespmem:$0x8], $0xff;
	_ =	sdelay $0x4  }
0x29: {  	v3 =	vshrl.u32 v2, $0x3  }
0x2a: {  	v3 =	vmul.u32 $0x30, v3  }
0x2b: {  	v2 =	vand.u32 $0x7, v2  }
0x2c: {  	v2 =	vor.u32 v2, v3  }
0x2d: {  	v2 =	vperm.xlane v2, v0;
	_ =	sdelay $0x1  }
0x2e: {  	v2 =	vadd.s32 v1, v2;
	_ =	sdelay $0x4  }
0x2f: {  	[tilespmem:s12], [sflag:$0x2] =	stream.indirect_vreg.gather [hbm4b:s2+s3], $0x80, v2, vm0, $0xb8;
	[tilespmem:$0xAA80] =	vst v63  }
0x30: {  	s7 =	simm.s32 $0x2280  }
0x31: {  	[tilespmem:s7], [sflag:$0x2] =	stream.indirect_vreg.gather [hbm4b:s5+s3], $0x80, v2, vm0, $0xb8;
	[tilespmem:$0xAA80] =	vst v63  }
0x32: {  	s8 =	simm.s32 $0x2A80  }
0x33: {  	[tilespmem:s8], [sflag:$0x2] =	stream.indirect_vreg.gather [hbm4b:s6+s3], $0x80, v2, vm0, $0xb8;
	[tilespmem:$0xAA80] =	vst v63  }
0x34: {  	v2 =	vld.msk [tilespmem:$0x10], $0xff;
	_ =	sdelay $0x4  }
0x35: {  	v3 =	vshrl.u32 v2, $0x3  }
0x36: {  	v3 =	vmul.u32 $0x30, v3  }
0x37: {  	v2 =	vand.u32 $0x7, v2  }
0x38: {  	v2 =	vor.u32 v2, v3  }
0x39: {  	v2 =	vperm.xlane v2, v0;
	_ =	sdelay $0x1  }
0x3a: {  	v2 =	vadd.s32 v1, v2;
	_ =	sdelay $0x4  }
0x3b: {  	[tilespmem:s15], [sflag:$0x3] =	stream.indirect_vreg.gather [hbm4b:s2+s3], $0x80, v2, vm0, $0xb8;
	[tilespmem:$0xAA80] =	vst v63  }
0x3c: {  	s22 =	simm.s32 $0x3A80  }
0x3d: {  	[tilespmem:s22], [sflag:$0x3] =	stream.indirect_vreg.gather [hbm4b:s5+s3], $0x80, v2, vm0, $0xb8;
	[tilespmem:$0xAA80] =	vst v63  }
0x3e: {  	s25 =	simm.s32 $0x4280  }
0x3f: {  	[tilespmem:s25], [sflag:$0x3] =	stream.indirect_vreg.gather [hbm4b:s6+s3], $0x80, v2, vm0, $0xb8;
	[tilespmem:$0xAA80] =	vst v63  }
0x40: {  	v2 =	vld.msk [tilespmem:$0x18], $0xff;
	_ =	sdelay $0x4  }
0x41: {  	v3 =	vshrl.u32 v2, $0x3  }
0x42: {  	v3 =	vmul.u32 $0x30, v3  }
0x43: {  	v2 =	vand.u32 $0x7, v2  }
0x44: {  	v2 =	vor.u32 v2, v3  }
0x45: {  	v2 =	vperm.xlane v2, v0;
	_ =	sdelay $0x1  }
0x46: {  	v2 =	vadd.s32 v1, v2;
	_ =	sdelay $0x4  }
0x47: {  	[tilespmem:s18], [sflag:$0x4] =	stream.indirect_vreg.gather [hbm4b:s2+s3], $0x80, v2, vm0, $0xb8;
	[tilespmem:$0xAA80] =	vst v63  }
0x48: {  	s26 =	simm.s32 $0x5280  }
0x49: {  	[tilespmem:s26], [sflag:$0x4] =	stream.indirect_vreg.gather [hbm4b:s5+s3], $0x80, v2, vm0, $0xb8;
	[tilespmem:$0xAA80] =	vst v63  }
0x4a: {  	s7 =	simm.s32 $0x5A80  }
0x4b: {  	[tilespmem:s7], [sflag:$0x4] =	stream.indirect_vreg.gather [hbm4b:s6+s3], $0x80, v2, vm0, $0xb8;
	[tilespmem:$0xAA80] =	vst v63  }
0x4c: {  	v2 =	vld.msk [tilespmem:$0x20], $0xff;
	_ =	sdelay $0x4  }
0x4d: {  	v3 =	vshrl.u32 v2, $0x3  }
0x4e: {  	v3 =	vmul.u32 $0x30, v3  }
0x4f: {  	v2 =	vand.u32 $0x7, v2  }
0x50: {  	v2 =	vor.u32 v2, v3  }
0x51: {  	v2 =	vperm.xlane v2, v0;
	_ =	sdelay $0x1  }
0x52: {  	v2 =	vadd.s32 v1, v2;
	_ =	sdelay $0x4  }
0x53: {  	[tilespmem:s21], [sflag:$0x5] =	stream.indirect_vreg.gather [hbm4b:s2+s3], $0x80, v2, vm0, $0xb8;
	[tilespmem:$0xAA80] =	vst v63  }
0x54: {  	s8 =	simm.s32 $0x6A80  }
0x55: {  	[tilespmem:s8], [sflag:$0x5] =	stream.indirect_vreg.gather [hbm4b:s5+s3], $0x80, v2, vm0, $0xb8;
	[tilespmem:$0xAA80] =	vst v63  }
0x56: {  	s22 =	simm.s32 $0x7280  }
0x57: {  	[tilespmem:s22], [sflag:$0x5] =	stream.indirect_vreg.gather [hbm4b:s6+s3], $0x80, v2, vm0, $0xb8;
	[tilespmem:$0xAA80] =	vst v63  }
0x58: {  	v2 =	vld.msk [tilespmem:$0x28], $0xff;
	_ =	sdelay $0x4  }
0x59: {  	v3 =	vshrl.u32 v2, $0x3  }
0x5a: {  	v3 =	vmul.u32 $0x30, v3  }
0x5b: {  	v2 =	vand.u32 $0x7, v2  }
0x5c: {  	v2 =	vor.u32 v2, v3  }
0x5d: {  	v2 =	vperm.xlane v2, v0;
	_ =	sdelay $0x1  }
0x5e: {  	v2 =	vadd.s32 v1, v2;
	_ =	sdelay $0x4  }
0x5f: {  	[tilespmem:s24], [sflag:$0x6] =	stream.indirect_vreg.gather [hbm4b:s2+s3], $0x80, v2, vm0, $0xb8;
	[tilespmem:$0xAA80] =	vst v63  }
0x60: {  	s25 =	simm.s32 $0x8280  }
0x61: {  	[tilespmem:s25], [sflag:$0x6] =	stream.indirect_vreg.gather [hbm4b:s5+s3], $0x80, v2, vm0, $0xb8;
	[tilespmem:$0xAA80] =	vst v63  }
0x62: {  	s26 =	simm.s32 $0x8A80  }
0x63: {  	[tilespmem:s26], [sflag:$0x6] =	stream.indirect_vreg.gather [hbm4b:s6+s3], $0x80, v2, vm0, $0xb8;
	[tilespmem:$0xAA80] =	vst v63  }
0x64: {  	s25 =	simm.s32 $0x60;
	s26 =	simm.s32 $0x0  }
.LBB2_2:
0x65: {  	_ =	swait.ge [sflag:s28], $0x1800  }
0x66: {  	p0 =	seq.s32 s26, $0x0;
	[sflag:s28] =	ssyncset.done $0x0  }
0x67: {  	s4 =	simm.s32 @!p0 $0xE;
	[sflag:s28] =	ssyncadd.s32 $0xFFFFE800  }
0x68: {  	_ =	swait.ge @!p0 [sflag:s4], $0x1800  }
0x69: {  	[sflag:s4] =	ssyncset.done @!p0 $0x0  }
0x6a: {  	[sflag:s4] =	ssyncadd.s32 @!p0 $0xFFFFE800  }
0x6b: {  	v2 =	vld.msk [tilespmem:s25+$0xFFFFFFD0], $0xff;
	_ =	sdelay $0x4  }
0x6c: {  	v3 =	vshrl.u32 v2, $0x3  }
0x6d: {  	v3 =	vmul.u32 $0x30, v3  }
0x6e: {  	v2 =	vand.u32 $0x7, v2  }
0x6f: {  	v2 =	vor.u32 v2, v3  }
0x70: {  	v2 =	vperm.xlane v2, v0;
	_ =	sdelay $0x1  }
0x71: {  	v2 =	vadd.s32 v1, v2;
	_ =	sdelay $0x3  }
0x72: {  	s7 =	rddreg [dreg:$0x6]  }
0x73: {  	[tilespmem:s29], [sflag:$0x7] =	stream.indirect_vreg.gather [hbm4b:s2+s3], $0x80, v2, vm0, $0xb8;
	[tilespmem:$0xAA80] =	vst v63  }
0x74: {  	s8 =	rddreg [dreg:$0x7]  }
0x75: {  	[tilespmem:s7], [sflag:$0x7] =	stream.indirect_vreg.gather [hbm4b:s5+s3], $0x80, v2, vm0, $0xb8;
	[tilespmem:$0xAA80] =	vst v63  }
0x76: {  	s7 =	rddreg [dreg:$0x4]  }
0x77: {  	[tilespmem:s8], [sflag:$0x7] =	stream.indirect_vreg.gather [hbm4b:s6+s3], $0x80, v2, vm0, $0xb8;
	[tilespmem:$0xAA80] =	vst v63  }
0x78: {  	s4 =	sadd.s32 s26, s7  }
0x79: {  	[hbm4b:s4+s3] =	stream.linear.scatter [tilespmem:s9], [sflag:$0x8], $0x1800, $0x38;
	[tilespmem:$0xAA80] =	vst v63  }
0x7a: {  	_ =	swait.ge [sflag:s30], $0x1800  }
0x7b: {  	[sflag:s30] =	ssyncset.done $0x0  }
0x7c: {  	[sflag:s30] =	ssyncadd.s32 $0xFFFFE800  }
0x7d: {  	_ =	swait.ge [sflag:s31], $0x1800  }
0x7e: {  	[sflag:s31] =	ssyncset.done $0x0  }
0x7f: {  	p0 =	seq.s32 s26, $0xD200;
	[sflag:s31] =	ssyncadd.s32 $0xFFFFE800  }
0x80: {  	v2 =	vld.msk @!p0 [tilespmem:s25+$0xFFFFFFD8], $0xff;
	_ =	sdelay $0x4  }
0x81: {  	v3 =	vshrl.u32 @!p0 v2, $0x3  }
0x82: {  	v3 =	vmul.u32 @!p0 $0x30, v3  }
0x83: {  	v4 =	vlaneseq.u32 @!p0;
	v2 =	vand.u32 @!p0 $0x7, v2  }
0x84: {  	v2 =	vor.u32 @!p0 v2, v3;
	v3 =	vand.u32 @!p0 $0x7, v4;
	v4 =	vshrl.u32 @!p0 v4, $0x3  }
0x85: {  	v2 =	vperm.xlane @!p0 v2, v3;
	v4 =	vmul.u32 @!p0 $0x8, v4;
	_ =	sdelay $0x1  }
0x86: {  	v2 =	vadd.s32 @!p0 v4, v2;
	_ =	sdelay $0x3  }
0x87: {  	vm1 =	vmmov @!p0 $0xffff;
	s7 =	simm.s32 @!p0 $0x0;
	s8 =	simm.s32 @!p0 $0x280  }
0x88: {  	[tilespmem:s8], [sflag:$0x1] =	stream.indirect_vreg.gather @!p0 [hbm4b:s2+s7], $0x80, v2, vm1, $0xb8;
	[tilespmem:$0xAA80] =	vst v63  }
0x89: {  	s8 =	simm.s32 @!p0 $0xA80  }
0x8a: {  	[tilespmem:s8], [sflag:$0x1] =	stream.indirect_vreg.gather @!p0 [hbm4b:s5+s7], $0x80, v2, vm1, $0xb8;
	[tilespmem:$0xAA80] =	vst v63  }
0x8b: {  	s22 =	simm.s32 @!p0 $0x1280;
	s8 =	rddreg [dreg:$0x5]  }
0x8c: {  	[tilespmem:s22], [sflag:$0x1] =	stream.indirect_vreg.gather @!p0 [hbm4b:s6+s7], $0x80, v2, vm1, $0xb8;
	[tilespmem:$0xAA80] =	vst v63  }
0x8d: {  	s8 =	sadd.s32 s26, s8  }
0x8e: {  	[hbm4b:s8+s3] =	stream.linear.scatter [tilespmem:s12], [sflag:$0x9], $0x1800, $0x38;
	[tilespmem:$0xAA80] =	vst v63  }
0x8f: {  	_ =	swait.ge [sflag:s0], $0x1800  }
0x90: {  	[sflag:s0] =	ssyncset.done $0x0  }
0x91: {  	[sflag:s0] =	ssyncadd.s32 $0xFFFFE800  }
0x92: {  	_ =	swait.ge [sflag:s1], $0x1800  }
0x93: {  	[sflag:s1] =	ssyncset.done $0x0  }
0x94: {  	[sflag:s1] =	ssyncadd.s32 $0xFFFFE800  }
0x95: {  	v2 =	vld.msk @!p0 [tilespmem:s25+$0xFFFFFFE0], $0xff;
	_ =	sdelay $0x4  }
0x96: {  	v5 =	vshrl.u32 @!p0 v2, $0x3  }
0x97: {  	v5 =	vmul.u32 @!p0 $0x30, v5  }
0x98: {  	v2 =	vand.u32 @!p0 $0x7, v2  }
0x99: {  	v2 =	vor.u32 @!p0 v2, v5  }
0x9a: {  	v2 =	vperm.xlane @!p0 v2, v3;
	_ =	sdelay $0x1  }
0x9b: {  	v2 =	vadd.s32 @!p0 v4, v2;
	_ =	sdelay $0x3  }
0x9c: {  	s8 =	simm.s32 @!p0 $0x1A80  }
0x9d: {  	[tilespmem:s8], [sflag:$0x2] =	stream.indirect_vreg.gather @!p0 [hbm4b:s2+s7], $0x80, v2, vm1, $0xb8;
	[tilespmem:$0xAA80] =	vst v63  }
0x9e: {  	s8 =	simm.s32 @!p0 $0x2280  }
0x9f: {  	[tilespmem:s8], [sflag:$0x2] =	stream.indirect_vreg.gather @!p0 [hbm4b:s5+s7], $0x80, v2, vm1, $0xb8;
	[tilespmem:$0xAA80] =	vst v63  }
0xa0: {  	s8 =	simm.s32 @!p0 $0x2A80  }
0xa1: {  	[tilespmem:s8], [sflag:$0x2] =	stream.indirect_vreg.gather @!p0 [hbm4b:s6+s7], $0x80, v2, vm1, $0xb8;
	[tilespmem:$0xAA80] =	vst v63  }
0xa2: {  	s22 =	sadd.s32 $0x600, s4  }
0xa3: {  	[hbm4b:s22+s3] =	stream.linear.scatter [tilespmem:s15], [sflag:$0xA], $0x1800, $0x38;
	[tilespmem:$0xAA80] =	vst v63  }
0xa4: {  	_ =	swait.ge [sflag:s10], $0x1800  }
0xa5: {  	[sflag:s10] =	ssyncset.done $0x0  }
0xa6: {  	[sflag:s10] =	ssyncadd.s32 $0xFFFFE800  }
0xa7: {  	_ =	swait.ge [sflag:s11], $0x1800  }
0xa8: {  	[sflag:s11] =	ssyncset.done $0x0  }
0xa9: {  	[sflag:s11] =	ssyncadd.s32 $0xFFFFE800  }
0xaa: {  	v2 =	vld.msk @!p0 [tilespmem:s25+$0xFFFFFFE8], $0xff;
	_ =	sdelay $0x4  }
0xab: {  	v5 =	vshrl.u32 @!p0 v2, $0x3  }
0xac: {  	v5 =	vmul.u32 @!p0 $0x30, v5  }
0xad: {  	v2 =	vand.u32 @!p0 $0x7, v2  }
0xae: {  	v2 =	vor.u32 @!p0 v2, v5  }
0xaf: {  	v2 =	vperm.xlane @!p0 v2, v3;
	_ =	sdelay $0x1  }
0xb0: {  	v2 =	vadd.s32 @!p0 v4, v2;
	_ =	sdelay $0x3  }
0xb1: {  	s8 =	simm.s32 @!p0 $0x3280  }
0xb2: {  	[tilespmem:s8], [sflag:$0x3] =	stream.indirect_vreg.gather @!p0 [hbm4b:s2+s7], $0x80, v2, vm1, $0xb8;
	[tilespmem:$0xAA80] =	vst v63  }
0xb3: {  	s8 =	simm.s32 @!p0 $0x3A80  }
0xb4: {  	[tilespmem:s8], [sflag:$0x3] =	stream.indirect_vreg.gather @!p0 [hbm4b:s5+s7], $0x80, v2, vm1, $0xb8;
	[tilespmem:$0xAA80] =	vst v63  }
0xb5: {  	s8 =	simm.s32 @!p0 $0x4280  }
0xb6: {  	[tilespmem:s8], [sflag:$0x3] =	stream.indirect_vreg.gather @!p0 [hbm4b:s6+s7], $0x80, v2, vm1, $0xb8;
	[tilespmem:$0xAA80] =	vst v63  }
0xb7: {  	s22 =	sadd.s32 $0x900, s4  }
0xb8: {  	[hbm4b:s22+s3] =	stream.linear.scatter [tilespmem:s18], [sflag:$0xB], $0x1800, $0x38;
	[tilespmem:$0xAA80] =	vst v63  }
0xb9: {  	_ =	swait.ge [sflag:s13], $0x1800  }
0xba: {  	[sflag:s13] =	ssyncset.done $0x0  }
0xbb: {  	[sflag:s13] =	ssyncadd.s32 $0xFFFFE800  }
0xbc: {  	_ =	swait.ge [sflag:s14], $0x1800  }
0xbd: {  	[sflag:s14] =	ssyncset.done $0x0  }
0xbe: {  	[sflag:s14] =	ssyncadd.s32 $0xFFFFE800  }
0xbf: {  	v2 =	vld.msk @!p0 [tilespmem:s25+$0xFFFFFFF0], $0xff;
	_ =	sdelay $0x4  }
0xc0: {  	v5 =	vshrl.u32 @!p0 v2, $0x3  }
0xc1: {  	v5 =	vmul.u32 @!p0 $0x30, v5  }
0xc2: {  	v2 =	vand.u32 @!p0 $0x7, v2  }
0xc3: {  	v2 =	vor.u32 @!p0 v2, v5  }
0xc4: {  	v2 =	vperm.xlane @!p0 v2, v3;
	_ =	sdelay $0x1  }
0xc5: {  	v2 =	vadd.s32 @!p0 v4, v2;
	_ =	sdelay $0x3  }
0xc6: {  	s8 =	simm.s32 @!p0 $0x4A80  }
0xc7: {  	[tilespmem:s8], [sflag:$0x4] =	stream.indirect_vreg.gather @!p0 [hbm4b:s2+s7], $0x80, v2, vm1, $0xb8;
	[tilespmem:$0xAA80] =	vst v63  }
0xc8: {  	s8 =	simm.s32 @!p0 $0x5280  }
0xc9: {  	[tilespmem:s8], [sflag:$0x4] =	stream.indirect_vreg.gather @!p0 [hbm4b:s5+s7], $0x80, v2, vm1, $0xb8;
	[tilespmem:$0xAA80] =	vst v63  }
0xca: {  	s8 =	simm.s32 @!p0 $0x5A80  }
0xcb: {  	[tilespmem:s8], [sflag:$0x4] =	stream.indirect_vreg.gather @!p0 [hbm4b:s6+s7], $0x80, v2, vm1, $0xb8;
	[tilespmem:$0xAA80] =	vst v63  }
0xcc: {  	s22 =	sadd.s32 $0xC00, s4  }
0xcd: {  	[hbm4b:s22+s3] =	stream.linear.scatter [tilespmem:s21], [sflag:$0xC], $0x1800, $0x38;
	[tilespmem:$0xAA80] =	vst v63  }
0xce: {  	_ =	swait.ge [sflag:s16], $0x1800  }
0xcf: {  	[sflag:s16] =	ssyncset.done $0x0  }
0xd0: {  	[sflag:s16] =	ssyncadd.s32 $0xFFFFE800  }
0xd1: {  	_ =	swait.ge [sflag:s17], $0x1800  }
0xd2: {  	[sflag:s17] =	ssyncset.done $0x0  }
0xd3: {  	[sflag:s17] =	ssyncadd.s32 $0xFFFFE800  }
0xd4: {  	v2 =	vld.msk @!p0 [tilespmem:s25+$0xFFFFFFF8], $0xff;
	_ =	sdelay $0x4  }
0xd5: {  	v5 =	vshrl.u32 @!p0 v2, $0x3  }
0xd6: {  	v5 =	vmul.u32 @!p0 $0x30, v5  }
0xd7: {  	v2 =	vand.u32 @!p0 $0x7, v2  }
0xd8: {  	v2 =	vor.u32 @!p0 v2, v5  }
0xd9: {  	v2 =	vperm.xlane @!p0 v2, v3;
	_ =	sdelay $0x1  }
0xda: {  	v2 =	vadd.s32 @!p0 v4, v2;
	_ =	sdelay $0x3  }
0xdb: {  	s8 =	simm.s32 @!p0 $0x6280  }
0xdc: {  	[tilespmem:s8], [sflag:$0x5] =	stream.indirect_vreg.gather @!p0 [hbm4b:s2+s7], $0x80, v2, vm1, $0xb8;
	[tilespmem:$0xAA80] =	vst v63  }
0xdd: {  	s8 =	simm.s32 @!p0 $0x6A80  }
0xde: {  	[tilespmem:s8], [sflag:$0x5] =	stream.indirect_vreg.gather @!p0 [hbm4b:s5+s7], $0x80, v2, vm1, $0xb8;
	[tilespmem:$0xAA80] =	vst v63  }
0xdf: {  	s8 =	simm.s32 @!p0 $0x7280  }
0xe0: {  	[tilespmem:s8], [sflag:$0x5] =	stream.indirect_vreg.gather @!p0 [hbm4b:s6+s7], $0x80, v2, vm1, $0xb8;
	[tilespmem:$0xAA80] =	vst v63  }
0xe1: {  	s22 =	sadd.s32 $0xF00, s4  }
0xe2: {  	[hbm4b:s22+s3] =	stream.linear.scatter [tilespmem:s24], [sflag:$0xD], $0x1800, $0x38;
	[tilespmem:$0xAA80] =	vst v63  }
0xe3: {  	_ =	swait.ge [sflag:s19], $0x1800  }
0xe4: {  	[sflag:s19] =	ssyncset.done $0x0  }
0xe5: {  	[sflag:s19] =	ssyncadd.s32 $0xFFFFE800  }
0xe6: {  	_ =	swait.ge [sflag:s20], $0x1800  }
0xe7: {  	[sflag:s20] =	ssyncset.done $0x0  }
0xe8: {  	[sflag:s20] =	ssyncadd.s32 $0xFFFFE800  }
0xe9: {  	v2 =	vld.msk @!p0 [tilespmem:s25+$0x0], $0xff;
	_ =	sdelay $0x4  }
0xea: {  	v5 =	vshrl.u32 @!p0 v2, $0x3  }
0xeb: {  	v5 =	vmul.u32 @!p0 $0x30, v5  }
0xec: {  	v2 =	vand.u32 @!p0 $0x7, v2  }
0xed: {  	v2 =	vor.u32 @!p0 v2, v5  }
0xee: {  	v2 =	vperm.xlane @!p0 v2, v3;
	_ =	sdelay $0x1  }
0xef: {  	v2 =	vadd.s32 @!p0 v4, v2;
	_ =	sdelay $0x3  }
0xf0: {  	s8 =	simm.s32 @!p0 $0x7A80  }
0xf1: {  	[tilespmem:s8], [sflag:$0x6] =	stream.indirect_vreg.gather @!p0 [hbm4b:s2+s7], $0x80, v2, vm1, $0xb8;
	[tilespmem:$0xAA80] =	vst v63  }
0xf2: {  	s8 =	simm.s32 @!p0 $0x8280  }
0xf3: {  	[tilespmem:s8], [sflag:$0x6] =	stream.indirect_vreg.gather @!p0 [hbm4b:s5+s7], $0x80, v2, vm1, $0xb8;
	[tilespmem:$0xAA80] =	vst v63  }
0xf4: {  	s26 =	sadd.s32 $0x1500, s26;
	s8 =	simm.s32 @!p0 $0x8A80  }
0xf5: {  	[tilespmem:s8], [sflag:$0x6] =	stream.indirect_vreg.gather @!p0 [hbm4b:s6+s7], $0x80, v2, vm1, $0xb8;
	[tilespmem:$0xAA80] =	vst v63  }
0xf6: {  	p0 =	sne.s32 s26, $0xE700  }
.Ltmp0:
0xf7: {  	_ = 	snop;
	(pc) =	sbr.rel @p0 .LBB2_2-.Ltmp0, $3  }
0xf8: {  	_ =	sdelay $0x1  }
0xf9: {  	s4 =	sadd.s32 $0x1200, s4;
	s25 =	sadd.s32 $0x38, s25  }
0xfa: {  	[hbm4b:s4+s3] =	stream.linear.scatter [tilespmem:s29], [sflag:$0xE], $0x1800, $0x38;
	[tilespmem:$0xAA80] =	vst v63  }
0xfb: {  	s7 =	simm.s32 $0xE  }
0xfc: {  	_ =	swait.ge [sflag:s7], $0x1800  }
0xfd: {  	s23 =	sadd.s32 $0x1, s23;
	s4 =	rddreg [dreg:$0x9]  }
0xfe: {  	p0 =	sne.s32 s23, s4  }
.Ltmp1:
0xff: {  	_ = 	snop;
	(pc) =	sbr.rel @p0 .LBB2_1-.Ltmp1, $3  }
0x100: {  	_ =	sdelay $0x1  }
0x101: {  	[sflag:s7] =	ssyncset.done $0x0  }
0x102: {  	[sflag:s7] =	ssyncadd.s32 $0xFFFFE800  }
0x103: {  	_ =	sfence.sel $0x180000  }
0x104: {  	[bflag:$0x0] =	sbarrier.arrive $0xFFFF  }
0x105: {  	_ =	strace $0x90000050  }
0x106: {  	s0 =	stileid.u32;
	[bflag:$0x2] =	sbarrier.arrive $0xFFFF  }
0x107: {  	p0 =	sne.s32 s0, $0x0;
	s0 =	rddreg [dreg:$0x3]  }
0x108: {  	s0 =	sadd.s32 @!p0 $0x100000, s0  }
0x109: {  	[sflag:s0] =	ssyncadd.tile.s32 @!p0 $0x1;
	_ =	shalt  }
.Lfunc_end2:
_tile_overlayer_lowered:
.L_overlay_start_2:
0x10a: {  	(tag) =	ssettag $0x2  }
0x10b: {  	s0 =	rddreg [dreg:$0x0];
	s2 =	stileid.u32  }
0x10c: {  	s1 =	rddreg [dreg:$0x1];
	p0 =	sne.s32 s2, $0x0  }
0x10d: {  	s3 =	rddreg [dreg:$0x2];
	[bflag:$0x3] =	sbarrier.arrive $0xFFFF;
	s2 =	simm.s32 @!p0 $0x1C0F  }
0x10e: {  	[timem:s3], [sflag:s2] =	dma.local @!p0 [hbm:s0], s1  }
0x10f: {  	s0 =	simm.s32 @!p0 $0xF  }
0x110: {  	_ =	swait.ge @!p0 [sflag:s0], s1  }
0x111: {  	s1 =	ssub.s32 @!p0 $0x0, s1;
	[sflag:s0] =	ssyncset.done @!p0 $0x0  }
0x112: {  	[sflag:s0] =	ssyncadd.s32 @!p0 s1  }
0x113: {  	[bflag:$0x3] =	sbarrier.arrive $0xFFFF  }
0x114: {  	_ =	shalt  }

</sc_bundles>
